<compile_context>
chip_gen: v7x
topology: tpu7x:2x2x1
jax: 0.10.2.dev20260603
libtpu: 0.0.44.dev20260713+nightly
codegen_flags: <defaults>
</compile_context>

<pallas_src>
import jax
import jax.numpy as jnp
from jax import lax
from jax.experimental import pallas as pl
from jax.experimental.pallas import tpu as pltpu
from jax.experimental.pallas import tpu_sc as plsc

TH_CONF = 0.05
TH_IOU = 0.5
MAX_DET = 100
NEG = -1e9
B, N, C = 4, 20000, 21
NFG = C - 1
NROW = B * NFG
KPAD = 128
BIGI = 2**30

K1BASE = 0x3D4C0000 >> 12
NB1 = (0x3F800000 >> 12) - K1BASE + 1
NB1P = ((NB1 + 15) // 16) * 16
NB2 = 4096
NCH = N // 16


def _prep_body(conf_ref, loc_ref, anch_ref, s_ref, bx_ref):
    c = conf_ref[0]
    m = jnp.max(c, axis=0, keepdims=True)
    e = jnp.exp(c - m)
    den = jnp.sum(e, axis=0, keepdims=True)
    s = e[1:, :] / den
    s_ref[0] = jnp.where(s >= TH_CONF, s, NEG)

    l = loc_ref[0]
    a = anch_ref[...]
    acx, acy, aw, ah = a[0:1], a[1:2], a[2:3], a[3:4]
    cx = acx + l[0:1] * 0.1 * aw
    cy = acy + l[1:2] * 0.1 * ah
    w = aw * jnp.exp(l[2:3] * 0.2)
    h = ah * jnp.exp(l[3:4] * 0.2)
    bx_ref[0] = jnp.concatenate(
        [cx - w * 0.5, cy - h * 0.5, cx + w * 0.5, cy + h * 0.5], axis=0)


def _stage1(conf_t, loc_t, anch_t):
    return pl.pallas_call(
        _prep_body,
        grid=(B,),
        in_specs=[
            pl.BlockSpec((1, C, N), lambda b: (b, 0, 0)),
            pl.BlockSpec((1, 4, N), lambda b: (b, 0, 0)),
            pl.BlockSpec((4, N), lambda b: (0, 0)),
        ],
        out_specs=[
            pl.BlockSpec((1, NFG, N), lambda b: (b, 0, 0)),
            pl.BlockSpec((1, 4, N), lambda b: (b, 0, 0)),
        ],
        out_shape=[
            jax.ShapeDtypeStruct((B, NFG, N), jnp.float32),
            jax.ShapeDtypeStruct((B, 4, N), jnp.float32),
        ],
    )(conf_t, loc_t, anch_t)


def _hist_walk(hist_ref, nblk, base_count, lane_iota):

    def cond_f(carry):
        i, found, cum, cut, m = carry
        return jnp.logical_and(i < nblk, found == 0)

    def body_f(carry):
        i, found, cum, cut, m = carry
        blk = nblk - 1 - i
        h = hist_ref[pl.ds(blk * 16, 16)]
        tot = jnp.sum(h)
        crossing = (base_count + cum + tot) >= MAX_DET

        def hit_f(_):
            rh = lax.rev(h, (0,))
            cs = jnp.cumsum(rh)
            cross = (base_count + cum + cs) >= MAX_DET
            lstar = jnp.min(jnp.where(cross, lane_iota, 16))
            c_at = jnp.sum(jnp.where(lane_iota == lstar, cs, 0))
            h_at = jnp.sum(jnp.where(lane_iota == lstar, rh, 0))
            return (jnp.int32(1), blk * 16 + 15 - lstar,
                    base_count + cum + c_at - h_at)

        def miss_f(_):
            return (jnp.int32(0), cut, m)

        found, cut, m = lax.cond(crossing, hit_f, miss_f, 0)
        return (i + 1, found, cum + tot, cut, m)

    _, found, cum, cut, m = lax.while_loop(
        cond_f, body_f,
        (jnp.int32(0), jnp.int32(0), jnp.int32(0), jnp.int32(0), jnp.int32(0)))
    return found, cum, cut, m


def _sc_row(r, scores_hbm, boxflat_hbm, so_ref, bo_ref, srow, h1, h2,
            idxb, scb, gidx, grow, cmax, sem):
    lane_iota = lax.iota(jnp.int32, 16)
    pltpu.sync_copy(scores_hbm.at[r], srow)

    zero_v = jnp.zeros((16,), jnp.int32)
    ones_v = jnp.ones((16,), jnp.int32)

    def zero1(i, _):
        for u in range(5):
            h1[pl.ds(i * 80 + u * 16, 16)] = zero_v
        return 0
    lax.fori_loop(0, NB1P // 80, zero1, 0)

    def hpass1(j, _):
        gmax = jnp.full((16,), NEG, jnp.float32)
        for u in range(5):
            v = srow[pl.ds(j * 80 + u * 16, 16)]
            gmax = jnp.maximum(gmax, v)
            msk = v >= TH_CONF
            bits = lax.bitcast_convert_type(v, jnp.int32)
            key = jnp.clip((bits >> 12) - K1BASE, 0, NB1P - 1)
            plsc.addupdate_scatter(h1, [key], ones_v, mask=msk)
        cmax[pl.ds(j * 16, 16)] = gmax
        return 0
    lax.fori_loop(0, NCH // 5, hpass1, 0)

    found1, _, cut1, m1 = _hist_walk(h1, NB1P // 16, jnp.int32(0), lane_iota)

    def zero2(i, _):
        for u in range(4):
            h2[pl.ds(i * 64 + u * 16, 16)] = zero_v
        return 0
    lax.fori_loop(0, NB2 // 64, zero2, 0)

    blo = lax.bitcast_convert_type(
        jnp.broadcast_to((cut1 + K1BASE) << 12, (16,)).astype(jnp.int32),
        jnp.float32)

    def hpass2(j, _):
        cm = cmax[pl.ds(j * 16, 16)]
        hitg = jnp.sum((cm >= blo).astype(jnp.int32)) > 0

        @pl.when(hitg)
        def _():
            for u in range(5):
                v = srow[pl.ds(j * 80 + u * 16, 16)]
                bits = lax.bitcast_convert_type(v, jnp.int32)
                msk = jnp.logical_and(v >= TH_CONF,
                                      ((bits >> 12) - K1BASE) == cut1)
                key = bits & 0xFFF
                plsc.addupdate_scatter(h2, [key], ones_v, mask=msk)
        return 0
    lax.fori_loop(0, NCH // 5, hpass2, 0)

    _, _, cut2, m = _hist_walk(h2, NB2 // 16, m1, lane_iota)

    tau_bits = ((cut1 + K1BASE) << 12) | cut2
    tau_vec = lax.bitcast_convert_type(
        jnp.broadcast_to(tau_bits, (16,)).astype(jnp.int32), jnp.float32)
    tau = jnp.where(found1 == 1, tau_vec, jnp.float32(0.0))
    t_tie = jnp.where(found1 == 1, MAX_DET - m, 0)

    def fill(i, _):
        scb[pl.ds(i * 16, 16)] = jnp.full((16,), NEG, jnp.float32)
        idxb[pl.ds(i * 16, 16)] = jnp.zeros((16,), jnp.int32)
        return 0
    lax.fori_loop(0, KPAD // 16, fill, 0)

    def selstep(j, carry):
        off, ties = carry
        cm = cmax[pl.ds(j * 16, 16)]
        hitg = jnp.sum((cm >= tau).astype(jnp.int32)) > 0

        def do_group(c):
            off, ties = c
            for u in range(5):
                v = srow[pl.ds(j * 80 + u * 16, 16)]
                gt = v > tau
                eq = v == tau
                eqc = jnp.cumsum(eq.astype(jnp.int32))
                take_eq = jnp.logical_and(eq, (ties + eqc) <= t_tie)
                sel = jnp.logical_or(gt, take_eq)
                iv = lane_iota + (j * 80 + u * 16)
                plsc.store_compressed(idxb.at[pl.ds(off, 16)], iv, mask=sel)
                plsc.store_compressed(scb.at[pl.ds(off, 16)], v, mask=sel)
                off = off + jnp.sum(sel.astype(jnp.int32))
                ties = ties + jnp.sum(eq.astype(jnp.int32))
            return off, ties

        return lax.cond(hitg, do_group, lambda c: c, (off, ties))

    lax.fori_loop(0, NCH // 5, selstep, (jnp.int32(0), jnp.int32(0)))

    pltpu.sync_copy(scb, so_ref.at[r])

    bq = r // NFG
    for d in range(4):
        def gi(i, _):
            gidx[pl.ds(d * KPAD + i * 16, 16)] = (
                idxb[pl.ds(i * 16, 16)] + (bq * 4 + d) * N)
            return 0
        lax.fori_loop(0, KPAD // 16, gi, 0)
    copies = [
        pltpu.async_copy(boxflat_hbm.at[gidx.at[pl.ds(d * KPAD, KPAD)]],
                         grow.at[pl.ds(d * KPAD, KPAD)], sem)
        for d in range(4)
    ]
    for c in copies:
        c.wait()
    for d in range(4):
        pltpu.sync_copy(grow.at[pl.ds(d * KPAD, KPAD)], bo_ref.at[r, d])


def _sc_body(scores_hbm, boxflat_hbm, so_ref, bo_ref, srow, h1, h2,
             idxb, scb, gidx, grow, cmax, sem):
    wid = lax.axis_index("s") * 2 + lax.axis_index("c")
    for i in range(3):
        r = wid + 32 * i
        @pl.when(r < NROW)
        def _():
            _sc_row(r, scores_hbm, boxflat_hbm, so_ref, bo_ref, srow, h1, h2,
                    idxb, scb, gidx, grow, cmax, sem)


def _stage2(scores, boxflat):
    mesh = plsc.VectorSubcoreMesh(core_axis_name="c", subcore_axis_name="s")
    f = pl.kernel(
        _sc_body,
        mesh=mesh,
        compiler_params=pltpu.CompilerParams(needs_layout_passes=False),
        out_type=[
            jax.ShapeDtypeStruct((NROW, KPAD), jnp.float32),
            jax.ShapeDtypeStruct((NROW, 4, KPAD), jnp.float32),
        ],
        scratch_types=[
            pltpu.VMEM((N,), jnp.float32),
            pltpu.VMEM((NB1P,), jnp.int32),
            pltpu.VMEM((NB2,), jnp.int32),
            pltpu.VMEM((KPAD,), jnp.int32),
            pltpu.VMEM((KPAD,), jnp.float32),
            pltpu.VMEM((4 * KPAD,), jnp.int32),
            pltpu.VMEM((4 * KPAD,), jnp.float32),
            pltpu.VMEM((4096,), jnp.float32),
            pltpu.SemaphoreType.DMA,
        ],
    )
    return f(scores, boxflat)


def _nms_body(cs_ref, cb_ref, out_ref, s_scr):
    s_scr[...] = cs_ref[...]

    def nms_step(t, _):
        cs = s_scr[...]
        mx = jnp.max(cs, axis=1, keepdims=True)
        iota = lax.broadcasted_iota(jnp.int32, (NROW, KPAD), 1)
        idx = jnp.min(jnp.where(cs == mx, iota, BIGI), axis=1, keepdims=True)
        onehot = iota == idx
        valid = mx > NEG / 2
        cb = cb_ref[...]
        bb = jnp.sum(jnp.where(onehot[None], cb, 0.0), axis=2)
        vrow = valid[:, 0][None, :]
        ob = jnp.where(vrow, bb, 0.0)
        osc = jnp.where(vrow, mx[:, 0][None, :], 0.0)
        val = jnp.concatenate([ob, osc], axis=0)
        slot = iota == t
        out_ref[...] = jnp.where(slot[None], val[:, :, None], out_ref[...])

        bx1, by1 = bb[0][:, None], bb[1][:, None]
        bx2, by2 = bb[2][:, None], bb[3][:, None]
        x1 = jnp.maximum(bx1, cb[0])
        y1 = jnp.maximum(by1, cb[1])
        x2 = jnp.minimum(bx2, cb[2])
        y2 = jnp.minimum(by2, cb[3])
        inter = jnp.maximum(x2 - x1, 0.0) * jnp.maximum(y2 - y1, 0.0)
        area_a = (bx2 - bx1) * (by2 - by1)
        area_b = (cb[2] - cb[0]) * (cb[3] - cb[1])
        iou = inter / (area_a + area_b - inter + 1e-9)
        supp = ((iou > TH_IOU) & valid) | onehot
        s_scr[...] = jnp.where(supp, NEG, cs)
        return 0

    lax.fori_loop(0, MAX_DET, nms_step, 0)


def _stage3(cs, cb):
    return pl.pallas_call(
        _nms_body,
        out_shape=jax.ShapeDtypeStruct((5, NROW, KPAD), jnp.float32),
        scratch_shapes=[pltpu.VMEM((NROW, KPAD), jnp.float32)],
    )(cs, cb)


def kernel(conf, loc, anchors):
    conf_t = jnp.transpose(conf, (0, 2, 1))
    loc_t = jnp.transpose(loc, (0, 2, 1))
    anch_t = jnp.transpose(anchors)

    scores, boxes = _stage1(conf_t, loc_t, anch_t)
    cand_s, cand_b = _stage2(scores.reshape(NROW, N), boxes.reshape(B * 4 * N))
    cs = cand_s
    cb = jnp.transpose(cand_b, (1, 0, 2))
    o = _stage3(cs, cb)
    o4 = o.reshape(5, B, NFG, KPAD)
    return jnp.moveaxis(o4, 0, 3)[:, :, :MAX_DET, :]

# --- scband reference (transcript-rebuilt; emitter-appended) ---
"""Pipeline reference for scband-detect-post-process-74483322847285 (READ-ONLY COPY).

The authoritative reference and input builder live on the scoring server;
editing this copy changes nothing except your own understanding.
"""

import jax, jax.numpy as jnp
import numpy as np

TH_CONF = 0.05
TH_IOU = 0.5
MAX_DET = 100
NEG = -1e9


def setup_inputs(seed: int = 0) -> dict:
    key = jax.random.key(seed)
    k1, k2, k3, k4 = jax.random.split(key, 4)
    B, N, C = 4, 20000, 21
    conf = jax.random.normal(k1, (B, N, C), dtype=jnp.float32)
    loc = jax.random.normal(k2, (B, N, 4), dtype=jnp.float32)
    centers = jax.random.uniform(k3, (N, 2), minval=0.0, maxval=1.0, dtype=jnp.float32)
    wh = jax.random.uniform(k4, (N, 2), minval=0.02, maxval=0.3, dtype=jnp.float32)
    anchors = jnp.concatenate([centers, wh], axis=1)
    return {"conf": conf, "loc": loc, "anchors": anchors}


def decode(anchors, loc):
    # SSD-style decode: anchors are (cx, cy, w, h); variances (0.1, 0.2)
    a_cx = anchors[:, 0]
    a_cy = anchors[:, 1]
    a_w = anchors[:, 2]
    a_h = anchors[:, 3]
    cx = a_cx + loc[..., 0] * 0.1 * a_w
    cy = a_cy + loc[..., 1] * 0.1 * a_h
    w = a_w * jnp.exp(loc[..., 2] * 0.2)
    h = a_h * jnp.exp(loc[..., 3] * 0.2)
    return jnp.stack([cx - w * 0.5, cy - h * 0.5, cx + w * 0.5, cy + h * 0.5], axis=-1)


def box_iou(box, boxes):
    x1 = jnp.maximum(box[0], boxes[:, 0])
    y1 = jnp.maximum(box[1], boxes[:, 1])
    x2 = jnp.minimum(box[2], boxes[:, 2])
    y2 = jnp.minimum(box[3], boxes[:, 3])
    inter = jnp.maximum(x2 - x1, 0.0) * jnp.maximum(y2 - y1, 0.0)
    area_a = (box[2] - box[0]) * (box[3] - box[1])
    area_b = (boxes[:, 2] - boxes[:, 0]) * (boxes[:, 3] - boxes[:, 1])
    return inter / (area_a + area_b - inter + 1e-9)


def nms_class(boxes, scores):
    # greedy NMS over a fixed-size candidate set, emitting MAX_DET padded slots
    def step(s, _):
        idx = jnp.argmax(s)
        best = s[idx]
        valid = best > NEG / 2
        bbox = boxes[idx]
        out_box = jnp.where(valid, bbox, jnp.zeros(4, dtype=boxes.dtype))
        out_score = jnp.where(valid, best, 0.0)
        ious = box_iou(bbox, boxes)
        s = jnp.where((ious > TH_IOU) & valid, NEG, s)
        s = s.at[idx].set(NEG)
        return s, (out_box, out_score)

    _, (ob, os) = jax.lax.scan(step, scores, jnp.arange(MAX_DET))
    return ob, os


def _forward(conf, loc, anchors):
    score = jax.nn.softmax(conf, axis=2)          # self.regression (softmax -> has_bg=1)
    box = decode(anchors, loc)                    # anchor.decode(loc): [B, N, 4]

    def per_class(boxes_b, sc):
        s = jnp.where(sc >= TH_CONF, sc, NEG)     # conf threshold mask
        top_s, top_i = jax.lax.top_k(s, MAX_DET)  # max_num_detection pre-NMS topk
        top_boxes = jnp.take(boxes_b, top_i, axis=0)
        return nms_class(top_boxes, top_s)

    def per_batch(boxes_b, score_b):
        fg = jnp.transpose(score_b[:, 1:])        # skip background class
        return jax.vmap(lambda sc: per_class(boxes_b, sc))(fg)

    ob, os = jax.vmap(per_batch)(box, score)      # ob: [B, C-1, MAX_DET, 4]
    return jnp.concatenate([ob, os[..., None]], axis=-1)  # [B, C-1, MAX_DET, 5]


def reference(conf, loc, anchors):
    return _forward(conf, loc, anchors)

if __name__ == "__main__":
    import jax
    _d = setup_inputs()
    print(jax.jit(kernel)(*tuple(_d.values())))

</pallas_src>

<mosaic_0001>
#map = affine_map<(d0, d1) -> (0, 0)>
#map1 = affine_map<(d0, d1) -> (0)>
#map2 = affine_map<(d0, d1) -> (0, 0, 0)>
module attributes {stable_mosaic.version = 14 : i64} {
  func.func @_sc_body(%arg0: i32, %arg1: i32, %arg2: memref<80x20000xf32, #tpu.memory_space<hbm>>, %arg3: memref<320000xf32, #tpu.memory_space<hbm>>, %arg4: memref<80x128xf32, #tpu.memory_space<hbm>>, %arg5: memref<80x4x128xf32, #tpu.memory_space<hbm>>, %arg6: memref<20000xf32, #tpu.memory_space<vmem>>, %arg7: memref<9040xi32, #tpu.memory_space<vmem>>, %arg8: memref<4096xi32, #tpu.memory_space<vmem>>, %arg9: memref<128xi32, #tpu.memory_space<vmem>>, %arg10: memref<128xf32, #tpu.memory_space<vmem>>, %arg11: memref<512xi32, #tpu.memory_space<vmem>>, %arg12: memref<512xf32, #tpu.memory_space<vmem>>, %arg13: memref<4096xf32, #tpu.memory_space<vmem>>, %arg14: memref<!tpu.dma_semaphore, #tpu.memory_space<semaphore_mem>>) attributes {dimension_semantics = [#tpu.dimension_semantics<core_parallel>, #tpu.dimension_semantics<subcore_parallel>], iteration_bounds = array<i64: 2, 16>, scalar_prefetch = 0 : i64, scratch_operands = 9 : i64, tpu.core_type = #tpu.core_type<sc_vector_subcore>, window_params = [{transform_indices = #map}, {transform_indices = #map1}, {transform_indices = #map}, {transform_indices = #map2}]} {
    %mul3A = arith.constant 2 : i32
    %mul3A_0 = arith.muli %arg1, %mul3A : i32
    %add3A = arith.addi %mul3A_0, %arg0 : i32
    %add3A_1 = arith.constant 0 : i32
    %add3A_2 = arith.addi %add3A, %add3A_1 : i32
    %lt3A = arith.constant 80 : i32
    %lt3A_3 = arith.cmpi slt, %add3A_2, %lt3A : i32
    %convert_element_type3A = arith.extui %lt3A_3 : i1 to i32
    %cond3A = arith.constant 0 : i32
    %cond3A_4 = arith.cmpi ne, %convert_element_type3A, %cond3A : i32
    scf.if %cond3A_4 {
      %iota3A = tpu.iota {dimensions = array<i32: 0>} : vector<16xi32>
      "tpu.region"() ({
        %run_scoped3A_189 = tpu.sem_alloc : memref<!tpu.dma_semaphore, #tpu.memory_space<semaphore_mem>>
        %dma_start3A_190 = arith.constant 0 : i32
        %dma_start3A_191 = tpu.memref_slice %arg2[%add3A_2, %dma_start3A_190] : memref<80x20000xf32, #tpu.memory_space<hbm>> -> memref<1x20000xf32, #tpu.memory_space<hbm>>
        %dma_start3A_192 = tpu.memref_squeeze %dma_start3A_191 : memref<1x20000xf32, #tpu.memory_space<hbm>> -> memref<20000xf32, #tpu.memory_space<hbm>>
        %dma_start3A_193 = arith.constant 0 : i32
        %dma_start3A_194 = tpu.memref_slice %arg2[%add3A_2, %dma_start3A_193] : memref<80x20000xf32, #tpu.memory_space<hbm>> -> memref<1x20000xf32, #tpu.memory_space<hbm>>
        %dma_start3A_195 = tpu.memref_squeeze %dma_start3A_194 : memref<1x20000xf32, #tpu.memory_space<hbm>> -> memref<20000xf32, #tpu.memory_space<hbm>>
        tpu.enqueue_dma source(%dma_start3A_195 : memref<20000xf32, #tpu.memory_space<hbm>>) target(%arg6 : memref<20000xf32, #tpu.memory_space<vmem>>) target_semaphore(%run_scoped3A_189 : memref<!tpu.dma_semaphore, #tpu.memory_space<semaphore_mem>>)
        %dma_wait3A_196 = arith.constant 0 : i32
        %dma_wait3A_197 = tpu.memref_slice %arg2[%add3A_2, %dma_wait3A_196] : memref<80x20000xf32, #tpu.memory_space<hbm>> -> memref<1x20000xf32, #tpu.memory_space<hbm>>
        %dma_wait3A_198 = tpu.memref_squeeze %dma_wait3A_197 : memref<1x20000xf32, #tpu.memory_space<hbm>> -> memref<20000xf32, #tpu.memory_space<hbm>>
        %dma_wait3A_199 = arith.constant 0 : i32
        %dma_wait3A_200 = tpu.memref_slice %arg2[%add3A_2, %dma_wait3A_199] : memref<80x20000xf32, #tpu.memory_space<hbm>> -> memref<1x20000xf32, #tpu.memory_space<hbm>>
        %dma_wait3A_201 = tpu.memref_squeeze %dma_wait3A_200 : memref<1x20000xf32, #tpu.memory_space<hbm>> -> memref<20000xf32, #tpu.memory_space<hbm>>
        tpu.wait_dma2 semaphore(%run_scoped3A_189 : memref<!tpu.dma_semaphore, #tpu.memory_space<semaphore_mem>>) src(%dma_wait3A_201 : memref<20000xf32, #tpu.memory_space<hbm>>) dst(%arg6 : memref<20000xf32, #tpu.memory_space<vmem>>)
        tpu.yield
      }) : () -> ()
      %broadcast_in_dim3A = arith.constant 0 : i32
      %broadcast_in_dim3A_19 = vector.broadcast %broadcast_in_dim3A : i32 to vector<16xi32>
      %broadcast_in_dim3A_20 = arith.constant 1 : i32
      %broadcast_in_dim3A_21 = vector.broadcast %broadcast_in_dim3A_20 : i32 to vector<16xi32>
      %scan3A = arith.constant 0 : i32
      %scan3A_22 = arith.constant 0 : i32
      %scan3A_23 = arith.constant 113 : i32
      %scan3A_24 = arith.addi %scan3A_22, %scan3A_23 : i32
      %scan3A_25 = arith.constant 1 : i32
      %scan3A_26 = scf.for %scan3A_189 = %scan3A_22 to %scan3A_24 step %scan3A_25 iter_args(%scan3A_190 = %scan3A) -> (i32)  : i32 {
        %mul3A_191 = arith.constant 80 : i32
        %mul3A_192 = arith.muli %scan3A_189, %mul3A_191 : i32
        %add3A_193 = arith.constant 0 : i32
        %add3A_194 = arith.addi %mul3A_192, %add3A_193 : i32
        %swap3A = arith.index_cast %add3A_194 : i32 to index
        %swap3A_195 = tpu.vector_load %arg7[%swap3A] {strides = array<i32>} : memref<9040xi32, #tpu.memory_space<vmem>>, vector<16xi32>,
        tpu.vector_store %arg7[%swap3A], %broadcast_in_dim3A_19 {strides = array<i32>} : memref<9040xi32, #tpu.memory_space<vmem>>, vector<16xi32>,
        %mul3A_196 = arith.constant 80 : i32
        %mul3A_197 = arith.muli %scan3A_189, %mul3A_196 : i32
        %add3A_198 = arith.constant 16 : i32
        %add3A_199 = arith.addi %mul3A_197, %add3A_198 : i32
        %swap3A_200 = arith.index_cast %add3A_199 : i32 to index
        %swap3A_201 = tpu.vector_load %arg7[%swap3A_200] {strides = array<i32>} : memref<9040xi32, #tpu.memory_space<vmem>>, vector<16xi32>,
        tpu.vector_store %arg7[%swap3A_200], %broadcast_in_dim3A_19 {strides = array<i32>} : memref<9040xi32, #tpu.memory_space<vmem>>, vector<16xi32>,
        %mul3A_202 = arith.constant 80 : i32
        %mul3A_203 = arith.muli %scan3A_189, %mul3A_202 : i32
        %add3A_204 = arith.constant 32 : i32
        %add3A_205 = arith.addi %mul3A_203, %add3A_204 : i32
        %swap3A_206 = arith.index_cast %add3A_205 : i32 to index
        %swap3A_207 = tpu.vector_load %arg7[%swap3A_206] {strides = array<i32>} : memref<9040xi32, #tpu.memory_space<vmem>>, vector<16xi32>,
        tpu.vector_store %arg7[%swap3A_206], %broadcast_in_dim3A_19 {strides = array<i32>} : memref<9040xi32, #tpu.memory_space<vmem>>, vector<16xi32>,
        %mul3A_208 = arith.constant 80 : i32
        %mul3A_209 = arith.muli %scan3A_189, %mul3A_208 : i32
        %add3A_210 = arith.constant 48 : i32
        %add3A_211 = arith.addi %mul3A_209, %add3A_210 : i32
        %swap3A_212 = arith.index_cast %add3A_211 : i32 to index
        %swap3A_213 = tpu.vector_load %arg7[%swap3A_212] {strides = array<i32>} : memref<9040xi32, #tpu.memory_space<vmem>>, vector<16xi32>,
        tpu.vector_store %arg7[%swap3A_212], %broadcast_in_dim3A_19 {strides = array<i32>} : memref<9040xi32, #tpu.memory_space<vmem>>, vector<16xi32>,
        %mul3A_214 = arith.constant 80 : i32
        %mul3A_215 = arith.muli %scan3A_189, %mul3A_214 : i32
        %add3A_216 = arith.constant 64 : i32
        %add3A_217 = arith.addi %mul3A_215, %add3A_216 : i32
        %swap3A_218 = arith.index_cast %add3A_217 : i32 to index
        %swap3A_219 = tpu.vector_load %arg7[%swap3A_218] {strides = array<i32>} : memref<9040xi32, #tpu.memory_space<vmem>>, vector<16xi32>,
        tpu.vector_store %arg7[%swap3A_218], %broadcast_in_dim3A_19 {strides = array<i32>} : memref<9040xi32, #tpu.memory_space<vmem>>, vector<16xi32>,
        %scan3A_220 = arith.constant 0 : i32
        scf.yield %scan3A_220 : i32
      }
      %scan3A_27 = arith.constant 113 : i32
      %scan3A_28 = arith.constant 0 : i32
      %scan3A_29 = arith.constant 0 : i32
      %scan3A_30 = arith.constant 250 : i32
      %scan3A_31 = arith.addi %scan3A_29, %scan3A_30 : i32
      %scan3A_32 = arith.constant 1 : i32
      %scan3A_33 = scf.for %scan3A_189 = %scan3A_29 to %scan3A_31 step %scan3A_32 iter_args(%scan3A_190 = %scan3A_28) -> (i32)  : i32 {
        %broadcast_in_dim3A_191 = arith.constant -1.000000e+09 : f32
        %broadcast_in_dim3A_192 = vector.broadcast %broadcast_in_dim3A_191 : f32 to vector<16xf32>
        %mul3A_193 = arith.constant 80 : i32
        %mul3A_194 = arith.muli %scan3A_189, %mul3A_193 : i32
        %add3A_195 = arith.constant 0 : i32
        %add3A_196 = arith.addi %mul3A_194, %add3A_195 : i32
        %get3A = arith.index_cast %add3A_196 : i32 to index
        %get3A_197 = tpu.vector_load %arg6[%get3A] {strides = array<i32>} : memref<20000xf32, #tpu.memory_space<vmem>>, vector<16xf32>,
        %max3A = arith.maximumf %broadcast_in_dim3A_192, %get3A_197 : vector<16xf32>
        %ge3A = arith.constant 5.000000e-02 : f32
        %ge3A_198 = vector.broadcast %ge3A : f32 to vector<16xf32>
        %ge3A_199 = arith.cmpf oge, %get3A_197, %ge3A_198 : vector<16xf32>
        %bitcast_convert_type3A_200 = tpu.bitcast %get3A_197 : vector<16xf32> -> vector<16xi32>
        %shift_right_arithmetic3A = arith.constant 12 : i32
        %shift_right_arithmetic3A_201 = vector.broadcast %shift_right_arithmetic3A : i32 to vector<16xi32>
        %shift_right_arithmetic3A_202 = arith.shrsi %bitcast_convert_type3A_200, %shift_right_arithmetic3A_201 : vector<16xi32>
        %sub3A_203 = arith.constant 251072 : i32
        %sub3A_204 = vector.broadcast %sub3A_203 : i32 to vector<16xi32>
        %sub3A_205 = arith.subi %shift_right_arithmetic3A_202, %sub3A_204 : vector<16xi32>
        %jit3A_206 = arith.constant 0 : i32
        %jit3A_207 = arith.constant 9039 : i32
        %max3A_208 = vector.broadcast %jit3A_206 : i32 to vector<16xi32>
        %max3A_209 = arith.maxsi %max3A_208, %sub3A_205 : vector<16xi32>
        %min3A = vector.broadcast %jit3A_207 : i32 to vector<16xi32>
        %min3A_210 = arith.minsi %min3A, %max3A_209 : vector<16xi32>
        tpu.vector_store_idx %arg7[%min3A_210], %broadcast_in_dim3A_21 masked %ge3A_199 {add = true} : memref<9040xi32, #tpu.memory_space<vmem>>[vector<16xi32>], vector<16xi32>, vector<16xi1>
        %mul3A_211 = arith.constant 80 : i32
        %mul3A_212 = arith.muli %scan3A_189, %mul3A_211 : i32
        %add3A_213 = arith.constant 16 : i32
        %add3A_214 = arith.addi %mul3A_212, %add3A_213 : i32
        %get3A_215 = arith.index_cast %add3A_214 : i32 to index
        %get3A_216 = tpu.vector_load %arg6[%get3A_215] {strides = array<i32>} : memref<20000xf32, #tpu.memory_space<vmem>>, vector<16xf32>,
        %max3A_217 = arith.maximumf %max3A, %get3A_216 : vector<16xf32>
        %ge3A_218 = arith.constant 5.000000e-02 : f32
        %ge3A_219 = vector.broadcast %ge3A_218 : f32 to vector<16xf32>
        %ge3A_220 = arith.cmpf oge, %get3A_216, %ge3A_219 : vector<16xf32>
        %bitcast_convert_type3A_221 = tpu.bitcast %get3A_216 : vector<16xf32> -> vector<16xi32>
        %shift_right_arithmetic3A_222 = arith.constant 12 : i32
        %shift_right_arithmetic3A_223 = vector.broadcast %shift_right_arithmetic3A_222 : i32 to vector<16xi32>
        %shift_right_arithmetic3A_224 = arith.shrsi %bitcast_convert_type3A_221, %shift_right_arithmetic3A_223 : vector<16xi32>
        %sub3A_225 = arith.constant 251072 : i32
        %sub3A_226 = vector.broadcast %sub3A_225 : i32 to vector<16xi32>
        %sub3A_227 = arith.subi %shift_right_arithmetic3A_224, %sub3A_226 : vector<16xi32>
        %jit3A_228 = arith.constant 0 : i32
        %jit3A_229 = arith.constant 9039 : i32
        %max3A_230 = vector.broadcast %jit3A_228 : i32 to vector<16xi32>
        %max3A_231 = arith.maxsi %max3A_230, %sub3A_227 : vector<16xi32>
        %min3A_232 = vector.broadcast %jit3A_229 : i32 to vector<16xi32>
        %min3A_233 = arith.minsi %min3A_232, %max3A_231 : vector<16xi32>
        tpu.vector_store_idx %arg7[%min3A_233], %broadcast_in_dim3A_21 masked %ge3A_220 {add = true} : memref<9040xi32, #tpu.memory_space<vmem>>[vector<16xi32>], vector<16xi32>, vector<16xi1>
        %mul3A_234 = arith.constant 80 : i32
        %mul3A_235 = arith.muli %scan3A_189, %mul3A_234 : i32
        %add3A_236 = arith.constant 32 : i32
        %add3A_237 = arith.addi %mul3A_235, %add3A_236 : i32
        %get3A_238 = arith.index_cast %add3A_237 : i32 to index
        %get3A_239 = tpu.vector_load %arg6[%get3A_238] {strides = array<i32>} : memref<20000xf32, #tpu.memory_space<vmem>>, vector<16xf32>,
        %max3A_240 = arith.maximumf %max3A_217, %get3A_239 : vector<16xf32>
        %ge3A_241 = arith.constant 5.000000e-02 : f32
        %ge3A_242 = vector.broadcast %ge3A_241 : f32 to vector<16xf32>
        %ge3A_243 = arith.cmpf oge, %get3A_239, %ge3A_242 : vector<16xf32>
        %bitcast_convert_type3A_244 = tpu.bitcast %get3A_239 : vector<16xf32> -> vector<16xi32>
        %shift_right_arithmetic3A_245 = arith.constant 12 : i32
        %shift_right_arithmetic3A_246 = vector.broadcast %shift_right_arithmetic3A_245 : i32 to vector<16xi32>
        %shift_right_arithmetic3A_247 = arith.shrsi %bitcast_convert_type3A_244, %shift_right_arithmetic3A_246 : vector<16xi32>
        %sub3A_248 = arith.constant 251072 : i32
        %sub3A_249 = vector.broadcast %sub3A_248 : i32 to vector<16xi32>
        %sub3A_250 = arith.subi %shift_right_arithmetic3A_247, %sub3A_249 : vector<16xi32>
        %jit3A_251 = arith.constant 0 : i32
        %jit3A_252 = arith.constant 9039 : i32
        %max3A_253 = vector.broadcast %jit3A_251 : i32 to vector<16xi32>
        %max3A_254 = arith.maxsi %max3A_253, %sub3A_250 : vector<16xi32>
        %min3A_255 = vector.broadcast %jit3A_252 : i32 to vector<16xi32>
        %min3A_256 = arith.minsi %min3A_255, %max3A_254 : vector<16xi32>
        tpu.vector_store_idx %arg7[%min3A_256], %broadcast_in_dim3A_21 masked %ge3A_243 {add = true} : memref<9040xi32, #tpu.memory_space<vmem>>[vector<16xi32>], vector<16xi32>, vector<16xi1>
        %mul3A_257 = arith.constant 80 : i32
        %mul3A_258 = arith.muli %scan3A_189, %mul3A_257 : i32
        %add3A_259 = arith.constant 48 : i32
        %add3A_260 = arith.addi %mul3A_258, %add3A_259 : i32
        %get3A_261 = arith.index_cast %add3A_260 : i32 to index
        %get3A_262 = tpu.vector_load %arg6[%get3A_261] {strides = array<i32>} : memref<20000xf32, #tpu.memory_space<vmem>>, vector<16xf32>,
        %max3A_263 = arith.maximumf %max3A_240, %get3A_262 : vector<16xf32>
        %ge3A_264 = arith.constant 5.000000e-02 : f32
        %ge3A_265 = vector.broadcast %ge3A_264 : f32 to vector<16xf32>
        %ge3A_266 = arith.cmpf oge, %get3A_262, %ge3A_265 : vector<16xf32>
        %bitcast_convert_type3A_267 = tpu.bitcast %get3A_262 : vector<16xf32> -> vector<16xi32>
        %shift_right_arithmetic3A_268 = arith.constant 12 : i32
        %shift_right_arithmetic3A_269 = vector.broadcast %shift_right_arithmetic3A_268 : i32 to vector<16xi32>
        %shift_right_arithmetic3A_270 = arith.shrsi %bitcast_convert_type3A_267, %shift_right_arithmetic3A_269 : vector<16xi32>
        %sub3A_271 = arith.constant 251072 : i32
        %sub3A_272 = vector.broadcast %sub3A_271 : i32 to vector<16xi32>
        %sub3A_273 = arith.subi %shift_right_arithmetic3A_270, %sub3A_272 : vector<16xi32>
        %jit3A_274 = arith.constant 0 : i32
        %jit3A_275 = arith.constant 9039 : i32
        %max3A_276 = vector.broadcast %jit3A_274 : i32 to vector<16xi32>
        %max3A_277 = arith.maxsi %max3A_276, %sub3A_273 : vector<16xi32>
        %min3A_278 = vector.broadcast %jit3A_275 : i32 to vector<16xi32>
        %min3A_279 = arith.minsi %min3A_278, %max3A_277 : vector<16xi32>
        tpu.vector_store_idx %arg7[%min3A_279], %broadcast_in_dim3A_21 masked %ge3A_266 {add = true} : memref<9040xi32, #tpu.memory_space<vmem>>[vector<16xi32>], vector<16xi32>, vector<16xi1>
        %mul3A_280 = arith.constant 80 : i32
        %mul3A_281 = arith.muli %scan3A_189, %mul3A_280 : i32
        %add3A_282 = arith.constant 64 : i32
        %add3A_283 = arith.addi %mul3A_281, %add3A_282 : i32
        %get3A_284 = arith.index_cast %add3A_283 : i32 to index
        %get3A_285 = tpu.vector_load %arg6[%get3A_284] {strides = array<i32>} : memref<20000xf32, #tpu.memory_space<vmem>>, vector<16xf32>,
        %max3A_286 = arith.maximumf %max3A_263, %get3A_285 : vector<16xf32>
        %ge3A_287 = arith.constant 5.000000e-02 : f32
        %ge3A_288 = vector.broadcast %ge3A_287 : f32 to vector<16xf32>
        %ge3A_289 = arith.cmpf oge, %get3A_285, %ge3A_288 : vector<16xf32>
        %bitcast_convert_type3A_290 = tpu.bitcast %get3A_285 : vector<16xf32> -> vector<16xi32>
        %shift_right_arithmetic3A_291 = arith.constant 12 : i32
        %shift_right_arithmetic3A_292 = vector.broadcast %shift_right_arithmetic3A_291 : i32 to vector<16xi32>
        %shift_right_arithmetic3A_293 = arith.shrsi %bitcast_convert_type3A_290, %shift_right_arithmetic3A_292 : vector<16xi32>
        %sub3A_294 = arith.constant 251072 : i32
        %sub3A_295 = vector.broadcast %sub3A_294 : i32 to vector<16xi32>
        %sub3A_296 = arith.subi %shift_right_arithmetic3A_293, %sub3A_295 : vector<16xi32>
        %jit3A_297 = arith.constant 0 : i32
        %jit3A_298 = arith.constant 9039 : i32
        %max3A_299 = vector.broadcast %jit3A_297 : i32 to vector<16xi32>
        %max3A_300 = arith.maxsi %max3A_299, %sub3A_296 : vector<16xi32>
        %min3A_301 = vector.broadcast %jit3A_298 : i32 to vector<16xi32>
        %min3A_302 = arith.minsi %min3A_301, %max3A_300 : vector<16xi32>
        tpu.vector_store_idx %arg7[%min3A_302], %broadcast_in_dim3A_21 masked %ge3A_289 {add = true} : memref<9040xi32, #tpu.memory_space<vmem>>[vector<16xi32>], vector<16xi32>, vector<16xi1>
        %mul3A_303 = arith.constant 16 : i32
        %mul3A_304 = arith.muli %scan3A_189, %mul3A_303 : i32
        %swap3A = arith.index_cast %mul3A_304 : i32 to index
        %swap3A_305 = tpu.vector_load %arg13[%swap3A] {strides = array<i32>} : memref<4096xf32, #tpu.memory_space<vmem>>, vector<16xf32>,
        tpu.vector_store %arg13[%swap3A], %max3A_286 {strides = array<i32>} : memref<4096xf32, #tpu.memory_space<vmem>>, vector<16xf32>,
        %scan3A_306 = arith.constant 0 : i32
        scf.yield %scan3A_306 : i32
      }
      %scan3A_34 = arith.constant 250 : i32
      %while3A = arith.constant 0 : i32
      %while3A_35 = arith.constant 0 : i32
      %while3A_36 = arith.constant 0 : i32
      %while3A_37 = arith.constant 0 : i32
      %while3A_38 = arith.constant 0 : i32
      %while3A_39 = arith.constant 0 : i32
      %while3A_40:5 = scf.while (%while3A_189 = %while3A_35, %while3A_190 = %while3A_36, %while3A_191 = %while3A_37, %while3A_192 = %while3A_38, %while3A_193 = %while3A_39) : (i32, i32, i32, i32, i32) -> (i32, i32, i32, i32, i32) {
        %lt3A_194 = arith.constant 565 : i32
        %lt3A_195 = arith.cmpi slt, %while3A_189, %lt3A_194 : i32
        %eq3A_196 = arith.constant 0 : i32
        %eq3A_197 = arith.cmpi eq, %while3A_190, %eq3A_196 : i32
        %and3A_198 = arith.andi %lt3A_195, %eq3A_197 : i1
        scf.condition(%and3A_198) %while3A_189, %while3A_190, %while3A_191, %while3A_192, %while3A_193 : i32, i32, i32, i32, i32
      } do {
      ^bb0(%while3A_189: i32, %while3A_190: i32, %while3A_191: i32, %while3A_192: i32, %while3A_193: i32):
        %sub3A_194 = arith.constant 564 : i32
        %sub3A_195 = arith.subi %sub3A_194, %while3A_189 : i32
        %mul3A_196 = arith.constant 16 : i32
        %mul3A_197 = arith.muli %sub3A_195, %mul3A_196 : i32
        %get3A = arith.index_cast %mul3A_197 : i32 to index
        %get3A_198 = tpu.vector_load %arg7[%get3A] {strides = array<i32>} : memref<9040xi32, #tpu.memory_space<vmem>>, vector<16xi32>,
        %reduce_sum3A = arith.constant true
        %reduce_sum3A_199 = vector.broadcast %reduce_sum3A : i1 to vector<16xi1>
        %reduce_sum3A_200 = tpu.scan <sum>, %get3A_198 masked %reduce_sum3A_199 : vector<16xi32>, vector<16xi1> -> vector<16xi32>
        %reduce_sum3A_201 = vector.extract %reduce_sum3A_200[15] : i32 from vector<16xi32>
        %add3A_202 = arith.addi %while3A, %while3A_191 : i32
        %add3A_203 = arith.addi %add3A_202, %reduce_sum3A_201 : i32
        %ge3A = arith.constant 100 : i32
        %ge3A_204 = arith.cmpi sge, %add3A_203, %ge3A : i32
        %convert_element_type3A_205 = arith.extui %ge3A_204 : i1 to i32
        %cond3A_206 = arith.constant 0 : i32
        %cond3A_207 = arith.constant 0 : i32
        %cond3A_208 = arith.cmpi ne, %convert_element_type3A_205, %cond3A_207 : i32
        %cond3A_209:3 = scf.if %cond3A_208 -> (i32, i32, i32) {
          %rev3A = arith.constant 15 : i32
          %rev3A_213 = vector.broadcast %rev3A : i32 to vector<16xi32>
          %rev3A_214 = tpu.iota {dimensions = array<i32: 0>} : vector<16xi32>
          %rev3A_215 = arith.subi %rev3A_213, %rev3A_214 : vector<16xi32>
          %rev3A_216 = tpu.dynamic_gather %get3A_198[%rev3A_215] in [0] : vector<16xi32>, vector<16xi32> -> vector<16xi32>
          %cumsum3A = arith.constant true
          %cumsum3A_217 = vector.broadcast %cumsum3A : i1 to vector<16xi1>
          %cumsum3A_218 = tpu.scan <sum>, %rev3A_216 masked %cumsum3A_217 : vector<16xi32>, vector<16xi1> -> vector<16xi32>
          %add3A_219 = arith.addi %while3A, %while3A_191 : i32
          %add3A_220 = vector.broadcast %add3A_219 : i32 to vector<16xi32>
          %add3A_221 = arith.addi %add3A_220, %cumsum3A_218 : vector<16xi32>
          %ge3A_222 = arith.constant 100 : i32
          %ge3A_223 = vector.broadcast %ge3A_222 : i32 to vector<16xi32>
          %ge3A_224 = arith.cmpi sge, %add3A_221, %ge3A_223 : vector<16xi32>
          %jit3A_225 = arith.constant 16 : i32
          %broadcast_in_dim3A_226 = vector.broadcast %jit3A_225 : i32 to vector<16xi32>
          %select_n3A_227 = arith.select %ge3A_224, %iota3A, %broadcast_in_dim3A_226 : vector<16xi1>, vector<16xi32>
          %reduce_min3A = arith.constant true
          %reduce_min3A_228 = vector.broadcast %reduce_min3A : i1 to vector<16xi1>
          %reduce_min3A_229 = arith.constant -2147483648 : i32
          %reduce_min3A_230 = vector.broadcast %reduce_min3A_229 : i32 to vector<16xi32>
          %reduce_min3A_231 = arith.xori %select_n3A_227, %reduce_min3A_230 : vector<16xi32>
          %reduce_min3A_232 = tpu.scan <min>, %reduce_min3A_231 masked %reduce_min3A_228 : vector<16xi32>, vector<16xi1> -> vector<16xi32>
          %reduce_min3A_233 = arith.xori %reduce_min3A_232, %reduce_min3A_230 : vector<16xi32>
          %reduce_min3A_234 = vector.extract %reduce_min3A_233[15] : i32 from vector<16xi32>
          %eq3A_235 = vector.broadcast %reduce_min3A_234 : i32 to vector<16xi32>
          %eq3A_236 = arith.cmpi eq, %iota3A, %eq3A_235 : vector<16xi32>
          %jit3A_237 = arith.constant 0 : i32
          %broadcast_in_dim3A_238 = vector.broadcast %jit3A_237 : i32 to vector<16xi32>
          %select_n3A_239 = arith.select %eq3A_236, %cumsum3A_218, %broadcast_in_dim3A_238 : vector<16xi1>, vector<16xi32>
          %reduce_sum3A_240 = arith.constant true
          %reduce_sum3A_241 = vector.broadcast %reduce_sum3A_240 : i1 to vector<16xi1>
          %reduce_sum3A_242 = tpu.scan <sum>, %select_n3A_239 masked %reduce_sum3A_241 : vector<16xi32>, vector<16xi1> -> vector<16xi32>
          %reduce_sum3A_243 = vector.extract %reduce_sum3A_242[15] : i32 from vector<16xi32>
          %eq3A_244 = vector.broadcast %reduce_min3A_234 : i32 to vector<16xi32>
          %eq3A_245 = arith.cmpi eq, %iota3A, %eq3A_244 : vector<16xi32>
          %jit3A_246 = arith.constant 0 : i32
          %broadcast_in_dim3A_247 = vector.broadcast %jit3A_246 : i32 to vector<16xi32>
          %select_n3A_248 = arith.select %eq3A_245, %rev3A_216, %broadcast_in_dim3A_247 : vector<16xi1>, vector<16xi32>
          %reduce_sum3A_249 = arith.constant true
          %reduce_sum3A_250 = vector.broadcast %reduce_sum3A_249 : i1 to vector<16xi1>
          %reduce_sum3A_251 = tpu.scan <sum>, %select_n3A_248 masked %reduce_sum3A_250 : vector<16xi32>, vector<16xi1> -> vector<16xi32>
          %reduce_sum3A_252 = vector.extract %reduce_sum3A_251[15] : i32 from vector<16xi32>
          %mul3A_253 = arith.constant 16 : i32
          %mul3A_254 = arith.muli %sub3A_195, %mul3A_253 : i32
          %add3A_255 = arith.constant 15 : i32
          %add3A_256 = arith.addi %mul3A_254, %add3A_255 : i32
          %sub3A_257 = arith.subi %add3A_256, %reduce_min3A_234 : i32
          %add3A_258 = arith.addi %while3A, %while3A_191 : i32
          %add3A_259 = arith.addi %add3A_258, %reduce_sum3A_243 : i32
          %sub3A_260 = arith.subi %add3A_259, %reduce_sum3A_252 : i32
          %cond3A_261 = arith.constant 1 : i32
          scf.yield %cond3A_261, %sub3A_257, %sub3A_260 : i32, i32, i32
        } else {
          %cond3A_213 = arith.constant 0 : i32
          scf.yield %cond3A_213, %while3A_192, %while3A_193 : i32, i32, i32
        }
        %add3A_210 = arith.constant 1 : i32
        %add3A_211 = arith.addi %while3A_189, %add3A_210 : i32
        %add3A_212 = arith.addi %while3A_191, %reduce_sum3A_201 : i32
        scf.yield %add3A_211, %cond3A_209#0, %add3A_212, %cond3A_209#1, %cond3A_209#2 : i32, i32, i32, i32, i32
      }
      %scan3A_41 = arith.constant 0 : i32
      %scan3A_42 = arith.constant 0 : i32
      %scan3A_43 = arith.constant 64 : i32
      %scan3A_44 = arith.addi %scan3A_42, %scan3A_43 : i32
      %scan3A_45 = arith.constant 1 : i32
      %scan3A_46 = scf.for %scan3A_189 = %scan3A_42 to %scan3A_44 step %scan3A_45 iter_args(%scan3A_190 = %scan3A_41) -> (i32)  : i32 {
        %mul3A_191 = arith.constant 64 : i32
        %mul3A_192 = arith.muli %scan3A_189, %mul3A_191 : i32
        %add3A_193 = arith.constant 0 : i32
        %add3A_194 = arith.addi %mul3A_192, %add3A_193 : i32
        %swap3A = arith.index_cast %add3A_194 : i32 to index
        %swap3A_195 = tpu.vector_load %arg8[%swap3A] {strides = array<i32>} : memref<4096xi32, #tpu.memory_space<vmem>>, vector<16xi32>,
        tpu.vector_store %arg8[%swap3A], %broadcast_in_dim3A_19 {strides = array<i32>} : memref<4096xi32, #tpu.memory_space<vmem>>, vector<16xi32>,
        %mul3A_196 = arith.constant 64 : i32
        %mul3A_197 = arith.muli %scan3A_189, %mul3A_196 : i32
        %add3A_198 = arith.constant 16 : i32
        %add3A_199 = arith.addi %mul3A_197, %add3A_198 : i32
        %swap3A_200 = arith.index_cast %add3A_199 : i32 to index
        %swap3A_201 = tpu.vector_load %arg8[%swap3A_200] {strides = array<i32>} : memref<4096xi32, #tpu.memory_space<vmem>>, vector<16xi32>,
        tpu.vector_store %arg8[%swap3A_200], %broadcast_in_dim3A_19 {strides = array<i32>} : memref<4096xi32, #tpu.memory_space<vmem>>, vector<16xi32>,
        %mul3A_202 = arith.constant 64 : i32
        %mul3A_203 = arith.muli %scan3A_189, %mul3A_202 : i32
        %add3A_204 = arith.constant 32 : i32
        %add3A_205 = arith.addi %mul3A_203, %add3A_204 : i32
        %swap3A_206 = arith.index_cast %add3A_205 : i32 to index
        %swap3A_207 = tpu.vector_load %arg8[%swap3A_206] {strides = array<i32>} : memref<4096xi32, #tpu.memory_space<vmem>>, vector<16xi32>,
        tpu.vector_store %arg8[%swap3A_206], %broadcast_in_dim3A_19 {strides = array<i32>} : memref<4096xi32, #tpu.memory_space<vmem>>, vector<16xi32>,
        %mul3A_208 = arith.constant 64 : i32
        %mul3A_209 = arith.muli %scan3A_189, %mul3A_208 : i32
        %add3A_210 = arith.constant 48 : i32
        %add3A_211 = arith.addi %mul3A_209, %add3A_210 : i32
        %swap3A_212 = arith.index_cast %add3A_211 : i32 to index
        %swap3A_213 = tpu.vector_load %arg8[%swap3A_212] {strides = array<i32>} : memref<4096xi32, #tpu.memory_space<vmem>>, vector<16xi32>,
        tpu.vector_store %arg8[%swap3A_212], %broadcast_in_dim3A_19 {strides = array<i32>} : memref<4096xi32, #tpu.memory_space<vmem>>, vector<16xi32>,
        %scan3A_214 = arith.constant 0 : i32
        scf.yield %scan3A_214 : i32
      }
      %scan3A_47 = arith.constant 64 : i32
      %add3A_48 = arith.constant 251072 : i32
      %add3A_49 = arith.addi %while3A_40#3, %add3A_48 : i32
      %shift_left3A = arith.constant 12 : i32
      %shift_left3A_50 = arith.shli %add3A_49, %shift_left3A : i32
      %broadcast_in_dim3A_51 = vector.broadcast %shift_left3A_50 : i32 to vector<16xi32>
      %bitcast_convert_type3A = tpu.bitcast %broadcast_in_dim3A_51 : vector<16xi32> -> vector<16xf32>
      %scan3A_52 = arith.constant 0 : i32
      %scan3A_53 = arith.constant 0 : i32
      %scan3A_54 = arith.constant 250 : i32
      %scan3A_55 = arith.addi %scan3A_53, %scan3A_54 : i32
      %scan3A_56 = arith.constant 1 : i32
      %scan3A_57 = scf.for %scan3A_189 = %scan3A_53 to %scan3A_55 step %scan3A_56 iter_args(%scan3A_190 = %scan3A_52) -> (i32)  : i32 {
        %mul3A_191 = arith.constant 16 : i32
        %mul3A_192 = arith.muli %scan3A_189, %mul3A_191 : i32
        %get3A = arith.index_cast %mul3A_192 : i32 to index
        %get3A_193 = tpu.vector_load %arg13[%get3A] {strides = array<i32>} : memref<4096xf32, #tpu.memory_space<vmem>>, vector<16xf32>,
        %ge3A = arith.cmpf oge, %get3A_193, %bitcast_convert_type3A : vector<16xf32>
        %convert_element_type3A_194 = arith.extui %ge3A : vector<16xi1> to vector<16xi32>
        %reduce_sum3A = arith.constant true
        %reduce_sum3A_195 = vector.broadcast %reduce_sum3A : i1 to vector<16xi1>
        %reduce_sum3A_196 = tpu.scan <sum>, %convert_element_type3A_194 masked %reduce_sum3A_195 : vector<16xi32>, vector<16xi1> -> vector<16xi32>
        %reduce_sum3A_197 = vector.extract %reduce_sum3A_196[15] : i32 from vector<16xi32>
        %gt3A = arith.constant 0 : i32
        %gt3A_198 = arith.cmpi sgt, %reduce_sum3A_197, %gt3A : i32
        %convert_element_type3A_199 = arith.extui %gt3A_198 : i1 to i32
        %cond3A_200 = arith.constant 0 : i32
        %cond3A_201 = arith.cmpi ne, %convert_element_type3A_199, %cond3A_200 : i32
        scf.if %cond3A_201 {
          %mul3A_203 = arith.constant 80 : i32
          %mul3A_204 = arith.muli %scan3A_189, %mul3A_203 : i32
          %add3A_205 = arith.constant 0 : i32
          %add3A_206 = arith.addi %mul3A_204, %add3A_205 : i32
          %get3A_207 = arith.index_cast %add3A_206 : i32 to index
          %get3A_208 = tpu.vector_load %arg6[%get3A_207] {strides = array<i32>} : memref<20000xf32, #tpu.memory_space<vmem>>, vector<16xf32>,
          %bitcast_convert_type3A_209 = tpu.bitcast %get3A_208 : vector<16xf32> -> vector<16xi32>
          %ge3A_210 = arith.constant 5.000000e-02 : f32
          %ge3A_211 = vector.broadcast %ge3A_210 : f32 to vector<16xf32>
          %ge3A_212 = arith.cmpf oge, %get3A_208, %ge3A_211 : vector<16xf32>
          %shift_right_arithmetic3A = arith.constant 12 : i32
          %shift_right_arithmetic3A_213 = vector.broadcast %shift_right_arithmetic3A : i32 to vector<16xi32>
          %shift_right_arithmetic3A_214 = arith.shrsi %bitcast_convert_type3A_209, %shift_right_arithmetic3A_213 : vector<16xi32>
          %sub3A_215 = arith.constant 251072 : i32
          %sub3A_216 = vector.broadcast %sub3A_215 : i32 to vector<16xi32>
          %sub3A_217 = arith.subi %shift_right_arithmetic3A_214, %sub3A_216 : vector<16xi32>
          %eq3A_218 = vector.broadcast %while3A_40#3 : i32 to vector<16xi32>
          %eq3A_219 = arith.cmpi eq, %sub3A_217, %eq3A_218 : vector<16xi32>
          %and3A_220 = arith.andi %ge3A_212, %eq3A_219 : vector<16xi1>
          %and3A_221 = arith.constant 4095 : i32
          %and3A_222 = vector.broadcast %and3A_221 : i32 to vector<16xi32>
          %and3A_223 = arith.andi %bitcast_convert_type3A_209, %and3A_222 : vector<16xi32>
          tpu.vector_store_idx %arg8[%and3A_223], %broadcast_in_dim3A_21 masked %and3A_220 {add = true} : memref<4096xi32, #tpu.memory_space<vmem>>[vector<16xi32>], vector<16xi32>, vector<16xi1>
          %mul3A_224 = arith.constant 80 : i32
          %mul3A_225 = arith.muli %scan3A_189, %mul3A_224 : i32
          %add3A_226 = arith.constant 16 : i32
          %add3A_227 = arith.addi %mul3A_225, %add3A_226 : i32
          %get3A_228 = arith.index_cast %add3A_227 : i32 to index
          %get3A_229 = tpu.vector_load %arg6[%get3A_228] {strides = array<i32>} : memref<20000xf32, #tpu.memory_space<vmem>>, vector<16xf32>,
          %bitcast_convert_type3A_230 = tpu.bitcast %get3A_229 : vector<16xf32> -> vector<16xi32>
          %ge3A_231 = arith.constant 5.000000e-02 : f32
          %ge3A_232 = vector.broadcast %ge3A_231 : f32 to vector<16xf32>
          %ge3A_233 = arith.cmpf oge, %get3A_229, %ge3A_232 : vector<16xf32>
          %shift_right_arithmetic3A_234 = arith.constant 12 : i32
          %shift_right_arithmetic3A_235 = vector.broadcast %shift_right_arithmetic3A_234 : i32 to vector<16xi32>
          %shift_right_arithmetic3A_236 = arith.shrsi %bitcast_convert_type3A_230, %shift_right_arithmetic3A_235 : vector<16xi32>
          %sub3A_237 = arith.constant 251072 : i32
          %sub3A_238 = vector.broadcast %sub3A_237 : i32 to vector<16xi32>
          %sub3A_239 = arith.subi %shift_right_arithmetic3A_236, %sub3A_238 : vector<16xi32>
          %eq3A_240 = vector.broadcast %while3A_40#3 : i32 to vector<16xi32>
          %eq3A_241 = arith.cmpi eq, %sub3A_239, %eq3A_240 : vector<16xi32>
          %and3A_242 = arith.andi %ge3A_233, %eq3A_241 : vector<16xi1>
          %and3A_243 = arith.constant 4095 : i32
          %and3A_244 = vector.broadcast %and3A_243 : i32 to vector<16xi32>
          %and3A_245 = arith.andi %bitcast_convert_type3A_230, %and3A_244 : vector<16xi32>
          tpu.vector_store_idx %arg8[%and3A_245], %broadcast_in_dim3A_21 masked %and3A_242 {add = true} : memref<4096xi32, #tpu.memory_space<vmem>>[vector<16xi32>], vector<16xi32>, vector<16xi1>
          %mul3A_246 = arith.constant 80 : i32
          %mul3A_247 = arith.muli %scan3A_189, %mul3A_246 : i32
          %add3A_248 = arith.constant 32 : i32
          %add3A_249 = arith.addi %mul3A_247, %add3A_248 : i32
          %get3A_250 = arith.index_cast %add3A_249 : i32 to index
          %get3A_251 = tpu.vector_load %arg6[%get3A_250] {strides = array<i32>} : memref<20000xf32, #tpu.memory_space<vmem>>, vector<16xf32>,
          %bitcast_convert_type3A_252 = tpu.bitcast %get3A_251 : vector<16xf32> -> vector<16xi32>
          %ge3A_253 = arith.constant 5.000000e-02 : f32
          %ge3A_254 = vector.broadcast %ge3A_253 : f32 to vector<16xf32>
          %ge3A_255 = arith.cmpf oge, %get3A_251, %ge3A_254 : vector<16xf32>
          %shift_right_arithmetic3A_256 = arith.constant 12 : i32
          %shift_right_arithmetic3A_257 = vector.broadcast %shift_right_arithmetic3A_256 : i32 to vector<16xi32>
          %shift_right_arithmetic3A_258 = arith.shrsi %bitcast_convert_type3A_252, %shift_right_arithmetic3A_257 : vector<16xi32>
          %sub3A_259 = arith.constant 251072 : i32
          %sub3A_260 = vector.broadcast %sub3A_259 : i32 to vector<16xi32>
          %sub3A_261 = arith.subi %shift_right_arithmetic3A_258, %sub3A_260 : vector<16xi32>
          %eq3A_262 = vector.broadcast %while3A_40#3 : i32 to vector<16xi32>
          %eq3A_263 = arith.cmpi eq, %sub3A_261, %eq3A_262 : vector<16xi32>
          %and3A_264 = arith.andi %ge3A_255, %eq3A_263 : vector<16xi1>
          %and3A_265 = arith.constant 4095 : i32
          %and3A_266 = vector.broadcast %and3A_265 : i32 to vector<16xi32>
          %and3A_267 = arith.andi %bitcast_convert_type3A_252, %and3A_266 : vector<16xi32>
          tpu.vector_store_idx %arg8[%and3A_267], %broadcast_in_dim3A_21 masked %and3A_264 {add = true} : memref<4096xi32, #tpu.memory_space<vmem>>[vector<16xi32>], vector<16xi32>, vector<16xi1>
          %mul3A_268 = arith.constant 80 : i32
          %mul3A_269 = arith.muli %scan3A_189, %mul3A_268 : i32
          %add3A_270 = arith.constant 48 : i32
          %add3A_271 = arith.addi %mul3A_269, %add3A_270 : i32
          %get3A_272 = arith.index_cast %add3A_271 : i32 to index
          %get3A_273 = tpu.vector_load %arg6[%get3A_272] {strides = array<i32>} : memref<20000xf32, #tpu.memory_space<vmem>>, vector<16xf32>,
          %bitcast_convert_type3A_274 = tpu.bitcast %get3A_273 : vector<16xf32> -> vector<16xi32>
          %ge3A_275 = arith.constant 5.000000e-02 : f32
          %ge3A_276 = vector.broadcast %ge3A_275 : f32 to vector<16xf32>
          %ge3A_277 = arith.cmpf oge, %get3A_273, %ge3A_276 : vector<16xf32>
          %shift_right_arithmetic3A_278 = arith.constant 12 : i32
          %shift_right_arithmetic3A_279 = vector.broadcast %shift_right_arithmetic3A_278 : i32 to vector<16xi32>
          %shift_right_arithmetic3A_280 = arith.shrsi %bitcast_convert_type3A_274, %shift_right_arithmetic3A_279 : vector<16xi32>
          %sub3A_281 = arith.constant 251072 : i32
          %sub3A_282 = vector.broadcast %sub3A_281 : i32 to vector<16xi32>
          %sub3A_283 = arith.subi %shift_right_arithmetic3A_280, %sub3A_282 : vector<16xi32>
          %eq3A_284 = vector.broadcast %while3A_40#3 : i32 to vector<16xi32>
          %eq3A_285 = arith.cmpi eq, %sub3A_283, %eq3A_284 : vector<16xi32>
          %and3A_286 = arith.andi %ge3A_277, %eq3A_285 : vector<16xi1>
          %and3A_287 = arith.constant 4095 : i32
          %and3A_288 = vector.broadcast %and3A_287 : i32 to vector<16xi32>
          %and3A_289 = arith.andi %bitcast_convert_type3A_274, %and3A_288 : vector<16xi32>
          tpu.vector_store_idx %arg8[%and3A_289], %broadcast_in_dim3A_21 masked %and3A_286 {add = true} : memref<4096xi32, #tpu.memory_space<vmem>>[vector<16xi32>], vector<16xi32>, vector<16xi1>
          %mul3A_290 = arith.constant 80 : i32
          %mul3A_291 = arith.muli %scan3A_189, %mul3A_290 : i32
          %add3A_292 = arith.constant 64 : i32
          %add3A_293 = arith.addi %mul3A_291, %add3A_292 : i32
          %get3A_294 = arith.index_cast %add3A_293 : i32 to index
          %get3A_295 = tpu.vector_load %arg6[%get3A_294] {strides = array<i32>} : memref<20000xf32, #tpu.memory_space<vmem>>, vector<16xf32>,
          %bitcast_convert_type3A_296 = tpu.bitcast %get3A_295 : vector<16xf32> -> vector<16xi32>
          %ge3A_297 = arith.constant 5.000000e-02 : f32
          %ge3A_298 = vector.broadcast %ge3A_297 : f32 to vector<16xf32>
          %ge3A_299 = arith.cmpf oge, %get3A_295, %ge3A_298 : vector<16xf32>
          %shift_right_arithmetic3A_300 = arith.constant 12 : i32
          %shift_right_arithmetic3A_301 = vector.broadcast %shift_right_arithmetic3A_300 : i32 to vector<16xi32>
          %shift_right_arithmetic3A_302 = arith.shrsi %bitcast_convert_type3A_296, %shift_right_arithmetic3A_301 : vector<16xi32>
          %sub3A_303 = arith.constant 251072 : i32
          %sub3A_304 = vector.broadcast %sub3A_303 : i32 to vector<16xi32>
          %sub3A_305 = arith.subi %shift_right_arithmetic3A_302, %sub3A_304 : vector<16xi32>
          %eq3A_306 = vector.broadcast %while3A_40#3 : i32 to vector<16xi32>
          %eq3A_307 = arith.cmpi eq, %sub3A_305, %eq3A_306 : vector<16xi32>
          %and3A_308 = arith.andi %ge3A_299, %eq3A_307 : vector<16xi1>
          %and3A_309 = arith.constant 4095 : i32
          %and3A_310 = vector.broadcast %and3A_309 : i32 to vector<16xi32>
          %and3A_311 = arith.andi %bitcast_convert_type3A_296, %and3A_310 : vector<16xi32>
          tpu.vector_store_idx %arg8[%and3A_311], %broadcast_in_dim3A_21 masked %and3A_308 {add = true} : memref<4096xi32, #tpu.memory_space<vmem>>[vector<16xi32>], vector<16xi32>, vector<16xi1>
        } else {
        }
        %scan3A_202 = arith.constant 0 : i32
        scf.yield %scan3A_202 : i32
      }
      %scan3A_58 = arith.constant 250 : i32
      %while3A_59 = arith.constant 0 : i32
      %while3A_60 = arith.constant 0 : i32
      %while3A_61 = arith.constant 0 : i32
      %while3A_62 = arith.constant 0 : i32
      %while3A_63 = arith.constant 0 : i32
      %while3A_64:5 = scf.while (%while3A_189 = %while3A_59, %while3A_190 = %while3A_60, %while3A_191 = %while3A_61, %while3A_192 = %while3A_62, %while3A_193 = %while3A_63) : (i32, i32, i32, i32, i32) -> (i32, i32, i32, i32, i32) {
        %lt3A_194 = arith.constant 256 : i32
        %lt3A_195 = arith.cmpi slt, %while3A_189, %lt3A_194 : i32
        %eq3A_196 = arith.constant 0 : i32
        %eq3A_197 = arith.cmpi eq, %while3A_190, %eq3A_196 : i32
        %and3A_198 = arith.andi %lt3A_195, %eq3A_197 : i1
        scf.condition(%and3A_198) %while3A_189, %while3A_190, %while3A_191, %while3A_192, %while3A_193 : i32, i32, i32, i32, i32
      } do {
      ^bb0(%while3A_189: i32, %while3A_190: i32, %while3A_191: i32, %while3A_192: i32, %while3A_193: i32):
        %sub3A_194 = arith.constant 255 : i32
        %sub3A_195 = arith.subi %sub3A_194, %while3A_189 : i32
        %mul3A_196 = arith.constant 16 : i32
        %mul3A_197 = arith.muli %sub3A_195, %mul3A_196 : i32
        %get3A = arith.index_cast %mul3A_197 : i32 to index
        %get3A_198 = tpu.vector_load %arg8[%get3A] {strides = array<i32>} : memref<4096xi32, #tpu.memory_space<vmem>>, vector<16xi32>,
        %reduce_sum3A = arith.constant true
        %reduce_sum3A_199 = vector.broadcast %reduce_sum3A : i1 to vector<16xi1>
        %reduce_sum3A_200 = tpu.scan <sum>, %get3A_198 masked %reduce_sum3A_199 : vector<16xi32>, vector<16xi1> -> vector<16xi32>
        %reduce_sum3A_201 = vector.extract %reduce_sum3A_200[15] : i32 from vector<16xi32>
        %add3A_202 = arith.addi %while3A_40#4, %while3A_191 : i32
        %add3A_203 = arith.addi %add3A_202, %reduce_sum3A_201 : i32
        %ge3A = arith.constant 100 : i32
        %ge3A_204 = arith.cmpi sge, %add3A_203, %ge3A : i32
        %convert_element_type3A_205 = arith.extui %ge3A_204 : i1 to i32
        %cond3A_206 = arith.constant 0 : i32
        %cond3A_207 = arith.constant 0 : i32
        %cond3A_208 = arith.cmpi ne, %convert_element_type3A_205, %cond3A_207 : i32
        %cond3A_209:3 = scf.if %cond3A_208 -> (i32, i32, i32) {
          %rev3A = arith.constant 15 : i32
          %rev3A_213 = vector.broadcast %rev3A : i32 to vector<16xi32>
          %rev3A_214 = tpu.iota {dimensions = array<i32: 0>} : vector<16xi32>
          %rev3A_215 = arith.subi %rev3A_213, %rev3A_214 : vector<16xi32>
          %rev3A_216 = tpu.dynamic_gather %get3A_198[%rev3A_215] in [0] : vector<16xi32>, vector<16xi32> -> vector<16xi32>
          %cumsum3A = arith.constant true
          %cumsum3A_217 = vector.broadcast %cumsum3A : i1 to vector<16xi1>
          %cumsum3A_218 = tpu.scan <sum>, %rev3A_216 masked %cumsum3A_217 : vector<16xi32>, vector<16xi1> -> vector<16xi32>
          %add3A_219 = arith.addi %while3A_40#4, %while3A_191 : i32
          %add3A_220 = vector.broadcast %add3A_219 : i32 to vector<16xi32>
          %add3A_221 = arith.addi %add3A_220, %cumsum3A_218 : vector<16xi32>
          %ge3A_222 = arith.constant 100 : i32
          %ge3A_223 = vector.broadcast %ge3A_222 : i32 to vector<16xi32>
          %ge3A_224 = arith.cmpi sge, %add3A_221, %ge3A_223 : vector<16xi32>
          %jit3A_225 = arith.constant 16 : i32
          %broadcast_in_dim3A_226 = vector.broadcast %jit3A_225 : i32 to vector<16xi32>
          %select_n3A_227 = arith.select %ge3A_224, %iota3A, %broadcast_in_dim3A_226 : vector<16xi1>, vector<16xi32>
          %reduce_min3A = arith.constant true
          %reduce_min3A_228 = vector.broadcast %reduce_min3A : i1 to vector<16xi1>
          %reduce_min3A_229 = arith.constant -2147483648 : i32
          %reduce_min3A_230 = vector.broadcast %reduce_min3A_229 : i32 to vector<16xi32>
          %reduce_min3A_231 = arith.xori %select_n3A_227, %reduce_min3A_230 : vector<16xi32>
          %reduce_min3A_232 = tpu.scan <min>, %reduce_min3A_231 masked %reduce_min3A_228 : vector<16xi32>, vector<16xi1> -> vector<16xi32>
          %reduce_min3A_233 = arith.xori %reduce_min3A_232, %reduce_min3A_230 : vector<16xi32>
          %reduce_min3A_234 = vector.extract %reduce_min3A_233[15] : i32 from vector<16xi32>
          %eq3A_235 = vector.broadcast %reduce_min3A_234 : i32 to vector<16xi32>
          %eq3A_236 = arith.cmpi eq, %iota3A, %eq3A_235 : vector<16xi32>
          %jit3A_237 = arith.constant 0 : i32
          %broadcast_in_dim3A_238 = vector.broadcast %jit3A_237 : i32 to vector<16xi32>
          %select_n3A_239 = arith.select %eq3A_236, %cumsum3A_218, %broadcast_in_dim3A_238 : vector<16xi1>, vector<16xi32>
          %reduce_sum3A_240 = arith.constant true
          %reduce_sum3A_241 = vector.broadcast %reduce_sum3A_240 : i1 to vector<16xi1>
          %reduce_sum3A_242 = tpu.scan <sum>, %select_n3A_239 masked %reduce_sum3A_241 : vector<16xi32>, vector<16xi1> -> vector<16xi32>
          %reduce_sum3A_243 = vector.extract %reduce_sum3A_242[15] : i32 from vector<16xi32>
          %eq3A_244 = vector.broadcast %reduce_min3A_234 : i32 to vector<16xi32>
          %eq3A_245 = arith.cmpi eq, %iota3A, %eq3A_244 : vector<16xi32>
          %jit3A_246 = arith.constant 0 : i32
          %broadcast_in_dim3A_247 = vector.broadcast %jit3A_246 : i32 to vector<16xi32>
          %select_n3A_248 = arith.select %eq3A_245, %rev3A_216, %broadcast_in_dim3A_247 : vector<16xi1>, vector<16xi32>
          %reduce_sum3A_249 = arith.constant true
          %reduce_sum3A_250 = vector.broadcast %reduce_sum3A_249 : i1 to vector<16xi1>
          %reduce_sum3A_251 = tpu.scan <sum>, %select_n3A_248 masked %reduce_sum3A_250 : vector<16xi32>, vector<16xi1> -> vector<16xi32>
          %reduce_sum3A_252 = vector.extract %reduce_sum3A_251[15] : i32 from vector<16xi32>
          %mul3A_253 = arith.constant 16 : i32
          %mul3A_254 = arith.muli %sub3A_195, %mul3A_253 : i32
          %add3A_255 = arith.constant 15 : i32
          %add3A_256 = arith.addi %mul3A_254, %add3A_255 : i32
          %sub3A_257 = arith.subi %add3A_256, %reduce_min3A_234 : i32
          %add3A_258 = arith.addi %while3A_40#4, %while3A_191 : i32
          %add3A_259 = arith.addi %add3A_258, %reduce_sum3A_243 : i32
          %sub3A_260 = arith.subi %add3A_259, %reduce_sum3A_252 : i32
          %cond3A_261 = arith.constant 1 : i32
          scf.yield %cond3A_261, %sub3A_257, %sub3A_260 : i32, i32, i32
        } else {
          %cond3A_213 = arith.constant 0 : i32
          scf.yield %cond3A_213, %while3A_192, %while3A_193 : i32, i32, i32
        }
        %add3A_210 = arith.constant 1 : i32
        %add3A_211 = arith.addi %while3A_189, %add3A_210 : i32
        %add3A_212 = arith.addi %while3A_191, %reduce_sum3A_201 : i32
        scf.yield %add3A_211, %cond3A_209#0, %add3A_212, %cond3A_209#1, %cond3A_209#2 : i32, i32, i32, i32, i32
      }
      %add3A_65 = arith.constant 251072 : i32
      %add3A_66 = arith.addi %while3A_40#3, %add3A_65 : i32
      %shift_left3A_67 = arith.constant 12 : i32
      %shift_left3A_68 = arith.shli %add3A_66, %shift_left3A_67 : i32
      %or3A = arith.ori %shift_left3A_68, %while3A_64#3 : i32
      %broadcast_in_dim3A_69 = vector.broadcast %or3A : i32 to vector<16xi32>
      %bitcast_convert_type3A_70 = tpu.bitcast %broadcast_in_dim3A_69 : vector<16xi32> -> vector<16xf32>
      %eq3A = arith.constant 1 : i32
      %eq3A_71 = arith.cmpi eq, %while3A_40#1, %eq3A : i32
      %jit3A = arith.constant 0.000000e+00 : f32
      %broadcast_in_dim3A_72 = vector.broadcast %jit3A : f32 to vector<16xf32>
      %select_n3A = arith.select %eq3A_71, %bitcast_convert_type3A_70, %broadcast_in_dim3A_72 : vector<16xf32>
      %eq3A_73 = arith.constant 1 : i32
      %eq3A_74 = arith.cmpi eq, %while3A_40#1, %eq3A_73 : i32
      %sub3A = arith.constant 100 : i32
      %sub3A_75 = arith.subi %sub3A, %while3A_64#4 : i32
      %jit3A_76 = arith.constant 0 : i32
      %select_n3A_77 = arith.select %eq3A_74, %sub3A_75, %jit3A_76 : i32
      %scan3A_78 = arith.constant 0 : i32
      %scan3A_79 = arith.constant 0 : i32
      %scan3A_80 = arith.constant 8 : i32
      %scan3A_81 = arith.addi %scan3A_79, %scan3A_80 : i32
      %scan3A_82 = arith.constant 1 : i32
      %scan3A_83 = scf.for %scan3A_189 = %scan3A_79 to %scan3A_81 step %scan3A_82 iter_args(%scan3A_190 = %scan3A_78) -> (i32)  : i32 {
        %broadcast_in_dim3A_191 = arith.constant -1.000000e+09 : f32
        %broadcast_in_dim3A_192 = vector.broadcast %broadcast_in_dim3A_191 : f32 to vector<16xf32>
        %mul3A_193 = arith.constant 16 : i32
        %mul3A_194 = arith.muli %scan3A_189, %mul3A_193 : i32
        %swap3A = arith.index_cast %mul3A_194 : i32 to index
        %swap3A_195 = tpu.vector_load %arg10[%swap3A] {strides = array<i32>} : memref<128xf32, #tpu.memory_space<vmem>>, vector<16xf32>,
        tpu.vector_store %arg10[%swap3A], %broadcast_in_dim3A_192 {strides = array<i32>} : memref<128xf32, #tpu.memory_space<vmem>>, vector<16xf32>,
        %broadcast_in_dim3A_196 = arith.constant 0 : i32
        %broadcast_in_dim3A_197 = vector.broadcast %broadcast_in_dim3A_196 : i32 to vector<16xi32>
        %mul3A_198 = arith.constant 16 : i32
        %mul3A_199 = arith.muli %scan3A_189, %mul3A_198 : i32
        %swap3A_200 = arith.index_cast %mul3A_199 : i32 to index
        %swap3A_201 = tpu.vector_load %arg9[%swap3A_200] {strides = array<i32>} : memref<128xi32, #tpu.memory_space<vmem>>, vector<16xi32>,
        tpu.vector_store %arg9[%swap3A_200], %broadcast_in_dim3A_197 {strides = array<i32>} : memref<128xi32, #tpu.memory_space<vmem>>, vector<16xi32>,
        %scan3A_202 = arith.constant 0 : i32
        scf.yield %scan3A_202 : i32
      }
      %scan3A_84 = arith.constant 8 : i32
      %scan3A_85 = arith.constant 0 : i32
      %scan3A_86 = arith.constant 0 : i32
      %scan3A_87 = arith.constant 0 : i32
      %scan3A_88 = arith.constant 250 : i32
      %scan3A_89 = arith.addi %scan3A_87, %scan3A_88 : i32
      %scan3A_90 = arith.constant 1 : i32
      %scan3A_91:2 = scf.for %scan3A_189 = %scan3A_87 to %scan3A_89 step %scan3A_90 iter_args(%scan3A_190 = %scan3A_85, %scan3A_191 = %scan3A_86) -> (i32, i32)  : i32 {
        %mul3A_192 = arith.constant 16 : i32
        %mul3A_193 = arith.muli %scan3A_189, %mul3A_192 : i32
        %get3A = arith.index_cast %mul3A_193 : i32 to index
        %get3A_194 = tpu.vector_load %arg13[%get3A] {strides = array<i32>} : memref<4096xf32, #tpu.memory_space<vmem>>, vector<16xf32>,
        %ge3A = arith.cmpf oge, %get3A_194, %select_n3A : vector<16xf32>
        %convert_element_type3A_195 = arith.extui %ge3A : vector<16xi1> to vector<16xi32>
        %reduce_sum3A = arith.constant true
        %reduce_sum3A_196 = vector.broadcast %reduce_sum3A : i1 to vector<16xi1>
        %reduce_sum3A_197 = tpu.scan <sum>, %convert_element_type3A_195 masked %reduce_sum3A_196 : vector<16xi32>, vector<16xi1> -> vector<16xi32>
        %reduce_sum3A_198 = vector.extract %reduce_sum3A_197[15] : i32 from vector<16xi32>
        %gt3A = arith.constant 0 : i32
        %gt3A_199 = arith.cmpi sgt, %reduce_sum3A_198, %gt3A : i32
        %convert_element_type3A_200 = arith.extui %gt3A_199 : i1 to i32
        %cond3A_201 = arith.constant 0 : i32
        %cond3A_202 = arith.cmpi ne, %convert_element_type3A_200, %cond3A_201 : i32
        %cond3A_203:2 = scf.if %cond3A_202 -> (i32, i32) {
          %mul3A_204 = arith.constant 80 : i32
          %mul3A_205 = arith.muli %scan3A_189, %mul3A_204 : i32
          %add3A_206 = arith.constant 0 : i32
          %add3A_207 = arith.addi %mul3A_205, %add3A_206 : i32
          %get3A_208 = arith.index_cast %add3A_207 : i32 to index
          %get3A_209 = tpu.vector_load %arg6[%get3A_208] {strides = array<i32>} : memref<20000xf32, #tpu.memory_space<vmem>>, vector<16xf32>,
          %gt3A_210 = arith.cmpf ogt, %get3A_209, %select_n3A : vector<16xf32>
          %eq3A_211 = arith.cmpf oeq, %get3A_209, %select_n3A : vector<16xf32>
          %convert_element_type3A_212 = arith.extui %eq3A_211 : vector<16xi1> to vector<16xi32>
          %cumsum3A = arith.constant true
          %cumsum3A_213 = vector.broadcast %cumsum3A : i1 to vector<16xi1>
          %cumsum3A_214 = tpu.scan <sum>, %convert_element_type3A_212 masked %cumsum3A_213 : vector<16xi32>, vector<16xi1> -> vector<16xi32>
          %add3A_215 = vector.broadcast %scan3A_191 : i32 to vector<16xi32>
          %add3A_216 = arith.addi %add3A_215, %cumsum3A_214 : vector<16xi32>
          %le3A = vector.broadcast %select_n3A_77 : i32 to vector<16xi32>
          %le3A_217 = arith.cmpi sle, %add3A_216, %le3A : vector<16xi32>
          %and3A_218 = arith.andi %eq3A_211, %le3A_217 : vector<16xi1>
          %or3A_219 = arith.ori %gt3A_210, %and3A_218 : vector<16xi1>
          %mul3A_220 = arith.constant 80 : i32
          %mul3A_221 = arith.muli %scan3A_189, %mul3A_220 : i32
          %add3A_222 = arith.constant 0 : i32
          %add3A_223 = arith.addi %mul3A_221, %add3A_222 : i32
          %add3A_224 = vector.broadcast %add3A_223 : i32 to vector<16xi32>
          %add3A_225 = arith.addi %iota3A, %add3A_224 : vector<16xi32>
          %swap3A = arith.index_cast %scan3A_190 : i32 to index
          %swap3A_226 = tpu.vector_load %arg9[%swap3A] masked %or3A_219 {strides = array<i32>} : memref<128xi32, #tpu.memory_space<vmem>>, vector<16xi32>, vector<16xi1>
          tpu.vector_store %arg9[%swap3A], %add3A_225 masked %or3A_219 {strides = array<i32>} : memref<128xi32, #tpu.memory_space<vmem>>, vector<16xi32>, vector<16xi1>
          %swap3A_227 = arith.index_cast %scan3A_190 : i32 to index
          %swap3A_228 = tpu.vector_load %arg10[%swap3A_227] masked %or3A_219 {strides = array<i32>} : memref<128xf32, #tpu.memory_space<vmem>>, vector<16xf32>, vector<16xi1>
          tpu.vector_store %arg10[%swap3A_227], %get3A_209 masked %or3A_219 {strides = array<i32>} : memref<128xf32, #tpu.memory_space<vmem>>, vector<16xf32>, vector<16xi1>
          %convert_element_type3A_229 = arith.extui %or3A_219 : vector<16xi1> to vector<16xi32>
          %reduce_sum3A_230 = arith.constant true
          %reduce_sum3A_231 = vector.broadcast %reduce_sum3A_230 : i1 to vector<16xi1>
          %reduce_sum3A_232 = tpu.scan <sum>, %convert_element_type3A_229 masked %reduce_sum3A_231 : vector<16xi32>, vector<16xi1> -> vector<16xi32>
          %reduce_sum3A_233 = vector.extract %reduce_sum3A_232[15] : i32 from vector<16xi32>
          %add3A_234 = arith.addi %scan3A_190, %reduce_sum3A_233 : i32
          %convert_element_type3A_235 = arith.extui %eq3A_211 : vector<16xi1> to vector<16xi32>
          %reduce_sum3A_236 = arith.constant true
          %reduce_sum3A_237 = vector.broadcast %reduce_sum3A_236 : i1 to vector<16xi1>
          %reduce_sum3A_238 = tpu.scan <sum>, %convert_element_type3A_235 masked %reduce_sum3A_237 : vector<16xi32>, vector<16xi1> -> vector<16xi32>
          %reduce_sum3A_239 = vector.extract %reduce_sum3A_238[15] : i32 from vector<16xi32>
          %add3A_240 = arith.addi %scan3A_191, %reduce_sum3A_239 : i32
          %mul3A_241 = arith.constant 80 : i32
          %mul3A_242 = arith.muli %scan3A_189, %mul3A_241 : i32
          %add3A_243 = arith.constant 16 : i32
          %add3A_244 = arith.addi %mul3A_242, %add3A_243 : i32
          %get3A_245 = arith.index_cast %add3A_244 : i32 to index
          %get3A_246 = tpu.vector_load %arg6[%get3A_245] {strides = array<i32>} : memref<20000xf32, #tpu.memory_space<vmem>>, vector<16xf32>,
          %gt3A_247 = arith.cmpf ogt, %get3A_246, %select_n3A : vector<16xf32>
          %eq3A_248 = arith.cmpf oeq, %get3A_246, %select_n3A : vector<16xf32>
          %convert_element_type3A_249 = arith.extui %eq3A_248 : vector<16xi1> to vector<16xi32>
          %cumsum3A_250 = arith.constant true
          %cumsum3A_251 = vector.broadcast %cumsum3A_250 : i1 to vector<16xi1>
          %cumsum3A_252 = tpu.scan <sum>, %convert_element_type3A_249 masked %cumsum3A_251 : vector<16xi32>, vector<16xi1> -> vector<16xi32>
          %add3A_253 = vector.broadcast %add3A_240 : i32 to vector<16xi32>
          %add3A_254 = arith.addi %add3A_253, %cumsum3A_252 : vector<16xi32>
          %le3A_255 = vector.broadcast %select_n3A_77 : i32 to vector<16xi32>
          %le3A_256 = arith.cmpi sle, %add3A_254, %le3A_255 : vector<16xi32>
          %and3A_257 = arith.andi %eq3A_248, %le3A_256 : vector<16xi1>
          %or3A_258 = arith.ori %gt3A_247, %and3A_257 : vector<16xi1>
          %mul3A_259 = arith.constant 80 : i32
          %mul3A_260 = arith.muli %scan3A_189, %mul3A_259 : i32
          %add3A_261 = arith.constant 16 : i32
          %add3A_262 = arith.addi %mul3A_260, %add3A_261 : i32
          %add3A_263 = vector.broadcast %add3A_262 : i32 to vector<16xi32>
          %add3A_264 = arith.addi %iota3A, %add3A_263 : vector<16xi32>
          %swap3A_265 = arith.index_cast %add3A_234 : i32 to index
          %swap3A_266 = tpu.vector_load %arg9[%swap3A_265] masked %or3A_258 {strides = array<i32>} : memref<128xi32, #tpu.memory_space<vmem>>, vector<16xi32>, vector<16xi1>
          tpu.vector_store %arg9[%swap3A_265], %add3A_264 masked %or3A_258 {strides = array<i32>} : memref<128xi32, #tpu.memory_space<vmem>>, vector<16xi32>, vector<16xi1>
          %swap3A_267 = arith.index_cast %add3A_234 : i32 to index
          %swap3A_268 = tpu.vector_load %arg10[%swap3A_267] masked %or3A_258 {strides = array<i32>} : memref<128xf32, #tpu.memory_space<vmem>>, vector<16xf32>, vector<16xi1>
          tpu.vector_store %arg10[%swap3A_267], %get3A_246 masked %or3A_258 {strides = array<i32>} : memref<128xf32, #tpu.memory_space<vmem>>, vector<16xf32>, vector<16xi1>
          %convert_element_type3A_269 = arith.extui %or3A_258 : vector<16xi1> to vector<16xi32>
          %reduce_sum3A_270 = arith.constant true
          %reduce_sum3A_271 = vector.broadcast %reduce_sum3A_270 : i1 to vector<16xi1>
          %reduce_sum3A_272 = tpu.scan <sum>, %convert_element_type3A_269 masked %reduce_sum3A_271 : vector<16xi32>, vector<16xi1> -> vector<16xi32>
          %reduce_sum3A_273 = vector.extract %reduce_sum3A_272[15] : i32 from vector<16xi32>
          %add3A_274 = arith.addi %add3A_234, %reduce_sum3A_273 : i32
          %convert_element_type3A_275 = arith.extui %eq3A_248 : vector<16xi1> to vector<16xi32>
          %reduce_sum3A_276 = arith.constant true
          %reduce_sum3A_277 = vector.broadcast %reduce_sum3A_276 : i1 to vector<16xi1>
          %reduce_sum3A_278 = tpu.scan <sum>, %convert_element_type3A_275 masked %reduce_sum3A_277 : vector<16xi32>, vector<16xi1> -> vector<16xi32>
          %reduce_sum3A_279 = vector.extract %reduce_sum3A_278[15] : i32 from vector<16xi32>
          %add3A_280 = arith.addi %add3A_240, %reduce_sum3A_279 : i32
          %mul3A_281 = arith.constant 80 : i32
          %mul3A_282 = arith.muli %scan3A_189, %mul3A_281 : i32
          %add3A_283 = arith.constant 32 : i32
          %add3A_284 = arith.addi %mul3A_282, %add3A_283 : i32
          %get3A_285 = arith.index_cast %add3A_284 : i32 to index
          %get3A_286 = tpu.vector_load %arg6[%get3A_285] {strides = array<i32>} : memref<20000xf32, #tpu.memory_space<vmem>>, vector<16xf32>,
          %gt3A_287 = arith.cmpf ogt, %get3A_286, %select_n3A : vector<16xf32>
          %eq3A_288 = arith.cmpf oeq, %get3A_286, %select_n3A : vector<16xf32>
          %convert_element_type3A_289 = arith.extui %eq3A_288 : vector<16xi1> to vector<16xi32>
          %cumsum3A_290 = arith.constant true
          %cumsum3A_291 = vector.broadcast %cumsum3A_290 : i1 to vector<16xi1>
          %cumsum3A_292 = tpu.scan <sum>, %convert_element_type3A_289 masked %cumsum3A_291 : vector<16xi32>, vector<16xi1> -> vector<16xi32>
          %add3A_293 = vector.broadcast %add3A_280 : i32 to vector<16xi32>
          %add3A_294 = arith.addi %add3A_293, %cumsum3A_292 : vector<16xi32>
          %le3A_295 = vector.broadcast %select_n3A_77 : i32 to vector<16xi32>
          %le3A_296 = arith.cmpi sle, %add3A_294, %le3A_295 : vector<16xi32>
          %and3A_297 = arith.andi %eq3A_288, %le3A_296 : vector<16xi1>
          %or3A_298 = arith.ori %gt3A_287, %and3A_297 : vector<16xi1>
          %mul3A_299 = arith.constant 80 : i32
          %mul3A_300 = arith.muli %scan3A_189, %mul3A_299 : i32
          %add3A_301 = arith.constant 32 : i32
          %add3A_302 = arith.addi %mul3A_300, %add3A_301 : i32
          %add3A_303 = vector.broadcast %add3A_302 : i32 to vector<16xi32>
          %add3A_304 = arith.addi %iota3A, %add3A_303 : vector<16xi32>
          %swap3A_305 = arith.index_cast %add3A_274 : i32 to index
          %swap3A_306 = tpu.vector_load %arg9[%swap3A_305] masked %or3A_298 {strides = array<i32>} : memref<128xi32, #tpu.memory_space<vmem>>, vector<16xi32>, vector<16xi1>
          tpu.vector_store %arg9[%swap3A_305], %add3A_304 masked %or3A_298 {strides = array<i32>} : memref<128xi32, #tpu.memory_space<vmem>>, vector<16xi32>, vector<16xi1>
          %swap3A_307 = arith.index_cast %add3A_274 : i32 to index
          %swap3A_308 = tpu.vector_load %arg10[%swap3A_307] masked %or3A_298 {strides = array<i32>} : memref<128xf32, #tpu.memory_space<vmem>>, vector<16xf32>, vector<16xi1>
          tpu.vector_store %arg10[%swap3A_307], %get3A_286 masked %or3A_298 {strides = array<i32>} : memref<128xf32, #tpu.memory_space<vmem>>, vector<16xf32>, vector<16xi1>
          %convert_element_type3A_309 = arith.extui %or3A_298 : vector<16xi1> to vector<16xi32>
          %reduce_sum3A_310 = arith.constant true
          %reduce_sum3A_311 = vector.broadcast %reduce_sum3A_310 : i1 to vector<16xi1>
          %reduce_sum3A_312 = tpu.scan <sum>, %convert_element_type3A_309 masked %reduce_sum3A_311 : vector<16xi32>, vector<16xi1> -> vector<16xi32>
          %reduce_sum3A_313 = vector.extract %reduce_sum3A_312[15] : i32 from vector<16xi32>
          %add3A_314 = arith.addi %add3A_274, %reduce_sum3A_313 : i32
          %convert_element_type3A_315 = arith.extui %eq3A_288 : vector<16xi1> to vector<16xi32>
          %reduce_sum3A_316 = arith.constant true
          %reduce_sum3A_317 = vector.broadcast %reduce_sum3A_316 : i1 to vector<16xi1>
          %reduce_sum3A_318 = tpu.scan <sum>, %convert_element_type3A_315 masked %reduce_sum3A_317 : vector<16xi32>, vector<16xi1> -> vector<16xi32>
          %reduce_sum3A_319 = vector.extract %reduce_sum3A_318[15] : i32 from vector<16xi32>
          %add3A_320 = arith.addi %add3A_280, %reduce_sum3A_319 : i32
          %mul3A_321 = arith.constant 80 : i32
          %mul3A_322 = arith.muli %scan3A_189, %mul3A_321 : i32
          %add3A_323 = arith.constant 48 : i32
          %add3A_324 = arith.addi %mul3A_322, %add3A_323 : i32
          %get3A_325 = arith.index_cast %add3A_324 : i32 to index
          %get3A_326 = tpu.vector_load %arg6[%get3A_325] {strides = array<i32>} : memref<20000xf32, #tpu.memory_space<vmem>>, vector<16xf32>,
          %gt3A_327 = arith.cmpf ogt, %get3A_326, %select_n3A : vector<16xf32>
          %eq3A_328 = arith.cmpf oeq, %get3A_326, %select_n3A : vector<16xf32>
          %convert_element_type3A_329 = arith.extui %eq3A_328 : vector<16xi1> to vector<16xi32>
          %cumsum3A_330 = arith.constant true
          %cumsum3A_331 = vector.broadcast %cumsum3A_330 : i1 to vector<16xi1>
          %cumsum3A_332 = tpu.scan <sum>, %convert_element_type3A_329 masked %cumsum3A_331 : vector<16xi32>, vector<16xi1> -> vector<16xi32>
          %add3A_333 = vector.broadcast %add3A_320 : i32 to vector<16xi32>
          %add3A_334 = arith.addi %add3A_333, %cumsum3A_332 : vector<16xi32>
          %le3A_335 = vector.broadcast %select_n3A_77 : i32 to vector<16xi32>
          %le3A_336 = arith.cmpi sle, %add3A_334, %le3A_335 : vector<16xi32>
          %and3A_337 = arith.andi %eq3A_328, %le3A_336 : vector<16xi1>
          %or3A_338 = arith.ori %gt3A_327, %and3A_337 : vector<16xi1>
          %mul3A_339 = arith.constant 80 : i32
          %mul3A_340 = arith.muli %scan3A_189, %mul3A_339 : i32
          %add3A_341 = arith.constant 48 : i32
          %add3A_342 = arith.addi %mul3A_340, %add3A_341 : i32
          %add3A_343 = vector.broadcast %add3A_342 : i32 to vector<16xi32>
          %add3A_344 = arith.addi %iota3A, %add3A_343 : vector<16xi32>
          %swap3A_345 = arith.index_cast %add3A_314 : i32 to index
          %swap3A_346 = tpu.vector_load %arg9[%swap3A_345] masked %or3A_338 {strides = array<i32>} : memref<128xi32, #tpu.memory_space<vmem>>, vector<16xi32>, vector<16xi1>
          tpu.vector_store %arg9[%swap3A_345], %add3A_344 masked %or3A_338 {strides = array<i32>} : memref<128xi32, #tpu.memory_space<vmem>>, vector<16xi32>, vector<16xi1>
          %swap3A_347 = arith.index_cast %add3A_314 : i32 to index
          %swap3A_348 = tpu.vector_load %arg10[%swap3A_347] masked %or3A_338 {strides = array<i32>} : memref<128xf32, #tpu.memory_space<vmem>>, vector<16xf32>, vector<16xi1>
          tpu.vector_store %arg10[%swap3A_347], %get3A_326 masked %or3A_338 {strides = array<i32>} : memref<128xf32, #tpu.memory_space<vmem>>, vector<16xf32>, vector<16xi1>
          %convert_element_type3A_349 = arith.extui %or3A_338 : vector<16xi1> to vector<16xi32>
          %reduce_sum3A_350 = arith.constant true
          %reduce_sum3A_351 = vector.broadcast %reduce_sum3A_350 : i1 to vector<16xi1>
          %reduce_sum3A_352 = tpu.scan <sum>, %convert_element_type3A_349 masked %reduce_sum3A_351 : vector<16xi32>, vector<16xi1> -> vector<16xi32>
          %reduce_sum3A_353 = vector.extract %reduce_sum3A_352[15] : i32 from vector<16xi32>
          %add3A_354 = arith.addi %add3A_314, %reduce_sum3A_353 : i32
          %convert_element_type3A_355 = arith.extui %eq3A_328 : vector<16xi1> to vector<16xi32>
          %reduce_sum3A_356 = arith.constant true
          %reduce_sum3A_357 = vector.broadcast %reduce_sum3A_356 : i1 to vector<16xi1>
          %reduce_sum3A_358 = tpu.scan <sum>, %convert_element_type3A_355 masked %reduce_sum3A_357 : vector<16xi32>, vector<16xi1> -> vector<16xi32>
          %reduce_sum3A_359 = vector.extract %reduce_sum3A_358[15] : i32 from vector<16xi32>
          %add3A_360 = arith.addi %add3A_320, %reduce_sum3A_359 : i32
          %mul3A_361 = arith.constant 80 : i32
          %mul3A_362 = arith.muli %scan3A_189, %mul3A_361 : i32
          %add3A_363 = arith.constant 64 : i32
          %add3A_364 = arith.addi %mul3A_362, %add3A_363 : i32
          %get3A_365 = arith.index_cast %add3A_364 : i32 to index
          %get3A_366 = tpu.vector_load %arg6[%get3A_365] {strides = array<i32>} : memref<20000xf32, #tpu.memory_space<vmem>>, vector<16xf32>,
          %gt3A_367 = arith.cmpf ogt, %get3A_366, %select_n3A : vector<16xf32>
          %eq3A_368 = arith.cmpf oeq, %get3A_366, %select_n3A : vector<16xf32>
          %convert_element_type3A_369 = arith.extui %eq3A_368 : vector<16xi1> to vector<16xi32>
          %cumsum3A_370 = arith.constant true
          %cumsum3A_371 = vector.broadcast %cumsum3A_370 : i1 to vector<16xi1>
          %cumsum3A_372 = tpu.scan <sum>, %convert_element_type3A_369 masked %cumsum3A_371 : vector<16xi32>, vector<16xi1> -> vector<16xi32>
          %add3A_373 = vector.broadcast %add3A_360 : i32 to vector<16xi32>
          %add3A_374 = arith.addi %add3A_373, %cumsum3A_372 : vector<16xi32>
          %le3A_375 = vector.broadcast %select_n3A_77 : i32 to vector<16xi32>
          %le3A_376 = arith.cmpi sle, %add3A_374, %le3A_375 : vector<16xi32>
          %and3A_377 = arith.andi %eq3A_368, %le3A_376 : vector<16xi1>
          %or3A_378 = arith.ori %gt3A_367, %and3A_377 : vector<16xi1>
          %mul3A_379 = arith.constant 80 : i32
          %mul3A_380 = arith.muli %scan3A_189, %mul3A_379 : i32
          %add3A_381 = arith.constant 64 : i32
          %add3A_382 = arith.addi %mul3A_380, %add3A_381 : i32
          %add3A_383 = vector.broadcast %add3A_382 : i32 to vector<16xi32>
          %add3A_384 = arith.addi %iota3A, %add3A_383 : vector<16xi32>
          %swap3A_385 = arith.index_cast %add3A_354 : i32 to index
          %swap3A_386 = tpu.vector_load %arg9[%swap3A_385] masked %or3A_378 {strides = array<i32>} : memref<128xi32, #tpu.memory_space<vmem>>, vector<16xi32>, vector<16xi1>
          tpu.vector_store %arg9[%swap3A_385], %add3A_384 masked %or3A_378 {strides = array<i32>} : memref<128xi32, #tpu.memory_space<vmem>>, vector<16xi32>, vector<16xi1>
          %swap3A_387 = arith.index_cast %add3A_354 : i32 to index
          %swap3A_388 = tpu.vector_load %arg10[%swap3A_387] masked %or3A_378 {strides = array<i32>} : memref<128xf32, #tpu.memory_space<vmem>>, vector<16xf32>, vector<16xi1>
          tpu.vector_store %arg10[%swap3A_387], %get3A_366 masked %or3A_378 {strides = array<i32>} : memref<128xf32, #tpu.memory_space<vmem>>, vector<16xf32>, vector<16xi1>
          %convert_element_type3A_389 = arith.extui %or3A_378 : vector<16xi1> to vector<16xi32>
          %reduce_sum3A_390 = arith.constant true
          %reduce_sum3A_391 = vector.broadcast %reduce_sum3A_390 : i1 to vector<16xi1>
          %reduce_sum3A_392 = tpu.scan <sum>, %convert_element_type3A_389 masked %reduce_sum3A_391 : vector<16xi32>, vector<16xi1> -> vector<16xi32>
          %reduce_sum3A_393 = vector.extract %reduce_sum3A_392[15] : i32 from vector<16xi32>
          %add3A_394 = arith.addi %add3A_354, %reduce_sum3A_393 : i32
          %convert_element_type3A_395 = arith.extui %eq3A_368 : vector<16xi1> to vector<16xi32>
          %reduce_sum3A_396 = arith.constant true
          %reduce_sum3A_397 = vector.broadcast %reduce_sum3A_396 : i1 to vector<16xi1>
          %reduce_sum3A_398 = tpu.scan <sum>, %convert_element_type3A_395 masked %reduce_sum3A_397 : vector<16xi32>, vector<16xi1> -> vector<16xi32>
          %reduce_sum3A_399 = vector.extract %reduce_sum3A_398[15] : i32 from vector<16xi32>
          %add3A_400 = arith.addi %add3A_360, %reduce_sum3A_399 : i32
          scf.yield %add3A_394, %add3A_400 : i32, i32
        } else {
          scf.yield %scan3A_190, %scan3A_191 : i32, i32
        }
        scf.yield %cond3A_203#0, %cond3A_203#1 : i32, i32
      }
      %scan3A_92 = arith.constant 250 : i32
      "tpu.region"() ({
        %run_scoped3A_189 = tpu.sem_alloc : memref<!tpu.dma_semaphore, #tpu.memory_space<semaphore_mem>>
        %dma_start3A_190 = arith.constant 0 : i32
        %dma_start3A_191 = tpu.memref_slice %arg4[%add3A_2, %dma_start3A_190] : memref<80x128xf32, #tpu.memory_space<hbm>> -> memref<1x128xf32, #tpu.memory_space<hbm>>
        %dma_start3A_192 = tpu.memref_squeeze %dma_start3A_191 : memref<1x128xf32, #tpu.memory_space<hbm>> -> memref<128xf32, #tpu.memory_space<hbm>>
        %dma_start3A_193 = arith.constant 0 : i32
        %dma_start3A_194 = tpu.memref_slice %arg4[%add3A_2, %dma_start3A_193] : memref<80x128xf32, #tpu.memory_space<hbm>> -> memref<1x128xf32, #tpu.memory_space<hbm>>
        %dma_start3A_195 = tpu.memref_squeeze %dma_start3A_194 : memref<1x128xf32, #tpu.memory_space<hbm>> -> memref<128xf32, #tpu.memory_space<hbm>>
        tpu.enqueue_dma source(%arg10 : memref<128xf32, #tpu.memory_space<vmem>>) target(%dma_start3A_195 : memref<128xf32, #tpu.memory_space<hbm>>) target_semaphore(%run_scoped3A_189 : memref<!tpu.dma_semaphore, #tpu.memory_space<semaphore_mem>>)
        %dma_wait3A_196 = arith.constant 0 : i32
        %dma_wait3A_197 = tpu.memref_slice %arg4[%add3A_2, %dma_wait3A_196] : memref<80x128xf32, #tpu.memory_space<hbm>> -> memref<1x128xf32, #tpu.memory_space<hbm>>
        %dma_wait3A_198 = tpu.memref_squeeze %dma_wait3A_197 : memref<1x128xf32, #tpu.memory_space<hbm>> -> memref<128xf32, #tpu.memory_space<hbm>>
        %dma_wait3A_199 = arith.constant 0 : i32
        %dma_wait3A_200 = tpu.memref_slice %arg4[%add3A_2, %dma_wait3A_199] : memref<80x128xf32, #tpu.memory_space<hbm>> -> memref<1x128xf32, #tpu.memory_space<hbm>>
        %dma_wait3A_201 = tpu.memref_squeeze %dma_wait3A_200 : memref<1x128xf32, #tpu.memory_space<hbm>> -> memref<128xf32, #tpu.memory_space<hbm>>
        tpu.wait_dma2 semaphore(%run_scoped3A_189 : memref<!tpu.dma_semaphore, #tpu.memory_space<semaphore_mem>>) src(%arg10 : memref<128xf32, #tpu.memory_space<vmem>>) dst(%dma_wait3A_201 : memref<128xf32, #tpu.memory_space<hbm>>)
        tpu.yield
      }) : () -> ()
      %jit3A_93 = arith.constant 20 : i32
      %div3A = arith.divsi %add3A_2, %jit3A_93 : i32
      %sign3A = arith.constant 0 : i32
      %sign3A_94 = arith.cmpi sgt, %add3A_2, %sign3A : i32
      %sign3A_95 = arith.extui %sign3A_94 : i1 to i32
      %sign3A_96 = arith.constant 0 : i32
      %sign3A_97 = arith.cmpi slt, %add3A_2, %sign3A_96 : i32
      %sign3A_98 = arith.extui %sign3A_97 : i1 to i32
      %sign3A_99 = arith.subi %sign3A_95, %sign3A_98 : i32
      %sign3A_100 = arith.constant 0 : i32
      %sign3A_101 = arith.cmpi sgt, %jit3A_93, %sign3A_100 : i32
      %sign3A_102 = arith.extui %sign3A_101 : i1 to i32
      %sign3A_103 = arith.constant 0 : i32
      %sign3A_104 = arith.cmpi slt, %jit3A_93, %sign3A_103 : i32
      %sign3A_105 = arith.extui %sign3A_104 : i1 to i32
      %sign3A_106 = arith.subi %sign3A_102, %sign3A_105 : i32
      %ne3A = arith.cmpi ne, %sign3A_99, %sign3A_106 : i32
      %rem3A = arith.remsi %add3A_2, %jit3A_93 : i32
      %ne3A_107 = arith.constant 0 : i32
      %ne3A_108 = arith.cmpi ne, %rem3A, %ne3A_107 : i32
      %and3A = arith.andi %ne3A, %ne3A_108 : i1
      %sub3A_109 = arith.constant 1 : i32
      %sub3A_110 = arith.subi %div3A, %sub3A_109 : i32
      %select_n3A_111 = arith.select %and3A, %sub3A_110, %div3A : i32
      %scan3A_112 = arith.constant 0 : i32
      %scan3A_113 = arith.constant 0 : i32
      %scan3A_114 = arith.constant 8 : i32
      %scan3A_115 = arith.addi %scan3A_113, %scan3A_114 : i32
      %scan3A_116 = arith.constant 1 : i32
      %scan3A_117 = scf.for %scan3A_189 = %scan3A_113 to %scan3A_115 step %scan3A_116 iter_args(%scan3A_190 = %scan3A_112) -> (i32)  : i32 {
        %mul3A_191 = arith.constant 16 : i32
        %mul3A_192 = arith.muli %scan3A_189, %mul3A_191 : i32
        %get3A = arith.index_cast %mul3A_192 : i32 to index
        %get3A_193 = tpu.vector_load %arg9[%get3A] {strides = array<i32>} : memref<128xi32, #tpu.memory_space<vmem>>, vector<16xi32>,
        %mul3A_194 = arith.constant 4 : i32
        %mul3A_195 = arith.muli %select_n3A_111, %mul3A_194 : i32
        %add3A_196 = arith.constant 0 : i32
        %add3A_197 = arith.addi %mul3A_195, %add3A_196 : i32
        %mul3A_198 = arith.constant 20000 : i32
        %mul3A_199 = arith.muli %add3A_197, %mul3A_198 : i32
        %add3A_200 = vector.broadcast %mul3A_199 : i32 to vector<16xi32>
        %add3A_201 = arith.addi %get3A_193, %add3A_200 : vector<16xi32>
        %mul3A_202 = arith.constant 16 : i32
        %mul3A_203 = arith.muli %scan3A_189, %mul3A_202 : i32
        %add3A_204 = arith.constant 0 : i32
        %add3A_205 = arith.addi %add3A_204, %mul3A_203 : i32
        %swap3A = arith.index_cast %add3A_205 : i32 to index
        %swap3A_206 = tpu.vector_load %arg11[%swap3A] {strides = array<i32>} : memref<512xi32, #tpu.memory_space<vmem>>, vector<16xi32>,
        tpu.vector_store %arg11[%swap3A], %add3A_201 {strides = array<i32>} : memref<512xi32, #tpu.memory_space<vmem>>, vector<16xi32>,
        %scan3A_207 = arith.constant 0 : i32
        scf.yield %scan3A_207 : i32
      }
      %scan3A_118 = arith.constant 8 : i32
      %scan3A_119 = arith.constant 0 : i32
      %scan3A_120 = arith.constant 0 : i32
      %scan3A_121 = arith.constant 8 : i32
      %scan3A_122 = arith.addi %scan3A_120, %scan3A_121 : i32
      %scan3A_123 = arith.constant 1 : i32
      %scan3A_124 = scf.for %scan3A_189 = %scan3A_120 to %scan3A_122 step %scan3A_123 iter_args(%scan3A_190 = %scan3A_119) -> (i32)  : i32 {
        %mul3A_191 = arith.constant 16 : i32
        %mul3A_192 = arith.muli %scan3A_189, %mul3A_191 : i32
        %get3A = arith.index_cast %mul3A_192 : i32 to index
        %get3A_193 = tpu.vector_load %arg9[%get3A] {strides = array<i32>} : memref<128xi32, #tpu.memory_space<vmem>>, vector<16xi32>,
        %mul3A_194 = arith.constant 4 : i32
        %mul3A_195 = arith.muli %select_n3A_111, %mul3A_194 : i32
        %add3A_196 = arith.constant 1 : i32
        %add3A_197 = arith.addi %mul3A_195, %add3A_196 : i32
        %mul3A_198 = arith.constant 20000 : i32
        %mul3A_199 = arith.muli %add3A_197, %mul3A_198 : i32
        %add3A_200 = vector.broadcast %mul3A_199 : i32 to vector<16xi32>
        %add3A_201 = arith.addi %get3A_193, %add3A_200 : vector<16xi32>
        %mul3A_202 = arith.constant 16 : i32
        %mul3A_203 = arith.muli %scan3A_189, %mul3A_202 : i32
        %add3A_204 = arith.constant 128 : i32
        %add3A_205 = arith.addi %add3A_204, %mul3A_203 : i32
        %swap3A = arith.index_cast %add3A_205 : i32 to index
        %swap3A_206 = tpu.vector_load %arg11[%swap3A] {strides = array<i32>} : memref<512xi32, #tpu.memory_space<vmem>>, vector<16xi32>,
        tpu.vector_store %arg11[%swap3A], %add3A_201 {strides = array<i32>} : memref<512xi32, #tpu.memory_space<vmem>>, vector<16xi32>,
        %scan3A_207 = arith.constant 0 : i32
        scf.yield %scan3A_207 : i32
      }
      %scan3A_125 = arith.constant 8 : i32
      %scan3A_126 = arith.constant 0 : i32
      %scan3A_127 = arith.constant 0 : i32
      %scan3A_128 = arith.constant 8 : i32
      %scan3A_129 = arith.addi %scan3A_127, %scan3A_128 : i32
      %scan3A_130 = arith.constant 1 : i32
      %scan3A_131 = scf.for %scan3A_189 = %scan3A_127 to %scan3A_129 step %scan3A_130 iter_args(%scan3A_190 = %scan3A_126) -> (i32)  : i32 {
        %mul3A_191 = arith.constant 16 : i32
        %mul3A_192 = arith.muli %scan3A_189, %mul3A_191 : i32
        %get3A = arith.index_cast %mul3A_192 : i32 to index
        %get3A_193 = tpu.vector_load %arg9[%get3A] {strides = array<i32>} : memref<128xi32, #tpu.memory_space<vmem>>, vector<16xi32>,
        %mul3A_194 = arith.constant 4 : i32
        %mul3A_195 = arith.muli %select_n3A_111, %mul3A_194 : i32
        %add3A_196 = arith.constant 2 : i32
        %add3A_197 = arith.addi %mul3A_195, %add3A_196 : i32
        %mul3A_198 = arith.constant 20000 : i32
        %mul3A_199 = arith.muli %add3A_197, %mul3A_198 : i32
        %add3A_200 = vector.broadcast %mul3A_199 : i32 to vector<16xi32>
        %add3A_201 = arith.addi %get3A_193, %add3A_200 : vector<16xi32>
        %mul3A_202 = arith.constant 16 : i32
        %mul3A_203 = arith.muli %scan3A_189, %mul3A_202 : i32
        %add3A_204 = arith.constant 256 : i32
        %add3A_205 = arith.addi %add3A_204, %mul3A_203 : i32
        %swap3A = arith.index_cast %add3A_205 : i32 to index
        %swap3A_206 = tpu.vector_load %arg11[%swap3A] {strides = array<i32>} : memref<512xi32, #tpu.memory_space<vmem>>, vector<16xi32>,
        tpu.vector_store %arg11[%swap3A], %add3A_201 {strides = array<i32>} : memref<512xi32, #tpu.memory_space<vmem>>, vector<16xi32>,
        %scan3A_207 = arith.constant 0 : i32
        scf.yield %scan3A_207 : i32
      }
      %scan3A_132 = arith.constant 8 : i32
      %scan3A_133 = arith.constant 0 : i32
      %scan3A_134 = arith.constant 0 : i32
      %scan3A_135 = arith.constant 8 : i32
      %scan3A_136 = arith.addi %scan3A_134, %scan3A_135 : i32
      %scan3A_137 = arith.constant 1 : i32
      %scan3A_138 = scf.for %scan3A_189 = %scan3A_134 to %scan3A_136 step %scan3A_137 iter_args(%scan3A_190 = %scan3A_133) -> (i32)  : i32 {
        %mul3A_191 = arith.constant 16 : i32
        %mul3A_192 = arith.muli %scan3A_189, %mul3A_191 : i32
        %get3A = arith.index_cast %mul3A_192 : i32 to index
        %get3A_193 = tpu.vector_load %arg9[%get3A] {strides = array<i32>} : memref<128xi32, #tpu.memory_space<vmem>>, vector<16xi32>,
        %mul3A_194 = arith.constant 4 : i32
        %mul3A_195 = arith.muli %select_n3A_111, %mul3A_194 : i32
        %add3A_196 = arith.constant 3 : i32
        %add3A_197 = arith.addi %mul3A_195, %add3A_196 : i32
        %mul3A_198 = arith.constant 20000 : i32
        %mul3A_199 = arith.muli %add3A_197, %mul3A_198 : i32
        %add3A_200 = vector.broadcast %mul3A_199 : i32 to vector<16xi32>
        %add3A_201 = arith.addi %get3A_193, %add3A_200 : vector<16xi32>
        %mul3A_202 = arith.constant 16 : i32
        %mul3A_203 = arith.muli %scan3A_189, %mul3A_202 : i32
        %add3A_204 = arith.constant 384 : i32
        %add3A_205 = arith.addi %add3A_204, %mul3A_203 : i32
        %swap3A = arith.index_cast %add3A_205 : i32 to index
        %swap3A_206 = tpu.vector_load %arg11[%swap3A] {strides = array<i32>} : memref<512xi32, #tpu.memory_space<vmem>>, vector<16xi32>,
        tpu.vector_store %arg11[%swap3A], %add3A_201 {strides = array<i32>} : memref<512xi32, #tpu.memory_space<vmem>>, vector<16xi32>,
        %scan3A_207 = arith.constant 0 : i32
        scf.yield %scan3A_207 : i32
      }
      %scan3A_139 = arith.constant 8 : i32
      %dma_start3A = arith.constant 0 : i32
      %dma_start3A_140 = tpu.memref_slice %arg12[%dma_start3A] : memref<512xf32, #tpu.memory_space<vmem>> -> memref<128xf32, #tpu.memory_space<vmem>>
      %dma_start3A_141 = arith.constant 0 : i32
      %dma_start3A_142 = tpu.memref_slice %arg11[%dma_start3A_141] : memref<512xi32, #tpu.memory_space<vmem>> -> memref<128xi32, #tpu.memory_space<vmem>>
      %dma_start3A_143 = arith.constant 0 : i32
      %dma_start3A_144 = tpu.memref_slice %arg3[%dma_start3A_143] : memref<320000xf32, #tpu.memory_space<hbm>> -> memref<320000xf32, #tpu.memory_space<hbm>>
      tpu.enqueue_indirect_dma source(%dma_start3A_144 : memref<320000xf32, #tpu.memory_space<hbm>>) target(%dma_start3A_140 : memref<128xf32, #tpu.memory_space<vmem>>) offsets(%dma_start3A_142 : memref<128xi32, #tpu.memory_space<vmem>>) semaphore(%arg14 : memref<!tpu.dma_semaphore, #tpu.memory_space<semaphore_mem>>)
      %dma_start3A_145 = arith.constant 128 : i32
      %dma_start3A_146 = tpu.memref_slice %arg12[%dma_start3A_145] : memref<512xf32, #tpu.memory_space<vmem>> -> memref<128xf32, #tpu.memory_space<vmem>>
      %dma_start3A_147 = arith.constant 128 : i32
      %dma_start3A_148 = tpu.memref_slice %arg11[%dma_start3A_147] : memref<512xi32, #tpu.memory_space<vmem>> -> memref<128xi32, #tpu.memory_space<vmem>>
      %dma_start3A_149 = arith.constant 0 : i32
      %dma_start3A_150 = tpu.memref_slice %arg3[%dma_start3A_149] : memref<320000xf32, #tpu.memory_space<hbm>> -> memref<320000xf32, #tpu.memory_space<hbm>>
      tpu.enqueue_indirect_dma source(%dma_start3A_150 : memref<320000xf32, #tpu.memory_space<hbm>>) target(%dma_start3A_146 : memref<128xf32, #tpu.memory_space<vmem>>) offsets(%dma_start3A_148 : memref<128xi32, #tpu.memory_space<vmem>>) semaphore(%arg14 : memref<!tpu.dma_semaphore, #tpu.memory_space<semaphore_mem>>)
      %dma_start3A_151 = arith.constant 256 : i32
      %dma_start3A_152 = tpu.memref_slice %arg12[%dma_start3A_151] : memref<512xf32, #tpu.memory_space<vmem>> -> memref<128xf32, #tpu.memory_space<vmem>>
      %dma_start3A_153 = arith.constant 256 : i32
      %dma_start3A_154 = tpu.memref_slice %arg11[%dma_start3A_153] : memref<512xi32, #tpu.memory_space<vmem>> -> memref<128xi32, #tpu.memory_space<vmem>>
      %dma_start3A_155 = arith.constant 0 : i32
      %dma_start3A_156 = tpu.memref_slice %arg3[%dma_start3A_155] : memref<320000xf32, #tpu.memory_space<hbm>> -> memref<320000xf32, #tpu.memory_space<hbm>>
      tpu.enqueue_indirect_dma source(%dma_start3A_156 : memref<320000xf32, #tpu.memory_space<hbm>>) target(%dma_start3A_152 : memref<128xf32, #tpu.memory_space<vmem>>) offsets(%dma_start3A_154 : memref<128xi32, #tpu.memory_space<vmem>>) semaphore(%arg14 : memref<!tpu.dma_semaphore, #tpu.memory_space<semaphore_mem>>)
      %dma_start3A_157 = arith.constant 384 : i32
      %dma_start3A_158 = tpu.memref_slice %arg12[%dma_start3A_157] : memref<512xf32, #tpu.memory_space<vmem>> -> memref<128xf32, #tpu.memory_space<vmem>>
      %dma_start3A_159 = arith.constant 384 : i32
      %dma_start3A_160 = tpu.memref_slice %arg11[%dma_start3A_159] : memref<512xi32, #tpu.memory_space<vmem>> -> memref<128xi32, #tpu.memory_space<vmem>>
      %dma_start3A_161 = arith.constant 0 : i32
      %dma_start3A_162 = tpu.memref_slice %arg3[%dma_start3A_161] : memref<320000xf32, #tpu.memory_space<hbm>> -> memref<320000xf32, #tpu.memory_space<hbm>>
      tpu.enqueue_indirect_dma source(%dma_start3A_162 : memref<320000xf32, #tpu.memory_space<hbm>>) target(%dma_start3A_158 : memref<128xf32, #tpu.memory_space<vmem>>) offsets(%dma_start3A_160 : memref<128xi32, #tpu.memory_space<vmem>>) semaphore(%arg14 : memref<!tpu.dma_semaphore, #tpu.memory_space<semaphore_mem>>)
      %dma_wait3A = arith.constant 0 : i32
      %dma_wait3A_163 = tpu.memref_slice %arg12[%dma_wait3A] : memref<512xf32, #tpu.memory_space<vmem>> -> memref<128xf32, #tpu.memory_space<vmem>>
      %dma_wait3A_164 = arith.constant 0 : i32
      %dma_wait3A_165 = tpu.memref_slice %arg11[%dma_wait3A_164] : memref<512xi32, #tpu.memory_space<vmem>> -> memref<128xi32, #tpu.memory_space<vmem>>
      %dma_wait3A_166 = arith.constant 0 : i32
      %dma_wait3A_167 = tpu.memref_slice %arg3[%dma_wait3A_166] : memref<320000xf32, #tpu.memory_space<hbm>> -> memref<320000xf32, #tpu.memory_space<hbm>>
      tpu.wait_indirect_dma semaphore(%arg14 : memref<!tpu.dma_semaphore, #tpu.memory_space<semaphore_mem>>) src(%dma_wait3A_167 : memref<320000xf32, #tpu.memory_space<hbm>>) dst(%dma_wait3A_163 : memref<128xf32, #tpu.memory_space<vmem>>)
      %dma_wait3A_168 = arith.constant 128 : i32
      %dma_wait3A_169 = tpu.memref_slice %arg12[%dma_wait3A_168] : memref<512xf32, #tpu.memory_space<vmem>> -> memref<128xf32, #tpu.memory_space<vmem>>
      %dma_wait3A_170 = arith.constant 128 : i32
      %dma_wait3A_171 = tpu.memref_slice %arg11[%dma_wait3A_170] : memref<512xi32, #tpu.memory_space<vmem>> -> memref<128xi32, #tpu.memory_space<vmem>>
      %dma_wait3A_172 = arith.constant 0 : i32
      %dma_wait3A_173 = tpu.memref_slice %arg3[%dma_wait3A_172] : memref<320000xf32, #tpu.memory_space<hbm>> -> memref<320000xf32, #tpu.memory_space<hbm>>
      tpu.wait_indirect_dma semaphore(%arg14 : memref<!tpu.dma_semaphore, #tpu.memory_space<semaphore_mem>>) src(%dma_wait3A_173 : memref<320000xf32, #tpu.memory_space<hbm>>) dst(%dma_wait3A_169 : memref<128xf32, #tpu.memory_space<vmem>>)
      %dma_wait3A_174 = arith.constant 256 : i32
      %dma_wait3A_175 = tpu.memref_slice %arg12[%dma_wait3A_174] : memref<512xf32, #tpu.memory_space<vmem>> -> memref<128xf32, #tpu.memory_space<vmem>>
      %dma_wait3A_176 = arith.constant 256 : i32
      %dma_wait3A_177 = tpu.memref_slice %arg11[%dma_wait3A_176] : memref<512xi32, #tpu.memory_space<vmem>> -> memref<128xi32, #tpu.memory_space<vmem>>
      %dma_wait3A_178 = arith.constant 0 : i32
      %dma_wait3A_179 = tpu.memref_slice %arg3[%dma_wait3A_178] : memref<320000xf32, #tpu.memory_space<hbm>> -> memref<320000xf32, #tpu.memory_space<hbm>>
      tpu.wait_indirect_dma semaphore(%arg14 : memref<!tpu.dma_semaphore, #tpu.memory_space<semaphore_mem>>) src(%dma_wait3A_179 : memref<320000xf32, #tpu.memory_space<hbm>>) dst(%dma_wait3A_175 : memref<128xf32, #tpu.memory_space<vmem>>)
      %dma_wait3A_180 = arith.constant 384 : i32
      %dma_wait3A_181 = tpu.memref_slice %arg12[%dma_wait3A_180] : memref<512xf32, #tpu.memory_space<vmem>> -> memref<128xf32, #tpu.memory_space<vmem>>
      %dma_wait3A_182 = arith.constant 384 : i32
      %dma_wait3A_183 = tpu.memref_slice %arg11[%dma_wait3A_182] : memref<512xi32, #tpu.memory_space<vmem>> -> memref<128xi32, #tpu.memory_space<vmem>>
      %dma_wait3A_184 = arith.constant 0 : i32
      %dma_wait3A_185 = tpu.memref_slice %arg3[%dma_wait3A_184] : memref<320000xf32, #tpu.memory_space<hbm>> -> memref<320000xf32, #tpu.memory_space<hbm>>
      tpu.wait_indirect_dma semaphore(%arg14 : memref<!tpu.dma_semaphore, #tpu.memory_space<semaphore_mem>>) src(%dma_wait3A_185 : memref<320000xf32, #tpu.memory_space<hbm>>) dst(%dma_wait3A_181 : memref<128xf32, #tpu.memory_space<vmem>>)
      %run_scoped3A = arith.constant 0 : i32
      "tpu.region"() ({
        %run_scoped3A_189 = tpu.sem_alloc : memref<!tpu.dma_semaphore, #tpu.memory_space<semaphore_mem>>
        %dma_start3A_190 = arith.constant 0 : i32
        %dma_start3A_191 = tpu.memref_slice %arg12[%dma_start3A_190] : memref<512xf32, #tpu.memory_space<vmem>> -> memref<128xf32, #tpu.memory_space<vmem>>
        %dma_start3A_192 = arith.constant 0 : i32
        %dma_start3A_193 = tpu.memref_slice %arg5[%add3A_2, %run_scoped3A, %dma_start3A_192] : memref<80x4x128xf32, #tpu.memory_space<hbm>> -> memref<1x1x128xf32, #tpu.memory_space<hbm>>
        %dma_start3A_194 = tpu.memref_squeeze %dma_start3A_193 : memref<1x1x128xf32, #tpu.memory_space<hbm>> -> memref<128xf32, #tpu.memory_space<hbm>>
        %dma_start3A_195 = arith.constant 0 : i32
        %dma_start3A_196 = tpu.memref_slice %arg5[%add3A_2, %run_scoped3A, %dma_start3A_195] : memref<80x4x128xf32, #tpu.memory_space<hbm>> -> memref<1x1x128xf32, #tpu.memory_space<hbm>>
        %dma_start3A_197 = tpu.memref_squeeze %dma_start3A_196 : memref<1x1x128xf32, #tpu.memory_space<hbm>> -> memref<128xf32, #tpu.memory_space<hbm>>
        %dma_start3A_198 = arith.constant 0 : i32
        %dma_start3A_199 = tpu.memref_slice %arg12[%dma_start3A_198] : memref<512xf32, #tpu.memory_space<vmem>> -> memref<128xf32, #tpu.memory_space<vmem>>
        tpu.enqueue_dma source(%dma_start3A_199 : memref<128xf32, #tpu.memory_space<vmem>>) target(%dma_start3A_197 : memref<128xf32, #tpu.memory_space<hbm>>) target_semaphore(%run_scoped3A_189 : memref<!tpu.dma_semaphore, #tpu.memory_space<semaphore_mem>>)
        %dma_wait3A_200 = arith.constant 0 : i32
        %dma_wait3A_201 = tpu.memref_slice %arg12[%dma_wait3A_200] : memref<512xf32, #tpu.memory_space<vmem>> -> memref<128xf32, #tpu.memory_space<vmem>>
        %dma_wait3A_202 = arith.constant 0 : i32
        %dma_wait3A_203 = tpu.memref_slice %arg5[%add3A_2, %run_scoped3A, %dma_wait3A_202] : memref<80x4x128xf32, #tpu.memory_space<hbm>> -> memref<1x1x128xf32, #tpu.memory_space<hbm>>
        %dma_wait3A_204 = tpu.memref_squeeze %dma_wait3A_203 : memref<1x1x128xf32, #tpu.memory_space<hbm>> -> memref<128xf32, #tpu.memory_space<hbm>>
        %dma_wait3A_205 = arith.constant 0 : i32
        %dma_wait3A_206 = tpu.memref_slice %arg5[%add3A_2, %run_scoped3A, %dma_wait3A_205] : memref<80x4x128xf32, #tpu.memory_space<hbm>> -> memref<1x1x128xf32, #tpu.memory_space<hbm>>
        %dma_wait3A_207 = tpu.memref_squeeze %dma_wait3A_206 : memref<1x1x128xf32, #tpu.memory_space<hbm>> -> memref<128xf32, #tpu.memory_space<hbm>>
        %dma_wait3A_208 = arith.constant 0 : i32
        %dma_wait3A_209 = tpu.memref_slice %arg12[%dma_wait3A_208] : memref<512xf32, #tpu.memory_space<vmem>> -> memref<128xf32, #tpu.memory_space<vmem>>
        tpu.wait_dma2 semaphore(%run_scoped3A_189 : memref<!tpu.dma_semaphore, #tpu.memory_space<semaphore_mem>>) src(%dma_wait3A_209 : memref<128xf32, #tpu.memory_space<vmem>>) dst(%dma_wait3A_207 : memref<128xf32, #tpu.memory_space<hbm>>)
        tpu.yield
      }) : () -> ()
      %run_scoped3A_186 = arith.constant 1 : i32
      "tpu.region"() ({
        %run_scoped3A_189 = tpu.sem_alloc : memref<!tpu.dma_semaphore, #tpu.memory_space<semaphore_mem>>
        %dma_start3A_190 = arith.constant 128 : i32
        %dma_start3A_191 = tpu.memref_slice %arg12[%dma_start3A_190] : memref<512xf32, #tpu.memory_space<vmem>> -> memref<128xf32, #tpu.memory_space<vmem>>
        %dma_start3A_192 = arith.constant 0 : i32
        %dma_start3A_193 = tpu.memref_slice %arg5[%add3A_2, %run_scoped3A_186, %dma_start3A_192] : memref<80x4x128xf32, #tpu.memory_space<hbm>> -> memref<1x1x128xf32, #tpu.memory_space<hbm>>
        %dma_start3A_194 = tpu.memref_squeeze %dma_start3A_193 : memref<1x1x128xf32, #tpu.memory_space<hbm>> -> memref<128xf32, #tpu.memory_space<hbm>>
        %dma_start3A_195 = arith.constant 0 : i32
        %dma_start3A_196 = tpu.memref_slice %arg5[%add3A_2, %run_scoped3A_186, %dma_start3A_195] : memref<80x4x128xf32, #tpu.memory_space<hbm>> -> memref<1x1x128xf32, #tpu.memory_space<hbm>>
        %dma_start3A_197 = tpu.memref_squeeze %dma_start3A_196 : memref<1x1x128xf32, #tpu.memory_space<hbm>> -> memref<128xf32, #tpu.memory_space<hbm>>
        %dma_start3A_198 = arith.constant 128 : i32
        %dma_start3A_199 = tpu.memref_slice %arg12[%dma_start3A_198] : memref<512xf32, #tpu.memory_space<vmem>> -> memref<128xf32, #tpu.memory_space<vmem>>
        tpu.enqueue_dma source(%dma_start3A_199 : memref<128xf32, #tpu.memory_space<vmem>>) target(%dma_start3A_197 : memref<128xf32, #tpu.memory_space<hbm>>) target_semaphore(%run_scoped3A_189 : memref<!tpu.dma_semaphore, #tpu.memory_space<semaphore_mem>>)
        %dma_wait3A_200 = arith.constant 128 : i32
        %dma_wait3A_201 = tpu.memref_slice %arg12[%dma_wait3A_200] : memref<512xf32, #tpu.memory_space<vmem>> -> memref<128xf32, #tpu.memory_space<vmem>>
        %dma_wait3A_202 = arith.constant 0 : i32
        %dma_wait3A_203 = tpu.memref_slice %arg5[%add3A_2, %run_scoped3A_186, %dma_wait3A_202] : memref<80x4x128xf32, #tpu.memory_space<hbm>> -> memref<1x1x128xf32, #tpu.memory_space<hbm>>
        %dma_wait3A_204 = tpu.memref_squeeze %dma_wait3A_203 : memref<1x1x128xf32, #tpu.memory_space<hbm>> -> memref<128xf32, #tpu.memory_space<hbm>>
        %dma_wait3A_205 = arith.constant 0 : i32
        %dma_wait3A_206 = tpu.memref_slice %arg5[%add3A_2, %run_scoped3A_186, %dma_wait3A_205] : memref<80x4x128xf32, #tpu.memory_space<hbm>> -> memref<1x1x128xf32, #tpu.memory_space<hbm>>
        %dma_wait3A_207 = tpu.memref_squeeze %dma_wait3A_206 : memref<1x1x128xf32, #tpu.memory_space<hbm>> -> memref<128xf32, #tpu.memory_space<hbm>>
        %dma_wait3A_208 = arith.constant 128 : i32
        %dma_wait3A_209 = tpu.memref_slice %arg12[%dma_wait3A_208] : memref<512xf32, #tpu.memory_space<vmem>> -> memref<128xf32, #tpu.memory_space<vmem>>
        tpu.wait_dma2 semaphore(%run_scoped3A_189 : memref<!tpu.dma_semaphore, #tpu.memory_space<semaphore_mem>>) src(%dma_wait3A_209 : memref<128xf32, #tpu.memory_space<vmem>>) dst(%dma_wait3A_207 : memref<128xf32, #tpu.memory_space<hbm>>)
        tpu.yield
      }) : () -> ()
      %run_scoped3A_187 = arith.constant 2 : i32
      "tpu.region"() ({
        %run_scoped3A_189 = tpu.sem_alloc : memref<!tpu.dma_semaphore, #tpu.memory_space<semaphore_mem>>
        %dma_start3A_190 = arith.constant 256 : i32
        %dma_start3A_191 = tpu.memref_slice %arg12[%dma_start3A_190] : memref<512xf32, #tpu.memory_space<vmem>> -> memref<128xf32, #tpu.memory_space<vmem>>
        %dma_start3A_192 = arith.constant 0 : i32
        %dma_start3A_193 = tpu.memref_slice %arg5[%add3A_2, %run_scoped3A_187, %dma_start3A_192] : memref<80x4x128xf32, #tpu.memory_space<hbm>> -> memref<1x1x128xf32, #tpu.memory_space<hbm>>
        %dma_start3A_194 = tpu.memref_squeeze %dma_start3A_193 : memref<1x1x128xf32, #tpu.memory_space<hbm>> -> memref<128xf32, #tpu.memory_space<hbm>>
        %dma_start3A_195 = arith.constant 0 : i32
        %dma_start3A_196 = tpu.memref_slice %arg5[%add3A_2, %run_scoped3A_187, %dma_start3A_195] : memref<80x4x128xf32, #tpu.memory_space<hbm>> -> memref<1x1x128xf32, #tpu.memory_space<hbm>>
        %dma_start3A_197 = tpu.memref_squeeze %dma_start3A_196 : memref<1x1x128xf32, #tpu.memory_space<hbm>> -> memref<128xf32, #tpu.memory_space<hbm>>
        %dma_start3A_198 = arith.constant 256 : i32
        %dma_start3A_199 = tpu.memref_slice %arg12[%dma_start3A_198] : memref<512xf32, #tpu.memory_space<vmem>> -> memref<128xf32, #tpu.memory_space<vmem>>
        tpu.enqueue_dma source(%dma_start3A_199 : memref<128xf32, #tpu.memory_space<vmem>>) target(%dma_start3A_197 : memref<128xf32, #tpu.memory_space<hbm>>) target_semaphore(%run_scoped3A_189 : memref<!tpu.dma_semaphore, #tpu.memory_space<semaphore_mem>>)
        %dma_wait3A_200 = arith.constant 256 : i32
        %dma_wait3A_201 = tpu.memref_slice %arg12[%dma_wait3A_200] : memref<512xf32, #tpu.memory_space<vmem>> -> memref<128xf32, #tpu.memory_space<vmem>>
        %dma_wait3A_202 = arith.constant 0 : i32
        %dma_wait3A_203 = tpu.memref_slice %arg5[%add3A_2, %run_scoped3A_187, %dma_wait3A_202] : memref<80x4x128xf32, #tpu.memory_space<hbm>> -> memref<1x1x128xf32, #tpu.memory_space<hbm>>
        %dma_wait3A_204 = tpu.memref_squeeze %dma_wait3A_203 : memref<1x1x128xf32, #tpu.memory_space<hbm>> -> memref<128xf32, #tpu.memory_space<hbm>>
        %dma_wait3A_205 = arith.constant 0 : i32
        %dma_wait3A_206 = tpu.memref_slice %arg5[%add3A_2, %run_scoped3A_187, %dma_wait3A_205] : memref<80x4x128xf32, #tpu.memory_space<hbm>> -> memref<1x1x128xf32, #tpu.memory_space<hbm>>
        %dma_wait3A_207 = tpu.memref_squeeze %dma_wait3A_206 : memref<1x1x128xf32, #tpu.memory_space<hbm>> -> memref<128xf32, #tpu.memory_space<hbm>>
        %dma_wait3A_208 = arith.constant 256 : i32
        %dma_wait3A_209 = tpu.memref_slice %arg12[%dma_wait3A_208] : memref<512xf32, #tpu.memory_space<vmem>> -> memref<128xf32, #tpu.memory_space<vmem>>
        tpu.wait_dma2 semaphore(%run_scoped3A_189 : memref<!tpu.dma_semaphore, #tpu.memory_space<semaphore_mem>>) src(%dma_wait3A_209 : memref<128xf32, #tpu.memory_space<vmem>>) dst(%dma_wait3A_207 : memref<128xf32, #tpu.memory_space<hbm>>)
        tpu.yield
      }) : () -> ()
      %run_scoped3A_188 = arith.constant 3 : i32
      "tpu.region"() ({
        %run_scoped3A_189 = tpu.sem_alloc : memref<!tpu.dma_semaphore, #tpu.memory_space<semaphore_mem>>
        %dma_start3A_190 = arith.constant 384 : i32
        %dma_start3A_191 = tpu.memref_slice %arg12[%dma_start3A_190] : memref<512xf32, #tpu.memory_space<vmem>> -> memref<128xf32, #tpu.memory_space<vmem>>
        %dma_start3A_192 = arith.constant 0 : i32
        %dma_start3A_193 = tpu.memref_slice %arg5[%add3A_2, %run_scoped3A_188, %dma_start3A_192] : memref<80x4x128xf32, #tpu.memory_space<hbm>> -> memref<1x1x128xf32, #tpu.memory_space<hbm>>
        %dma_start3A_194 = tpu.memref_squeeze %dma_start3A_193 : memref<1x1x128xf32, #tpu.memory_space<hbm>> -> memref<128xf32, #tpu.memory_space<hbm>>
        %dma_start3A_195 = arith.constant 0 : i32
        %dma_start3A_196 = tpu.memref_slice %arg5[%add3A_2, %run_scoped3A_188, %dma_start3A_195] : memref<80x4x128xf32, #tpu.memory_space<hbm>> -> memref<1x1x128xf32, #tpu.memory_space<hbm>>
        %dma_start3A_197 = tpu.memref_squeeze %dma_start3A_196 : memref<1x1x128xf32, #tpu.memory_space<hbm>> -> memref<128xf32, #tpu.memory_space<hbm>>
        %dma_start3A_198 = arith.constant 384 : i32
        %dma_start3A_199 = tpu.memref_slice %arg12[%dma_start3A_198] : memref<512xf32, #tpu.memory_space<vmem>> -> memref<128xf32, #tpu.memory_space<vmem>>
        tpu.enqueue_dma source(%dma_start3A_199 : memref<128xf32, #tpu.memory_space<vmem>>) target(%dma_start3A_197 : memref<128xf32, #tpu.memory_space<hbm>>) target_semaphore(%run_scoped3A_189 : memref<!tpu.dma_semaphore, #tpu.memory_space<semaphore_mem>>)
        %dma_wait3A_200 = arith.constant 384 : i32
        %dma_wait3A_201 = tpu.memref_slice %arg12[%dma_wait3A_200] : memref<512xf32, #tpu.memory_space<vmem>> -> memref<128xf32, #tpu.memory_space<vmem>>
        %dma_wait3A_202 = arith.constant 0 : i32
        %dma_wait3A_203 = tpu.memref_slice %arg5[%add3A_2, %run_scoped3A_188, %dma_wait3A_202] : memref<80x4x128xf32, #tpu.memory_space<hbm>> -> memref<1x1x128xf32, #tpu.memory_space<hbm>>
        %dma_wait3A_204 = tpu.memref_squeeze %dma_wait3A_203 : memref<1x1x128xf32, #tpu.memory_space<hbm>> -> memref<128xf32, #tpu.memory_space<hbm>>
        %dma_wait3A_205 = arith.constant 0 : i32
        %dma_wait3A_206 = tpu.memref_slice %arg5[%add3A_2, %run_scoped3A_188, %dma_wait3A_205] : memref<80x4x128xf32, #tpu.memory_space<hbm>> -> memref<1x1x128xf32, #tpu.memory_space<hbm>>
        %dma_wait3A_207 = tpu.memref_squeeze %dma_wait3A_206 : memref<1x1x128xf32, #tpu.memory_space<hbm>> -> memref<128xf32, #tpu.memory_space<hbm>>
        %dma_wait3A_208 = arith.constant 384 : i32
        %dma_wait3A_209 = tpu.memref_slice %arg12[%dma_wait3A_208] : memref<512xf32, #tpu.memory_space<vmem>> -> memref<128xf32, #tpu.memory_space<vmem>>
        tpu.wait_dma2 semaphore(%run_scoped3A_189 : memref<!tpu.dma_semaphore, #tpu.memory_space<semaphore_mem>>) src(%dma_wait3A_209 : memref<128xf32, #tpu.memory_space<vmem>>) dst(%dma_wait3A_207 : memref<128xf32, #tpu.memory_space<hbm>>)
        tpu.yield
      }) : () -> ()
    } else {
    }
    %add3A_5 = arith.constant 32 : i32
    %add3A_6 = arith.addi %add3A, %add3A_5 : i32
    %lt3A_7 = arith.constant 80 : i32
    %lt3A_8 = arith.cmpi slt, %add3A_6, %lt3A_7 : i32
    %convert_element_type3A_9 = arith.extui %lt3A_8 : i1 to i32
    %cond3A_10 = arith.constant 0 : i32
    %cond3A_11 = arith.cmpi ne, %convert_element_type3A_9, %cond3A_10 : i32
    scf.if %cond3A_11 {
      %iota3A = tpu.iota {dimensions = array<i32: 0>} : vector<16xi32>
      "tpu.region"() ({
        %run_scoped3A_189 = tpu.sem_alloc : memref<!tpu.dma_semaphore, #tpu.memory_space<semaphore_mem>>
        %dma_start3A_190 = arith.constant 0 : i32
        %dma_start3A_191 = tpu.memref_slice %arg2[%add3A_6, %dma_start3A_190] : memref<80x20000xf32, #tpu.memory_space<hbm>> -> memref<1x20000xf32, #tpu.memory_space<hbm>>
        %dma_start3A_192 = tpu.memref_squeeze %dma_start3A_191 : memref<1x20000xf32, #tpu.memory_space<hbm>> -> memref<20000xf32, #tpu.memory_space<hbm>>
        %dma_start3A_193 = arith.constant 0 : i32
        %dma_start3A_194 = tpu.memref_slice %arg2[%add3A_6, %dma_start3A_193] : memref<80x20000xf32, #tpu.memory_space<hbm>> -> memref<1x20000xf32, #tpu.memory_space<hbm>>
        %dma_start3A_195 = tpu.memref_squeeze %dma_start3A_194 : memref<1x20000xf32, #tpu.memory_space<hbm>> -> memref<20000xf32, #tpu.memory_space<hbm>>
        tpu.enqueue_dma source(%dma_start3A_195 : memref<20000xf32, #tpu.memory_space<hbm>>) target(%arg6 : memref<20000xf32, #tpu.memory_space<vmem>>) target_semaphore(%run_scoped3A_189 : memref<!tpu.dma_semaphore, #tpu.memory_space<semaphore_mem>>)
        %dma_wait3A_196 = arith.constant 0 : i32
        %dma_wait3A_197 = tpu.memref_slice %arg2[%add3A_6, %dma_wait3A_196] : memref<80x20000xf32, #tpu.memory_space<hbm>> -> memref<1x20000xf32, #tpu.memory_space<hbm>>
        %dma_wait3A_198 = tpu.memref_squeeze %dma_wait3A_197 : memref<1x20000xf32, #tpu.memory_space<hbm>> -> memref<20000xf32, #tpu.memory_space<hbm>>
        %dma_wait3A_199 = arith.constant 0 : i32
        %dma_wait3A_200 = tpu.memref_slice %arg2[%add3A_6, %dma_wait3A_199] : memref<80x20000xf32, #tpu.memory_space<hbm>> -> memref<1x20000xf32, #tpu.memory_space<hbm>>
        %dma_wait3A_201 = tpu.memref_squeeze %dma_wait3A_200 : memref<1x20000xf32, #tpu.memory_space<hbm>> -> memref<20000xf32, #tpu.memory_space<hbm>>
        tpu.wait_dma2 semaphore(%run_scoped3A_189 : memref<!tpu.dma_semaphore, #tpu.memory_space<semaphore_mem>>) src(%dma_wait3A_201 : memref<20000xf32, #tpu.memory_space<hbm>>) dst(%arg6 : memref<20000xf32, #tpu.memory_space<vmem>>)
        tpu.yield
      }) : () -> ()
      %broadcast_in_dim3A = arith.constant 0 : i32
      %broadcast_in_dim3A_19 = vector.broadcast %broadcast_in_dim3A : i32 to vector<16xi32>
      %broadcast_in_dim3A_20 = arith.constant 1 : i32
      %broadcast_in_dim3A_21 = vector.broadcast %broadcast_in_dim3A_20 : i32 to vector<16xi32>
      %scan3A = arith.constant 0 : i32
      %scan3A_22 = arith.constant 0 : i32
      %scan3A_23 = arith.constant 113 : i32
      %scan3A_24 = arith.addi %scan3A_22, %scan3A_23 : i32
      %scan3A_25 = arith.constant 1 : i32
      %scan3A_26 = scf.for %scan3A_189 = %scan3A_22 to %scan3A_24 step %scan3A_25 iter_args(%scan3A_190 = %scan3A) -> (i32)  : i32 {
        %mul3A_191 = arith.constant 80 : i32
        %mul3A_192 = arith.muli %scan3A_189, %mul3A_191 : i32
        %add3A_193 = arith.constant 0 : i32
        %add3A_194 = arith.addi %mul3A_192, %add3A_193 : i32
        %swap3A = arith.index_cast %add3A_194 : i32 to index
        %swap3A_195 = tpu.vector_load %arg7[%swap3A] {strides = array<i32>} : memref<9040xi32, #tpu.memory_space<vmem>>, vector<16xi32>,
        tpu.vector_store %arg7[%swap3A], %broadcast_in_dim3A_19 {strides = array<i32>} : memref<9040xi32, #tpu.memory_space<vmem>>, vector<16xi32>,
        %mul3A_196 = arith.constant 80 : i32
        %mul3A_197 = arith.muli %scan3A_189, %mul3A_196 : i32
        %add3A_198 = arith.constant 16 : i32
        %add3A_199 = arith.addi %mul3A_197, %add3A_198 : i32
        %swap3A_200 = arith.index_cast %add3A_199 : i32 to index
        %swap3A_201 = tpu.vector_load %arg7[%swap3A_200] {strides = array<i32>} : memref<9040xi32, #tpu.memory_space<vmem>>, vector<16xi32>,
        tpu.vector_store %arg7[%swap3A_200], %broadcast_in_dim3A_19 {strides = array<i32>} : memref<9040xi32, #tpu.memory_space<vmem>>, vector<16xi32>,
        %mul3A_202 = arith.constant 80 : i32
        %mul3A_203 = arith.muli %scan3A_189, %mul3A_202 : i32
        %add3A_204 = arith.constant 32 : i32
        %add3A_205 = arith.addi %mul3A_203, %add3A_204 : i32
        %swap3A_206 = arith.index_cast %add3A_205 : i32 to index
        %swap3A_207 = tpu.vector_load %arg7[%swap3A_206] {strides = array<i32>} : memref<9040xi32, #tpu.memory_space<vmem>>, vector<16xi32>,
        tpu.vector_store %arg7[%swap3A_206], %broadcast_in_dim3A_19 {strides = array<i32>} : memref<9040xi32, #tpu.memory_space<vmem>>, vector<16xi32>,
        %mul3A_208 = arith.constant 80 : i32
        %mul3A_209 = arith.muli %scan3A_189, %mul3A_208 : i32
        %add3A_210 = arith.constant 48 : i32
        %add3A_211 = arith.addi %mul3A_209, %add3A_210 : i32
        %swap3A_212 = arith.index_cast %add3A_211 : i32 to index
        %swap3A_213 = tpu.vector_load %arg7[%swap3A_212] {strides = array<i32>} : memref<9040xi32, #tpu.memory_space<vmem>>, vector<16xi32>,
        tpu.vector_store %arg7[%swap3A_212], %broadcast_in_dim3A_19 {strides = array<i32>} : memref<9040xi32, #tpu.memory_space<vmem>>, vector<16xi32>,
        %mul3A_214 = arith.constant 80 : i32
        %mul3A_215 = arith.muli %scan3A_189, %mul3A_214 : i32
        %add3A_216 = arith.constant 64 : i32
        %add3A_217 = arith.addi %mul3A_215, %add3A_216 : i32
        %swap3A_218 = arith.index_cast %add3A_217 : i32 to index
        %swap3A_219 = tpu.vector_load %arg7[%swap3A_218] {strides = array<i32>} : memref<9040xi32, #tpu.memory_space<vmem>>, vector<16xi32>,
        tpu.vector_store %arg7[%swap3A_218], %broadcast_in_dim3A_19 {strides = array<i32>} : memref<9040xi32, #tpu.memory_space<vmem>>, vector<16xi32>,
        %scan3A_220 = arith.constant 0 : i32
        scf.yield %scan3A_220 : i32
      }
      %scan3A_27 = arith.constant 113 : i32
      %scan3A_28 = arith.constant 0 : i32
      %scan3A_29 = arith.constant 0 : i32
      %scan3A_30 = arith.constant 250 : i32
      %scan3A_31 = arith.addi %scan3A_29, %scan3A_30 : i32
      %scan3A_32 = arith.constant 1 : i32
      %scan3A_33 = scf.for %scan3A_189 = %scan3A_29 to %scan3A_31 step %scan3A_32 iter_args(%scan3A_190 = %scan3A_28) -> (i32)  : i32 {
        %broadcast_in_dim3A_191 = arith.constant -1.000000e+09 : f32
        %broadcast_in_dim3A_192 = vector.broadcast %broadcast_in_dim3A_191 : f32 to vector<16xf32>
        %mul3A_193 = arith.constant 80 : i32
        %mul3A_194 = arith.muli %scan3A_189, %mul3A_193 : i32
        %add3A_195 = arith.constant 0 : i32
        %add3A_196 = arith.addi %mul3A_194, %add3A_195 : i32
        %get3A = arith.index_cast %add3A_196 : i32 to index
        %get3A_197 = tpu.vector_load %arg6[%get3A] {strides = array<i32>} : memref<20000xf32, #tpu.memory_space<vmem>>, vector<16xf32>,
        %max3A = arith.maximumf %broadcast_in_dim3A_192, %get3A_197 : vector<16xf32>
        %ge3A = arith.constant 5.000000e-02 : f32
        %ge3A_198 = vector.broadcast %ge3A : f32 to vector<16xf32>
        %ge3A_199 = arith.cmpf oge, %get3A_197, %ge3A_198 : vector<16xf32>
        %bitcast_convert_type3A_200 = tpu.bitcast %get3A_197 : vector<16xf32> -> vector<16xi32>
        %shift_right_arithmetic3A = arith.constant 12 : i32
        %shift_right_arithmetic3A_201 = vector.broadcast %shift_right_arithmetic3A : i32 to vector<16xi32>
        %shift_right_arithmetic3A_202 = arith.shrsi %bitcast_convert_type3A_200, %shift_right_arithmetic3A_201 : vector<16xi32>
        %sub3A_203 = arith.constant 251072 : i32
        %sub3A_204 = vector.broadcast %sub3A_203 : i32 to vector<16xi32>
        %sub3A_205 = arith.subi %shift_right_arithmetic3A_202, %sub3A_204 : vector<16xi32>
        %jit3A_206 = arith.constant 0 : i32
        %jit3A_207 = arith.constant 9039 : i32
        %max3A_208 = vector.broadcast %jit3A_206 : i32 to vector<16xi32>
        %max3A_209 = arith.maxsi %max3A_208, %sub3A_205 : vector<16xi32>
        %min3A = vector.broadcast %jit3A_207 : i32 to vector<16xi32>
        %min3A_210 = arith.minsi %min3A, %max3A_209 : vector<16xi32>
        tpu.vector_store_idx %arg7[%min3A_210], %broadcast_in_dim3A_21 masked %ge3A_199 {add = true} : memref<9040xi32, #tpu.memory_space<vmem>>[vector<16xi32>], vector<16xi32>, vector<16xi1>
        %mul3A_211 = arith.constant 80 : i32
        %mul3A_212 = arith.muli %scan3A_189, %mul3A_211 : i32
        %add3A_213 = arith.constant 16 : i32
        %add3A_214 = arith.addi %mul3A_212, %add3A_213 : i32
        %get3A_215 = arith.index_cast %add3A_214 : i32 to index
        %get3A_216 = tpu.vector_load %arg6[%get3A_215] {strides = array<i32>} : memref<20000xf32, #tpu.memory_space<vmem>>, vector<16xf32>,
        %max3A_217 = arith.maximumf %max3A, %get3A_216 : vector<16xf32>
        %ge3A_218 = arith.constant 5.000000e-02 : f32
        %ge3A_219 = vector.broadcast %ge3A_218 : f32 to vector<16xf32>
        %ge3A_220 = arith.cmpf oge, %get3A_216, %ge3A_219 : vector<16xf32>
        %bitcast_convert_type3A_221 = tpu.bitcast %get3A_216 : vector<16xf32> -> vector<16xi32>
        %shift_right_arithmetic3A_222 = arith.constant 12 : i32
        %shift_right_arithmetic3A_223 = vector.broadcast %shift_right_arithmetic3A_222 : i32 to vector<16xi32>
        %shift_right_arithmetic3A_224 = arith.shrsi %bitcast_convert_type3A_221, %shift_right_arithmetic3A_223 : vector<16xi32>
        %sub3A_225 = arith.constant 251072 : i32
        %sub3A_226 = vector.broadcast %sub3A_225 : i32 to vector<16xi32>
        %sub3A_227 = arith.subi %shift_right_arithmetic3A_224, %sub3A_226 : vector<16xi32>
        %jit3A_228 = arith.constant 0 : i32
        %jit3A_229 = arith.constant 9039 : i32
        %max3A_230 = vector.broadcast %jit3A_228 : i32 to vector<16xi32>
        %max3A_231 = arith.maxsi %max3A_230, %sub3A_227 : vector<16xi32>
        %min3A_232 = vector.broadcast %jit3A_229 : i32 to vector<16xi32>
        %min3A_233 = arith.minsi %min3A_232, %max3A_231 : vector<16xi32>
        tpu.vector_store_idx %arg7[%min3A_233], %broadcast_in_dim3A_21 masked %ge3A_220 {add = true} : memref<9040xi32, #tpu.memory_space<vmem>>[vector<16xi32>], vector<16xi32>, vector<16xi1>
        %mul3A_234 = arith.constant 80 : i32
        %mul3A_235 = arith.muli %scan3A_189, %mul3A_234 : i32
        %add3A_236 = arith.constant 32 : i32
        %add3A_237 = arith.addi %mul3A_235, %add3A_236 : i32
        %get3A_238 = arith.index_cast %add3A_237 : i32 to index
        %get3A_239 = tpu.vector_load %arg6[%get3A_238] {strides = array<i32>} : memref<20000xf32, #tpu.memory_space<vmem>>, vector<16xf32>,
        %max3A_240 = arith.maximumf %max3A_217, %get3A_239 : vector<16xf32>
        %ge3A_241 = arith.constant 5.000000e-02 : f32
        %ge3A_242 = vector.broadcast %ge3A_241 : f32 to vector<16xf32>
        %ge3A_243 = arith.cmpf oge, %get3A_239, %ge3A_242 : vector<16xf32>
        %bitcast_convert_type3A_244 = tpu.bitcast %get3A_239 : vector<16xf32> -> vector<16xi32>
        %shift_right_arithmetic3A_245 = arith.constant 12 : i32
        %shift_right_arithmetic3A_246 = vector.broadcast %shift_right_arithmetic3A_245 : i32 to vector<16xi32>
        %shift_right_arithmetic3A_247 = arith.shrsi %bitcast_convert_type3A_244, %shift_right_arithmetic3A_246 : vector<16xi32>
        %sub3A_248 = arith.constant 251072 : i32
        %sub3A_249 = vector.broadcast %sub3A_248 : i32 to vector<16xi32>
        %sub3A_250 = arith.subi %shift_right_arithmetic3A_247, %sub3A_249 : vector<16xi32>
        %jit3A_251 = arith.constant 0 : i32
        %jit3A_252 = arith.constant 9039 : i32
        %max3A_253 = vector.broadcast %jit3A_251 : i32 to vector<16xi32>
        %max3A_254 = arith.maxsi %max3A_253, %sub3A_250 : vector<16xi32>
        %min3A_255 = vector.broadcast %jit3A_252 : i32 to vector<16xi32>
        %min3A_256 = arith.minsi %min3A_255, %max3A_254 : vector<16xi32>
        tpu.vector_store_idx %arg7[%min3A_256], %broadcast_in_dim3A_21 masked %ge3A_243 {add = true} : memref<9040xi32, #tpu.memory_space<vmem>>[vector<16xi32>], vector<16xi32>, vector<16xi1>
        %mul3A_257 = arith.constant 80 : i32
        %mul3A_258 = arith.muli %scan3A_189, %mul3A_257 : i32
        %add3A_259 = arith.constant 48 : i32
        %add3A_260 = arith.addi %mul3A_258, %add3A_259 : i32
        %get3A_261 = arith.index_cast %add3A_260 : i32 to index
        %get3A_262 = tpu.vector_load %arg6[%get3A_261] {strides = array<i32>} : memref<20000xf32, #tpu.memory_space<vmem>>, vector<16xf32>,
        %max3A_263 = arith.maximumf %max3A_240, %get3A_262 : vector<16xf32>
        %ge3A_264 = arith.constant 5.000000e-02 : f32
        %ge3A_265 = vector.broadcast %ge3A_264 : f32 to vector<16xf32>
        %ge3A_266 = arith.cmpf oge, %get3A_262, %ge3A_265 : vector<16xf32>
        %bitcast_convert_type3A_267 = tpu.bitcast %get3A_262 : vector<16xf32> -> vector<16xi32>
        %shift_right_arithmetic3A_268 = arith.constant 12 : i32
        %shift_right_arithmetic3A_269 = vector.broadcast %shift_right_arithmetic3A_268 : i32 to vector<16xi32>
        %shift_right_arithmetic3A_270 = arith.shrsi %bitcast_convert_type3A_267, %shift_right_arithmetic3A_269 : vector<16xi32>
        %sub3A_271 = arith.constant 251072 : i32
        %sub3A_272 = vector.broadcast %sub3A_271 : i32 to vector<16xi32>
        %sub3A_273 = arith.subi %shift_right_arithmetic3A_270, %sub3A_272 : vector<16xi32>
        %jit3A_274 = arith.constant 0 : i32
        %jit3A_275 = arith.constant 9039 : i32
        %max3A_276 = vector.broadcast %jit3A_274 : i32 to vector<16xi32>
        %max3A_277 = arith.maxsi %max3A_276, %sub3A_273 : vector<16xi32>
        %min3A_278 = vector.broadcast %jit3A_275 : i32 to vector<16xi32>
        %min3A_279 = arith.minsi %min3A_278, %max3A_277 : vector<16xi32>
        tpu.vector_store_idx %arg7[%min3A_279], %broadcast_in_dim3A_21 masked %ge3A_266 {add = true} : memref<9040xi32, #tpu.memory_space<vmem>>[vector<16xi32>], vector<16xi32>, vector<16xi1>
        %mul3A_280 = arith.constant 80 : i32
        %mul3A_281 = arith.muli %scan3A_189, %mul3A_280 : i32
        %add3A_282 = arith.constant 64 : i32
        %add3A_283 = arith.addi %mul3A_281, %add3A_282 : i32
        %get3A_284 = arith.index_cast %add3A_283 : i32 to index
        %get3A_285 = tpu.vector_load %arg6[%get3A_284] {strides = array<i32>} : memref<20000xf32, #tpu.memory_space<vmem>>, vector<16xf32>,
        %max3A_286 = arith.maximumf %max3A_263, %get3A_285 : vector<16xf32>
        %ge3A_287 = arith.constant 5.000000e-02 : f32
        %ge3A_288 = vector.broadcast %ge3A_287 : f32 to vector<16xf32>
        %ge3A_289 = arith.cmpf oge, %get3A_285, %ge3A_288 : vector<16xf32>
        %bitcast_convert_type3A_290 = tpu.bitcast %get3A_285 : vector<16xf32> -> vector<16xi32>
        %shift_right_arithmetic3A_291 = arith.constant 12 : i32
        %shift_right_arithmetic3A_292 = vector.broadcast %shift_right_arithmetic3A_291 : i32 to vector<16xi32>
        %shift_right_arithmetic3A_293 = arith.shrsi %bitcast_convert_type3A_290, %shift_right_arithmetic3A_292 : vector<16xi32>
        %sub3A_294 = arith.constant 251072 : i32
        %sub3A_295 = vector.broadcast %sub3A_294 : i32 to vector<16xi32>
        %sub3A_296 = arith.subi %shift_right_arithmetic3A_293, %sub3A_295 : vector<16xi32>
        %jit3A_297 = arith.constant 0 : i32
        %jit3A_298 = arith.constant 9039 : i32
        %max3A_299 = vector.broadcast %jit3A_297 : i32 to vector<16xi32>
        %max3A_300 = arith.maxsi %max3A_299, %sub3A_296 : vector<16xi32>
        %min3A_301 = vector.broadcast %jit3A_298 : i32 to vector<16xi32>
        %min3A_302 = arith.minsi %min3A_301, %max3A_300 : vector<16xi32>
        tpu.vector_store_idx %arg7[%min3A_302], %broadcast_in_dim3A_21 masked %ge3A_289 {add = true} : memref<9040xi32, #tpu.memory_space<vmem>>[vector<16xi32>], vector<16xi32>, vector<16xi1>
        %mul3A_303 = arith.constant 16 : i32
        %mul3A_304 = arith.muli %scan3A_189, %mul3A_303 : i32
        %swap3A = arith.index_cast %mul3A_304 : i32 to index
        %swap3A_305 = tpu.vector_load %arg13[%swap3A] {strides = array<i32>} : memref<4096xf32, #tpu.memory_space<vmem>>, vector<16xf32>,
        tpu.vector_store %arg13[%swap3A], %max3A_286 {strides = array<i32>} : memref<4096xf32, #tpu.memory_space<vmem>>, vector<16xf32>,
        %scan3A_306 = arith.constant 0 : i32
        scf.yield %scan3A_306 : i32
      }
      %scan3A_34 = arith.constant 250 : i32
      %while3A = arith.constant 0 : i32
      %while3A_35 = arith.constant 0 : i32
      %while3A_36 = arith.constant 0 : i32
      %while3A_37 = arith.constant 0 : i32
      %while3A_38 = arith.constant 0 : i32
      %while3A_39 = arith.constant 0 : i32
      %while3A_40:5 = scf.while (%while3A_189 = %while3A_35, %while3A_190 = %while3A_36, %while3A_191 = %while3A_37, %while3A_192 = %while3A_38, %while3A_193 = %while3A_39) : (i32, i32, i32, i32, i32) -> (i32, i32, i32, i32, i32) {
        %lt3A_194 = arith.constant 565 : i32
        %lt3A_195 = arith.cmpi slt, %while3A_189, %lt3A_194 : i32
        %eq3A_196 = arith.constant 0 : i32
        %eq3A_197 = arith.cmpi eq, %while3A_190, %eq3A_196 : i32
        %and3A_198 = arith.andi %lt3A_195, %eq3A_197 : i1
        scf.condition(%and3A_198) %while3A_189, %while3A_190, %while3A_191, %while3A_192, %while3A_193 : i32, i32, i32, i32, i32
      } do {
      ^bb0(%while3A_189: i32, %while3A_190: i32, %while3A_191: i32, %while3A_192: i32, %while3A_193: i32):
        %sub3A_194 = arith.constant 564 : i32
        %sub3A_195 = arith.subi %sub3A_194, %while3A_189 : i32
        %mul3A_196 = arith.constant 16 : i32
        %mul3A_197 = arith.muli %sub3A_195, %mul3A_196 : i32
        %get3A = arith.index_cast %mul3A_197 : i32 to index
        %get3A_198 = tpu.vector_load %arg7[%get3A] {strides = array<i32>} : memref<9040xi32, #tpu.memory_space<vmem>>, vector<16xi32>,
        %reduce_sum3A = arith.constant true
        %reduce_sum3A_199 = vector.broadcast %reduce_sum3A : i1 to vector<16xi1>
        %reduce_sum3A_200 = tpu.scan <sum>, %get3A_198 masked %reduce_sum3A_199 : vector<16xi32>, vector<16xi1> -> vector<16xi32>
        %reduce_sum3A_201 = vector.extract %reduce_sum3A_200[15] : i32 from vector<16xi32>
        %add3A_202 = arith.addi %while3A, %while3A_191 : i32
        %add3A_203 = arith.addi %add3A_202, %reduce_sum3A_201 : i32
        %ge3A = arith.constant 100 : i32
        %ge3A_204 = arith.cmpi sge, %add3A_203, %ge3A : i32
        %convert_element_type3A_205 = arith.extui %ge3A_204 : i1 to i32
        %cond3A_206 = arith.constant 0 : i32
        %cond3A_207 = arith.constant 0 : i32
        %cond3A_208 = arith.cmpi ne, %convert_element_type3A_205, %cond3A_207 : i32
        %cond3A_209:3 = scf.if %cond3A_208 -> (i32, i32, i32) {
          %rev3A = arith.constant 15 : i32
          %rev3A_213 = vector.broadcast %rev3A : i32 to vector<16xi32>
          %rev3A_214 = tpu.iota {dimensions = array<i32: 0>} : vector<16xi32>
          %rev3A_215 = arith.subi %rev3A_213, %rev3A_214 : vector<16xi32>
          %rev3A_216 = tpu.dynamic_gather %get3A_198[%rev3A_215] in [0] : vector<16xi32>, vector<16xi32> -> vector<16xi32>
          %cumsum3A = arith.constant true
          %cumsum3A_217 = vector.broadcast %cumsum3A : i1 to vector<16xi1>
          %cumsum3A_218 = tpu.scan <sum>, %rev3A_216 masked %cumsum3A_217 : vector<16xi32>, vector<16xi1> -> vector<16xi32>
          %add3A_219 = arith.addi %while3A, %while3A_191 : i32
          %add3A_220 = vector.broadcast %add3A_219 : i32 to vector<16xi32>
          %add3A_221 = arith.addi %add3A_220, %cumsum3A_218 : vector<16xi32>
          %ge3A_222 = arith.constant 100 : i32
          %ge3A_223 = vector.broadcast %ge3A_222 : i32 to vector<16xi32>
          %ge3A_224 = arith.cmpi sge, %add3A_221, %ge3A_223 : vector<16xi32>
          %jit3A_225 = arith.constant 16 : i32
          %broadcast_in_dim3A_226 = vector.broadcast %jit3A_225 : i32 to vector<16xi32>
          %select_n3A_227 = arith.select %ge3A_224, %iota3A, %broadcast_in_dim3A_226 : vector<16xi1>, vector<16xi32>
          %reduce_min3A = arith.constant true
          %reduce_min3A_228 = vector.broadcast %reduce_min3A : i1 to vector<16xi1>
          %reduce_min3A_229 = arith.constant -2147483648 : i32
          %reduce_min3A_230 = vector.broadcast %reduce_min3A_229 : i32 to vector<16xi32>
          %reduce_min3A_231 = arith.xori %select_n3A_227, %reduce_min3A_230 : vector<16xi32>
          %reduce_min3A_232 = tpu.scan <min>, %reduce_min3A_231 masked %reduce_min3A_228 : vector<16xi32>, vector<16xi1> -> vector<16xi32>
          %reduce_min3A_233 = arith.xori %reduce_min3A_232, %reduce_min3A_230 : vector<16xi32>
          %reduce_min3A_234 = vector.extract %reduce_min3A_233[15] : i32 from vector<16xi32>
          %eq3A_235 = vector.broadcast %reduce_min3A_234 : i32 to vector<16xi32>
          %eq3A_236 = arith.cmpi eq, %iota3A, %eq3A_235 : vector<16xi32>
          %jit3A_237 = arith.constant 0 : i32
          %broadcast_in_dim3A_238 = vector.broadcast %jit3A_237 : i32 to vector<16xi32>
          %select_n3A_239 = arith.select %eq3A_236, %cumsum3A_218, %broadcast_in_dim3A_238 : vector<16xi1>, vector<16xi32>
          %reduce_sum3A_240 = arith.constant true
          %reduce_sum3A_241 = vector.broadcast %reduce_sum3A_240 : i1 to vector<16xi1>
          %reduce_sum3A_242 = tpu.scan <sum>, %select_n3A_239 masked %reduce_sum3A_241 : vector<16xi32>, vector<16xi1> -> vector<16xi32>
          %reduce_sum3A_243 = vector.extract %reduce_sum3A_242[15] : i32 from vector<16xi32>
          %eq3A_244 = vector.broadcast %reduce_min3A_234 : i32 to vector<16xi32>
          %eq3A_245 = arith.cmpi eq, %iota3A, %eq3A_244 : vector<16xi32>
          %jit3A_246 = arith.constant 0 : i32
          %broadcast_in_dim3A_247 = vector.broadcast %jit3A_246 : i32 to vector<16xi32>
          %select_n3A_248 = arith.select %eq3A_245, %rev3A_216, %broadcast_in_dim3A_247 : vector<16xi1>, vector<16xi32>
          %reduce_sum3A_249 = arith.constant true
          %reduce_sum3A_250 = vector.broadcast %reduce_sum3A_249 : i1 to vector<16xi1>
          %reduce_sum3A_251 = tpu.scan <sum>, %select_n3A_248 masked %reduce_sum3A_250 : vector<16xi32>, vector<16xi1> -> vector<16xi32>
          %reduce_sum3A_252 = vector.extract %reduce_sum3A_251[15] : i32 from vector<16xi32>
          %mul3A_253 = arith.constant 16 : i32
          %mul3A_254 = arith.muli %sub3A_195, %mul3A_253 : i32
          %add3A_255 = arith.constant 15 : i32
          %add3A_256 = arith.addi %mul3A_254, %add3A_255 : i32
          %sub3A_257 = arith.subi %add3A_256, %reduce_min3A_234 : i32
          %add3A_258 = arith.addi %while3A, %while3A_191 : i32
          %add3A_259 = arith.addi %add3A_258, %reduce_sum3A_243 : i32
          %sub3A_260 = arith.subi %add3A_259, %reduce_sum3A_252 : i32
          %cond3A_261 = arith.constant 1 : i32
          scf.yield %cond3A_261, %sub3A_257, %sub3A_260 : i32, i32, i32
        } else {
          %cond3A_213 = arith.constant 0 : i32
          scf.yield %cond3A_213, %while3A_192, %while3A_193 : i32, i32, i32
        }
        %add3A_210 = arith.constant 1 : i32
        %add3A_211 = arith.addi %while3A_189, %add3A_210 : i32
        %add3A_212 = arith.addi %while3A_191, %reduce_sum3A_201 : i32
        scf.yield %add3A_211, %cond3A_209#0, %add3A_212, %cond3A_209#1, %cond3A_209#2 : i32, i32, i32, i32, i32
      }
      %scan3A_41 = arith.constant 0 : i32
      %scan3A_42 = arith.constant 0 : i32
      %scan3A_43 = arith.constant 64 : i32
      %scan3A_44 = arith.addi %scan3A_42, %scan3A_43 : i32
      %scan3A_45 = arith.constant 1 : i32
      %scan3A_46 = scf.for %scan3A_189 = %scan3A_42 to %scan3A_44 step %scan3A_45 iter_args(%scan3A_190 = %scan3A_41) -> (i32)  : i32 {
        %mul3A_191 = arith.constant 64 : i32
        %mul3A_192 = arith.muli %scan3A_189, %mul3A_191 : i32
        %add3A_193 = arith.constant 0 : i32
        %add3A_194 = arith.addi %mul3A_192, %add3A_193 : i32
        %swap3A = arith.index_cast %add3A_194 : i32 to index
        %swap3A_195 = tpu.vector_load %arg8[%swap3A] {strides = array<i32>} : memref<4096xi32, #tpu.memory_space<vmem>>, vector<16xi32>,
        tpu.vector_store %arg8[%swap3A], %broadcast_in_dim3A_19 {strides = array<i32>} : memref<4096xi32, #tpu.memory_space<vmem>>, vector<16xi32>,
        %mul3A_196 = arith.constant 64 : i32
        %mul3A_197 = arith.muli %scan3A_189, %mul3A_196 : i32
        %add3A_198 = arith.constant 16 : i32
        %add3A_199 = arith.addi %mul3A_197, %add3A_198 : i32
        %swap3A_200 = arith.index_cast %add3A_199 : i32 to index
        %swap3A_201 = tpu.vector_load %arg8[%swap3A_200] {strides = array<i32>} : memref<4096xi32, #tpu.memory_space<vmem>>, vector<16xi32>,
        tpu.vector_store %arg8[%swap3A_200], %broadcast_in_dim3A_19 {strides = array<i32>} : memref<4096xi32, #tpu.memory_space<vmem>>, vector<16xi32>,
        %mul3A_202 = arith.constant 64 : i32
        %mul3A_203 = arith.muli %scan3A_189, %mul3A_202 : i32
        %add3A_204 = arith.constant 32 : i32
        %add3A_205 = arith.addi %mul3A_203, %add3A_204 : i32
        %swap3A_206 = arith.index_cast %add3A_205 : i32 to index
        %swap3A_207 = tpu.vector_load %arg8[%swap3A_206] {strides = array<i32>} : memref<4096xi32, #tpu.memory_space<vmem>>, vector<16xi32>,
        tpu.vector_store %arg8[%swap3A_206], %broadcast_in_dim3A_19 {strides = array<i32>} : memref<4096xi32, #tpu.memory_space<vmem>>, vector<16xi32>,
        %mul3A_208 = arith.constant 64 : i32
        %mul3A_209 = arith.muli %scan3A_189, %mul3A_208 : i32
        %add3A_210 = arith.constant 48 : i32
        %add3A_211 = arith.addi %mul3A_209, %add3A_210 : i32
        %swap3A_212 = arith.index_cast %add3A_211 : i32 to index
        %swap3A_213 = tpu.vector_load %arg8[%swap3A_212] {strides = array<i32>} : memref<4096xi32, #tpu.memory_space<vmem>>, vector<16xi32>,
        tpu.vector_store %arg8[%swap3A_212], %broadcast_in_dim3A_19 {strides = array<i32>} : memref<4096xi32, #tpu.memory_space<vmem>>, vector<16xi32>,
        %scan3A_214 = arith.constant 0 : i32
        scf.yield %scan3A_214 : i32
      }
      %scan3A_47 = arith.constant 64 : i32
      %add3A_48 = arith.constant 251072 : i32
      %add3A_49 = arith.addi %while3A_40#3, %add3A_48 : i32
      %shift_left3A = arith.constant 12 : i32
      %shift_left3A_50 = arith.shli %add3A_49, %shift_left3A : i32
      %broadcast_in_dim3A_51 = vector.broadcast %shift_left3A_50 : i32 to vector<16xi32>
      %bitcast_convert_type3A = tpu.bitcast %broadcast_in_dim3A_51 : vector<16xi32> -> vector<16xf32>
      %scan3A_52 = arith.constant 0 : i32
      %scan3A_53 = arith.constant 0 : i32
      %scan3A_54 = arith.constant 250 : i32
      %scan3A_55 = arith.addi %scan3A_53, %scan3A_54 : i32
      %scan3A_56 = arith.constant 1 : i32
      %scan3A_57 = scf.for %scan3A_189 = %scan3A_53 to %scan3A_55 step %scan3A_56 iter_args(%scan3A_190 = %scan3A_52) -> (i32)  : i32 {
        %mul3A_191 = arith.constant 16 : i32
        %mul3A_192 = arith.muli %scan3A_189, %mul3A_191 : i32
        %get3A = arith.index_cast %mul3A_192 : i32 to index
        %get3A_193 = tpu.vector_load %arg13[%get3A] {strides = array<i32>} : memref<4096xf32, #tpu.memory_space<vmem>>, vector<16xf32>,
        %ge3A = arith.cmpf oge, %get3A_193, %bitcast_convert_type3A : vector<16xf32>
        %convert_element_type3A_194 = arith.extui %ge3A : vector<16xi1> to vector<16xi32>
        %reduce_sum3A = arith.constant true
        %reduce_sum3A_195 = vector.broadcast %reduce_sum3A : i1 to vector<16xi1>
        %reduce_sum3A_196 = tpu.scan <sum>, %convert_element_type3A_194 masked %reduce_sum3A_195 : vector<16xi32>, vector<16xi1> -> vector<16xi32>
        %reduce_sum3A_197 = vector.extract %reduce_sum3A_196[15] : i32 from vector<16xi32>
        %gt3A = arith.constant 0 : i32
        %gt3A_198 = arith.cmpi sgt, %reduce_sum3A_197, %gt3A : i32
        %convert_element_type3A_199 = arith.extui %gt3A_198 : i1 to i32
        %cond3A_200 = arith.constant 0 : i32
        %cond3A_201 = arith.cmpi ne, %convert_element_type3A_199, %cond3A_200 : i32
        scf.if %cond3A_201 {
          %mul3A_203 = arith.constant 80 : i32
          %mul3A_204 = arith.muli %scan3A_189, %mul3A_203 : i32
          %add3A_205 = arith.constant 0 : i32
          %add3A_206 = arith.addi %mul3A_204, %add3A_205 : i32
          %get3A_207 = arith.index_cast %add3A_206 : i32 to index
          %get3A_208 = tpu.vector_load %arg6[%get3A_207] {strides = array<i32>} : memref<20000xf32, #tpu.memory_space<vmem>>, vector<16xf32>,
          %bitcast_convert_type3A_209 = tpu.bitcast %get3A_208 : vector<16xf32> -> vector<16xi32>
          %ge3A_210 = arith.constant 5.000000e-02 : f32
          %ge3A_211 = vector.broadcast %ge3A_210 : f32 to vector<16xf32>
          %ge3A_212 = arith.cmpf oge, %get3A_208, %ge3A_211 : vector<16xf32>
          %shift_right_arithmetic3A = arith.constant 12 : i32
          %shift_right_arithmetic3A_213 = vector.broadcast %shift_right_arithmetic3A : i32 to vector<16xi32>
          %shift_right_arithmetic3A_214 = arith.shrsi %bitcast_convert_type3A_209, %shift_right_arithmetic3A_213 : vector<16xi32>
          %sub3A_215 = arith.constant 251072 : i32
          %sub3A_216 = vector.broadcast %sub3A_215 : i32 to vector<16xi32>
          %sub3A_217 = arith.subi %shift_right_arithmetic3A_214, %sub3A_216 : vector<16xi32>
          %eq3A_218 = vector.broadcast %while3A_40#3 : i32 to vector<16xi32>
          %eq3A_219 = arith.cmpi eq, %sub3A_217, %eq3A_218 : vector<16xi32>
          %and3A_220 = arith.andi %ge3A_212, %eq3A_219 : vector<16xi1>
          %and3A_221 = arith.constant 4095 : i32
          %and3A_222 = vector.broadcast %and3A_221 : i32 to vector<16xi32>
          %and3A_223 = arith.andi %bitcast_convert_type3A_209, %and3A_222 : vector<16xi32>
          tpu.vector_store_idx %arg8[%and3A_223], %broadcast_in_dim3A_21 masked %and3A_220 {add = true} : memref<4096xi32, #tpu.memory_space<vmem>>[vector<16xi32>], vector<16xi32>, vector<16xi1>
          %mul3A_224 = arith.constant 80 : i32
          %mul3A_225 = arith.muli %scan3A_189, %mul3A_224 : i32
          %add3A_226 = arith.constant 16 : i32
          %add3A_227 = arith.addi %mul3A_225, %add3A_226 : i32
          %get3A_228 = arith.index_cast %add3A_227 : i32 to index
          %get3A_229 = tpu.vector_load %arg6[%get3A_228] {strides = array<i32>} : memref<20000xf32, #tpu.memory_space<vmem>>, vector<16xf32>,
          %bitcast_convert_type3A_230 = tpu.bitcast %get3A_229 : vector<16xf32> -> vector<16xi32>
          %ge3A_231 = arith.constant 5.000000e-02 : f32
          %ge3A_232 = vector.broadcast %ge3A_231 : f32 to vector<16xf32>
          %ge3A_233 = arith.cmpf oge, %get3A_229, %ge3A_232 : vector<16xf32>
          %shift_right_arithmetic3A_234 = arith.constant 12 : i32
          %shift_right_arithmetic3A_235 = vector.broadcast %shift_right_arithmetic3A_234 : i32 to vector<16xi32>
          %shift_right_arithmetic3A_236 = arith.shrsi %bitcast_convert_type3A_230, %shift_right_arithmetic3A_235 : vector<16xi32>
          %sub3A_237 = arith.constant 251072 : i32
          %sub3A_238 = vector.broadcast %sub3A_237 : i32 to vector<16xi32>
          %sub3A_239 = arith.subi %shift_right_arithmetic3A_236, %sub3A_238 : vector<16xi32>
          %eq3A_240 = vector.broadcast %while3A_40#3 : i32 to vector<16xi32>
          %eq3A_241 = arith.cmpi eq, %sub3A_239, %eq3A_240 : vector<16xi32>
          %and3A_242 = arith.andi %ge3A_233, %eq3A_241 : vector<16xi1>
          %and3A_243 = arith.constant 4095 : i32
          %and3A_244 = vector.broadcast %and3A_243 : i32 to vector<16xi32>
          %and3A_245 = arith.andi %bitcast_convert_type3A_230, %and3A_244 : vector<16xi32>
          tpu.vector_store_idx %arg8[%and3A_245], %broadcast_in_dim3A_21 masked %and3A_242 {add = true} : memref<4096xi32, #tpu.memory_space<vmem>>[vector<16xi32>], vector<16xi32>, vector<16xi1>
          %mul3A_246 = arith.constant 80 : i32
          %mul3A_247 = arith.muli %scan3A_189, %mul3A_246 : i32
          %add3A_248 = arith.constant 32 : i32
          %add3A_249 = arith.addi %mul3A_247, %add3A_248 : i32
          %get3A_250 = arith.index_cast %add3A_249 : i32 to index
          %get3A_251 = tpu.vector_load %arg6[%get3A_250] {strides = array<i32>} : memref<20000xf32, #tpu.memory_space<vmem>>, vector<16xf32>,
          %bitcast_convert_type3A_252 = tpu.bitcast %get3A_251 : vector<16xf32> -> vector<16xi32>
          %ge3A_253 = arith.constant 5.000000e-02 : f32
          %ge3A_254 = vector.broadcast %ge3A_253 : f32 to vector<16xf32>
          %ge3A_255 = arith.cmpf oge, %get3A_251, %ge3A_254 : vector<16xf32>
          %shift_right_arithmetic3A_256 = arith.constant 12 : i32
          %shift_right_arithmetic3A_257 = vector.broadcast %shift_right_arithmetic3A_256 : i32 to vector<16xi32>
          %shift_right_arithmetic3A_258 = arith.shrsi %bitcast_convert_type3A_252, %shift_right_arithmetic3A_257 : vector<16xi32>
          %sub3A_259 = arith.constant 251072 : i32
          %sub3A_260 = vector.broadcast %sub3A_259 : i32 to vector<16xi32>
          %sub3A_261 = arith.subi %shift_right_arithmetic3A_258, %sub3A_260 : vector<16xi32>
          %eq3A_262 = vector.broadcast %while3A_40#3 : i32 to vector<16xi32>
          %eq3A_263 = arith.cmpi eq, %sub3A_261, %eq3A_262 : vector<16xi32>
          %and3A_264 = arith.andi %ge3A_255, %eq3A_263 : vector<16xi1>
          %and3A_265 = arith.constant 4095 : i32
          %and3A_266 = vector.broadcast %and3A_265 : i32 to vector<16xi32>
          %and3A_267 = arith.andi %bitcast_convert_type3A_252, %and3A_266 : vector<16xi32>
          tpu.vector_store_idx %arg8[%and3A_267], %broadcast_in_dim3A_21 masked %and3A_264 {add = true} : memref<4096xi32, #tpu.memory_space<vmem>>[vector<16xi32>], vector<16xi32>, vector<16xi1>
          %mul3A_268 = arith.constant 80 : i32
          %mul3A_269 = arith.muli %scan3A_189, %mul3A_268 : i32
          %add3A_270 = arith.constant 48 : i32
          %add3A_271 = arith.addi %mul3A_269, %add3A_270 : i32
          %get3A_272 = arith.index_cast %add3A_271 : i32 to index
          %get3A_273 = tpu.vector_load %arg6[%get3A_272] {strides = array<i32>} : memref<20000xf32, #tpu.memory_space<vmem>>, vector<16xf32>,
          %bitcast_convert_type3A_274 = tpu.bitcast %get3A_273 : vector<16xf32> -> vector<16xi32>
          %ge3A_275 = arith.constant 5.000000e-02 : f32
          %ge3A_276 = vector.broadcast %ge3A_275 : f32 to vector<16xf32>
          %ge3A_277 = arith.cmpf oge, %get3A_273, %ge3A_276 : vector<16xf32>
          %shift_right_arithmetic3A_278 = arith.constant 12 : i32
          %shift_right_arithmetic3A_279 = vector.broadcast %shift_right_arithmetic3A_278 : i32 to vector<16xi32>
          %shift_right_arithmetic3A_280 = arith.shrsi %bitcast_convert_type3A_274, %shift_right_arithmetic3A_279 : vector<16xi32>
          %sub3A_281 = arith.constant 251072 : i32
          %sub3A_282 = vector.broadcast %sub3A_281 : i32 to vector<16xi32>
          %sub3A_283 = arith.subi %shift_right_arithmetic3A_280, %sub3A_282 : vector<16xi32>
          %eq3A_284 = vector.broadcast %while3A_40#3 : i32 to vector<16xi32>
          %eq3A_285 = arith.cmpi eq, %sub3A_283, %eq3A_284 : vector<16xi32>
          %and3A_286 = arith.andi %ge3A_277, %eq3A_285 : vector<16xi1>
          %and3A_287 = arith.constant 4095 : i32
          %and3A_288 = vector.broadcast %and3A_287 : i32 to vector<16xi32>
          %and3A_289 = arith.andi %bitcast_convert_type3A_274, %and3A_288 : vector<16xi32>
          tpu.vector_store_idx %arg8[%and3A_289], %broadcast_in_dim3A_21 masked %and3A_286 {add = true} : memref<4096xi32, #tpu.memory_space<vmem>>[vector<16xi32>], vector<16xi32>, vector<16xi1>
          %mul3A_290 = arith.constant 80 : i32
          %mul3A_291 = arith.muli %scan3A_189, %mul3A_290 : i32
          %add3A_292 = arith.constant 64 : i32
          %add3A_293 = arith.addi %mul3A_291, %add3A_292 : i32
          %get3A_294 = arith.index_cast %add3A_293 : i32 to index
          %get3A_295 = tpu.vector_load %arg6[%get3A_294] {strides = array<i32>} : memref<20000xf32, #tpu.memory_space<vmem>>, vector<16xf32>,
          %bitcast_convert_type3A_296 = tpu.bitcast %get3A_295 : vector<16xf32> -> vector<16xi32>
          %ge3A_297 = arith.constant 5.000000e-02 : f32
          %ge3A_298 = vector.broadcast %ge3A_297 : f32 to vector<16xf32>
          %ge3A_299 = arith.cmpf oge, %get3A_295, %ge3A_298 : vector<16xf32>
          %shift_right_arithmetic3A_300 = arith.constant 12 : i32
          %shift_right_arithmetic3A_301 = vector.broadcast %shift_right_arithmetic3A_300 : i32 to vector<16xi32>
          %shift_right_arithmetic3A_302 = arith.shrsi %bitcast_convert_type3A_296, %shift_right_arithmetic3A_301 : vector<16xi32>
          %sub3A_303 = arith.constant 251072 : i32
          %sub3A_304 = vector.broadcast %sub3A_303 : i32 to vector<16xi32>
          %sub3A_305 = arith.subi %shift_right_arithmetic3A_302, %sub3A_304 : vector<16xi32>
          %eq3A_306 = vector.broadcast %while3A_40#3 : i32 to vector<16xi32>
          %eq3A_307 = arith.cmpi eq, %sub3A_305, %eq3A_306 : vector<16xi32>
          %and3A_308 = arith.andi %ge3A_299, %eq3A_307 : vector<16xi1>
          %and3A_309 = arith.constant 4095 : i32
          %and3A_310 = vector.broadcast %and3A_309 : i32 to vector<16xi32>
          %and3A_311 = arith.andi %bitcast_convert_type3A_296, %and3A_310 : vector<16xi32>
          tpu.vector_store_idx %arg8[%and3A_311], %broadcast_in_dim3A_21 masked %and3A_308 {add = true} : memref<4096xi32, #tpu.memory_space<vmem>>[vector<16xi32>], vector<16xi32>, vector<16xi1>
        } else {
        }
        %scan3A_202 = arith.constant 0 : i32
        scf.yield %scan3A_202 : i32
      }
      %scan3A_58 = arith.constant 250 : i32
      %while3A_59 = arith.constant 0 : i32
      %while3A_60 = arith.constant 0 : i32
      %while3A_61 = arith.constant 0 : i32
      %while3A_62 = arith.constant 0 : i32
      %while3A_63 = arith.constant 0 : i32
      %while3A_64:5 = scf.while (%while3A_189 = %while3A_59, %while3A_190 = %while3A_60, %while3A_191 = %while3A_61, %while3A_192 = %while3A_62, %while3A_193 = %while3A_63) : (i32, i32, i32, i32, i32) -> (i32, i32, i32, i32, i32) {
        %lt3A_194 = arith.constant 256 : i32
        %lt3A_195 = arith.cmpi slt, %while3A_189, %lt3A_194 : i32
        %eq3A_196 = arith.constant 0 : i32
        %eq3A_197 = arith.cmpi eq, %while3A_190, %eq3A_196 : i32
        %and3A_198 = arith.andi %lt3A_195, %eq3A_197 : i1
        scf.condition(%and3A_198) %while3A_189, %while3A_190, %while3A_191, %while3A_192, %while3A_193 : i32, i32, i32, i32, i32
      } do {
      ^bb0(%while3A_189: i32, %while3A_190: i32, %while3A_191: i32, %while3A_192: i32, %while3A_193: i32):
        %sub3A_194 = arith.constant 255 : i32
        %sub3A_195 = arith.subi %sub3A_194, %while3A_189 : i32
        %mul3A_196 = arith.constant 16 : i32
        %mul3A_197 = arith.muli %sub3A_195, %mul3A_196 : i32
        %get3A = arith.index_cast %mul3A_197 : i32 to index
        %get3A_198 = tpu.vector_load %arg8[%get3A] {strides = array<i32>} : memref<4096xi32, #tpu.memory_space<vmem>>, vector<16xi32>,
        %reduce_sum3A = arith.constant true
        %reduce_sum3A_199 = vector.broadcast %reduce_sum3A : i1 to vector<16xi1>
        %reduce_sum3A_200 = tpu.scan <sum>, %get3A_198 masked %reduce_sum3A_199 : vector<16xi32>, vector<16xi1> -> vector<16xi32>
        %reduce_sum3A_201 = vector.extract %reduce_sum3A_200[15] : i32 from vector<16xi32>
        %add3A_202 = arith.addi %while3A_40#4, %while3A_191 : i32
        %add3A_203 = arith.addi %add3A_202, %reduce_sum3A_201 : i32
        %ge3A = arith.constant 100 : i32
        %ge3A_204 = arith.cmpi sge, %add3A_203, %ge3A : i32
        %convert_element_type3A_205 = arith.extui %ge3A_204 : i1 to i32
        %cond3A_206 = arith.constant 0 : i32
        %cond3A_207 = arith.constant 0 : i32
        %cond3A_208 = arith.cmpi ne, %convert_element_type3A_205, %cond3A_207 : i32
        %cond3A_209:3 = scf.if %cond3A_208 -> (i32, i32, i32) {
          %rev3A = arith.constant 15 : i32
          %rev3A_213 = vector.broadcast %rev3A : i32 to vector<16xi32>
          %rev3A_214 = tpu.iota {dimensions = array<i32: 0>} : vector<16xi32>
          %rev3A_215 = arith.subi %rev3A_213, %rev3A_214 : vector<16xi32>
          %rev3A_216 = tpu.dynamic_gather %get3A_198[%rev3A_215] in [0] : vector<16xi32>, vector<16xi32> -> vector<16xi32>
          %cumsum3A = arith.constant true
          %cumsum3A_217 = vector.broadcast %cumsum3A : i1 to vector<16xi1>
          %cumsum3A_218 = tpu.scan <sum>, %rev3A_216 masked %cumsum3A_217 : vector<16xi32>, vector<16xi1> -> vector<16xi32>
          %add3A_219 = arith.addi %while3A_40#4, %while3A_191 : i32
          %add3A_220 = vector.broadcast %add3A_219 : i32 to vector<16xi32>
          %add3A_221 = arith.addi %add3A_220, %cumsum3A_218 : vector<16xi32>
          %ge3A_222 = arith.constant 100 : i32
          %ge3A_223 = vector.broadcast %ge3A_222 : i32 to vector<16xi32>
          %ge3A_224 = arith.cmpi sge, %add3A_221, %ge3A_223 : vector<16xi32>
          %jit3A_225 = arith.constant 16 : i32
          %broadcast_in_dim3A_226 = vector.broadcast %jit3A_225 : i32 to vector<16xi32>
          %select_n3A_227 = arith.select %ge3A_224, %iota3A, %broadcast_in_dim3A_226 : vector<16xi1>, vector<16xi32>
          %reduce_min3A = arith.constant true
          %reduce_min3A_228 = vector.broadcast %reduce_min3A : i1 to vector<16xi1>
          %reduce_min3A_229 = arith.constant -2147483648 : i32
          %reduce_min3A_230 = vector.broadcast %reduce_min3A_229 : i32 to vector<16xi32>
          %reduce_min3A_231 = arith.xori %select_n3A_227, %reduce_min3A_230 : vector<16xi32>
          %reduce_min3A_232 = tpu.scan <min>, %reduce_min3A_231 masked %reduce_min3A_228 : vector<16xi32>, vector<16xi1> -> vector<16xi32>
          %reduce_min3A_233 = arith.xori %reduce_min3A_232, %reduce_min3A_230 : vector<16xi32>
          %reduce_min3A_234 = vector.extract %reduce_min3A_233[15] : i32 from vector<16xi32>
          %eq3A_235 = vector.broadcast %reduce_min3A_234 : i32 to vector<16xi32>
          %eq3A_236 = arith.cmpi eq, %iota3A, %eq3A_235 : vector<16xi32>
          %jit3A_237 = arith.constant 0 : i32
          %broadcast_in_dim3A_238 = vector.broadcast %jit3A_237 : i32 to vector<16xi32>
          %select_n3A_239 = arith.select %eq3A_236, %cumsum3A_218, %broadcast_in_dim3A_238 : vector<16xi1>, vector<16xi32>
          %reduce_sum3A_240 = arith.constant true
          %reduce_sum3A_241 = vector.broadcast %reduce_sum3A_240 : i1 to vector<16xi1>
          %reduce_sum3A_242 = tpu.scan <sum>, %select_n3A_239 masked %reduce_sum3A_241 : vector<16xi32>, vector<16xi1> -> vector<16xi32>
          %reduce_sum3A_243 = vector.extract %reduce_sum3A_242[15] : i32 from vector<16xi32>
          %eq3A_244 = vector.broadcast %reduce_min3A_234 : i32 to vector<16xi32>
          %eq3A_245 = arith.cmpi eq, %iota3A, %eq3A_244 : vector<16xi32>
          %jit3A_246 = arith.constant 0 : i32
          %broadcast_in_dim3A_247 = vector.broadcast %jit3A_246 : i32 to vector<16xi32>
          %select_n3A_248 = arith.select %eq3A_245, %rev3A_216, %broadcast_in_dim3A_247 : vector<16xi1>, vector<16xi32>
          %reduce_sum3A_249 = arith.constant true
          %reduce_sum3A_250 = vector.broadcast %reduce_sum3A_249 : i1 to vector<16xi1>
          %reduce_sum3A_251 = tpu.scan <sum>, %select_n3A_248 masked %reduce_sum3A_250 : vector<16xi32>, vector<16xi1> -> vector<16xi32>
          %reduce_sum3A_252 = vector.extract %reduce_sum3A_251[15] : i32 from vector<16xi32>
          %mul3A_253 = arith.constant 16 : i32
          %mul3A_254 = arith.muli %sub3A_195, %mul3A_253 : i32
          %add3A_255 = arith.constant 15 : i32
          %add3A_256 = arith.addi %mul3A_254, %add3A_255 : i32
          %sub3A_257 = arith.subi %add3A_256, %reduce_min3A_234 : i32
          %add3A_258 = arith.addi %while3A_40#4, %while3A_191 : i32
          %add3A_259 = arith.addi %add3A_258, %reduce_sum3A_243 : i32
          %sub3A_260 = arith.subi %add3A_259, %reduce_sum3A_252 : i32
          %cond3A_261 = arith.constant 1 : i32
          scf.yield %cond3A_261, %sub3A_257, %sub3A_260 : i32, i32, i32
        } else {
          %cond3A_213 = arith.constant 0 : i32
          scf.yield %cond3A_213, %while3A_192, %while3A_193 : i32, i32, i32
        }
        %add3A_210 = arith.constant 1 : i32
        %add3A_211 = arith.addi %while3A_189, %add3A_210 : i32
        %add3A_212 = arith.addi %while3A_191, %reduce_sum3A_201 : i32
        scf.yield %add3A_211, %cond3A_209#0, %add3A_212, %cond3A_209#1, %cond3A_209#2 : i32, i32, i32, i32, i32
      }
      %add3A_65 = arith.constant 251072 : i32
      %add3A_66 = arith.addi %while3A_40#3, %add3A_65 : i32
      %shift_left3A_67 = arith.constant 12 : i32
      %shift_left3A_68 = arith.shli %add3A_66, %shift_left3A_67 : i32
      %or3A = arith.ori %shift_left3A_68, %while3A_64#3 : i32
      %broadcast_in_dim3A_69 = vector.broadcast %or3A : i32 to vector<16xi32>
      %bitcast_convert_type3A_70 = tpu.bitcast %broadcast_in_dim3A_69 : vector<16xi32> -> vector<16xf32>
      %eq3A = arith.constant 1 : i32
      %eq3A_71 = arith.cmpi eq, %while3A_40#1, %eq3A : i32
      %jit3A = arith.constant 0.000000e+00 : f32
      %broadcast_in_dim3A_72 = vector.broadcast %jit3A : f32 to vector<16xf32>
      %select_n3A = arith.select %eq3A_71, %bitcast_convert_type3A_70, %broadcast_in_dim3A_72 : vector<16xf32>
      %eq3A_73 = arith.constant 1 : i32
      %eq3A_74 = arith.cmpi eq, %while3A_40#1, %eq3A_73 : i32
      %sub3A = arith.constant 100 : i32
      %sub3A_75 = arith.subi %sub3A, %while3A_64#4 : i32
      %jit3A_76 = arith.constant 0 : i32
      %select_n3A_77 = arith.select %eq3A_74, %sub3A_75, %jit3A_76 : i32
      %scan3A_78 = arith.constant 0 : i32
      %scan3A_79 = arith.constant 0 : i32
      %scan3A_80 = arith.constant 8 : i32
      %scan3A_81 = arith.addi %scan3A_79, %scan3A_80 : i32
      %scan3A_82 = arith.constant 1 : i32
      %scan3A_83 = scf.for %scan3A_189 = %scan3A_79 to %scan3A_81 step %scan3A_82 iter_args(%scan3A_190 = %scan3A_78) -> (i32)  : i32 {
        %broadcast_in_dim3A_191 = arith.constant -1.000000e+09 : f32
        %broadcast_in_dim3A_192 = vector.broadcast %broadcast_in_dim3A_191 : f32 to vector<16xf32>
        %mul3A_193 = arith.constant 16 : i32
        %mul3A_194 = arith.muli %scan3A_189, %mul3A_193 : i32
        %swap3A = arith.index_cast %mul3A_194 : i32 to index
        %swap3A_195 = tpu.vector_load %arg10[%swap3A] {strides = array<i32>} : memref<128xf32, #tpu.memory_space<vmem>>, vector<16xf32>,
        tpu.vector_store %arg10[%swap3A], %broadcast_in_dim3A_192 {strides = array<i32>} : memref<128xf32, #tpu.memory_space<vmem>>, vector<16xf32>,
        %broadcast_in_dim3A_196 = arith.constant 0 : i32
        %broadcast_in_dim3A_197 = vector.broadcast %broadcast_in_dim3A_196 : i32 to vector<16xi32>
        %mul3A_198 = arith.constant 16 : i32
        %mul3A_199 = arith.muli %scan3A_189, %mul3A_198 : i32
        %swap3A_200 = arith.index_cast %mul3A_199 : i32 to index
        %swap3A_201 = tpu.vector_load %arg9[%swap3A_200] {strides = array<i32>} : memref<128xi32, #tpu.memory_space<vmem>>, vector<16xi32>,
        tpu.vector_store %arg9[%swap3A_200], %broadcast_in_dim3A_197 {strides = array<i32>} : memref<128xi32, #tpu.memory_space<vmem>>, vector<16xi32>,
        %scan3A_202 = arith.constant 0 : i32
        scf.yield %scan3A_202 : i32
      }
      %scan3A_84 = arith.constant 8 : i32
      %scan3A_85 = arith.constant 0 : i32
      %scan3A_86 = arith.constant 0 : i32
      %scan3A_87 = arith.constant 0 : i32
      %scan3A_88 = arith.constant 250 : i32
      %scan3A_89 = arith.addi %scan3A_87, %scan3A_88 : i32
      %scan3A_90 = arith.constant 1 : i32
      %scan3A_91:2 = scf.for %scan3A_189 = %scan3A_87 to %scan3A_89 step %scan3A_90 iter_args(%scan3A_190 = %scan3A_85, %scan3A_191 = %scan3A_86) -> (i32, i32)  : i32 {
        %mul3A_192 = arith.constant 16 : i32
        %mul3A_193 = arith.muli %scan3A_189, %mul3A_192 : i32
        %get3A = arith.index_cast %mul3A_193 : i32 to index
        %get3A_194 = tpu.vector_load %arg13[%get3A] {strides = array<i32>} : memref<4096xf32, #tpu.memory_space<vmem>>, vector<16xf32>,
        %ge3A = arith.cmpf oge, %get3A_194, %select_n3A : vector<16xf32>
        %convert_element_type3A_195 = arith.extui %ge3A : vector<16xi1> to vector<16xi32>
        %reduce_sum3A = arith.constant true
        %reduce_sum3A_196 = vector.broadcast %reduce_sum3A : i1 to vector<16xi1>
        %reduce_sum3A_197 = tpu.scan <sum>, %convert_element_type3A_195 masked %reduce_sum3A_196 : vector<16xi32>, vector<16xi1> -> vector<16xi32>
        %reduce_sum3A_198 = vector.extract %reduce_sum3A_197[15] : i32 from vector<16xi32>
        %gt3A = arith.constant 0 : i32
        %gt3A_199 = arith.cmpi sgt, %reduce_sum3A_198, %gt3A : i32
        %convert_element_type3A_200 = arith.extui %gt3A_199 : i1 to i32
        %cond3A_201 = arith.constant 0 : i32
        %cond3A_202 = arith.cmpi ne, %convert_element_type3A_200, %cond3A_201 : i32
        %cond3A_203:2 = scf.if %cond3A_202 -> (i32, i32) {
          %mul3A_204 = arith.constant 80 : i32
          %mul3A_205 = arith.muli %scan3A_189, %mul3A_204 : i32
          %add3A_206 = arith.constant 0 : i32
          %add3A_207 = arith.addi %mul3A_205, %add3A_206 : i32
          %get3A_208 = arith.index_cast %add3A_207 : i32 to index
          %get3A_209 = tpu.vector_load %arg6[%get3A_208] {strides = array<i32>} : memref<20000xf32, #tpu.memory_space<vmem>>, vector<16xf32>,
          %gt3A_210 = arith.cmpf ogt, %get3A_209, %select_n3A : vector<16xf32>
          %eq3A_211 = arith.cmpf oeq, %get3A_209, %select_n3A : vector<16xf32>
          %convert_element_type3A_212 = arith.extui %eq3A_211 : vector<16xi1> to vector<16xi32>
          %cumsum3A = arith.constant true
          %cumsum3A_213 = vector.broadcast %cumsum3A : i1 to vector<16xi1>
          %cumsum3A_214 = tpu.scan <sum>, %convert_element_type3A_212 masked %cumsum3A_213 : vector<16xi32>, vector<16xi1> -> vector<16xi32>
          %add3A_215 = vector.broadcast %scan3A_191 : i32 to vector<16xi32>
          %add3A_216 = arith.addi %add3A_215, %cumsum3A_214 : vector<16xi32>
          %le3A = vector.broadcast %select_n3A_77 : i32 to vector<16xi32>
          %le3A_217 = arith.cmpi sle, %add3A_216, %le3A : vector<16xi32>
          %and3A_218 = arith.andi %eq3A_211, %le3A_217 : vector<16xi1>
          %or3A_219 = arith.ori %gt3A_210, %and3A_218 : vector<16xi1>
          %mul3A_220 = arith.constant 80 : i32
          %mul3A_221 = arith.muli %scan3A_189, %mul3A_220 : i32
          %add3A_222 = arith.constant 0 : i32
          %add3A_223 = arith.addi %mul3A_221, %add3A_222 : i32
          %add3A_224 = vector.broadcast %add3A_223 : i32 to vector<16xi32>
          %add3A_225 = arith.addi %iota3A, %add3A_224 : vector<16xi32>
          %swap3A = arith.index_cast %scan3A_190 : i32 to index
          %swap3A_226 = tpu.vector_load %arg9[%swap3A] masked %or3A_219 {strides = array<i32>} : memref<128xi32, #tpu.memory_space<vmem>>, vector<16xi32>, vector<16xi1>
          tpu.vector_store %arg9[%swap3A], %add3A_225 masked %or3A_219 {strides = array<i32>} : memref<128xi32, #tpu.memory_space<vmem>>, vector<16xi32>, vector<16xi1>
          %swap3A_227 = arith.index_cast %scan3A_190 : i32 to index
          %swap3A_228 = tpu.vector_load %arg10[%swap3A_227] masked %or3A_219 {strides = array<i32>} : memref<128xf32, #tpu.memory_space<vmem>>, vector<16xf32>, vector<16xi1>
          tpu.vector_store %arg10[%swap3A_227], %get3A_209 masked %or3A_219 {strides = array<i32>} : memref<128xf32, #tpu.memory_space<vmem>>, vector<16xf32>, vector<16xi1>
          %convert_element_type3A_229 = arith.extui %or3A_219 : vector<16xi1> to vector<16xi32>
          %reduce_sum3A_230 = arith.constant true
          %reduce_sum3A_231 = vector.broadcast %reduce_sum3A_230 : i1 to vector<16xi1>
          %reduce_sum3A_232 = tpu.scan <sum>, %convert_element_type3A_229 masked %reduce_sum3A_231 : vector<16xi32>, vector<16xi1> -> vector<16xi32>
          %reduce_sum3A_233 = vector.extract %reduce_sum3A_232[15] : i32 from vector<16xi32>
          %add3A_234 = arith.addi %scan3A_190, %reduce_sum3A_233 : i32
          %convert_element_type3A_235 = arith.extui %eq3A_211 : vector<16xi1> to vector<16xi32>
          %reduce_sum3A_236 = arith.constant true
          %reduce_sum3A_237 = vector.broadcast %reduce_sum3A_236 : i1 to vector<16xi1>
          %reduce_sum3A_238 = tpu.scan <sum>, %convert_element_type3A_235 masked %reduce_sum3A_237 : vector<16xi32>, vector<16xi1> -> vector<16xi32>
          %reduce_sum3A_239 = vector.extract %reduce_sum3A_238[15] : i32 from vector<16xi32>
          %add3A_240 = arith.addi %scan3A_191, %reduce_sum3A_239 : i32
          %mul3A_241 = arith.constant 80 : i32
          %mul3A_242 = arith.muli %scan3A_189, %mul3A_241 : i32
          %add3A_243 = arith.constant 16 : i32
          %add3A_244 = arith.addi %mul3A_242, %add3A_243 : i32
          %get3A_245 = arith.index_cast %add3A_244 : i32 to index
          %get3A_246 = tpu.vector_load %arg6[%get3A_245] {strides = array<i32>} : memref<20000xf32, #tpu.memory_space<vmem>>, vector<16xf32>,
          %gt3A_247 = arith.cmpf ogt, %get3A_246, %select_n3A : vector<16xf32>
          %eq3A_248 = arith.cmpf oeq, %get3A_246, %select_n3A : vector<16xf32>
          %convert_element_type3A_249 = arith.extui %eq3A_248 : vector<16xi1> to vector<16xi32>
          %cumsum3A_250 = arith.constant true
          %cumsum3A_251 = vector.broadcast %cumsum3A_250 : i1 to vector<16xi1>
          %cumsum3A_252 = tpu.scan <sum>, %convert_element_type3A_249 masked %cumsum3A_251 : vector<16xi32>, vector<16xi1> -> vector<16xi32>
          %add3A_253 = vector.broadcast %add3A_240 : i32 to vector<16xi32>
          %add3A_254 = arith.addi %add3A_253, %cumsum3A_252 : vector<16xi32>
          %le3A_255 = vector.broadcast %select_n3A_77 : i32 to vector<16xi32>
          %le3A_256 = arith.cmpi sle, %add3A_254, %le3A_255 : vector<16xi32>
          %and3A_257 = arith.andi %eq3A_248, %le3A_256 : vector<16xi1>
          %or3A_258 = arith.ori %gt3A_247, %and3A_257 : vector<16xi1>
          %mul3A_259 = arith.constant 80 : i32
          %mul3A_260 = arith.muli %scan3A_189, %mul3A_259 : i32
          %add3A_261 = arith.constant 16 : i32
          %add3A_262 = arith.addi %mul3A_260, %add3A_261 : i32
          %add3A_263 = vector.broadcast %add3A_262 : i32 to vector<16xi32>
          %add3A_264 = arith.addi %iota3A, %add3A_263 : vector<16xi32>
          %swap3A_265 = arith.index_cast %add3A_234 : i32 to index
          %swap3A_266 = tpu.vector_load %arg9[%swap3A_265] masked %or3A_258 {strides = array<i32>} : memref<128xi32, #tpu.memory_space<vmem>>, vector<16xi32>, vector<16xi1>
          tpu.vector_store %arg9[%swap3A_265], %add3A_264 masked %or3A_258 {strides = array<i32>} : memref<128xi32, #tpu.memory_space<vmem>>, vector<16xi32>, vector<16xi1>
          %swap3A_267 = arith.index_cast %add3A_234 : i32 to index
          %swap3A_268 = tpu.vector_load %arg10[%swap3A_267] masked %or3A_258 {strides = array<i32>} : memref<128xf32, #tpu.memory_space<vmem>>, vector<16xf32>, vector<16xi1>
          tpu.vector_store %arg10[%swap3A_267], %get3A_246 masked %or3A_258 {strides = array<i32>} : memref<128xf32, #tpu.memory_space<vmem>>, vector<16xf32>, vector<16xi1>
          %convert_element_type3A_269 = arith.extui %or3A_258 : vector<16xi1> to vector<16xi32>
          %reduce_sum3A_270 = arith.constant true
          %reduce_sum3A_271 = vector.broadcast %reduce_sum3A_270 : i1 to vector<16xi1>
          %reduce_sum3A_272 = tpu.scan <sum>, %convert_element_type3A_269 masked %reduce_sum3A_271 : vector<16xi32>, vector<16xi1> -> vector<16xi32>
          %reduce_sum3A_273 = vector.extract %reduce_sum3A_272[15] : i32 from vector<16xi32>
          %add3A_274 = arith.addi %add3A_234, %reduce_sum3A_273 : i32
          %convert_element_type3A_275 = arith.extui %eq3A_248 : vector<16xi1> to vector<16xi32>
          %reduce_sum3A_276 = arith.constant true
          %reduce_sum3A_277 = vector.broadcast %reduce_sum3A_276 : i1 to vector<16xi1>
          %reduce_sum3A_278 = tpu.scan <sum>, %convert_element_type3A_275 masked %reduce_sum3A_277 : vector<16xi32>, vector<16xi1> -> vector<16xi32>
          %reduce_sum3A_279 = vector.extract %reduce_sum3A_278[15] : i32 from vector<16xi32>
          %add3A_280 = arith.addi %add3A_240, %reduce_sum3A_279 : i32
          %mul3A_281 = arith.constant 80 : i32
          %mul3A_282 = arith.muli %scan3A_189, %mul3A_281 : i32
          %add3A_283 = arith.constant 32 : i32
          %add3A_284 = arith.addi %mul3A_282, %add3A_283 : i32
          %get3A_285 = arith.index_cast %add3A_284 : i32 to index
          %get3A_286 = tpu.vector_load %arg6[%get3A_285] {strides = array<i32>} : memref<20000xf32, #tpu.memory_space<vmem>>, vector<16xf32>,
          %gt3A_287 = arith.cmpf ogt, %get3A_286, %select_n3A : vector<16xf32>
          %eq3A_288 = arith.cmpf oeq, %get3A_286, %select_n3A : vector<16xf32>
          %convert_element_type3A_289 = arith.extui %eq3A_288 : vector<16xi1> to vector<16xi32>
          %cumsum3A_290 = arith.constant true
          %cumsum3A_291 = vector.broadcast %cumsum3A_290 : i1 to vector<16xi1>
          %cumsum3A_292 = tpu.scan <sum>, %convert_element_type3A_289 masked %cumsum3A_291 : vector<16xi32>, vector<16xi1> -> vector<16xi32>
          %add3A_293 = vector.broadcast %add3A_280 : i32 to vector<16xi32>
          %add3A_294 = arith.addi %add3A_293, %cumsum3A_292 : vector<16xi32>
          %le3A_295 = vector.broadcast %select_n3A_77 : i32 to vector<16xi32>
          %le3A_296 = arith.cmpi sle, %add3A_294, %le3A_295 : vector<16xi32>
          %and3A_297 = arith.andi %eq3A_288, %le3A_296 : vector<16xi1>
          %or3A_298 = arith.ori %gt3A_287, %and3A_297 : vector<16xi1>
          %mul3A_299 = arith.constant 80 : i32
          %mul3A_300 = arith.muli %scan3A_189, %mul3A_299 : i32
          %add3A_301 = arith.constant 32 : i32
          %add3A_302 = arith.addi %mul3A_300, %add3A_301 : i32
          %add3A_303 = vector.broadcast %add3A_302 : i32 to vector<16xi32>
          %add3A_304 = arith.addi %iota3A, %add3A_303 : vector<16xi32>
          %swap3A_305 = arith.index_cast %add3A_274 : i32 to index
          %swap3A_306 = tpu.vector_load %arg9[%swap3A_305] masked %or3A_298 {strides = array<i32>} : memref<128xi32, #tpu.memory_space<vmem>>, vector<16xi32>, vector<16xi1>
          tpu.vector_store %arg9[%swap3A_305], %add3A_304 masked %or3A_298 {strides = array<i32>} : memref<128xi32, #tpu.memory_space<vmem>>, vector<16xi32>, vector<16xi1>
          %swap3A_307 = arith.index_cast %add3A_274 : i32 to index
          %swap3A_308 = tpu.vector_load %arg10[%swap3A_307] masked %or3A_298 {strides = array<i32>} : memref<128xf32, #tpu.memory_space<vmem>>, vector<16xf32>, vector<16xi1>
          tpu.vector_store %arg10[%swap3A_307], %get3A_286 masked %or3A_298 {strides = array<i32>} : memref<128xf32, #tpu.memory_space<vmem>>, vector<16xf32>, vector<16xi1>
          %convert_element_type3A_309 = arith.extui %or3A_298 : vector<16xi1> to vector<16xi32>
          %reduce_sum3A_310 = arith.constant true
          %reduce_sum3A_311 = vector.broadcast %reduce_sum3A_310 : i1 to vector<16xi1>
          %reduce_sum3A_312 = tpu.scan <sum>, %convert_element_type3A_309 masked %reduce_sum3A_311 : vector<16xi32>, vector<16xi1> -> vector<16xi32>
          %reduce_sum3A_313 = vector.extract %reduce_sum3A_312[15] : i32 from vector<16xi32>
          %add3A_314 = arith.addi %add3A_274, %reduce_sum3A_313 : i32
          %convert_element_type3A_315 = arith.extui %eq3A_288 : vector<16xi1> to vector<16xi32>
          %reduce_sum3A_316 = arith.constant true
          %reduce_sum3A_317 = vector.broadcast %reduce_sum3A_316 : i1 to vector<16xi1>
          %reduce_sum3A_318 = tpu.scan <sum>, %convert_element_type3A_315 masked %reduce_sum3A_317 : vector<16xi32>, vector<16xi1> -> vector<16xi32>
          %reduce_sum3A_319 = vector.extract %reduce_sum3A_318[15] : i32 from vector<16xi32>
          %add3A_320 = arith.addi %add3A_280, %reduce_sum3A_319 : i32
          %mul3A_321 = arith.constant 80 : i32
          %mul3A_322 = arith.muli %scan3A_189, %mul3A_321 : i32
          %add3A_323 = arith.constant 48 : i32
          %add3A_324 = arith.addi %mul3A_322, %add3A_323 : i32
          %get3A_325 = arith.index_cast %add3A_324 : i32 to index
          %get3A_326 = tpu.vector_load %arg6[%get3A_325] {strides = array<i32>} : memref<20000xf32, #tpu.memory_space<vmem>>, vector<16xf32>,
          %gt3A_327 = arith.cmpf ogt, %get3A_326, %select_n3A : vector<16xf32>
          %eq3A_328 = arith.cmpf oeq, %get3A_326, %select_n3A : vector<16xf32>
          %convert_element_type3A_329 = arith.extui %eq3A_328 : vector<16xi1> to vector<16xi32>
          %cumsum3A_330 = arith.constant true
          %cumsum3A_331 = vector.broadcast %cumsum3A_330 : i1 to vector<16xi1>
          %cumsum3A_332 = tpu.scan <sum>, %convert_element_type3A_329 masked %cumsum3A_331 : vector<16xi32>, vector<16xi1> -> vector<16xi32>
          %add3A_333 = vector.broadcast %add3A_320 : i32 to vector<16xi32>
          %add3A_334 = arith.addi %add3A_333, %cumsum3A_332 : vector<16xi32>
          %le3A_335 = vector.broadcast %select_n3A_77 : i32 to vector<16xi32>
          %le3A_336 = arith.cmpi sle, %add3A_334, %le3A_335 : vector<16xi32>
          %and3A_337 = arith.andi %eq3A_328, %le3A_336 : vector<16xi1>
          %or3A_338 = arith.ori %gt3A_327, %and3A_337 : vector<16xi1>
          %mul3A_339 = arith.constant 80 : i32
          %mul3A_340 = arith.muli %scan3A_189, %mul3A_339 : i32
          %add3A_341 = arith.constant 48 : i32
          %add3A_342 = arith.addi %mul3A_340, %add3A_341 : i32
          %add3A_343 = vector.broadcast %add3A_342 : i32 to vector<16xi32>
          %add3A_344 = arith.addi %iota3A, %add3A_343 : vector<16xi32>
          %swap3A_345 = arith.index_cast %add3A_314 : i32 to index
          %swap3A_346 = tpu.vector_load %arg9[%swap3A_345] masked %or3A_338 {strides = array<i32>} : memref<128xi32, #tpu.memory_space<vmem>>, vector<16xi32>, vector<16xi1>
          tpu.vector_store %arg9[%swap3A_345], %add3A_344 masked %or3A_338 {strides = array<i32>} : memref<128xi32, #tpu.memory_space<vmem>>, vector<16xi32>, vector<16xi1>
          %swap3A_347 = arith.index_cast %add3A_314 : i32 to index
          %swap3A_348 = tpu.vector_load %arg10[%swap3A_347] masked %or3A_338 {strides = array<i32>} : memref<128xf32, #tpu.memory_space<vmem>>, vector<16xf32>, vector<16xi1>
          tpu.vector_store %arg10[%swap3A_347], %get3A_326 masked %or3A_338 {strides = array<i32>} : memref<128xf32, #tpu.memory_space<vmem>>, vector<16xf32>, vector<16xi1>
          %convert_element_type3A_349 = arith.extui %or3A_338 : vector<16xi1> to vector<16xi32>
          %reduce_sum3A_350 = arith.constant true
          %reduce_sum3A_351 = vector.broadcast %reduce_sum3A_350 : i1 to vector<16xi1>
          %reduce_sum3A_352 = tpu.scan <sum>, %convert_element_type3A_349 masked %reduce_sum3A_351 : vector<16xi32>, vector<16xi1> -> vector<16xi32>
          %reduce_sum3A_353 = vector.extract %reduce_sum3A_352[15] : i32 from vector<16xi32>
          %add3A_354 = arith.addi %add3A_314, %reduce_sum3A_353 : i32
          %convert_element_type3A_355 = arith.extui %eq3A_328 : vector<16xi1> to vector<16xi32>
          %reduce_sum3A_356 = arith.constant true
          %reduce_sum3A_357 = vector.broadcast %reduce_sum3A_356 : i1 to vector<16xi1>
          %reduce_sum3A_358 = tpu.scan <sum>, %convert_element_type3A_355 masked %reduce_sum3A_357 : vector<16xi32>, vector<16xi1> -> vector<16xi32>
          %reduce_sum3A_359 = vector.extract %reduce_sum3A_358[15] : i32 from vector<16xi32>
          %add3A_360 = arith.addi %add3A_320, %reduce_sum3A_359 : i32
          %mul3A_361 = arith.constant 80 : i32
          %mul3A_362 = arith.muli %scan3A_189, %mul3A_361 : i32
          %add3A_363 = arith.constant 64 : i32
          %add3A_364 = arith.addi %mul3A_362, %add3A_363 : i32
          %get3A_365 = arith.index_cast %add3A_364 : i32 to index
          %get3A_366 = tpu.vector_load %arg6[%get3A_365] {strides = array<i32>} : memref<20000xf32, #tpu.memory_space<vmem>>, vector<16xf32>,
          %gt3A_367 = arith.cmpf ogt, %get3A_366, %select_n3A : vector<16xf32>
          %eq3A_368 = arith.cmpf oeq, %get3A_366, %select_n3A : vector<16xf32>
          %convert_element_type3A_369 = arith.extui %eq3A_368 : vector<16xi1> to vector<16xi32>
          %cumsum3A_370 = arith.constant true
          %cumsum3A_371 = vector.broadcast %cumsum3A_370 : i1 to vector<16xi1>
          %cumsum3A_372 = tpu.scan <sum>, %convert_element_type3A_369 masked %cumsum3A_371 : vector<16xi32>, vector<16xi1> -> vector<16xi32>
          %add3A_373 = vector.broadcast %add3A_360 : i32 to vector<16xi32>
          %add3A_374 = arith.addi %add3A_373, %cumsum3A_372 : vector<16xi32>
          %le3A_375 = vector.broadcast %select_n3A_77 : i32 to vector<16xi32>
          %le3A_376 = arith.cmpi sle, %add3A_374, %le3A_375 : vector<16xi32>
          %and3A_377 = arith.andi %eq3A_368, %le3A_376 : vector<16xi1>
          %or3A_378 = arith.ori %gt3A_367, %and3A_377 : vector<16xi1>
          %mul3A_379 = arith.constant 80 : i32
          %mul3A_380 = arith.muli %scan3A_189, %mul3A_379 : i32
          %add3A_381 = arith.constant 64 : i32
          %add3A_382 = arith.addi %mul3A_380, %add3A_381 : i32
          %add3A_383 = vector.broadcast %add3A_382 : i32 to vector<16xi32>
          %add3A_384 = arith.addi %iota3A, %add3A_383 : vector<16xi32>
          %swap3A_385 = arith.index_cast %add3A_354 : i32 to index
          %swap3A_386 = tpu.vector_load %arg9[%swap3A_385] masked %or3A_378 {strides = array<i32>} : memref<128xi32, #tpu.memory_space<vmem>>, vector<16xi32>, vector<16xi1>
          tpu.vector_store %arg9[%swap3A_385], %add3A_384 masked %or3A_378 {strides = array<i32>} : memref<128xi32, #tpu.memory_space<vmem>>, vector<16xi32>, vector<16xi1>
          %swap3A_387 = arith.index_cast %add3A_354 : i32 to index
          %swap3A_388 = tpu.vector_load %arg10[%swap3A_387] masked %or3A_378 {strides = array<i32>} : memref<128xf32, #tpu.memory_space<vmem>>, vector<16xf32>, vector<16xi1>
          tpu.vector_store %arg10[%swap3A_387], %get3A_366 masked %or3A_378 {strides = array<i32>} : memref<128xf32, #tpu.memory_space<vmem>>, vector<16xf32>, vector<16xi1>
          %convert_element_type3A_389 = arith.extui %or3A_378 : vector<16xi1> to vector<16xi32>
          %reduce_sum3A_390 = arith.constant true
          %reduce_sum3A_391 = vector.broadcast %reduce_sum3A_390 : i1 to vector<16xi1>
          %reduce_sum3A_392 = tpu.scan <sum>, %convert_element_type3A_389 masked %reduce_sum3A_391 : vector<16xi32>, vector<16xi1> -> vector<16xi32>
          %reduce_sum3A_393 = vector.extract %reduce_sum3A_392[15] : i32 from vector<16xi32>
          %add3A_394 = arith.addi %add3A_354, %reduce_sum3A_393 : i32
          %convert_element_type3A_395 = arith.extui %eq3A_368 : vector<16xi1> to vector<16xi32>
          %reduce_sum3A_396 = arith.constant true
          %reduce_sum3A_397 = vector.broadcast %reduce_sum3A_396 : i1 to vector<16xi1>
          %reduce_sum3A_398 = tpu.scan <sum>, %convert_element_type3A_395 masked %reduce_sum3A_397 : vector<16xi32>, vector<16xi1> -> vector<16xi32>
          %reduce_sum3A_399 = vector.extract %reduce_sum3A_398[15] : i32 from vector<16xi32>
          %add3A_400 = arith.addi %add3A_360, %reduce_sum3A_399 : i32
          scf.yield %add3A_394, %add3A_400 : i32, i32
        } else {
          scf.yield %scan3A_190, %scan3A_191 : i32, i32
        }
        scf.yield %cond3A_203#0, %cond3A_203#1 : i32, i32
      }
      %scan3A_92 = arith.constant 250 : i32
      "tpu.region"() ({
        %run_scoped3A_189 = tpu.sem_alloc : memref<!tpu.dma_semaphore, #tpu.memory_space<semaphore_mem>>
        %dma_start3A_190 = arith.constant 0 : i32
        %dma_start3A_191 = tpu.memref_slice %arg4[%add3A_6, %dma_start3A_190] : memref<80x128xf32, #tpu.memory_space<hbm>> -> memref<1x128xf32, #tpu.memory_space<hbm>>
        %dma_start3A_192 = tpu.memref_squeeze %dma_start3A_191 : memref<1x128xf32, #tpu.memory_space<hbm>> -> memref<128xf32, #tpu.memory_space<hbm>>
        %dma_start3A_193 = arith.constant 0 : i32
        %dma_start3A_194 = tpu.memref_slice %arg4[%add3A_6, %dma_start3A_193] : memref<80x128xf32, #tpu.memory_space<hbm>> -> memref<1x128xf32, #tpu.memory_space<hbm>>
        %dma_start3A_195 = tpu.memref_squeeze %dma_start3A_194 : memref<1x128xf32, #tpu.memory_space<hbm>> -> memref<128xf32, #tpu.memory_space<hbm>>
        tpu.enqueue_dma source(%arg10 : memref<128xf32, #tpu.memory_space<vmem>>) target(%dma_start3A_195 : memref<128xf32, #tpu.memory_space<hbm>>) target_semaphore(%run_scoped3A_189 : memref<!tpu.dma_semaphore, #tpu.memory_space<semaphore_mem>>)
        %dma_wait3A_196 = arith.constant 0 : i32
        %dma_wait3A_197 = tpu.memref_slice %arg4[%add3A_6, %dma_wait3A_196] : memref<80x128xf32, #tpu.memory_space<hbm>> -> memref<1x128xf32, #tpu.memory_space<hbm>>
        %dma_wait3A_198 = tpu.memref_squeeze %dma_wait3A_197 : memref<1x128xf32, #tpu.memory_space<hbm>> -> memref<128xf32, #tpu.memory_space<hbm>>
        %dma_wait3A_199 = arith.constant 0 : i32
        %dma_wait3A_200 = tpu.memref_slice %arg4[%add3A_6, %dma_wait3A_199] : memref<80x128xf32, #tpu.memory_space<hbm>> -> memref<1x128xf32, #tpu.memory_space<hbm>>
        %dma_wait3A_201 = tpu.memref_squeeze %dma_wait3A_200 : memref<1x128xf32, #tpu.memory_space<hbm>> -> memref<128xf32, #tpu.memory_space<hbm>>
        tpu.wait_dma2 semaphore(%run_scoped3A_189 : memref<!tpu.dma_semaphore, #tpu.memory_space<semaphore_mem>>) src(%arg10 : memref<128xf32, #tpu.memory_space<vmem>>) dst(%dma_wait3A_201 : memref<128xf32, #tpu.memory_space<hbm>>)
        tpu.yield
      }) : () -> ()
      %jit3A_93 = arith.constant 20 : i32
      %div3A = arith.divsi %add3A_6, %jit3A_93 : i32
      %sign3A = arith.constant 0 : i32
      %sign3A_94 = arith.cmpi sgt, %add3A_6, %sign3A : i32
      %sign3A_95 = arith.extui %sign3A_94 : i1 to i32
      %sign3A_96 = arith.constant 0 : i32
      %sign3A_97 = arith.cmpi slt, %add3A_6, %sign3A_96 : i32
      %sign3A_98 = arith.extui %sign3A_97 : i1 to i32
      %sign3A_99 = arith.subi %sign3A_95, %sign3A_98 : i32
      %sign3A_100 = arith.constant 0 : i32
      %sign3A_101 = arith.cmpi sgt, %jit3A_93, %sign3A_100 : i32
      %sign3A_102 = arith.extui %sign3A_101 : i1 to i32
      %sign3A_103 = arith.constant 0 : i32
      %sign3A_104 = arith.cmpi slt, %jit3A_93, %sign3A_103 : i32
      %sign3A_105 = arith.extui %sign3A_104 : i1 to i32
      %sign3A_106 = arith.subi %sign3A_102, %sign3A_105 : i32
      %ne3A = arith.cmpi ne, %sign3A_99, %sign3A_106 : i32
      %rem3A = arith.remsi %add3A_6, %jit3A_93 : i32
      %ne3A_107 = arith.constant 0 : i32
      %ne3A_108 = arith.cmpi ne, %rem3A, %ne3A_107 : i32
      %and3A = arith.andi %ne3A, %ne3A_108 : i1
      %sub3A_109 = arith.constant 1 : i32
      %sub3A_110 = arith.subi %div3A, %sub3A_109 : i32
      %select_n3A_111 = arith.select %and3A, %sub3A_110, %div3A : i32
      %scan3A_112 = arith.constant 0 : i32
      %scan3A_113 = arith.constant 0 : i32
      %scan3A_114 = arith.constant 8 : i32
      %scan3A_115 = arith.addi %scan3A_113, %scan3A_114 : i32
      %scan3A_116 = arith.constant 1 : i32
      %scan3A_117 = scf.for %scan3A_189 = %scan3A_113 to %scan3A_115 step %scan3A_116 iter_args(%scan3A_190 = %scan3A_112) -> (i32)  : i32 {
        %mul3A_191 = arith.constant 16 : i32
        %mul3A_192 = arith.muli %scan3A_189, %mul3A_191 : i32
        %get3A = arith.index_cast %mul3A_192 : i32 to index
        %get3A_193 = tpu.vector_load %arg9[%get3A] {strides = array<i32>} : memref<128xi32, #tpu.memory_space<vmem>>, vector<16xi32>,
        %mul3A_194 = arith.constant 4 : i32
        %mul3A_195 = arith.muli %select_n3A_111, %mul3A_194 : i32
        %add3A_196 = arith.constant 0 : i32
        %add3A_197 = arith.addi %mul3A_195, %add3A_196 : i32
        %mul3A_198 = arith.constant 20000 : i32
        %mul3A_199 = arith.muli %add3A_197, %mul3A_198 : i32
        %add3A_200 = vector.broadcast %mul3A_199 : i32 to vector<16xi32>
        %add3A_201 = arith.addi %get3A_193, %add3A_200 : vector<16xi32>
        %mul3A_202 = arith.constant 16 : i32
        %mul3A_203 = arith.muli %scan3A_189, %mul3A_202 : i32
        %add3A_204 = arith.constant 0 : i32
        %add3A_205 = arith.addi %add3A_204, %mul3A_203 : i32
        %swap3A = arith.index_cast %add3A_205 : i32 to index
        %swap3A_206 = tpu.vector_load %arg11[%swap3A] {strides = array<i32>} : memref<512xi32, #tpu.memory_space<vmem>>, vector<16xi32>,
        tpu.vector_store %arg11[%swap3A], %add3A_201 {strides = array<i32>} : memref<512xi32, #tpu.memory_space<vmem>>, vector<16xi32>,
        %scan3A_207 = arith.constant 0 : i32
        scf.yield %scan3A_207 : i32
      }
      %scan3A_118 = arith.constant 8 : i32
      %scan3A_119 = arith.constant 0 : i32
      %scan3A_120 = arith.constant 0 : i32
      %scan3A_121 = arith.constant 8 : i32
      %scan3A_122 = arith.addi %scan3A_120, %scan3A_121 : i32
      %scan3A_123 = arith.constant 1 : i32
      %scan3A_124 = scf.for %scan3A_189 = %scan3A_120 to %scan3A_122 step %scan3A_123 iter_args(%scan3A_190 = %scan3A_119) -> (i32)  : i32 {
        %mul3A_191 = arith.constant 16 : i32
        %mul3A_192 = arith.muli %scan3A_189, %mul3A_191 : i32
        %get3A = arith.index_cast %mul3A_192 : i32 to index
        %get3A_193 = tpu.vector_load %arg9[%get3A] {strides = array<i32>} : memref<128xi32, #tpu.memory_space<vmem>>, vector<16xi32>,
        %mul3A_194 = arith.constant 4 : i32
        %mul3A_195 = arith.muli %select_n3A_111, %mul3A_194 : i32
        %add3A_196 = arith.constant 1 : i32
        %add3A_197 = arith.addi %mul3A_195, %add3A_196 : i32
        %mul3A_198 = arith.constant 20000 : i32
        %mul3A_199 = arith.muli %add3A_197, %mul3A_198 : i32
        %add3A_200 = vector.broadcast %mul3A_199 : i32 to vector<16xi32>
        %add3A_201 = arith.addi %get3A_193, %add3A_200 : vector<16xi32>
        %mul3A_202 = arith.constant 16 : i32
        %mul3A_203 = arith.muli %scan3A_189, %mul3A_202 : i32
        %add3A_204 = arith.constant 128 : i32
        %add3A_205 = arith.addi %add3A_204, %mul3A_203 : i32
        %swap3A = arith.index_cast %add3A_205 : i32 to index
        %swap3A_206 = tpu.vector_load %arg11[%swap3A] {strides = array<i32>} : memref<512xi32, #tpu.memory_space<vmem>>, vector<16xi32>,
        tpu.vector_store %arg11[%swap3A], %add3A_201 {strides = array<i32>} : memref<512xi32, #tpu.memory_space<vmem>>, vector<16xi32>,
        %scan3A_207 = arith.constant 0 : i32
        scf.yield %scan3A_207 : i32
      }
      %scan3A_125 = arith.constant 8 : i32
      %scan3A_126 = arith.constant 0 : i32
      %scan3A_127 = arith.constant 0 : i32
      %scan3A_128 = arith.constant 8 : i32
      %scan3A_129 = arith.addi %scan3A_127, %scan3A_128 : i32
      %scan3A_130 = arith.constant 1 : i32
      %scan3A_131 = scf.for %scan3A_189 = %scan3A_127 to %scan3A_129 step %scan3A_130 iter_args(%scan3A_190 = %scan3A_126) -> (i32)  : i32 {
        %mul3A_191 = arith.constant 16 : i32
        %mul3A_192 = arith.muli %scan3A_189, %mul3A_191 : i32
        %get3A = arith.index_cast %mul3A_192 : i32 to index
        %get3A_193 = tpu.vector_load %arg9[%get3A] {strides = array<i32>} : memref<128xi32, #tpu.memory_space<vmem>>, vector<16xi32>,
        %mul3A_194 = arith.constant 4 : i32
        %mul3A_195 = arith.muli %select_n3A_111, %mul3A_194 : i32
        %add3A_196 = arith.constant 2 : i32
        %add3A_197 = arith.addi %mul3A_195, %add3A_196 : i32
        %mul3A_198 = arith.constant 20000 : i32
        %mul3A_199 = arith.muli %add3A_197, %mul3A_198 : i32
        %add3A_200 = vector.broadcast %mul3A_199 : i32 to vector<16xi32>
        %add3A_201 = arith.addi %get3A_193, %add3A_200 : vector<16xi32>
        %mul3A_202 = arith.constant 16 : i32
        %mul3A_203 = arith.muli %scan3A_189, %mul3A_202 : i32
        %add3A_204 = arith.constant 256 : i32
        %add3A_205 = arith.addi %add3A_204, %mul3A_203 : i32
        %swap3A = arith.index_cast %add3A_205 : i32 to index
        %swap3A_206 = tpu.vector_load %arg11[%swap3A] {strides = array<i32>} : memref<512xi32, #tpu.memory_space<vmem>>, vector<16xi32>,
        tpu.vector_store %arg11[%swap3A], %add3A_201 {strides = array<i32>} : memref<512xi32, #tpu.memory_space<vmem>>, vector<16xi32>,
        %scan3A_207 = arith.constant 0 : i32
        scf.yield %scan3A_207 : i32
      }
      %scan3A_132 = arith.constant 8 : i32
      %scan3A_133 = arith.constant 0 : i32
      %scan3A_134 = arith.constant 0 : i32
      %scan3A_135 = arith.constant 8 : i32
      %scan3A_136 = arith.addi %scan3A_134, %scan3A_135 : i32
      %scan3A_137 = arith.constant 1 : i32
      %scan3A_138 = scf.for %scan3A_189 = %scan3A_134 to %scan3A_136 step %scan3A_137 iter_args(%scan3A_190 = %scan3A_133) -> (i32)  : i32 {
        %mul3A_191 = arith.constant 16 : i32
        %mul3A_192 = arith.muli %scan3A_189, %mul3A_191 : i32
        %get3A = arith.index_cast %mul3A_192 : i32 to index
        %get3A_193 = tpu.vector_load %arg9[%get3A] {strides = array<i32>} : memref<128xi32, #tpu.memory_space<vmem>>, vector<16xi32>,
        %mul3A_194 = arith.constant 4 : i32
        %mul3A_195 = arith.muli %select_n3A_111, %mul3A_194 : i32
        %add3A_196 = arith.constant 3 : i32
        %add3A_197 = arith.addi %mul3A_195, %add3A_196 : i32
        %mul3A_198 = arith.constant 20000 : i32
        %mul3A_199 = arith.muli %add3A_197, %mul3A_198 : i32
        %add3A_200 = vector.broadcast %mul3A_199 : i32 to vector<16xi32>
        %add3A_201 = arith.addi %get3A_193, %add3A_200 : vector<16xi32>
        %mul3A_202 = arith.constant 16 : i32
        %mul3A_203 = arith.muli %scan3A_189, %mul3A_202 : i32
        %add3A_204 = arith.constant 384 : i32
        %add3A_205 = arith.addi %add3A_204, %mul3A_203 : i32
        %swap3A = arith.index_cast %add3A_205 : i32 to index
        %swap3A_206 = tpu.vector_load %arg11[%swap3A] {strides = array<i32>} : memref<512xi32, #tpu.memory_space<vmem>>, vector<16xi32>,
        tpu.vector_store %arg11[%swap3A], %add3A_201 {strides = array<i32>} : memref<512xi32, #tpu.memory_space<vmem>>, vector<16xi32>,
        %scan3A_207 = arith.constant 0 : i32
        scf.yield %scan3A_207 : i32
      }
      %scan3A_139 = arith.constant 8 : i32
      %dma_start3A = arith.constant 0 : i32
      %dma_start3A_140 = tpu.memref_slice %arg12[%dma_start3A] : memref<512xf32, #tpu.memory_space<vmem>> -> memref<128xf32, #tpu.memory_space<vmem>>
      %dma_start3A_141 = arith.constant 0 : i32
      %dma_start3A_142 = tpu.memref_slice %arg11[%dma_start3A_141] : memref<512xi32, #tpu.memory_space<vmem>> -> memref<128xi32, #tpu.memory_space<vmem>>
      %dma_start3A_143 = arith.constant 0 : i32
      %dma_start3A_144 = tpu.memref_slice %arg3[%dma_start3A_143] : memref<320000xf32, #tpu.memory_space<hbm>> -> memref<320000xf32, #tpu.memory_space<hbm>>
      tpu.enqueue_indirect_dma source(%dma_start3A_144 : memref<320000xf32, #tpu.memory_space<hbm>>) target(%dma_start3A_140 : memref<128xf32, #tpu.memory_space<vmem>>) offsets(%dma_start3A_142 : memref<128xi32, #tpu.memory_space<vmem>>) semaphore(%arg14 : memref<!tpu.dma_semaphore, #tpu.memory_space<semaphore_mem>>)
      %dma_start3A_145 = arith.constant 128 : i32
      %dma_start3A_146 = tpu.memref_slice %arg12[%dma_start3A_145] : memref<512xf32, #tpu.memory_space<vmem>> -> memref<128xf32, #tpu.memory_space<vmem>>
      %dma_start3A_147 = arith.constant 128 : i32
      %dma_start3A_148 = tpu.memref_slice %arg11[%dma_start3A_147] : memref<512xi32, #tpu.memory_space<vmem>> -> memref<128xi32, #tpu.memory_space<vmem>>
      %dma_start3A_149 = arith.constant 0 : i32
      %dma_start3A_150 = tpu.memref_slice %arg3[%dma_start3A_149] : memref<320000xf32, #tpu.memory_space<hbm>> -> memref<320000xf32, #tpu.memory_space<hbm>>
      tpu.enqueue_indirect_dma source(%dma_start3A_150 : memref<320000xf32, #tpu.memory_space<hbm>>) target(%dma_start3A_146 : memref<128xf32, #tpu.memory_space<vmem>>) offsets(%dma_start3A_148 : memref<128xi32, #tpu.memory_space<vmem>>) semaphore(%arg14 : memref<!tpu.dma_semaphore, #tpu.memory_space<semaphore_mem>>)
      %dma_start3A_151 = arith.constant 256 : i32
      %dma_start3A_152 = tpu.memref_slice %arg12[%dma_start3A_151] : memref<512xf32, #tpu.memory_space<vmem>> -> memref<128xf32, #tpu.memory_space<vmem>>
      %dma_start3A_153 = arith.constant 256 : i32
      %dma_start3A_154 = tpu.memref_slice %arg11[%dma_start3A_153] : memref<512xi32, #tpu.memory_space<vmem>> -> memref<128xi32, #tpu.memory_space<vmem>>
      %dma_start3A_155 = arith.constant 0 : i32
      %dma_start3A_156 = tpu.memref_slice %arg3[%dma_start3A_155] : memref<320000xf32, #tpu.memory_space<hbm>> -> memref<320000xf32, #tpu.memory_space<hbm>>
      tpu.enqueue_indirect_dma source(%dma_start3A_156 : memref<320000xf32, #tpu.memory_space<hbm>>) target(%dma_start3A_152 : memref<128xf32, #tpu.memory_space<vmem>>) offsets(%dma_start3A_154 : memref<128xi32, #tpu.memory_space<vmem>>) semaphore(%arg14 : memref<!tpu.dma_semaphore, #tpu.memory_space<semaphore_mem>>)
      %dma_start3A_157 = arith.constant 384 : i32
      %dma_start3A_158 = tpu.memref_slice %arg12[%dma_start3A_157] : memref<512xf32, #tpu.memory_space<vmem>> -> memref<128xf32, #tpu.memory_space<vmem>>
      %dma_start3A_159 = arith.constant 384 : i32
      %dma_start3A_160 = tpu.memref_slice %arg11[%dma_start3A_159] : memref<512xi32, #tpu.memory_space<vmem>> -> memref<128xi32, #tpu.memory_space<vmem>>
      %dma_start3A_161 = arith.constant 0 : i32
      %dma_start3A_162 = tpu.memref_slice %arg3[%dma_start3A_161] : memref<320000xf32, #tpu.memory_space<hbm>> -> memref<320000xf32, #tpu.memory_space<hbm>>
      tpu.enqueue_indirect_dma source(%dma_start3A_162 : memref<320000xf32, #tpu.memory_space<hbm>>) target(%dma_start3A_158 : memref<128xf32, #tpu.memory_space<vmem>>) offsets(%dma_start3A_160 : memref<128xi32, #tpu.memory_space<vmem>>) semaphore(%arg14 : memref<!tpu.dma_semaphore, #tpu.memory_space<semaphore_mem>>)
      %dma_wait3A = arith.constant 0 : i32
      %dma_wait3A_163 = tpu.memref_slice %arg12[%dma_wait3A] : memref<512xf32, #tpu.memory_space<vmem>> -> memref<128xf32, #tpu.memory_space<vmem>>
      %dma_wait3A_164 = arith.constant 0 : i32
      %dma_wait3A_165 = tpu.memref_slice %arg11[%dma_wait3A_164] : memref<512xi32, #tpu.memory_space<vmem>> -> memref<128xi32, #tpu.memory_space<vmem>>
      %dma_wait3A_166 = arith.constant 0 : i32
      %dma_wait3A_167 = tpu.memref_slice %arg3[%dma_wait3A_166] : memref<320000xf32, #tpu.memory_space<hbm>> -> memref<320000xf32, #tpu.memory_space<hbm>>
      tpu.wait_indirect_dma semaphore(%arg14 : memref<!tpu.dma_semaphore, #tpu.memory_space<semaphore_mem>>) src(%dma_wait3A_167 : memref<320000xf32, #tpu.memory_space<hbm>>) dst(%dma_wait3A_163 : memref<128xf32, #tpu.memory_space<vmem>>)
      %dma_wait3A_168 = arith.constant 128 : i32
      %dma_wait3A_169 = tpu.memref_slice %arg12[%dma_wait3A_168] : memref<512xf32, #tpu.memory_space<vmem>> -> memref<128xf32, #tpu.memory_space<vmem>>
      %dma_wait3A_170 = arith.constant 128 : i32
      %dma_wait3A_171 = tpu.memref_slice %arg11[%dma_wait3A_170] : memref<512xi32, #tpu.memory_space<vmem>> -> memref<128xi32, #tpu.memory_space<vmem>>
      %dma_wait3A_172 = arith.constant 0 : i32
      %dma_wait3A_173 = tpu.memref_slice %arg3[%dma_wait3A_172] : memref<320000xf32, #tpu.memory_space<hbm>> -> memref<320000xf32, #tpu.memory_space<hbm>>
      tpu.wait_indirect_dma semaphore(%arg14 : memref<!tpu.dma_semaphore, #tpu.memory_space<semaphore_mem>>) src(%dma_wait3A_173 : memref<320000xf32, #tpu.memory_space<hbm>>) dst(%dma_wait3A_169 : memref<128xf32, #tpu.memory_space<vmem>>)
      %dma_wait3A_174 = arith.constant 256 : i32
      %dma_wait3A_175 = tpu.memref_slice %arg12[%dma_wait3A_174] : memref<512xf32, #tpu.memory_space<vmem>> -> memref<128xf32, #tpu.memory_space<vmem>>
      %dma_wait3A_176 = arith.constant 256 : i32
      %dma_wait3A_177 = tpu.memref_slice %arg11[%dma_wait3A_176] : memref<512xi32, #tpu.memory_space<vmem>> -> memref<128xi32, #tpu.memory_space<vmem>>
      %dma_wait3A_178 = arith.constant 0 : i32
      %dma_wait3A_179 = tpu.memref_slice %arg3[%dma_wait3A_178] : memref<320000xf32, #tpu.memory_space<hbm>> -> memref<320000xf32, #tpu.memory_space<hbm>>
      tpu.wait_indirect_dma semaphore(%arg14 : memref<!tpu.dma_semaphore, #tpu.memory_space<semaphore_mem>>) src(%dma_wait3A_179 : memref<320000xf32, #tpu.memory_space<hbm>>) dst(%dma_wait3A_175 : memref<128xf32, #tpu.memory_space<vmem>>)
      %dma_wait3A_180 = arith.constant 384 : i32
      %dma_wait3A_181 = tpu.memref_slice %arg12[%dma_wait3A_180] : memref<512xf32, #tpu.memory_space<vmem>> -> memref<128xf32, #tpu.memory_space<vmem>>
      %dma_wait3A_182 = arith.constant 384 : i32
      %dma_wait3A_183 = tpu.memref_slice %arg11[%dma_wait3A_182] : memref<512xi32, #tpu.memory_space<vmem>> -> memref<128xi32, #tpu.memory_space<vmem>>
      %dma_wait3A_184 = arith.constant 0 : i32
      %dma_wait3A_185 = tpu.memref_slice %arg3[%dma_wait3A_184] : memref<320000xf32, #tpu.memory_space<hbm>> -> memref<320000xf32, #tpu.memory_space<hbm>>
      tpu.wait_indirect_dma semaphore(%arg14 : memref<!tpu.dma_semaphore, #tpu.memory_space<semaphore_mem>>) src(%dma_wait3A_185 : memref<320000xf32, #tpu.memory_space<hbm>>) dst(%dma_wait3A_181 : memref<128xf32, #tpu.memory_space<vmem>>)
      %run_scoped3A = arith.constant 0 : i32
      "tpu.region"() ({
        %run_scoped3A_189 = tpu.sem_alloc : memref<!tpu.dma_semaphore, #tpu.memory_space<semaphore_mem>>
        %dma_start3A_190 = arith.constant 0 : i32
        %dma_start3A_191 = tpu.memref_slice %arg12[%dma_start3A_190] : memref<512xf32, #tpu.memory_space<vmem>> -> memref<128xf32, #tpu.memory_space<vmem>>
        %dma_start3A_192 = arith.constant 0 : i32
        %dma_start3A_193 = tpu.memref_slice %arg5[%add3A_6, %run_scoped3A, %dma_start3A_192] : memref<80x4x128xf32, #tpu.memory_space<hbm>> -> memref<1x1x128xf32, #tpu.memory_space<hbm>>
        %dma_start3A_194 = tpu.memref_squeeze %dma_start3A_193 : memref<1x1x128xf32, #tpu.memory_space<hbm>> -> memref<128xf32, #tpu.memory_space<hbm>>
        %dma_start3A_195 = arith.constant 0 : i32
        %dma_start3A_196 = tpu.memref_slice %arg5[%add3A_6, %run_scoped3A, %dma_start3A_195] : memref<80x4x128xf32, #tpu.memory_space<hbm>> -> memref<1x1x128xf32, #tpu.memory_space<hbm>>
        %dma_start3A_197 = tpu.memref_squeeze %dma_start3A_196 : memref<1x1x128xf32, #tpu.memory_space<hbm>> -> memref<128xf32, #tpu.memory_space<hbm>>
        %dma_start3A_198 = arith.constant 0 : i32
        %dma_start3A_199 = tpu.memref_slice %arg12[%dma_start3A_198] : memref<512xf32, #tpu.memory_space<vmem>> -> memref<128xf32, #tpu.memory_space<vmem>>
        tpu.enqueue_dma source(%dma_start3A_199 : memref<128xf32, #tpu.memory_space<vmem>>) target(%dma_start3A_197 : memref<128xf32, #tpu.memory_space<hbm>>) target_semaphore(%run_scoped3A_189 : memref<!tpu.dma_semaphore, #tpu.memory_space<semaphore_mem>>)
        %dma_wait3A_200 = arith.constant 0 : i32
        %dma_wait3A_201 = tpu.memref_slice %arg12[%dma_wait3A_200] : memref<512xf32, #tpu.memory_space<vmem>> -> memref<128xf32, #tpu.memory_space<vmem>>
        %dma_wait3A_202 = arith.constant 0 : i32
        %dma_wait3A_203 = tpu.memref_slice %arg5[%add3A_6, %run_scoped3A, %dma_wait3A_202] : memref<80x4x128xf32, #tpu.memory_space<hbm>> -> memref<1x1x128xf32, #tpu.memory_space<hbm>>
        %dma_wait3A_204 = tpu.memref_squeeze %dma_wait3A_203 : memref<1x1x128xf32, #tpu.memory_space<hbm>> -> memref<128xf32, #tpu.memory_space<hbm>>
        %dma_wait3A_205 = arith.constant 0 : i32
        %dma_wait3A_206 = tpu.memref_slice %arg5[%add3A_6, %run_scoped3A, %dma_wait3A_205] : memref<80x4x128xf32, #tpu.memory_space<hbm>> -> memref<1x1x128xf32, #tpu.memory_space<hbm>>
        %dma_wait3A_207 = tpu.memref_squeeze %dma_wait3A_206 : memref<1x1x128xf32, #tpu.memory_space<hbm>> -> memref<128xf32, #tpu.memory_space<hbm>>
        %dma_wait3A_208 = arith.constant 0 : i32
        %dma_wait3A_209 = tpu.memref_slice %arg12[%dma_wait3A_208] : memref<512xf32, #tpu.memory_space<vmem>> -> memref<128xf32, #tpu.memory_space<vmem>>
        tpu.wait_dma2 semaphore(%run_scoped3A_189 : memref<!tpu.dma_semaphore, #tpu.memory_space<semaphore_mem>>) src(%dma_wait3A_209 : memref<128xf32, #tpu.memory_space<vmem>>) dst(%dma_wait3A_207 : memref<128xf32, #tpu.memory_space<hbm>>)
        tpu.yield
      }) : () -> ()
      %run_scoped3A_186 = arith.constant 1 : i32
      "tpu.region"() ({
        %run_scoped3A_189 = tpu.sem_alloc : memref<!tpu.dma_semaphore, #tpu.memory_space<semaphore_mem>>
        %dma_start3A_190 = arith.constant 128 : i32
        %dma_start3A_191 = tpu.memref_slice %arg12[%dma_start3A_190] : memref<512xf32, #tpu.memory_space<vmem>> -> memref<128xf32, #tpu.memory_space<vmem>>
        %dma_start3A_192 = arith.constant 0 : i32
        %dma_start3A_193 = tpu.memref_slice %arg5[%add3A_6, %run_scoped3A_186, %dma_start3A_192] : memref<80x4x128xf32, #tpu.memory_space<hbm>> -> memref<1x1x128xf32, #tpu.memory_space<hbm>>
        %dma_start3A_194 = tpu.memref_squeeze %dma_start3A_193 : memref<1x1x128xf32, #tpu.memory_space<hbm>> -> memref<128xf32, #tpu.memory_space<hbm>>
        %dma_start3A_195 = arith.constant 0 : i32
        %dma_start3A_196 = tpu.memref_slice %arg5[%add3A_6, %run_scoped3A_186, %dma_start3A_195] : memref<80x4x128xf32, #tpu.memory_space<hbm>> -> memref<1x1x128xf32, #tpu.memory_space<hbm>>
        %dma_start3A_197 = tpu.memref_squeeze %dma_start3A_196 : memref<1x1x128xf32, #tpu.memory_space<hbm>> -> memref<128xf32, #tpu.memory_space<hbm>>
        %dma_start3A_198 = arith.constant 128 : i32
        %dma_start3A_199 = tpu.memref_slice %arg12[%dma_start3A_198] : memref<512xf32, #tpu.memory_space<vmem>> -> memref<128xf32, #tpu.memory_space<vmem>>
        tpu.enqueue_dma source(%dma_start3A_199 : memref<128xf32, #tpu.memory_space<vmem>>) target(%dma_start3A_197 : memref<128xf32, #tpu.memory_space<hbm>>) target_semaphore(%run_scoped3A_189 : memref<!tpu.dma_semaphore, #tpu.memory_space<semaphore_mem>>)
        %dma_wait3A_200 = arith.constant 128 : i32
        %dma_wait3A_201 = tpu.memref_slice %arg12[%dma_wait3A_200] : memref<512xf32, #tpu.memory_space<vmem>> -> memref<128xf32, #tpu.memory_space<vmem>>
        %dma_wait3A_202 = arith.constant 0 : i32
        %dma_wait3A_203 = tpu.memref_slice %arg5[%add3A_6, %run_scoped3A_186, %dma_wait3A_202] : memref<80x4x128xf32, #tpu.memory_space<hbm>> -> memref<1x1x128xf32, #tpu.memory_space<hbm>>
        %dma_wait3A_204 = tpu.memref_squeeze %dma_wait3A_203 : memref<1x1x128xf32, #tpu.memory_space<hbm>> -> memref<128xf32, #tpu.memory_space<hbm>>
        %dma_wait3A_205 = arith.constant 0 : i32
        %dma_wait3A_206 = tpu.memref_slice %arg5[%add3A_6, %run_scoped3A_186, %dma_wait3A_205] : memref<80x4x128xf32, #tpu.memory_space<hbm>> -> memref<1x1x128xf32, #tpu.memory_space<hbm>>
        %dma_wait3A_207 = tpu.memref_squeeze %dma_wait3A_206 : memref<1x1x128xf32, #tpu.memory_space<hbm>> -> memref<128xf32, #tpu.memory_space<hbm>>
        %dma_wait3A_208 = arith.constant 128 : i32
        %dma_wait3A_209 = tpu.memref_slice %arg12[%dma_wait3A_208] : memref<512xf32, #tpu.memory_space<vmem>> -> memref<128xf32, #tpu.memory_space<vmem>>
        tpu.wait_dma2 semaphore(%run_scoped3A_189 : memref<!tpu.dma_semaphore, #tpu.memory_space<semaphore_mem>>) src(%dma_wait3A_209 : memref<128xf32, #tpu.memory_space<vmem>>) dst(%dma_wait3A_207 : memref<128xf32, #tpu.memory_space<hbm>>)
        tpu.yield
      }) : () -> ()
      %run_scoped3A_187 = arith.constant 2 : i32
      "tpu.region"() ({
        %run_scoped3A_189 = tpu.sem_alloc : memref<!tpu.dma_semaphore, #tpu.memory_space<semaphore_mem>>
        %dma_start3A_190 = arith.constant 256 : i32
        %dma_start3A_191 = tpu.memref_slice %arg12[%dma_start3A_190] : memref<512xf32, #tpu.memory_space<vmem>> -> memref<128xf32, #tpu.memory_space<vmem>>
        %dma_start3A_192 = arith.constant 0 : i32
        %dma_start3A_193 = tpu.memref_slice %arg5[%add3A_6, %run_scoped3A_187, %dma_start3A_192] : memref<80x4x128xf32, #tpu.memory_space<hbm>> -> memref<1x1x128xf32, #tpu.memory_space<hbm>>
        %dma_start3A_194 = tpu.memref_squeeze %dma_start3A_193 : memref<1x1x128xf32, #tpu.memory_space<hbm>> -> memref<128xf32, #tpu.memory_space<hbm>>
        %dma_start3A_195 = arith.constant 0 : i32
        %dma_start3A_196 = tpu.memref_slice %arg5[%add3A_6, %run_scoped3A_187, %dma_start3A_195] : memref<80x4x128xf32, #tpu.memory_space<hbm>> -> memref<1x1x128xf32, #tpu.memory_space<hbm>>
        %dma_start3A_197 = tpu.memref_squeeze %dma_start3A_196 : memref<1x1x128xf32, #tpu.memory_space<hbm>> -> memref<128xf32, #tpu.memory_space<hbm>>
        %dma_start3A_198 = arith.constant 256 : i32
        %dma_start3A_199 = tpu.memref_slice %arg12[%dma_start3A_198] : memref<512xf32, #tpu.memory_space<vmem>> -> memref<128xf32, #tpu.memory_space<vmem>>
        tpu.enqueue_dma source(%dma_start3A_199 : memref<128xf32, #tpu.memory_space<vmem>>) target(%dma_start3A_197 : memref<128xf32, #tpu.memory_space<hbm>>) target_semaphore(%run_scoped3A_189 : memref<!tpu.dma_semaphore, #tpu.memory_space<semaphore_mem>>)
        %dma_wait3A_200 = arith.constant 256 : i32
        %dma_wait3A_201 = tpu.memref_slice %arg12[%dma_wait3A_200] : memref<512xf32, #tpu.memory_space<vmem>> -> memref<128xf32, #tpu.memory_space<vmem>>
        %dma_wait3A_202 = arith.constant 0 : i32
        %dma_wait3A_203 = tpu.memref_slice %arg5[%add3A_6, %run_scoped3A_187, %dma_wait3A_202] : memref<80x4x128xf32, #tpu.memory_space<hbm>> -> memref<1x1x128xf32, #tpu.memory_space<hbm>>
        %dma_wait3A_204 = tpu.memref_squeeze %dma_wait3A_203 : memref<1x1x128xf32, #tpu.memory_space<hbm>> -> memref<128xf32, #tpu.memory_space<hbm>>
        %dma_wait3A_205 = arith.constant 0 : i32
        %dma_wait3A_206 = tpu.memref_slice %arg5[%add3A_6, %run_scoped3A_187, %dma_wait3A_205] : memref<80x4x128xf32, #tpu.memory_space<hbm>> -> memref<1x1x128xf32, #tpu.memory_space<hbm>>
        %dma_wait3A_207 = tpu.memref_squeeze %dma_wait3A_206 : memref<1x1x128xf32, #tpu.memory_space<hbm>> -> memref<128xf32, #tpu.memory_space<hbm>>
        %dma_wait3A_208 = arith.constant 256 : i32
        %dma_wait3A_209 = tpu.memref_slice %arg12[%dma_wait3A_208] : memref<512xf32, #tpu.memory_space<vmem>> -> memref<128xf32, #tpu.memory_space<vmem>>
        tpu.wait_dma2 semaphore(%run_scoped3A_189 : memref<!tpu.dma_semaphore, #tpu.memory_space<semaphore_mem>>) src(%dma_wait3A_209 : memref<128xf32, #tpu.memory_space<vmem>>) dst(%dma_wait3A_207 : memref<128xf32, #tpu.memory_space<hbm>>)
        tpu.yield
      }) : () -> ()
      %run_scoped3A_188 = arith.constant 3 : i32
      "tpu.region"() ({
        %run_scoped3A_189 = tpu.sem_alloc : memref<!tpu.dma_semaphore, #tpu.memory_space<semaphore_mem>>
        %dma_start3A_190 = arith.constant 384 : i32
        %dma_start3A_191 = tpu.memref_slice %arg12[%dma_start3A_190] : memref<512xf32, #tpu.memory_space<vmem>> -> memref<128xf32, #tpu.memory_space<vmem>>
        %dma_start3A_192 = arith.constant 0 : i32
        %dma_start3A_193 = tpu.memref_slice %arg5[%add3A_6, %run_scoped3A_188, %dma_start3A_192] : memref<80x4x128xf32, #tpu.memory_space<hbm>> -> memref<1x1x128xf32, #tpu.memory_space<hbm>>
        %dma_start3A_194 = tpu.memref_squeeze %dma_start3A_193 : memref<1x1x128xf32, #tpu.memory_space<hbm>> -> memref<128xf32, #tpu.memory_space<hbm>>
        %dma_start3A_195 = arith.constant 0 : i32
        %dma_start3A_196 = tpu.memref_slice %arg5[%add3A_6, %run_scoped3A_188, %dma_start3A_195] : memref<80x4x128xf32, #tpu.memory_space<hbm>> -> memref<1x1x128xf32, #tpu.memory_space<hbm>>
        %dma_start3A_197 = tpu.memref_squeeze %dma_start3A_196 : memref<1x1x128xf32, #tpu.memory_space<hbm>> -> memref<128xf32, #tpu.memory_space<hbm>>
        %dma_start3A_198 = arith.constant 384 : i32
        %dma_start3A_199 = tpu.memref_slice %arg12[%dma_start3A_198] : memref<512xf32, #tpu.memory_space<vmem>> -> memref<128xf32, #tpu.memory_space<vmem>>
        tpu.enqueue_dma source(%dma_start3A_199 : memref<128xf32, #tpu.memory_space<vmem>>) target(%dma_start3A_197 : memref<128xf32, #tpu.memory_space<hbm>>) target_semaphore(%run_scoped3A_189 : memref<!tpu.dma_semaphore, #tpu.memory_space<semaphore_mem>>)
        %dma_wait3A_200 = arith.constant 384 : i32
        %dma_wait3A_201 = tpu.memref_slice %arg12[%dma_wait3A_200] : memref<512xf32, #tpu.memory_space<vmem>> -> memref<128xf32, #tpu.memory_space<vmem>>
        %dma_wait3A_202 = arith.constant 0 : i32
        %dma_wait3A_203 = tpu.memref_slice %arg5[%add3A_6, %run_scoped3A_188, %dma_wait3A_202] : memref<80x4x128xf32, #tpu.memory_space<hbm>> -> memref<1x1x128xf32, #tpu.memory_space<hbm>>
        %dma_wait3A_204 = tpu.memref_squeeze %dma_wait3A_203 : memref<1x1x128xf32, #tpu.memory_space<hbm>> -> memref<128xf32, #tpu.memory_space<hbm>>
        %dma_wait3A_205 = arith.constant 0 : i32
        %dma_wait3A_206 = tpu.memref_slice %arg5[%add3A_6, %run_scoped3A_188, %dma_wait3A_205] : memref<80x4x128xf32, #tpu.memory_space<hbm>> -> memref<1x1x128xf32, #tpu.memory_space<hbm>>
        %dma_wait3A_207 = tpu.memref_squeeze %dma_wait3A_206 : memref<1x1x128xf32, #tpu.memory_space<hbm>> -> memref<128xf32, #tpu.memory_space<hbm>>
        %dma_wait3A_208 = arith.constant 384 : i32
        %dma_wait3A_209 = tpu.memref_slice %arg12[%dma_wait3A_208] : memref<512xf32, #tpu.memory_space<vmem>> -> memref<128xf32, #tpu.memory_space<vmem>>
        tpu.wait_dma2 semaphore(%run_scoped3A_189 : memref<!tpu.dma_semaphore, #tpu.memory_space<semaphore_mem>>) src(%dma_wait3A_209 : memref<128xf32, #tpu.memory_space<vmem>>) dst(%dma_wait3A_207 : memref<128xf32, #tpu.memory_space<hbm>>)
        tpu.yield
      }) : () -> ()
    } else {
    }
    %add3A_12 = arith.constant 64 : i32
    %add3A_13 = arith.addi %add3A, %add3A_12 : i32
    %lt3A_14 = arith.constant 80 : i32
    %lt3A_15 = arith.cmpi slt, %add3A_13, %lt3A_14 : i32
    %convert_element_type3A_16 = arith.extui %lt3A_15 : i1 to i32
    %cond3A_17 = arith.constant 0 : i32
    %cond3A_18 = arith.cmpi ne, %convert_element_type3A_16, %cond3A_17 : i32
    scf.if %cond3A_18 {
      %iota3A = tpu.iota {dimensions = array<i32: 0>} : vector<16xi32>
      "tpu.region"() ({
        %run_scoped3A_189 = tpu.sem_alloc : memref<!tpu.dma_semaphore, #tpu.memory_space<semaphore_mem>>
        %dma_start3A_190 = arith.constant 0 : i32
        %dma_start3A_191 = tpu.memref_slice %arg2[%add3A_13, %dma_start3A_190] : memref<80x20000xf32, #tpu.memory_space<hbm>> -> memref<1x20000xf32, #tpu.memory_space<hbm>>
        %dma_start3A_192 = tpu.memref_squeeze %dma_start3A_191 : memref<1x20000xf32, #tpu.memory_space<hbm>> -> memref<20000xf32, #tpu.memory_space<hbm>>
        %dma_start3A_193 = arith.constant 0 : i32
        %dma_start3A_194 = tpu.memref_slice %arg2[%add3A_13, %dma_start3A_193] : memref<80x20000xf32, #tpu.memory_space<hbm>> -> memref<1x20000xf32, #tpu.memory_space<hbm>>
        %dma_start3A_195 = tpu.memref_squeeze %dma_start3A_194 : memref<1x20000xf32, #tpu.memory_space<hbm>> -> memref<20000xf32, #tpu.memory_space<hbm>>
        tpu.enqueue_dma source(%dma_start3A_195 : memref<20000xf32, #tpu.memory_space<hbm>>) target(%arg6 : memref<20000xf32, #tpu.memory_space<vmem>>) target_semaphore(%run_scoped3A_189 : memref<!tpu.dma_semaphore, #tpu.memory_space<semaphore_mem>>)
        %dma_wait3A_196 = arith.constant 0 : i32
        %dma_wait3A_197 = tpu.memref_slice %arg2[%add3A_13, %dma_wait3A_196] : memref<80x20000xf32, #tpu.memory_space<hbm>> -> memref<1x20000xf32, #tpu.memory_space<hbm>>
        %dma_wait3A_198 = tpu.memref_squeeze %dma_wait3A_197 : memref<1x20000xf32, #tpu.memory_space<hbm>> -> memref<20000xf32, #tpu.memory_space<hbm>>
        %dma_wait3A_199 = arith.constant 0 : i32
        %dma_wait3A_200 = tpu.memref_slice %arg2[%add3A_13, %dma_wait3A_199] : memref<80x20000xf32, #tpu.memory_space<hbm>> -> memref<1x20000xf32, #tpu.memory_space<hbm>>
        %dma_wait3A_201 = tpu.memref_squeeze %dma_wait3A_200 : memref<1x20000xf32, #tpu.memory_space<hbm>> -> memref<20000xf32, #tpu.memory_space<hbm>>
        tpu.wait_dma2 semaphore(%run_scoped3A_189 : memref<!tpu.dma_semaphore, #tpu.memory_space<semaphore_mem>>) src(%dma_wait3A_201 : memref<20000xf32, #tpu.memory_space<hbm>>) dst(%arg6 : memref<20000xf32, #tpu.memory_space<vmem>>)
        tpu.yield
      }) : () -> ()
      %broadcast_in_dim3A = arith.constant 0 : i32
      %broadcast_in_dim3A_19 = vector.broadcast %broadcast_in_dim3A : i32 to vector<16xi32>
      %broadcast_in_dim3A_20 = arith.constant 1 : i32
      %broadcast_in_dim3A_21 = vector.broadcast %broadcast_in_dim3A_20 : i32 to vector<16xi32>
      %scan3A = arith.constant 0 : i32
      %scan3A_22 = arith.constant 0 : i32
      %scan3A_23 = arith.constant 113 : i32
      %scan3A_24 = arith.addi %scan3A_22, %scan3A_23 : i32
      %scan3A_25 = arith.constant 1 : i32
      %scan3A_26 = scf.for %scan3A_189 = %scan3A_22 to %scan3A_24 step %scan3A_25 iter_args(%scan3A_190 = %scan3A) -> (i32)  : i32 {
        %mul3A_191 = arith.constant 80 : i32
        %mul3A_192 = arith.muli %scan3A_189, %mul3A_191 : i32
        %add3A_193 = arith.constant 0 : i32
        %add3A_194 = arith.addi %mul3A_192, %add3A_193 : i32
        %swap3A = arith.index_cast %add3A_194 : i32 to index
        %swap3A_195 = tpu.vector_load %arg7[%swap3A] {strides = array<i32>} : memref<9040xi32, #tpu.memory_space<vmem>>, vector<16xi32>,
        tpu.vector_store %arg7[%swap3A], %broadcast_in_dim3A_19 {strides = array<i32>} : memref<9040xi32, #tpu.memory_space<vmem>>, vector<16xi32>,
        %mul3A_196 = arith.constant 80 : i32
        %mul3A_197 = arith.muli %scan3A_189, %mul3A_196 : i32
        %add3A_198 = arith.constant 16 : i32
        %add3A_199 = arith.addi %mul3A_197, %add3A_198 : i32
        %swap3A_200 = arith.index_cast %add3A_199 : i32 to index
        %swap3A_201 = tpu.vector_load %arg7[%swap3A_200] {strides = array<i32>} : memref<9040xi32, #tpu.memory_space<vmem>>, vector<16xi32>,
        tpu.vector_store %arg7[%swap3A_200], %broadcast_in_dim3A_19 {strides = array<i32>} : memref<9040xi32, #tpu.memory_space<vmem>>, vector<16xi32>,
        %mul3A_202 = arith.constant 80 : i32
        %mul3A_203 = arith.muli %scan3A_189, %mul3A_202 : i32
        %add3A_204 = arith.constant 32 : i32
        %add3A_205 = arith.addi %mul3A_203, %add3A_204 : i32
        %swap3A_206 = arith.index_cast %add3A_205 : i32 to index
        %swap3A_207 = tpu.vector_load %arg7[%swap3A_206] {strides = array<i32>} : memref<9040xi32, #tpu.memory_space<vmem>>, vector<16xi32>,
        tpu.vector_store %arg7[%swap3A_206], %broadcast_in_dim3A_19 {strides = array<i32>} : memref<9040xi32, #tpu.memory_space<vmem>>, vector<16xi32>,
        %mul3A_208 = arith.constant 80 : i32
        %mul3A_209 = arith.muli %scan3A_189, %mul3A_208 : i32
        %add3A_210 = arith.constant 48 : i32
        %add3A_211 = arith.addi %mul3A_209, %add3A_210 : i32
        %swap3A_212 = arith.index_cast %add3A_211 : i32 to index
        %swap3A_213 = tpu.vector_load %arg7[%swap3A_212] {strides = array<i32>} : memref<9040xi32, #tpu.memory_space<vmem>>, vector<16xi32>,
        tpu.vector_store %arg7[%swap3A_212], %broadcast_in_dim3A_19 {strides = array<i32>} : memref<9040xi32, #tpu.memory_space<vmem>>, vector<16xi32>,
        %mul3A_214 = arith.constant 80 : i32
        %mul3A_215 = arith.muli %scan3A_189, %mul3A_214 : i32
        %add3A_216 = arith.constant 64 : i32
        %add3A_217 = arith.addi %mul3A_215, %add3A_216 : i32
        %swap3A_218 = arith.index_cast %add3A_217 : i32 to index
        %swap3A_219 = tpu.vector_load %arg7[%swap3A_218] {strides = array<i32>} : memref<9040xi32, #tpu.memory_space<vmem>>, vector<16xi32>,
        tpu.vector_store %arg7[%swap3A_218], %broadcast_in_dim3A_19 {strides = array<i32>} : memref<9040xi32, #tpu.memory_space<vmem>>, vector<16xi32>,
        %scan3A_220 = arith.constant 0 : i32
        scf.yield %scan3A_220 : i32
      }
      %scan3A_27 = arith.constant 113 : i32
      %scan3A_28 = arith.constant 0 : i32
      %scan3A_29 = arith.constant 0 : i32
      %scan3A_30 = arith.constant 250 : i32
      %scan3A_31 = arith.addi %scan3A_29, %scan3A_30 : i32
      %scan3A_32 = arith.constant 1 : i32
      %scan3A_33 = scf.for %scan3A_189 = %scan3A_29 to %scan3A_31 step %scan3A_32 iter_args(%scan3A_190 = %scan3A_28) -> (i32)  : i32 {
        %broadcast_in_dim3A_191 = arith.constant -1.000000e+09 : f32
        %broadcast_in_dim3A_192 = vector.broadcast %broadcast_in_dim3A_191 : f32 to vector<16xf32>
        %mul3A_193 = arith.constant 80 : i32
        %mul3A_194 = arith.muli %scan3A_189, %mul3A_193 : i32
        %add3A_195 = arith.constant 0 : i32
        %add3A_196 = arith.addi %mul3A_194, %add3A_195 : i32
        %get3A = arith.index_cast %add3A_196 : i32 to index
        %get3A_197 = tpu.vector_load %arg6[%get3A] {strides = array<i32>} : memref<20000xf32, #tpu.memory_space<vmem>>, vector<16xf32>,
        %max3A = arith.maximumf %broadcast_in_dim3A_192, %get3A_197 : vector<16xf32>
        %ge3A = arith.constant 5.000000e-02 : f32
        %ge3A_198 = vector.broadcast %ge3A : f32 to vector<16xf32>
        %ge3A_199 = arith.cmpf oge, %get3A_197, %ge3A_198 : vector<16xf32>
        %bitcast_convert_type3A_200 = tpu.bitcast %get3A_197 : vector<16xf32> -> vector<16xi32>
        %shift_right_arithmetic3A = arith.constant 12 : i32
        %shift_right_arithmetic3A_201 = vector.broadcast %shift_right_arithmetic3A : i32 to vector<16xi32>
        %shift_right_arithmetic3A_202 = arith.shrsi %bitcast_convert_type3A_200, %shift_right_arithmetic3A_201 : vector<16xi32>
        %sub3A_203 = arith.constant 251072 : i32
        %sub3A_204 = vector.broadcast %sub3A_203 : i32 to vector<16xi32>
        %sub3A_205 = arith.subi %shift_right_arithmetic3A_202, %sub3A_204 : vector<16xi32>
        %jit3A_206 = arith.constant 0 : i32
        %jit3A_207 = arith.constant 9039 : i32
        %max3A_208 = vector.broadcast %jit3A_206 : i32 to vector<16xi32>
        %max3A_209 = arith.maxsi %max3A_208, %sub3A_205 : vector<16xi32>
        %min3A = vector.broadcast %jit3A_207 : i32 to vector<16xi32>
        %min3A_210 = arith.minsi %min3A, %max3A_209 : vector<16xi32>
        tpu.vector_store_idx %arg7[%min3A_210], %broadcast_in_dim3A_21 masked %ge3A_199 {add = true} : memref<9040xi32, #tpu.memory_space<vmem>>[vector<16xi32>], vector<16xi32>, vector<16xi1>
        %mul3A_211 = arith.constant 80 : i32
        %mul3A_212 = arith.muli %scan3A_189, %mul3A_211 : i32
        %add3A_213 = arith.constant 16 : i32
        %add3A_214 = arith.addi %mul3A_212, %add3A_213 : i32
        %get3A_215 = arith.index_cast %add3A_214 : i32 to index
        %get3A_216 = tpu.vector_load %arg6[%get3A_215] {strides = array<i32>} : memref<20000xf32, #tpu.memory_space<vmem>>, vector<16xf32>,
        %max3A_217 = arith.maximumf %max3A, %get3A_216 : vector<16xf32>
        %ge3A_218 = arith.constant 5.000000e-02 : f32
        %ge3A_219 = vector.broadcast %ge3A_218 : f32 to vector<16xf32>
        %ge3A_220 = arith.cmpf oge, %get3A_216, %ge3A_219 : vector<16xf32>
        %bitcast_convert_type3A_221 = tpu.bitcast %get3A_216 : vector<16xf32> -> vector<16xi32>
        %shift_right_arithmetic3A_222 = arith.constant 12 : i32
        %shift_right_arithmetic3A_223 = vector.broadcast %shift_right_arithmetic3A_222 : i32 to vector<16xi32>
        %shift_right_arithmetic3A_224 = arith.shrsi %bitcast_convert_type3A_221, %shift_right_arithmetic3A_223 : vector<16xi32>
        %sub3A_225 = arith.constant 251072 : i32
        %sub3A_226 = vector.broadcast %sub3A_225 : i32 to vector<16xi32>
        %sub3A_227 = arith.subi %shift_right_arithmetic3A_224, %sub3A_226 : vector<16xi32>
        %jit3A_228 = arith.constant 0 : i32
        %jit3A_229 = arith.constant 9039 : i32
        %max3A_230 = vector.broadcast %jit3A_228 : i32 to vector<16xi32>
        %max3A_231 = arith.maxsi %max3A_230, %sub3A_227 : vector<16xi32>
        %min3A_232 = vector.broadcast %jit3A_229 : i32 to vector<16xi32>
        %min3A_233 = arith.minsi %min3A_232, %max3A_231 : vector<16xi32>
        tpu.vector_store_idx %arg7[%min3A_233], %broadcast_in_dim3A_21 masked %ge3A_220 {add = true} : memref<9040xi32, #tpu.memory_space<vmem>>[vector<16xi32>], vector<16xi32>, vector<16xi1>
        %mul3A_234 = arith.constant 80 : i32
        %mul3A_235 = arith.muli %scan3A_189, %mul3A_234 : i32
        %add3A_236 = arith.constant 32 : i32
        %add3A_237 = arith.addi %mul3A_235, %add3A_236 : i32
        %get3A_238 = arith.index_cast %add3A_237 : i32 to index
        %get3A_239 = tpu.vector_load %arg6[%get3A_238] {strides = array<i32>} : memref<20000xf32, #tpu.memory_space<vmem>>, vector<16xf32>,
        %max3A_240 = arith.maximumf %max3A_217, %get3A_239 : vector<16xf32>
        %ge3A_241 = arith.constant 5.000000e-02 : f32
        %ge3A_242 = vector.broadcast %ge3A_241 : f32 to vector<16xf32>
        %ge3A_243 = arith.cmpf oge, %get3A_239, %ge3A_242 : vector<16xf32>
        %bitcast_convert_type3A_244 = tpu.bitcast %get3A_239 : vector<16xf32> -> vector<16xi32>
        %shift_right_arithmetic3A_245 = arith.constant 12 : i32
        %shift_right_arithmetic3A_246 = vector.broadcast %shift_right_arithmetic3A_245 : i32 to vector<16xi32>
        %shift_right_arithmetic3A_247 = arith.shrsi %bitcast_convert_type3A_244, %shift_right_arithmetic3A_246 : vector<16xi32>
        %sub3A_248 = arith.constant 251072 : i32
        %sub3A_249 = vector.broadcast %sub3A_248 : i32 to vector<16xi32>
        %sub3A_250 = arith.subi %shift_right_arithmetic3A_247, %sub3A_249 : vector<16xi32>
        %jit3A_251 = arith.constant 0 : i32
        %jit3A_252 = arith.constant 9039 : i32
        %max3A_253 = vector.broadcast %jit3A_251 : i32 to vector<16xi32>
        %max3A_254 = arith.maxsi %max3A_253, %sub3A_250 : vector<16xi32>
        %min3A_255 = vector.broadcast %jit3A_252 : i32 to vector<16xi32>
        %min3A_256 = arith.minsi %min3A_255, %max3A_254 : vector<16xi32>
        tpu.vector_store_idx %arg7[%min3A_256], %broadcast_in_dim3A_21 masked %ge3A_243 {add = true} : memref<9040xi32, #tpu.memory_space<vmem>>[vector<16xi32>], vector<16xi32>, vector<16xi1>
        %mul3A_257 = arith.constant 80 : i32
        %mul3A_258 = arith.muli %scan3A_189, %mul3A_257 : i32
        %add3A_259 = arith.constant 48 : i32
        %add3A_260 = arith.addi %mul3A_258, %add3A_259 : i32
        %get3A_261 = arith.index_cast %add3A_260 : i32 to index
        %get3A_262 = tpu.vector_load %arg6[%get3A_261] {strides = array<i32>} : memref<20000xf32, #tpu.memory_space<vmem>>, vector<16xf32>,
        %max3A_263 = arith.maximumf %max3A_240, %get3A_262 : vector<16xf32>
        %ge3A_264 = arith.constant 5.000000e-02 : f32
        %ge3A_265 = vector.broadcast %ge3A_264 : f32 to vector<16xf32>
        %ge3A_266 = arith.cmpf oge, %get3A_262, %ge3A_265 : vector<16xf32>
        %bitcast_convert_type3A_267 = tpu.bitcast %get3A_262 : vector<16xf32> -> vector<16xi32>
        %shift_right_arithmetic3A_268 = arith.constant 12 : i32
        %shift_right_arithmetic3A_269 = vector.broadcast %shift_right_arithmetic3A_268 : i32 to vector<16xi32>
        %shift_right_arithmetic3A_270 = arith.shrsi %bitcast_convert_type3A_267, %shift_right_arithmetic3A_269 : vector<16xi32>
        %sub3A_271 = arith.constant 251072 : i32
        %sub3A_272 = vector.broadcast %sub3A_271 : i32 to vector<16xi32>
        %sub3A_273 = arith.subi %shift_right_arithmetic3A_270, %sub3A_272 : vector<16xi32>
        %jit3A_274 = arith.constant 0 : i32
        %jit3A_275 = arith.constant 9039 : i32
        %max3A_276 = vector.broadcast %jit3A_274 : i32 to vector<16xi32>
        %max3A_277 = arith.maxsi %max3A_276, %sub3A_273 : vector<16xi32>
        %min3A_278 = vector.broadcast %jit3A_275 : i32 to vector<16xi32>
        %min3A_279 = arith.minsi %min3A_278, %max3A_277 : vector<16xi32>
        tpu.vector_store_idx %arg7[%min3A_279], %broadcast_in_dim3A_21 masked %ge3A_266 {add = true} : memref<9040xi32, #tpu.memory_space<vmem>>[vector<16xi32>], vector<16xi32>, vector<16xi1>
        %mul3A_280 = arith.constant 80 : i32
        %mul3A_281 = arith.muli %scan3A_189, %mul3A_280 : i32
        %add3A_282 = arith.constant 64 : i32
        %add3A_283 = arith.addi %mul3A_281, %add3A_282 : i32
        %get3A_284 = arith.index_cast %add3A_283 : i32 to index
        %get3A_285 = tpu.vector_load %arg6[%get3A_284] {strides = array<i32>} : memref<20000xf32, #tpu.memory_space<vmem>>, vector<16xf32>,
        %max3A_286 = arith.maximumf %max3A_263, %get3A_285 : vector<16xf32>
        %ge3A_287 = arith.constant 5.000000e-02 : f32
        %ge3A_288 = vector.broadcast %ge3A_287 : f32 to vector<16xf32>
        %ge3A_289 = arith.cmpf oge, %get3A_285, %ge3A_288 : vector<16xf32>
        %bitcast_convert_type3A_290 = tpu.bitcast %get3A_285 : vector<16xf32> -> vector<16xi32>
        %shift_right_arithmetic3A_291 = arith.constant 12 : i32
        %shift_right_arithmetic3A_292 = vector.broadcast %shift_right_arithmetic3A_291 : i32 to vector<16xi32>
        %shift_right_arithmetic3A_293 = arith.shrsi %bitcast_convert_type3A_290, %shift_right_arithmetic3A_292 : vector<16xi32>
        %sub3A_294 = arith.constant 251072 : i32
        %sub3A_295 = vector.broadcast %sub3A_294 : i32 to vector<16xi32>
        %sub3A_296 = arith.subi %shift_right_arithmetic3A_293, %sub3A_295 : vector<16xi32>
        %jit3A_297 = arith.constant 0 : i32
        %jit3A_298 = arith.constant 9039 : i32
        %max3A_299 = vector.broadcast %jit3A_297 : i32 to vector<16xi32>
        %max3A_300 = arith.maxsi %max3A_299, %sub3A_296 : vector<16xi32>
        %min3A_301 = vector.broadcast %jit3A_298 : i32 to vector<16xi32>
        %min3A_302 = arith.minsi %min3A_301, %max3A_300 : vector<16xi32>
        tpu.vector_store_idx %arg7[%min3A_302], %broadcast_in_dim3A_21 masked %ge3A_289 {add = true} : memref<9040xi32, #tpu.memory_space<vmem>>[vector<16xi32>], vector<16xi32>, vector<16xi1>
        %mul3A_303 = arith.constant 16 : i32
        %mul3A_304 = arith.muli %scan3A_189, %mul3A_303 : i32
        %swap3A = arith.index_cast %mul3A_304 : i32 to index
        %swap3A_305 = tpu.vector_load %arg13[%swap3A] {strides = array<i32>} : memref<4096xf32, #tpu.memory_space<vmem>>, vector<16xf32>,
        tpu.vector_store %arg13[%swap3A], %max3A_286 {strides = array<i32>} : memref<4096xf32, #tpu.memory_space<vmem>>, vector<16xf32>,
        %scan3A_306 = arith.constant 0 : i32
        scf.yield %scan3A_306 : i32
      }
      %scan3A_34 = arith.constant 250 : i32
      %while3A = arith.constant 0 : i32
      %while3A_35 = arith.constant 0 : i32
      %while3A_36 = arith.constant 0 : i32
      %while3A_37 = arith.constant 0 : i32
      %while3A_38 = arith.constant 0 : i32
      %while3A_39 = arith.constant 0 : i32
      %while3A_40:5 = scf.while (%while3A_189 = %while3A_35, %while3A_190 = %while3A_36, %while3A_191 = %while3A_37, %while3A_192 = %while3A_38, %while3A_193 = %while3A_39) : (i32, i32, i32, i32, i32) -> (i32, i32, i32, i32, i32) {
        %lt3A_194 = arith.constant 565 : i32
        %lt3A_195 = arith.cmpi slt, %while3A_189, %lt3A_194 : i32
        %eq3A_196 = arith.constant 0 : i32
        %eq3A_197 = arith.cmpi eq, %while3A_190, %eq3A_196 : i32
        %and3A_198 = arith.andi %lt3A_195, %eq3A_197 : i1
        scf.condition(%and3A_198) %while3A_189, %while3A_190, %while3A_191, %while3A_192, %while3A_193 : i32, i32, i32, i32, i32
      } do {
      ^bb0(%while3A_189: i32, %while3A_190: i32, %while3A_191: i32, %while3A_192: i32, %while3A_193: i32):
        %sub3A_194 = arith.constant 564 : i32
        %sub3A_195 = arith.subi %sub3A_194, %while3A_189 : i32
        %mul3A_196 = arith.constant 16 : i32
        %mul3A_197 = arith.muli %sub3A_195, %mul3A_196 : i32
        %get3A = arith.index_cast %mul3A_197 : i32 to index
        %get3A_198 = tpu.vector_load %arg7[%get3A] {strides = array<i32>} : memref<9040xi32, #tpu.memory_space<vmem>>, vector<16xi32>,
        %reduce_sum3A = arith.constant true
        %reduce_sum3A_199 = vector.broadcast %reduce_sum3A : i1 to vector<16xi1>
        %reduce_sum3A_200 = tpu.scan <sum>, %get3A_198 masked %reduce_sum3A_199 : vector<16xi32>, vector<16xi1> -> vector<16xi32>
        %reduce_sum3A_201 = vector.extract %reduce_sum3A_200[15] : i32 from vector<16xi32>
        %add3A_202 = arith.addi %while3A, %while3A_191 : i32
        %add3A_203 = arith.addi %add3A_202, %reduce_sum3A_201 : i32
        %ge3A = arith.constant 100 : i32
        %ge3A_204 = arith.cmpi sge, %add3A_203, %ge3A : i32
        %convert_element_type3A_205 = arith.extui %ge3A_204 : i1 to i32
        %cond3A_206 = arith.constant 0 : i32
        %cond3A_207 = arith.constant 0 : i32
        %cond3A_208 = arith.cmpi ne, %convert_element_type3A_205, %cond3A_207 : i32
        %cond3A_209:3 = scf.if %cond3A_208 -> (i32, i32, i32) {
          %rev3A = arith.constant 15 : i32
          %rev3A_213 = vector.broadcast %rev3A : i32 to vector<16xi32>
          %rev3A_214 = tpu.iota {dimensions = array<i32: 0>} : vector<16xi32>
          %rev3A_215 = arith.subi %rev3A_213, %rev3A_214 : vector<16xi32>
          %rev3A_216 = tpu.dynamic_gather %get3A_198[%rev3A_215] in [0] : vector<16xi32>, vector<16xi32> -> vector<16xi32>
          %cumsum3A = arith.constant true
          %cumsum3A_217 = vector.broadcast %cumsum3A : i1 to vector<16xi1>
          %cumsum3A_218 = tpu.scan <sum>, %rev3A_216 masked %cumsum3A_217 : vector<16xi32>, vector<16xi1> -> vector<16xi32>
          %add3A_219 = arith.addi %while3A, %while3A_191 : i32
          %add3A_220 = vector.broadcast %add3A_219 : i32 to vector<16xi32>
          %add3A_221 = arith.addi %add3A_220, %cumsum3A_218 : vector<16xi32>
          %ge3A_222 = arith.constant 100 : i32
          %ge3A_223 = vector.broadcast %ge3A_222 : i32 to vector<16xi32>
          %ge3A_224 = arith.cmpi sge, %add3A_221, %ge3A_223 : vector<16xi32>
          %jit3A_225 = arith.constant 16 : i32
          %broadcast_in_dim3A_226 = vector.broadcast %jit3A_225 : i32 to vector<16xi32>
          %select_n3A_227 = arith.select %ge3A_224, %iota3A, %broadcast_in_dim3A_226 : vector<16xi1>, vector<16xi32>
          %reduce_min3A = arith.constant true
          %reduce_min3A_228 = vector.broadcast %reduce_min3A : i1 to vector<16xi1>
          %reduce_min3A_229 = arith.constant -2147483648 : i32
          %reduce_min3A_230 = vector.broadcast %reduce_min3A_229 : i32 to vector<16xi32>
          %reduce_min3A_231 = arith.xori %select_n3A_227, %reduce_min3A_230 : vector<16xi32>
          %reduce_min3A_232 = tpu.scan <min>, %reduce_min3A_231 masked %reduce_min3A_228 : vector<16xi32>, vector<16xi1> -> vector<16xi32>
          %reduce_min3A_233 = arith.xori %reduce_min3A_232, %reduce_min3A_230 : vector<16xi32>
          %reduce_min3A_234 = vector.extract %reduce_min3A_233[15] : i32 from vector<16xi32>
          %eq3A_235 = vector.broadcast %reduce_min3A_234 : i32 to vector<16xi32>
          %eq3A_236 = arith.cmpi eq, %iota3A, %eq3A_235 : vector<16xi32>
          %jit3A_237 = arith.constant 0 : i32
          %broadcast_in_dim3A_238 = vector.broadcast %jit3A_237 : i32 to vector<16xi32>
          %select_n3A_239 = arith.select %eq3A_236, %cumsum3A_218, %broadcast_in_dim3A_238 : vector<16xi1>, vector<16xi32>
          %reduce_sum3A_240 = arith.constant true
          %reduce_sum3A_241 = vector.broadcast %reduce_sum3A_240 : i1 to vector<16xi1>
          %reduce_sum3A_242 = tpu.scan <sum>, %select_n3A_239 masked %reduce_sum3A_241 : vector<16xi32>, vector<16xi1> -> vector<16xi32>
          %reduce_sum3A_243 = vector.extract %reduce_sum3A_242[15] : i32 from vector<16xi32>
          %eq3A_244 = vector.broadcast %reduce_min3A_234 : i32 to vector<16xi32>
          %eq3A_245 = arith.cmpi eq, %iota3A, %eq3A_244 : vector<16xi32>
          %jit3A_246 = arith.constant 0 : i32
          %broadcast_in_dim3A_247 = vector.broadcast %jit3A_246 : i32 to vector<16xi32>
          %select_n3A_248 = arith.select %eq3A_245, %rev3A_216, %broadcast_in_dim3A_247 : vector<16xi1>, vector<16xi32>
          %reduce_sum3A_249 = arith.constant true
          %reduce_sum3A_250 = vector.broadcast %reduce_sum3A_249 : i1 to vector<16xi1>
          %reduce_sum3A_251 = tpu.scan <sum>, %select_n3A_248 masked %reduce_sum3A_250 : vector<16xi32>, vector<16xi1> -> vector<16xi32>
          %reduce_sum3A_252 = vector.extract %reduce_sum3A_251[15] : i32 from vector<16xi32>
          %mul3A_253 = arith.constant 16 : i32
          %mul3A_254 = arith.muli %sub3A_195, %mul3A_253 : i32
          %add3A_255 = arith.constant 15 : i32
          %add3A_256 = arith.addi %mul3A_254, %add3A_255 : i32
          %sub3A_257 = arith.subi %add3A_256, %reduce_min3A_234 : i32
          %add3A_258 = arith.addi %while3A, %while3A_191 : i32
          %add3A_259 = arith.addi %add3A_258, %reduce_sum3A_243 : i32
          %sub3A_260 = arith.subi %add3A_259, %reduce_sum3A_252 : i32
          %cond3A_261 = arith.constant 1 : i32
          scf.yield %cond3A_261, %sub3A_257, %sub3A_260 : i32, i32, i32
        } else {
          %cond3A_213 = arith.constant 0 : i32
          scf.yield %cond3A_213, %while3A_192, %while3A_193 : i32, i32, i32
        }
        %add3A_210 = arith.constant 1 : i32
        %add3A_211 = arith.addi %while3A_189, %add3A_210 : i32
        %add3A_212 = arith.addi %while3A_191, %reduce_sum3A_201 : i32
        scf.yield %add3A_211, %cond3A_209#0, %add3A_212, %cond3A_209#1, %cond3A_209#2 : i32, i32, i32, i32, i32
      }
      %scan3A_41 = arith.constant 0 : i32
      %scan3A_42 = arith.constant 0 : i32
      %scan3A_43 = arith.constant 64 : i32
      %scan3A_44 = arith.addi %scan3A_42, %scan3A_43 : i32
      %scan3A_45 = arith.constant 1 : i32
      %scan3A_46 = scf.for %scan3A_189 = %scan3A_42 to %scan3A_44 step %scan3A_45 iter_args(%scan3A_190 = %scan3A_41) -> (i32)  : i32 {
        %mul3A_191 = arith.constant 64 : i32
        %mul3A_192 = arith.muli %scan3A_189, %mul3A_191 : i32
        %add3A_193 = arith.constant 0 : i32
        %add3A_194 = arith.addi %mul3A_192, %add3A_193 : i32
        %swap3A = arith.index_cast %add3A_194 : i32 to index
        %swap3A_195 = tpu.vector_load %arg8[%swap3A] {strides = array<i32>} : memref<4096xi32, #tpu.memory_space<vmem>>, vector<16xi32>,
        tpu.vector_store %arg8[%swap3A], %broadcast_in_dim3A_19 {strides = array<i32>} : memref<4096xi32, #tpu.memory_space<vmem>>, vector<16xi32>,
        %mul3A_196 = arith.constant 64 : i32
        %mul3A_197 = arith.muli %scan3A_189, %mul3A_196 : i32
        %add3A_198 = arith.constant 16 : i32
        %add3A_199 = arith.addi %mul3A_197, %add3A_198 : i32
        %swap3A_200 = arith.index_cast %add3A_199 : i32 to index
        %swap3A_201 = tpu.vector_load %arg8[%swap3A_200] {strides = array<i32>} : memref<4096xi32, #tpu.memory_space<vmem>>, vector<16xi32>,
        tpu.vector_store %arg8[%swap3A_200], %broadcast_in_dim3A_19 {strides = array<i32>} : memref<4096xi32, #tpu.memory_space<vmem>>, vector<16xi32>,
        %mul3A_202 = arith.constant 64 : i32
        %mul3A_203 = arith.muli %scan3A_189, %mul3A_202 : i32
        %add3A_204 = arith.constant 32 : i32
        %add3A_205 = arith.addi %mul3A_203, %add3A_204 : i32
        %swap3A_206 = arith.index_cast %add3A_205 : i32 to index
        %swap3A_207 = tpu.vector_load %arg8[%swap3A_206] {strides = array<i32>} : memref<4096xi32, #tpu.memory_space<vmem>>, vector<16xi32>,
        tpu.vector_store %arg8[%swap3A_206], %broadcast_in_dim3A_19 {strides = array<i32>} : memref<4096xi32, #tpu.memory_space<vmem>>, vector<16xi32>,
        %mul3A_208 = arith.constant 64 : i32
        %mul3A_209 = arith.muli %scan3A_189, %mul3A_208 : i32
        %add3A_210 = arith.constant 48 : i32
        %add3A_211 = arith.addi %mul3A_209, %add3A_210 : i32
        %swap3A_212 = arith.index_cast %add3A_211 : i32 to index
        %swap3A_213 = tpu.vector_load %arg8[%swap3A_212] {strides = array<i32>} : memref<4096xi32, #tpu.memory_space<vmem>>, vector<16xi32>,
        tpu.vector_store %arg8[%swap3A_212], %broadcast_in_dim3A_19 {strides = array<i32>} : memref<4096xi32, #tpu.memory_space<vmem>>, vector<16xi32>,
        %scan3A_214 = arith.constant 0 : i32
        scf.yield %scan3A_214 : i32
      }
      %scan3A_47 = arith.constant 64 : i32
      %add3A_48 = arith.constant 251072 : i32
      %add3A_49 = arith.addi %while3A_40#3, %add3A_48 : i32
      %shift_left3A = arith.constant 12 : i32
      %shift_left3A_50 = arith.shli %add3A_49, %shift_left3A : i32
      %broadcast_in_dim3A_51 = vector.broadcast %shift_left3A_50 : i32 to vector<16xi32>
      %bitcast_convert_type3A = tpu.bitcast %broadcast_in_dim3A_51 : vector<16xi32> -> vector<16xf32>
      %scan3A_52 = arith.constant 0 : i32
      %scan3A_53 = arith.constant 0 : i32
      %scan3A_54 = arith.constant 250 : i32
      %scan3A_55 = arith.addi %scan3A_53, %scan3A_54 : i32
      %scan3A_56 = arith.constant 1 : i32
      %scan3A_57 = scf.for %scan3A_189 = %scan3A_53 to %scan3A_55 step %scan3A_56 iter_args(%scan3A_190 = %scan3A_52) -> (i32)  : i32 {
        %mul3A_191 = arith.constant 16 : i32
        %mul3A_192 = arith.muli %scan3A_189, %mul3A_191 : i32
        %get3A = arith.index_cast %mul3A_192 : i32 to index
        %get3A_193 = tpu.vector_load %arg13[%get3A] {strides = array<i32>} : memref<4096xf32, #tpu.memory_space<vmem>>, vector<16xf32>,
        %ge3A = arith.cmpf oge, %get3A_193, %bitcast_convert_type3A : vector<16xf32>
        %convert_element_type3A_194 = arith.extui %ge3A : vector<16xi1> to vector<16xi32>
        %reduce_sum3A = arith.constant true
        %reduce_sum3A_195 = vector.broadcast %reduce_sum3A : i1 to vector<16xi1>
        %reduce_sum3A_196 = tpu.scan <sum>, %convert_element_type3A_194 masked %reduce_sum3A_195 : vector<16xi32>, vector<16xi1> -> vector<16xi32>
        %reduce_sum3A_197 = vector.extract %reduce_sum3A_196[15] : i32 from vector<16xi32>
        %gt3A = arith.constant 0 : i32
        %gt3A_198 = arith.cmpi sgt, %reduce_sum3A_197, %gt3A : i32
        %convert_element_type3A_199 = arith.extui %gt3A_198 : i1 to i32
        %cond3A_200 = arith.constant 0 : i32
        %cond3A_201 = arith.cmpi ne, %convert_element_type3A_199, %cond3A_200 : i32
        scf.if %cond3A_201 {
          %mul3A_203 = arith.constant 80 : i32
          %mul3A_204 = arith.muli %scan3A_189, %mul3A_203 : i32
          %add3A_205 = arith.constant 0 : i32
          %add3A_206 = arith.addi %mul3A_204, %add3A_205 : i32
          %get3A_207 = arith.index_cast %add3A_206 : i32 to index
          %get3A_208 = tpu.vector_load %arg6[%get3A_207] {strides = array<i32>} : memref<20000xf32, #tpu.memory_space<vmem>>, vector<16xf32>,
          %bitcast_convert_type3A_209 = tpu.bitcast %get3A_208 : vector<16xf32> -> vector<16xi32>
          %ge3A_210 = arith.constant 5.000000e-02 : f32
          %ge3A_211 = vector.broadcast %ge3A_210 : f32 to vector<16xf32>
          %ge3A_212 = arith.cmpf oge, %get3A_208, %ge3A_211 : vector<16xf32>
          %shift_right_arithmetic3A = arith.constant 12 : i32
          %shift_right_arithmetic3A_213 = vector.broadcast %shift_right_arithmetic3A : i32 to vector<16xi32>
          %shift_right_arithmetic3A_214 = arith.shrsi %bitcast_convert_type3A_209, %shift_right_arithmetic3A_213 : vector<16xi32>
          %sub3A_215 = arith.constant 251072 : i32
          %sub3A_216 = vector.broadcast %sub3A_215 : i32 to vector<16xi32>
          %sub3A_217 = arith.subi %shift_right_arithmetic3A_214, %sub3A_216 : vector<16xi32>
          %eq3A_218 = vector.broadcast %while3A_40#3 : i32 to vector<16xi32>
          %eq3A_219 = arith.cmpi eq, %sub3A_217, %eq3A_218 : vector<16xi32>
          %and3A_220 = arith.andi %ge3A_212, %eq3A_219 : vector<16xi1>
          %and3A_221 = arith.constant 4095 : i32
          %and3A_222 = vector.broadcast %and3A_221 : i32 to vector<16xi32>
          %and3A_223 = arith.andi %bitcast_convert_type3A_209, %and3A_222 : vector<16xi32>
          tpu.vector_store_idx %arg8[%and3A_223], %broadcast_in_dim3A_21 masked %and3A_220 {add = true} : memref<4096xi32, #tpu.memory_space<vmem>>[vector<16xi32>], vector<16xi32>, vector<16xi1>
          %mul3A_224 = arith.constant 80 : i32
          %mul3A_225 = arith.muli %scan3A_189, %mul3A_224 : i32
          %add3A_226 = arith.constant 16 : i32
          %add3A_227 = arith.addi %mul3A_225, %add3A_226 : i32
          %get3A_228 = arith.index_cast %add3A_227 : i32 to index
          %get3A_229 = tpu.vector_load %arg6[%get3A_228] {strides = array<i32>} : memref<20000xf32, #tpu.memory_space<vmem>>, vector<16xf32>,
          %bitcast_convert_type3A_230 = tpu.bitcast %get3A_229 : vector<16xf32> -> vector<16xi32>
          %ge3A_231 = arith.constant 5.000000e-02 : f32
          %ge3A_232 = vector.broadcast %ge3A_231 : f32 to vector<16xf32>
          %ge3A_233 = arith.cmpf oge, %get3A_229, %ge3A_232 : vector<16xf32>
          %shift_right_arithmetic3A_234 = arith.constant 12 : i32
          %shift_right_arithmetic3A_235 = vector.broadcast %shift_right_arithmetic3A_234 : i32 to vector<16xi32>
          %shift_right_arithmetic3A_236 = arith.shrsi %bitcast_convert_type3A_230, %shift_right_arithmetic3A_235 : vector<16xi32>
          %sub3A_237 = arith.constant 251072 : i32
          %sub3A_238 = vector.broadcast %sub3A_237 : i32 to vector<16xi32>
          %sub3A_239 = arith.subi %shift_right_arithmetic3A_236, %sub3A_238 : vector<16xi32>
          %eq3A_240 = vector.broadcast %while3A_40#3 : i32 to vector<16xi32>
          %eq3A_241 = arith.cmpi eq, %sub3A_239, %eq3A_240 : vector<16xi32>
          %and3A_242 = arith.andi %ge3A_233, %eq3A_241 : vector<16xi1>
          %and3A_243 = arith.constant 4095 : i32
          %and3A_244 = vector.broadcast %and3A_243 : i32 to vector<16xi32>
          %and3A_245 = arith.andi %bitcast_convert_type3A_230, %and3A_244 : vector<16xi32>
          tpu.vector_store_idx %arg8[%and3A_245], %broadcast_in_dim3A_21 masked %and3A_242 {add = true} : memref<4096xi32, #tpu.memory_space<vmem>>[vector<16xi32>], vector<16xi32>, vector<16xi1>
          %mul3A_246 = arith.constant 80 : i32
          %mul3A_247 = arith.muli %scan3A_189, %mul3A_246 : i32
          %add3A_248 = arith.constant 32 : i32
          %add3A_249 = arith.addi %mul3A_247, %add3A_248 : i32
          %get3A_250 = arith.index_cast %add3A_249 : i32 to index
          %get3A_251 = tpu.vector_load %arg6[%get3A_250] {strides = array<i32>} : memref<20000xf32, #tpu.memory_space<vmem>>, vector<16xf32>,
          %bitcast_convert_type3A_252 = tpu.bitcast %get3A_251 : vector<16xf32> -> vector<16xi32>
          %ge3A_253 = arith.constant 5.000000e-02 : f32
          %ge3A_254 = vector.broadcast %ge3A_253 : f32 to vector<16xf32>
          %ge3A_255 = arith.cmpf oge, %get3A_251, %ge3A_254 : vector<16xf32>
          %shift_right_arithmetic3A_256 = arith.constant 12 : i32
          %shift_right_arithmetic3A_257 = vector.broadcast %shift_right_arithmetic3A_256 : i32 to vector<16xi32>
          %shift_right_arithmetic3A_258 = arith.shrsi %bitcast_convert_type3A_252, %shift_right_arithmetic3A_257 : vector<16xi32>
          %sub3A_259 = arith.constant 251072 : i32
          %sub3A_260 = vector.broadcast %sub3A_259 : i32 to vector<16xi32>
          %sub3A_261 = arith.subi %shift_right_arithmetic3A_258, %sub3A_260 : vector<16xi32>
          %eq3A_262 = vector.broadcast %while3A_40#3 : i32 to vector<16xi32>
          %eq3A_263 = arith.cmpi eq, %sub3A_261, %eq3A_262 : vector<16xi32>
          %and3A_264 = arith.andi %ge3A_255, %eq3A_263 : vector<16xi1>
          %and3A_265 = arith.constant 4095 : i32
          %and3A_266 = vector.broadcast %and3A_265 : i32 to vector<16xi32>
          %and3A_267 = arith.andi %bitcast_convert_type3A_252, %and3A_266 : vector<16xi32>
          tpu.vector_store_idx %arg8[%and3A_267], %broadcast_in_dim3A_21 masked %and3A_264 {add = true} : memref<4096xi32, #tpu.memory_space<vmem>>[vector<16xi32>], vector<16xi32>, vector<16xi1>
          %mul3A_268 = arith.constant 80 : i32
          %mul3A_269 = arith.muli %scan3A_189, %mul3A_268 : i32
          %add3A_270 = arith.constant 48 : i32
          %add3A_271 = arith.addi %mul3A_269, %add3A_270 : i32
          %get3A_272 = arith.index_cast %add3A_271 : i32 to index
          %get3A_273 = tpu.vector_load %arg6[%get3A_272] {strides = array<i32>} : memref<20000xf32, #tpu.memory_space<vmem>>, vector<16xf32>,
          %bitcast_convert_type3A_274 = tpu.bitcast %get3A_273 : vector<16xf32> -> vector<16xi32>
          %ge3A_275 = arith.constant 5.000000e-02 : f32
          %ge3A_276 = vector.broadcast %ge3A_275 : f32 to vector<16xf32>
          %ge3A_277 = arith.cmpf oge, %get3A_273, %ge3A_276 : vector<16xf32>
          %shift_right_arithmetic3A_278 = arith.constant 12 : i32
          %shift_right_arithmetic3A_279 = vector.broadcast %shift_right_arithmetic3A_278 : i32 to vector<16xi32>
          %shift_right_arithmetic3A_280 = arith.shrsi %bitcast_convert_type3A_274, %shift_right_arithmetic3A_279 : vector<16xi32>
          %sub3A_281 = arith.constant 251072 : i32
          %sub3A_282 = vector.broadcast %sub3A_281 : i32 to vector<16xi32>
          %sub3A_283 = arith.subi %shift_right_arithmetic3A_280, %sub3A_282 : vector<16xi32>
          %eq3A_284 = vector.broadcast %while3A_40#3 : i32 to vector<16xi32>
          %eq3A_285 = arith.cmpi eq, %sub3A_283, %eq3A_284 : vector<16xi32>
          %and3A_286 = arith.andi %ge3A_277, %eq3A_285 : vector<16xi1>
          %and3A_287 = arith.constant 4095 : i32
          %and3A_288 = vector.broadcast %and3A_287 : i32 to vector<16xi32>
          %and3A_289 = arith.andi %bitcast_convert_type3A_274, %and3A_288 : vector<16xi32>
          tpu.vector_store_idx %arg8[%and3A_289], %broadcast_in_dim3A_21 masked %and3A_286 {add = true} : memref<4096xi32, #tpu.memory_space<vmem>>[vector<16xi32>], vector<16xi32>, vector<16xi1>
          %mul3A_290 = arith.constant 80 : i32
          %mul3A_291 = arith.muli %scan3A_189, %mul3A_290 : i32
          %add3A_292 = arith.constant 64 : i32
          %add3A_293 = arith.addi %mul3A_291, %add3A_292 : i32
          %get3A_294 = arith.index_cast %add3A_293 : i32 to index
          %get3A_295 = tpu.vector_load %arg6[%get3A_294] {strides = array<i32>} : memref<20000xf32, #tpu.memory_space<vmem>>, vector<16xf32>,
          %bitcast_convert_type3A_296 = tpu.bitcast %get3A_295 : vector<16xf32> -> vector<16xi32>
          %ge3A_297 = arith.constant 5.000000e-02 : f32
          %ge3A_298 = vector.broadcast %ge3A_297 : f32 to vector<16xf32>
          %ge3A_299 = arith.cmpf oge, %get3A_295, %ge3A_298 : vector<16xf32>
          %shift_right_arithmetic3A_300 = arith.constant 12 : i32
          %shift_right_arithmetic3A_301 = vector.broadcast %shift_right_arithmetic3A_300 : i32 to vector<16xi32>
          %shift_right_arithmetic3A_302 = arith.shrsi %bitcast_convert_type3A_296, %shift_right_arithmetic3A_301 : vector<16xi32>
          %sub3A_303 = arith.constant 251072 : i32
          %sub3A_304 = vector.broadcast %sub3A_303 : i32 to vector<16xi32>
          %sub3A_305 = arith.subi %shift_right_arithmetic3A_302, %sub3A_304 : vector<16xi32>
          %eq3A_306 = vector.broadcast %while3A_40#3 : i32 to vector<16xi32>
          %eq3A_307 = arith.cmpi eq, %sub3A_305, %eq3A_306 : vector<16xi32>
          %and3A_308 = arith.andi %ge3A_299, %eq3A_307 : vector<16xi1>
          %and3A_309 = arith.constant 4095 : i32
          %and3A_310 = vector.broadcast %and3A_309 : i32 to vector<16xi32>
          %and3A_311 = arith.andi %bitcast_convert_type3A_296, %and3A_310 : vector<16xi32>
          tpu.vector_store_idx %arg8[%and3A_311], %broadcast_in_dim3A_21 masked %and3A_308 {add = true} : memref<4096xi32, #tpu.memory_space<vmem>>[vector<16xi32>], vector<16xi32>, vector<16xi1>
        } else {
        }
        %scan3A_202 = arith.constant 0 : i32
        scf.yield %scan3A_202 : i32
      }
      %scan3A_58 = arith.constant 250 : i32
      %while3A_59 = arith.constant 0 : i32
      %while3A_60 = arith.constant 0 : i32
      %while3A_61 = arith.constant 0 : i32
      %while3A_62 = arith.constant 0 : i32
      %while3A_63 = arith.constant 0 : i32
      %while3A_64:5 = scf.while (%while3A_189 = %while3A_59, %while3A_190 = %while3A_60, %while3A_191 = %while3A_61, %while3A_192 = %while3A_62, %while3A_193 = %while3A_63) : (i32, i32, i32, i32, i32) -> (i32, i32, i32, i32, i32) {
        %lt3A_194 = arith.constant 256 : i32
        %lt3A_195 = arith.cmpi slt, %while3A_189, %lt3A_194 : i32
        %eq3A_196 = arith.constant 0 : i32
        %eq3A_197 = arith.cmpi eq, %while3A_190, %eq3A_196 : i32
        %and3A_198 = arith.andi %lt3A_195, %eq3A_197 : i1
        scf.condition(%and3A_198) %while3A_189, %while3A_190, %while3A_191, %while3A_192, %while3A_193 : i32, i32, i32, i32, i32
      } do {
      ^bb0(%while3A_189: i32, %while3A_190: i32, %while3A_191: i32, %while3A_192: i32, %while3A_193: i32):
        %sub3A_194 = arith.constant 255 : i32
        %sub3A_195 = arith.subi %sub3A_194, %while3A_189 : i32
        %mul3A_196 = arith.constant 16 : i32
        %mul3A_197 = arith.muli %sub3A_195, %mul3A_196 : i32
        %get3A = arith.index_cast %mul3A_197 : i32 to index
        %get3A_198 = tpu.vector_load %arg8[%get3A] {strides = array<i32>} : memref<4096xi32, #tpu.memory_space<vmem>>, vector<16xi32>,
        %reduce_sum3A = arith.constant true
        %reduce_sum3A_199 = vector.broadcast %reduce_sum3A : i1 to vector<16xi1>
        %reduce_sum3A_200 = tpu.scan <sum>, %get3A_198 masked %reduce_sum3A_199 : vector<16xi32>, vector<16xi1> -> vector<16xi32>
        %reduce_sum3A_201 = vector.extract %reduce_sum3A_200[15] : i32 from vector<16xi32>
        %add3A_202 = arith.addi %while3A_40#4, %while3A_191 : i32
        %add3A_203 = arith.addi %add3A_202, %reduce_sum3A_201 : i32
        %ge3A = arith.constant 100 : i32
        %ge3A_204 = arith.cmpi sge, %add3A_203, %ge3A : i32
        %convert_element_type3A_205 = arith.extui %ge3A_204 : i1 to i32
        %cond3A_206 = arith.constant 0 : i32
        %cond3A_207 = arith.constant 0 : i32
        %cond3A_208 = arith.cmpi ne, %convert_element_type3A_205, %cond3A_207 : i32
        %cond3A_209:3 = scf.if %cond3A_208 -> (i32, i32, i32) {
          %rev3A = arith.constant 15 : i32
          %rev3A_213 = vector.broadcast %rev3A : i32 to vector<16xi32>
          %rev3A_214 = tpu.iota {dimensions = array<i32: 0>} : vector<16xi32>
          %rev3A_215 = arith.subi %rev3A_213, %rev3A_214 : vector<16xi32>
          %rev3A_216 = tpu.dynamic_gather %get3A_198[%rev3A_215] in [0] : vector<16xi32>, vector<16xi32> -> vector<16xi32>
          %cumsum3A = arith.constant true
          %cumsum3A_217 = vector.broadcast %cumsum3A : i1 to vector<16xi1>
          %cumsum3A_218 = tpu.scan <sum>, %rev3A_216 masked %cumsum3A_217 : vector<16xi32>, vector<16xi1> -> vector<16xi32>
          %add3A_219 = arith.addi %while3A_40#4, %while3A_191 : i32
          %add3A_220 = vector.broadcast %add3A_219 : i32 to vector<16xi32>
          %add3A_221 = arith.addi %add3A_220, %cumsum3A_218 : vector<16xi32>
          %ge3A_222 = arith.constant 100 : i32
          %ge3A_223 = vector.broadcast %ge3A_222 : i32 to vector<16xi32>
          %ge3A_224 = arith.cmpi sge, %add3A_221, %ge3A_223 : vector<16xi32>
          %jit3A_225 = arith.constant 16 : i32
          %broadcast_in_dim3A_226 = vector.broadcast %jit3A_225 : i32 to vector<16xi32>
          %select_n3A_227 = arith.select %ge3A_224, %iota3A, %broadcast_in_dim3A_226 : vector<16xi1>, vector<16xi32>
          %reduce_min3A = arith.constant true
          %reduce_min3A_228 = vector.broadcast %reduce_min3A : i1 to vector<16xi1>
          %reduce_min3A_229 = arith.constant -2147483648 : i32
          %reduce_min3A_230 = vector.broadcast %reduce_min3A_229 : i32 to vector<16xi32>
          %reduce_min3A_231 = arith.xori %select_n3A_227, %reduce_min3A_230 : vector<16xi32>
          %reduce_min3A_232 = tpu.scan <min>, %reduce_min3A_231 masked %reduce_min3A_228 : vector<16xi32>, vector<16xi1> -> vector<16xi32>
          %reduce_min3A_233 = arith.xori %reduce_min3A_232, %reduce_min3A_230 : vector<16xi32>
          %reduce_min3A_234 = vector.extract %reduce_min3A_233[15] : i32 from vector<16xi32>
          %eq3A_235 = vector.broadcast %reduce_min3A_234 : i32 to vector<16xi32>
          %eq3A_236 = arith.cmpi eq, %iota3A, %eq3A_235 : vector<16xi32>
          %jit3A_237 = arith.constant 0 : i32
          %broadcast_in_dim3A_238 = vector.broadcast %jit3A_237 : i32 to vector<16xi32>
          %select_n3A_239 = arith.select %eq3A_236, %cumsum3A_218, %broadcast_in_dim3A_238 : vector<16xi1>, vector<16xi32>
          %reduce_sum3A_240 = arith.constant true
          %reduce_sum3A_241 = vector.broadcast %reduce_sum3A_240 : i1 to vector<16xi1>
          %reduce_sum3A_242 = tpu.scan <sum>, %select_n3A_239 masked %reduce_sum3A_241 : vector<16xi32>, vector<16xi1> -> vector<16xi32>
          %reduce_sum3A_243 = vector.extract %reduce_sum3A_242[15] : i32 from vector<16xi32>
          %eq3A_244 = vector.broadcast %reduce_min3A_234 : i32 to vector<16xi32>
          %eq3A_245 = arith.cmpi eq, %iota3A, %eq3A_244 : vector<16xi32>
          %jit3A_246 = arith.constant 0 : i32
          %broadcast_in_dim3A_247 = vector.broadcast %jit3A_246 : i32 to vector<16xi32>
          %select_n3A_248 = arith.select %eq3A_245, %rev3A_216, %broadcast_in_dim3A_247 : vector<16xi1>, vector<16xi32>
          %reduce_sum3A_249 = arith.constant true
          %reduce_sum3A_250 = vector.broadcast %reduce_sum3A_249 : i1 to vector<16xi1>
          %reduce_sum3A_251 = tpu.scan <sum>, %select_n3A_248 masked %reduce_sum3A_250 : vector<16xi32>, vector<16xi1> -> vector<16xi32>
          %reduce_sum3A_252 = vector.extract %reduce_sum3A_251[15] : i32 from vector<16xi32>
          %mul3A_253 = arith.constant 16 : i32
          %mul3A_254 = arith.muli %sub3A_195, %mul3A_253 : i32
          %add3A_255 = arith.constant 15 : i32
          %add3A_256 = arith.addi %mul3A_254, %add3A_255 : i32
          %sub3A_257 = arith.subi %add3A_256, %reduce_min3A_234 : i32
          %add3A_258 = arith.addi %while3A_40#4, %while3A_191 : i32
          %add3A_259 = arith.addi %add3A_258, %reduce_sum3A_243 : i32
          %sub3A_260 = arith.subi %add3A_259, %reduce_sum3A_252 : i32
          %cond3A_261 = arith.constant 1 : i32
          scf.yield %cond3A_261, %sub3A_257, %sub3A_260 : i32, i32, i32
        } else {
          %cond3A_213 = arith.constant 0 : i32
          scf.yield %cond3A_213, %while3A_192, %while3A_193 : i32, i32, i32
        }
        %add3A_210 = arith.constant 1 : i32
        %add3A_211 = arith.addi %while3A_189, %add3A_210 : i32
        %add3A_212 = arith.addi %while3A_191, %reduce_sum3A_201 : i32
        scf.yield %add3A_211, %cond3A_209#0, %add3A_212, %cond3A_209#1, %cond3A_209#2 : i32, i32, i32, i32, i32
      }
      %add3A_65 = arith.constant 251072 : i32
      %add3A_66 = arith.addi %while3A_40#3, %add3A_65 : i32
      %shift_left3A_67 = arith.constant 12 : i32
      %shift_left3A_68 = arith.shli %add3A_66, %shift_left3A_67 : i32
      %or3A = arith.ori %shift_left3A_68, %while3A_64#3 : i32
      %broadcast_in_dim3A_69 = vector.broadcast %or3A : i32 to vector<16xi32>
      %bitcast_convert_type3A_70 = tpu.bitcast %broadcast_in_dim3A_69 : vector<16xi32> -> vector<16xf32>
      %eq3A = arith.constant 1 : i32
      %eq3A_71 = arith.cmpi eq, %while3A_40#1, %eq3A : i32
      %jit3A = arith.constant 0.000000e+00 : f32
      %broadcast_in_dim3A_72 = vector.broadcast %jit3A : f32 to vector<16xf32>
      %select_n3A = arith.select %eq3A_71, %bitcast_convert_type3A_70, %broadcast_in_dim3A_72 : vector<16xf32>
      %eq3A_73 = arith.constant 1 : i32
      %eq3A_74 = arith.cmpi eq, %while3A_40#1, %eq3A_73 : i32
      %sub3A = arith.constant 100 : i32
      %sub3A_75 = arith.subi %sub3A, %while3A_64#4 : i32
      %jit3A_76 = arith.constant 0 : i32
      %select_n3A_77 = arith.select %eq3A_74, %sub3A_75, %jit3A_76 : i32
      %scan3A_78 = arith.constant 0 : i32
      %scan3A_79 = arith.constant 0 : i32
      %scan3A_80 = arith.constant 8 : i32
      %scan3A_81 = arith.addi %scan3A_79, %scan3A_80 : i32
      %scan3A_82 = arith.constant 1 : i32
      %scan3A_83 = scf.for %scan3A_189 = %scan3A_79 to %scan3A_81 step %scan3A_82 iter_args(%scan3A_190 = %scan3A_78) -> (i32)  : i32 {
        %broadcast_in_dim3A_191 = arith.constant -1.000000e+09 : f32
        %broadcast_in_dim3A_192 = vector.broadcast %broadcast_in_dim3A_191 : f32 to vector<16xf32>
        %mul3A_193 = arith.constant 16 : i32
        %mul3A_194 = arith.muli %scan3A_189, %mul3A_193 : i32
        %swap3A = arith.index_cast %mul3A_194 : i32 to index
        %swap3A_195 = tpu.vector_load %arg10[%swap3A] {strides = array<i32>} : memref<128xf32, #tpu.memory_space<vmem>>, vector<16xf32>,
        tpu.vector_store %arg10[%swap3A], %broadcast_in_dim3A_192 {strides = array<i32>} : memref<128xf32, #tpu.memory_space<vmem>>, vector<16xf32>,
        %broadcast_in_dim3A_196 = arith.constant 0 : i32
        %broadcast_in_dim3A_197 = vector.broadcast %broadcast_in_dim3A_196 : i32 to vector<16xi32>
        %mul3A_198 = arith.constant 16 : i32
        %mul3A_199 = arith.muli %scan3A_189, %mul3A_198 : i32
        %swap3A_200 = arith.index_cast %mul3A_199 : i32 to index
        %swap3A_201 = tpu.vector_load %arg9[%swap3A_200] {strides = array<i32>} : memref<128xi32, #tpu.memory_space<vmem>>, vector<16xi32>,
        tpu.vector_store %arg9[%swap3A_200], %broadcast_in_dim3A_197 {strides = array<i32>} : memref<128xi32, #tpu.memory_space<vmem>>, vector<16xi32>,
        %scan3A_202 = arith.constant 0 : i32
        scf.yield %scan3A_202 : i32
      }
      %scan3A_84 = arith.constant 8 : i32
      %scan3A_85 = arith.constant 0 : i32
      %scan3A_86 = arith.constant 0 : i32
      %scan3A_87 = arith.constant 0 : i32
      %scan3A_88 = arith.constant 250 : i32
      %scan3A_89 = arith.addi %scan3A_87, %scan3A_88 : i32
      %scan3A_90 = arith.constant 1 : i32
      %scan3A_91:2 = scf.for %scan3A_189 = %scan3A_87 to %scan3A_89 step %scan3A_90 iter_args(%scan3A_190 = %scan3A_85, %scan3A_191 = %scan3A_86) -> (i32, i32)  : i32 {
        %mul3A_192 = arith.constant 16 : i32
        %mul3A_193 = arith.muli %scan3A_189, %mul3A_192 : i32
        %get3A = arith.index_cast %mul3A_193 : i32 to index
        %get3A_194 = tpu.vector_load %arg13[%get3A] {strides = array<i32>} : memref<4096xf32, #tpu.memory_space<vmem>>, vector<16xf32>,
        %ge3A = arith.cmpf oge, %get3A_194, %select_n3A : vector<16xf32>
        %convert_element_type3A_195 = arith.extui %ge3A : vector<16xi1> to vector<16xi32>
        %reduce_sum3A = arith.constant true
        %reduce_sum3A_196 = vector.broadcast %reduce_sum3A : i1 to vector<16xi1>
        %reduce_sum3A_197 = tpu.scan <sum>, %convert_element_type3A_195 masked %reduce_sum3A_196 : vector<16xi32>, vector<16xi1> -> vector<16xi32>
        %reduce_sum3A_198 = vector.extract %reduce_sum3A_197[15] : i32 from vector<16xi32>
        %gt3A = arith.constant 0 : i32
        %gt3A_199 = arith.cmpi sgt, %reduce_sum3A_198, %gt3A : i32
        %convert_element_type3A_200 = arith.extui %gt3A_199 : i1 to i32
        %cond3A_201 = arith.constant 0 : i32
        %cond3A_202 = arith.cmpi ne, %convert_element_type3A_200, %cond3A_201 : i32
        %cond3A_203:2 = scf.if %cond3A_202 -> (i32, i32) {
          %mul3A_204 = arith.constant 80 : i32
          %mul3A_205 = arith.muli %scan3A_189, %mul3A_204 : i32
          %add3A_206 = arith.constant 0 : i32
          %add3A_207 = arith.addi %mul3A_205, %add3A_206 : i32
          %get3A_208 = arith.index_cast %add3A_207 : i32 to index
          %get3A_209 = tpu.vector_load %arg6[%get3A_208] {strides = array<i32>} : memref<20000xf32, #tpu.memory_space<vmem>>, vector<16xf32>,
          %gt3A_210 = arith.cmpf ogt, %get3A_209, %select_n3A : vector<16xf32>
          %eq3A_211 = arith.cmpf oeq, %get3A_209, %select_n3A : vector<16xf32>
          %convert_element_type3A_212 = arith.extui %eq3A_211 : vector<16xi1> to vector<16xi32>
          %cumsum3A = arith.constant true
          %cumsum3A_213 = vector.broadcast %cumsum3A : i1 to vector<16xi1>
          %cumsum3A_214 = tpu.scan <sum>, %convert_element_type3A_212 masked %cumsum3A_213 : vector<16xi32>, vector<16xi1> -> vector<16xi32>
          %add3A_215 = vector.broadcast %scan3A_191 : i32 to vector<16xi32>
          %add3A_216 = arith.addi %add3A_215, %cumsum3A_214 : vector<16xi32>
          %le3A = vector.broadcast %select_n3A_77 : i32 to vector<16xi32>
          %le3A_217 = arith.cmpi sle, %add3A_216, %le3A : vector<16xi32>
          %and3A_218 = arith.andi %eq3A_211, %le3A_217 : vector<16xi1>
          %or3A_219 = arith.ori %gt3A_210, %and3A_218 : vector<16xi1>
          %mul3A_220 = arith.constant 80 : i32
          %mul3A_221 = arith.muli %scan3A_189, %mul3A_220 : i32
          %add3A_222 = arith.constant 0 : i32
          %add3A_223 = arith.addi %mul3A_221, %add3A_222 : i32
          %add3A_224 = vector.broadcast %add3A_223 : i32 to vector<16xi32>
          %add3A_225 = arith.addi %iota3A, %add3A_224 : vector<16xi32>
          %swap3A = arith.index_cast %scan3A_190 : i32 to index
          %swap3A_226 = tpu.vector_load %arg9[%swap3A] masked %or3A_219 {strides = array<i32>} : memref<128xi32, #tpu.memory_space<vmem>>, vector<16xi32>, vector<16xi1>
          tpu.vector_store %arg9[%swap3A], %add3A_225 masked %or3A_219 {strides = array<i32>} : memref<128xi32, #tpu.memory_space<vmem>>, vector<16xi32>, vector<16xi1>
          %swap3A_227 = arith.index_cast %scan3A_190 : i32 to index
          %swap3A_228 = tpu.vector_load %arg10[%swap3A_227] masked %or3A_219 {strides = array<i32>} : memref<128xf32, #tpu.memory_space<vmem>>, vector<16xf32>, vector<16xi1>
          tpu.vector_store %arg10[%swap3A_227], %get3A_209 masked %or3A_219 {strides = array<i32>} : memref<128xf32, #tpu.memory_space<vmem>>, vector<16xf32>, vector<16xi1>
          %convert_element_type3A_229 = arith.extui %or3A_219 : vector<16xi1> to vector<16xi32>
          %reduce_sum3A_230 = arith.constant true
          %reduce_sum3A_231 = vector.broadcast %reduce_sum3A_230 : i1 to vector<16xi1>
          %reduce_sum3A_232 = tpu.scan <sum>, %convert_element_type3A_229 masked %reduce_sum3A_231 : vector<16xi32>, vector<16xi1> -> vector<16xi32>
          %reduce_sum3A_233 = vector.extract %reduce_sum3A_232[15] : i32 from vector<16xi32>
          %add3A_234 = arith.addi %scan3A_190, %reduce_sum3A_233 : i32
          %convert_element_type3A_235 = arith.extui %eq3A_211 : vector<16xi1> to vector<16xi32>
          %reduce_sum3A_236 = arith.constant true
          %reduce_sum3A_237 = vector.broadcast %reduce_sum3A_236 : i1 to vector<16xi1>
          %reduce_sum3A_238 = tpu.scan <sum>, %convert_element_type3A_235 masked %reduce_sum3A_237 : vector<16xi32>, vector<16xi1> -> vector<16xi32>
          %reduce_sum3A_239 = vector.extract %reduce_sum3A_238[15] : i32 from vector<16xi32>
          %add3A_240 = arith.addi %scan3A_191, %reduce_sum3A_239 : i32
          %mul3A_241 = arith.constant 80 : i32
          %mul3A_242 = arith.muli %scan3A_189, %mul3A_241 : i32
          %add3A_243 = arith.constant 16 : i32
          %add3A_244 = arith.addi %mul3A_242, %add3A_243 : i32
          %get3A_245 = arith.index_cast %add3A_244 : i32 to index
          %get3A_246 = tpu.vector_load %arg6[%get3A_245] {strides = array<i32>} : memref<20000xf32, #tpu.memory_space<vmem>>, vector<16xf32>,
          %gt3A_247 = arith.cmpf ogt, %get3A_246, %select_n3A : vector<16xf32>
          %eq3A_248 = arith.cmpf oeq, %get3A_246, %select_n3A : vector<16xf32>
          %convert_element_type3A_249 = arith.extui %eq3A_248 : vector<16xi1> to vector<16xi32>
          %cumsum3A_250 = arith.constant true
          %cumsum3A_251 = vector.broadcast %cumsum3A_250 : i1 to vector<16xi1>
          %cumsum3A_252 = tpu.scan <sum>, %convert_element_type3A_249 masked %cumsum3A_251 : vector<16xi32>, vector<16xi1> -> vector<16xi32>
          %add3A_253 = vector.broadcast %add3A_240 : i32 to vector<16xi32>
          %add3A_254 = arith.addi %add3A_253, %cumsum3A_252 : vector<16xi32>
          %le3A_255 = vector.broadcast %select_n3A_77 : i32 to vector<16xi32>
          %le3A_256 = arith.cmpi sle, %add3A_254, %le3A_255 : vector<16xi32>
          %and3A_257 = arith.andi %eq3A_248, %le3A_256 : vector<16xi1>
          %or3A_258 = arith.ori %gt3A_247, %and3A_257 : vector<16xi1>
          %mul3A_259 = arith.constant 80 : i32
          %mul3A_260 = arith.muli %scan3A_189, %mul3A_259 : i32
          %add3A_261 = arith.constant 16 : i32
          %add3A_262 = arith.addi %mul3A_260, %add3A_261 : i32
          %add3A_263 = vector.broadcast %add3A_262 : i32 to vector<16xi32>
          %add3A_264 = arith.addi %iota3A, %add3A_263 : vector<16xi32>
          %swap3A_265 = arith.index_cast %add3A_234 : i32 to index
          %swap3A_266 = tpu.vector_load %arg9[%swap3A_265] masked %or3A_258 {strides = array<i32>} : memref<128xi32, #tpu.memory_space<vmem>>, vector<16xi32>, vector<16xi1>
          tpu.vector_store %arg9[%swap3A_265], %add3A_264 masked %or3A_258 {strides = array<i32>} : memref<128xi32, #tpu.memory_space<vmem>>, vector<16xi32>, vector<16xi1>
          %swap3A_267 = arith.index_cast %add3A_234 : i32 to index
          %swap3A_268 = tpu.vector_load %arg10[%swap3A_267] masked %or3A_258 {strides = array<i32>} : memref<128xf32, #tpu.memory_space<vmem>>, vector<16xf32>, vector<16xi1>
          tpu.vector_store %arg10[%swap3A_267], %get3A_246 masked %or3A_258 {strides = array<i32>} : memref<128xf32, #tpu.memory_space<vmem>>, vector<16xf32>, vector<16xi1>
          %convert_element_type3A_269 = arith.extui %or3A_258 : vector<16xi1> to vector<16xi32>
          %reduce_sum3A_270 = arith.constant true
          %reduce_sum3A_271 = vector.broadcast %reduce_sum3A_270 : i1 to vector<16xi1>
          %reduce_sum3A_272 = tpu.scan <sum>, %convert_element_type3A_269 masked %reduce_sum3A_271 : vector<16xi32>, vector<16xi1> -> vector<16xi32>
          %reduce_sum3A_273 = vector.extract %reduce_sum3A_272[15] : i32 from vector<16xi32>
          %add3A_274 = arith.addi %add3A_234, %reduce_sum3A_273 : i32
          %convert_element_type3A_275 = arith.extui %eq3A_248 : vector<16xi1> to vector<16xi32>
          %reduce_sum3A_276 = arith.constant true
          %reduce_sum3A_277 = vector.broadcast %reduce_sum3A_276 : i1 to vector<16xi1>
          %reduce_sum3A_278 = tpu.scan <sum>, %convert_element_type3A_275 masked %reduce_sum3A_277 : vector<16xi32>, vector<16xi1> -> vector<16xi32>
          %reduce_sum3A_279 = vector.extract %reduce_sum3A_278[15] : i32 from vector<16xi32>
          %add3A_280 = arith.addi %add3A_240, %reduce_sum3A_279 : i32
          %mul3A_281 = arith.constant 80 : i32
          %mul3A_282 = arith.muli %scan3A_189, %mul3A_281 : i32
          %add3A_283 = arith.constant 32 : i32
          %add3A_284 = arith.addi %mul3A_282, %add3A_283 : i32
          %get3A_285 = arith.index_cast %add3A_284 : i32 to index
          %get3A_286 = tpu.vector_load %arg6[%get3A_285] {strides = array<i32>} : memref<20000xf32, #tpu.memory_space<vmem>>, vector<16xf32>,
          %gt3A_287 = arith.cmpf ogt, %get3A_286, %select_n3A : vector<16xf32>
          %eq3A_288 = arith.cmpf oeq, %get3A_286, %select_n3A : vector<16xf32>
          %convert_element_type3A_289 = arith.extui %eq3A_288 : vector<16xi1> to vector<16xi32>
          %cumsum3A_290 = arith.constant true
          %cumsum3A_291 = vector.broadcast %cumsum3A_290 : i1 to vector<16xi1>
          %cumsum3A_292 = tpu.scan <sum>, %convert_element_type3A_289 masked %cumsum3A_291 : vector<16xi32>, vector<16xi1> -> vector<16xi32>
          %add3A_293 = vector.broadcast %add3A_280 : i32 to vector<16xi32>
          %add3A_294 = arith.addi %add3A_293, %cumsum3A_292 : vector<16xi32>
          %le3A_295 = vector.broadcast %select_n3A_77 : i32 to vector<16xi32>
          %le3A_296 = arith.cmpi sle, %add3A_294, %le3A_295 : vector<16xi32>
          %and3A_297 = arith.andi %eq3A_288, %le3A_296 : vector<16xi1>
          %or3A_298 = arith.ori %gt3A_287, %and3A_297 : vector<16xi1>
          %mul3A_299 = arith.constant 80 : i32
          %mul3A_300 = arith.muli %scan3A_189, %mul3A_299 : i32
          %add3A_301 = arith.constant 32 : i32
          %add3A_302 = arith.addi %mul3A_300, %add3A_301 : i32
          %add3A_303 = vector.broadcast %add3A_302 : i32 to vector<16xi32>
          %add3A_304 = arith.addi %iota3A, %add3A_303 : vector<16xi32>
          %swap3A_305 = arith.index_cast %add3A_274 : i32 to index
          %swap3A_306 = tpu.vector_load %arg9[%swap3A_305] masked %or3A_298 {strides = array<i32>} : memref<128xi32, #tpu.memory_space<vmem>>, vector<16xi32>, vector<16xi1>
          tpu.vector_store %arg9[%swap3A_305], %add3A_304 masked %or3A_298 {strides = array<i32>} : memref<128xi32, #tpu.memory_space<vmem>>, vector<16xi32>, vector<16xi1>
          %swap3A_307 = arith.index_cast %add3A_274 : i32 to index
          %swap3A_308 = tpu.vector_load %arg10[%swap3A_307] masked %or3A_298 {strides = array<i32>} : memref<128xf32, #tpu.memory_space<vmem>>, vector<16xf32>, vector<16xi1>
          tpu.vector_store %arg10[%swap3A_307], %get3A_286 masked %or3A_298 {strides = array<i32>} : memref<128xf32, #tpu.memory_space<vmem>>, vector<16xf32>, vector<16xi1>
          %convert_element_type3A_309 = arith.extui %or3A_298 : vector<16xi1> to vector<16xi32>
          %reduce_sum3A_310 = arith.constant true
          %reduce_sum3A_311 = vector.broadcast %reduce_sum3A_310 : i1 to vector<16xi1>
          %reduce_sum3A_312 = tpu.scan <sum>, %convert_element_type3A_309 masked %reduce_sum3A_311 : vector<16xi32>, vector<16xi1> -> vector<16xi32>
          %reduce_sum3A_313 = vector.extract %reduce_sum3A_312[15] : i32 from vector<16xi32>
          %add3A_314 = arith.addi %add3A_274, %reduce_sum3A_313 : i32
          %convert_element_type3A_315 = arith.extui %eq3A_288 : vector<16xi1> to vector<16xi32>
          %reduce_sum3A_316 = arith.constant true
          %reduce_sum3A_317 = vector.broadcast %reduce_sum3A_316 : i1 to vector<16xi1>
          %reduce_sum3A_318 = tpu.scan <sum>, %convert_element_type3A_315 masked %reduce_sum3A_317 : vector<16xi32>, vector<16xi1> -> vector<16xi32>
          %reduce_sum3A_319 = vector.extract %reduce_sum3A_318[15] : i32 from vector<16xi32>
          %add3A_320 = arith.addi %add3A_280, %reduce_sum3A_319 : i32
          %mul3A_321 = arith.constant 80 : i32
          %mul3A_322 = arith.muli %scan3A_189, %mul3A_321 : i32
          %add3A_323 = arith.constant 48 : i32
          %add3A_324 = arith.addi %mul3A_322, %add3A_323 : i32
          %get3A_325 = arith.index_cast %add3A_324 : i32 to index
          %get3A_326 = tpu.vector_load %arg6[%get3A_325] {strides = array<i32>} : memref<20000xf32, #tpu.memory_space<vmem>>, vector<16xf32>,
          %gt3A_327 = arith.cmpf ogt, %get3A_326, %select_n3A : vector<16xf32>
          %eq3A_328 = arith.cmpf oeq, %get3A_326, %select_n3A : vector<16xf32>
          %convert_element_type3A_329 = arith.extui %eq3A_328 : vector<16xi1> to vector<16xi32>
          %cumsum3A_330 = arith.constant true
          %cumsum3A_331 = vector.broadcast %cumsum3A_330 : i1 to vector<16xi1>
          %cumsum3A_332 = tpu.scan <sum>, %convert_element_type3A_329 masked %cumsum3A_331 : vector<16xi32>, vector<16xi1> -> vector<16xi32>
          %add3A_333 = vector.broadcast %add3A_320 : i32 to vector<16xi32>
          %add3A_334 = arith.addi %add3A_333, %cumsum3A_332 : vector<16xi32>
          %le3A_335 = vector.broadcast %select_n3A_77 : i32 to vector<16xi32>
          %le3A_336 = arith.cmpi sle, %add3A_334, %le3A_335 : vector<16xi32>
          %and3A_337 = arith.andi %eq3A_328, %le3A_336 : vector<16xi1>
          %or3A_338 = arith.ori %gt3A_327, %and3A_337 : vector<16xi1>
          %mul3A_339 = arith.constant 80 : i32
          %mul3A_340 = arith.muli %scan3A_189, %mul3A_339 : i32
          %add3A_341 = arith.constant 48 : i32
          %add3A_342 = arith.addi %mul3A_340, %add3A_341 : i32
          %add3A_343 = vector.broadcast %add3A_342 : i32 to vector<16xi32>
          %add3A_344 = arith.addi %iota3A, %add3A_343 : vector<16xi32>
          %swap3A_345 = arith.index_cast %add3A_314 : i32 to index
          %swap3A_346 = tpu.vector_load %arg9[%swap3A_345] masked %or3A_338 {strides = array<i32>} : memref<128xi32, #tpu.memory_space<vmem>>, vector<16xi32>, vector<16xi1>
          tpu.vector_store %arg9[%swap3A_345], %add3A_344 masked %or3A_338 {strides = array<i32>} : memref<128xi32, #tpu.memory_space<vmem>>, vector<16xi32>, vector<16xi1>
          %swap3A_347 = arith.index_cast %add3A_314 : i32 to index
          %swap3A_348 = tpu.vector_load %arg10[%swap3A_347] masked %or3A_338 {strides = array<i32>} : memref<128xf32, #tpu.memory_space<vmem>>, vector<16xf32>, vector<16xi1>
          tpu.vector_store %arg10[%swap3A_347], %get3A_326 masked %or3A_338 {strides = array<i32>} : memref<128xf32, #tpu.memory_space<vmem>>, vector<16xf32>, vector<16xi1>
          %convert_element_type3A_349 = arith.extui %or3A_338 : vector<16xi1> to vector<16xi32>
          %reduce_sum3A_350 = arith.constant true
          %reduce_sum3A_351 = vector.broadcast %reduce_sum3A_350 : i1 to vector<16xi1>
          %reduce_sum3A_352 = tpu.scan <sum>, %convert_element_type3A_349 masked %reduce_sum3A_351 : vector<16xi32>, vector<16xi1> -> vector<16xi32>
          %reduce_sum3A_353 = vector.extract %reduce_sum3A_352[15] : i32 from vector<16xi32>
          %add3A_354 = arith.addi %add3A_314, %reduce_sum3A_353 : i32
          %convert_element_type3A_355 = arith.extui %eq3A_328 : vector<16xi1> to vector<16xi32>
          %reduce_sum3A_356 = arith.constant true
          %reduce_sum3A_357 = vector.broadcast %reduce_sum3A_356 : i1 to vector<16xi1>
          %reduce_sum3A_358 = tpu.scan <sum>, %convert_element_type3A_355 masked %reduce_sum3A_357 : vector<16xi32>, vector<16xi1> -> vector<16xi32>
          %reduce_sum3A_359 = vector.extract %reduce_sum3A_358[15] : i32 from vector<16xi32>
          %add3A_360 = arith.addi %add3A_320, %reduce_sum3A_359 : i32
          %mul3A_361 = arith.constant 80 : i32
          %mul3A_362 = arith.muli %scan3A_189, %mul3A_361 : i32
          %add3A_363 = arith.constant 64 : i32
          %add3A_364 = arith.addi %mul3A_362, %add3A_363 : i32
          %get3A_365 = arith.index_cast %add3A_364 : i32 to index
          %get3A_366 = tpu.vector_load %arg6[%get3A_365] {strides = array<i32>} : memref<20000xf32, #tpu.memory_space<vmem>>, vector<16xf32>,
          %gt3A_367 = arith.cmpf ogt, %get3A_366, %select_n3A : vector<16xf32>
          %eq3A_368 = arith.cmpf oeq, %get3A_366, %select_n3A : vector<16xf32>
          %convert_element_type3A_369 = arith.extui %eq3A_368 : vector<16xi1> to vector<16xi32>
          %cumsum3A_370 = arith.constant true
          %cumsum3A_371 = vector.broadcast %cumsum3A_370 : i1 to vector<16xi1>
          %cumsum3A_372 = tpu.scan <sum>, %convert_element_type3A_369 masked %cumsum3A_371 : vector<16xi32>, vector<16xi1> -> vector<16xi32>
          %add3A_373 = vector.broadcast %add3A_360 : i32 to vector<16xi32>
          %add3A_374 = arith.addi %add3A_373, %cumsum3A_372 : vector<16xi32>
          %le3A_375 = vector.broadcast %select_n3A_77 : i32 to vector<16xi32>
          %le3A_376 = arith.cmpi sle, %add3A_374, %le3A_375 : vector<16xi32>
          %and3A_377 = arith.andi %eq3A_368, %le3A_376 : vector<16xi1>
          %or3A_378 = arith.ori %gt3A_367, %and3A_377 : vector<16xi1>
          %mul3A_379 = arith.constant 80 : i32
          %mul3A_380 = arith.muli %scan3A_189, %mul3A_379 : i32
          %add3A_381 = arith.constant 64 : i32
          %add3A_382 = arith.addi %mul3A_380, %add3A_381 : i32
          %add3A_383 = vector.broadcast %add3A_382 : i32 to vector<16xi32>
          %add3A_384 = arith.addi %iota3A, %add3A_383 : vector<16xi32>
          %swap3A_385 = arith.index_cast %add3A_354 : i32 to index
          %swap3A_386 = tpu.vector_load %arg9[%swap3A_385] masked %or3A_378 {strides = array<i32>} : memref<128xi32, #tpu.memory_space<vmem>>, vector<16xi32>, vector<16xi1>
          tpu.vector_store %arg9[%swap3A_385], %add3A_384 masked %or3A_378 {strides = array<i32>} : memref<128xi32, #tpu.memory_space<vmem>>, vector<16xi32>, vector<16xi1>
          %swap3A_387 = arith.index_cast %add3A_354 : i32 to index
          %swap3A_388 = tpu.vector_load %arg10[%swap3A_387] masked %or3A_378 {strides = array<i32>} : memref<128xf32, #tpu.memory_space<vmem>>, vector<16xf32>, vector<16xi1>
          tpu.vector_store %arg10[%swap3A_387], %get3A_366 masked %or3A_378 {strides = array<i32>} : memref<128xf32, #tpu.memory_space<vmem>>, vector<16xf32>, vector<16xi1>
          %convert_element_type3A_389 = arith.extui %or3A_378 : vector<16xi1> to vector<16xi32>
          %reduce_sum3A_390 = arith.constant true
          %reduce_sum3A_391 = vector.broadcast %reduce_sum3A_390 : i1 to vector<16xi1>
          %reduce_sum3A_392 = tpu.scan <sum>, %convert_element_type3A_389 masked %reduce_sum3A_391 : vector<16xi32>, vector<16xi1> -> vector<16xi32>
          %reduce_sum3A_393 = vector.extract %reduce_sum3A_392[15] : i32 from vector<16xi32>
          %add3A_394 = arith.addi %add3A_354, %reduce_sum3A_393 : i32
          %convert_element_type3A_395 = arith.extui %eq3A_368 : vector<16xi1> to vector<16xi32>
          %reduce_sum3A_396 = arith.constant true
          %reduce_sum3A_397 = vector.broadcast %reduce_sum3A_396 : i1 to vector<16xi1>
          %reduce_sum3A_398 = tpu.scan <sum>, %convert_element_type3A_395 masked %reduce_sum3A_397 : vector<16xi32>, vector<16xi1> -> vector<16xi32>
          %reduce_sum3A_399 = vector.extract %reduce_sum3A_398[15] : i32 from vector<16xi32>
          %add3A_400 = arith.addi %add3A_360, %reduce_sum3A_399 : i32
          scf.yield %add3A_394, %add3A_400 : i32, i32
        } else {
          scf.yield %scan3A_190, %scan3A_191 : i32, i32
        }
        scf.yield %cond3A_203#0, %cond3A_203#1 : i32, i32
      }
      %scan3A_92 = arith.constant 250 : i32
      "tpu.region"() ({
        %run_scoped3A_189 = tpu.sem_alloc : memref<!tpu.dma_semaphore, #tpu.memory_space<semaphore_mem>>
        %dma_start3A_190 = arith.constant 0 : i32
        %dma_start3A_191 = tpu.memref_slice %arg4[%add3A_13, %dma_start3A_190] : memref<80x128xf32, #tpu.memory_space<hbm>> -> memref<1x128xf32, #tpu.memory_space<hbm>>
        %dma_start3A_192 = tpu.memref_squeeze %dma_start3A_191 : memref<1x128xf32, #tpu.memory_space<hbm>> -> memref<128xf32, #tpu.memory_space<hbm>>
        %dma_start3A_193 = arith.constant 0 : i32
        %dma_start3A_194 = tpu.memref_slice %arg4[%add3A_13, %dma_start3A_193] : memref<80x128xf32, #tpu.memory_space<hbm>> -> memref<1x128xf32, #tpu.memory_space<hbm>>
        %dma_start3A_195 = tpu.memref_squeeze %dma_start3A_194 : memref<1x128xf32, #tpu.memory_space<hbm>> -> memref<128xf32, #tpu.memory_space<hbm>>
        tpu.enqueue_dma source(%arg10 : memref<128xf32, #tpu.memory_space<vmem>>) target(%dma_start3A_195 : memref<128xf32, #tpu.memory_space<hbm>>) target_semaphore(%run_scoped3A_189 : memref<!tpu.dma_semaphore, #tpu.memory_space<semaphore_mem>>)
        %dma_wait3A_196 = arith.constant 0 : i32
        %dma_wait3A_197 = tpu.memref_slice %arg4[%add3A_13, %dma_wait3A_196] : memref<80x128xf32, #tpu.memory_space<hbm>> -> memref<1x128xf32, #tpu.memory_space<hbm>>
        %dma_wait3A_198 = tpu.memref_squeeze %dma_wait3A_197 : memref<1x128xf32, #tpu.memory_space<hbm>> -> memref<128xf32, #tpu.memory_space<hbm>>
        %dma_wait3A_199 = arith.constant 0 : i32
        %dma_wait3A_200 = tpu.memref_slice %arg4[%add3A_13, %dma_wait3A_199] : memref<80x128xf32, #tpu.memory_space<hbm>> -> memref<1x128xf32, #tpu.memory_space<hbm>>
        %dma_wait3A_201 = tpu.memref_squeeze %dma_wait3A_200 : memref<1x128xf32, #tpu.memory_space<hbm>> -> memref<128xf32, #tpu.memory_space<hbm>>
        tpu.wait_dma2 semaphore(%run_scoped3A_189 : memref<!tpu.dma_semaphore, #tpu.memory_space<semaphore_mem>>) src(%arg10 : memref<128xf32, #tpu.memory_space<vmem>>) dst(%dma_wait3A_201 : memref<128xf32, #tpu.memory_space<hbm>>)
        tpu.yield
      }) : () -> ()
      %jit3A_93 = arith.constant 20 : i32
      %div3A = arith.divsi %add3A_13, %jit3A_93 : i32
      %sign3A = arith.constant 0 : i32
      %sign3A_94 = arith.cmpi sgt, %add3A_13, %sign3A : i32
      %sign3A_95 = arith.extui %sign3A_94 : i1 to i32
      %sign3A_96 = arith.constant 0 : i32
      %sign3A_97 = arith.cmpi slt, %add3A_13, %sign3A_96 : i32
      %sign3A_98 = arith.extui %sign3A_97 : i1 to i32
      %sign3A_99 = arith.subi %sign3A_95, %sign3A_98 : i32
      %sign3A_100 = arith.constant 0 : i32
      %sign3A_101 = arith.cmpi sgt, %jit3A_93, %sign3A_100 : i32
      %sign3A_102 = arith.extui %sign3A_101 : i1 to i32
      %sign3A_103 = arith.constant 0 : i32
      %sign3A_104 = arith.cmpi slt, %jit3A_93, %sign3A_103 : i32
      %sign3A_105 = arith.extui %sign3A_104 : i1 to i32
      %sign3A_106 = arith.subi %sign3A_102, %sign3A_105 : i32
      %ne3A = arith.cmpi ne, %sign3A_99, %sign3A_106 : i32
      %rem3A = arith.remsi %add3A_13, %jit3A_93 : i32
      %ne3A_107 = arith.constant 0 : i32
      %ne3A_108 = arith.cmpi ne, %rem3A, %ne3A_107 : i32
      %and3A = arith.andi %ne3A, %ne3A_108 : i1
      %sub3A_109 = arith.constant 1 : i32
      %sub3A_110 = arith.subi %div3A, %sub3A_109 : i32
      %select_n3A_111 = arith.select %and3A, %sub3A_110, %div3A : i32
      %scan3A_112 = arith.constant 0 : i32
      %scan3A_113 = arith.constant 0 : i32
      %scan3A_114 = arith.constant 8 : i32
      %scan3A_115 = arith.addi %scan3A_113, %scan3A_114 : i32
      %scan3A_116 = arith.constant 1 : i32
      %scan3A_117 = scf.for %scan3A_189 = %scan3A_113 to %scan3A_115 step %scan3A_116 iter_args(%scan3A_190 = %scan3A_112) -> (i32)  : i32 {
        %mul3A_191 = arith.constant 16 : i32
        %mul3A_192 = arith.muli %scan3A_189, %mul3A_191 : i32
        %get3A = arith.index_cast %mul3A_192 : i32 to index
        %get3A_193 = tpu.vector_load %arg9[%get3A] {strides = array<i32>} : memref<128xi32, #tpu.memory_space<vmem>>, vector<16xi32>,
        %mul3A_194 = arith.constant 4 : i32
        %mul3A_195 = arith.muli %select_n3A_111, %mul3A_194 : i32
        %add3A_196 = arith.constant 0 : i32
        %add3A_197 = arith.addi %mul3A_195, %add3A_196 : i32
        %mul3A_198 = arith.constant 20000 : i32
        %mul3A_199 = arith.muli %add3A_197, %mul3A_198 : i32
        %add3A_200 = vector.broadcast %mul3A_199 : i32 to vector<16xi32>
        %add3A_201 = arith.addi %get3A_193, %add3A_200 : vector<16xi32>
        %mul3A_202 = arith.constant 16 : i32
        %mul3A_203 = arith.muli %scan3A_189, %mul3A_202 : i32
        %add3A_204 = arith.constant 0 : i32
        %add3A_205 = arith.addi %add3A_204, %mul3A_203 : i32
        %swap3A = arith.index_cast %add3A_205 : i32 to index
        %swap3A_206 = tpu.vector_load %arg11[%swap3A] {strides = array<i32>} : memref<512xi32, #tpu.memory_space<vmem>>, vector<16xi32>,
        tpu.vector_store %arg11[%swap3A], %add3A_201 {strides = array<i32>} : memref<512xi32, #tpu.memory_space<vmem>>, vector<16xi32>,
        %scan3A_207 = arith.constant 0 : i32
        scf.yield %scan3A_207 : i32
      }
      %scan3A_118 = arith.constant 8 : i32
      %scan3A_119 = arith.constant 0 : i32
      %scan3A_120 = arith.constant 0 : i32
      %scan3A_121 = arith.constant 8 : i32
      %scan3A_122 = arith.addi %scan3A_120, %scan3A_121 : i32
      %scan3A_123 = arith.constant 1 : i32
      %scan3A_124 = scf.for %scan3A_189 = %scan3A_120 to %scan3A_122 step %scan3A_123 iter_args(%scan3A_190 = %scan3A_119) -> (i32)  : i32 {
        %mul3A_191 = arith.constant 16 : i32
        %mul3A_192 = arith.muli %scan3A_189, %mul3A_191 : i32
        %get3A = arith.index_cast %mul3A_192 : i32 to index
        %get3A_193 = tpu.vector_load %arg9[%get3A] {strides = array<i32>} : memref<128xi32, #tpu.memory_space<vmem>>, vector<16xi32>,
        %mul3A_194 = arith.constant 4 : i32
        %mul3A_195 = arith.muli %select_n3A_111, %mul3A_194 : i32
        %add3A_196 = arith.constant 1 : i32
        %add3A_197 = arith.addi %mul3A_195, %add3A_196 : i32
        %mul3A_198 = arith.constant 20000 : i32
        %mul3A_199 = arith.muli %add3A_197, %mul3A_198 : i32
        %add3A_200 = vector.broadcast %mul3A_199 : i32 to vector<16xi32>
        %add3A_201 = arith.addi %get3A_193, %add3A_200 : vector<16xi32>
        %mul3A_202 = arith.constant 16 : i32
        %mul3A_203 = arith.muli %scan3A_189, %mul3A_202 : i32
        %add3A_204 = arith.constant 128 : i32
        %add3A_205 = arith.addi %add3A_204, %mul3A_203 : i32
        %swap3A = arith.index_cast %add3A_205 : i32 to index
        %swap3A_206 = tpu.vector_load %arg11[%swap3A] {strides = array<i32>} : memref<512xi32, #tpu.memory_space<vmem>>, vector<16xi32>,
        tpu.vector_store %arg11[%swap3A], %add3A_201 {strides = array<i32>} : memref<512xi32, #tpu.memory_space<vmem>>, vector<16xi32>,
        %scan3A_207 = arith.constant 0 : i32
        scf.yield %scan3A_207 : i32
      }
      %scan3A_125 = arith.constant 8 : i32
      %scan3A_126 = arith.constant 0 : i32
      %scan3A_127 = arith.constant 0 : i32
      %scan3A_128 = arith.constant 8 : i32
      %scan3A_129 = arith.addi %scan3A_127, %scan3A_128 : i32
      %scan3A_130 = arith.constant 1 : i32
      %scan3A_131 = scf.for %scan3A_189 = %scan3A_127 to %scan3A_129 step %scan3A_130 iter_args(%scan3A_190 = %scan3A_126) -> (i32)  : i32 {
        %mul3A_191 = arith.constant 16 : i32
        %mul3A_192 = arith.muli %scan3A_189, %mul3A_191 : i32
        %get3A = arith.index_cast %mul3A_192 : i32 to index
        %get3A_193 = tpu.vector_load %arg9[%get3A] {strides = array<i32>} : memref<128xi32, #tpu.memory_space<vmem>>, vector<16xi32>,
        %mul3A_194 = arith.constant 4 : i32
        %mul3A_195 = arith.muli %select_n3A_111, %mul3A_194 : i32
        %add3A_196 = arith.constant 2 : i32
        %add3A_197 = arith.addi %mul3A_195, %add3A_196 : i32
        %mul3A_198 = arith.constant 20000 : i32
        %mul3A_199 = arith.muli %add3A_197, %mul3A_198 : i32
        %add3A_200 = vector.broadcast %mul3A_199 : i32 to vector<16xi32>
        %add3A_201 = arith.addi %get3A_193, %add3A_200 : vector<16xi32>
        %mul3A_202 = arith.constant 16 : i32
        %mul3A_203 = arith.muli %scan3A_189, %mul3A_202 : i32
        %add3A_204 = arith.constant 256 : i32
        %add3A_205 = arith.addi %add3A_204, %mul3A_203 : i32
        %swap3A = arith.index_cast %add3A_205 : i32 to index
        %swap3A_206 = tpu.vector_load %arg11[%swap3A] {strides = array<i32>} : memref<512xi32, #tpu.memory_space<vmem>>, vector<16xi32>,
        tpu.vector_store %arg11[%swap3A], %add3A_201 {strides = array<i32>} : memref<512xi32, #tpu.memory_space<vmem>>, vector<16xi32>,
        %scan3A_207 = arith.constant 0 : i32
        scf.yield %scan3A_207 : i32
      }
      %scan3A_132 = arith.constant 8 : i32
      %scan3A_133 = arith.constant 0 : i32
      %scan3A_134 = arith.constant 0 : i32
      %scan3A_135 = arith.constant 8 : i32
      %scan3A_136 = arith.addi %scan3A_134, %scan3A_135 : i32
      %scan3A_137 = arith.constant 1 : i32
      %scan3A_138 = scf.for %scan3A_189 = %scan3A_134 to %scan3A_136 step %scan3A_137 iter_args(%scan3A_190 = %scan3A_133) -> (i32)  : i32 {
        %mul3A_191 = arith.constant 16 : i32
        %mul3A_192 = arith.muli %scan3A_189, %mul3A_191 : i32
        %get3A = arith.index_cast %mul3A_192 : i32 to index
        %get3A_193 = tpu.vector_load %arg9[%get3A] {strides = array<i32>} : memref<128xi32, #tpu.memory_space<vmem>>, vector<16xi32>,
        %mul3A_194 = arith.constant 4 : i32
        %mul3A_195 = arith.muli %select_n3A_111, %mul3A_194 : i32
        %add3A_196 = arith.constant 3 : i32
        %add3A_197 = arith.addi %mul3A_195, %add3A_196 : i32
        %mul3A_198 = arith.constant 20000 : i32
        %mul3A_199 = arith.muli %add3A_197, %mul3A_198 : i32
        %add3A_200 = vector.broadcast %mul3A_199 : i32 to vector<16xi32>
        %add3A_201 = arith.addi %get3A_193, %add3A_200 : vector<16xi32>
        %mul3A_202 = arith.constant 16 : i32
        %mul3A_203 = arith.muli %scan3A_189, %mul3A_202 : i32
        %add3A_204 = arith.constant 384 : i32
        %add3A_205 = arith.addi %add3A_204, %mul3A_203 : i32
        %swap3A = arith.index_cast %add3A_205 : i32 to index
        %swap3A_206 = tpu.vector_load %arg11[%swap3A] {strides = array<i32>} : memref<512xi32, #tpu.memory_space<vmem>>, vector<16xi32>,
        tpu.vector_store %arg11[%swap3A], %add3A_201 {strides = array<i32>} : memref<512xi32, #tpu.memory_space<vmem>>, vector<16xi32>,
        %scan3A_207 = arith.constant 0 : i32
        scf.yield %scan3A_207 : i32
      }
      %scan3A_139 = arith.constant 8 : i32
      %dma_start3A = arith.constant 0 : i32
      %dma_start3A_140 = tpu.memref_slice %arg12[%dma_start3A] : memref<512xf32, #tpu.memory_space<vmem>> -> memref<128xf32, #tpu.memory_space<vmem>>
      %dma_start3A_141 = arith.constant 0 : i32
      %dma_start3A_142 = tpu.memref_slice %arg11[%dma_start3A_141] : memref<512xi32, #tpu.memory_space<vmem>> -> memref<128xi32, #tpu.memory_space<vmem>>
      %dma_start3A_143 = arith.constant 0 : i32
      %dma_start3A_144 = tpu.memref_slice %arg3[%dma_start3A_143] : memref<320000xf32, #tpu.memory_space<hbm>> -> memref<320000xf32, #tpu.memory_space<hbm>>
      tpu.enqueue_indirect_dma source(%dma_start3A_144 : memref<320000xf32, #tpu.memory_space<hbm>>) target(%dma_start3A_140 : memref<128xf32, #tpu.memory_space<vmem>>) offsets(%dma_start3A_142 : memref<128xi32, #tpu.memory_space<vmem>>) semaphore(%arg14 : memref<!tpu.dma_semaphore, #tpu.memory_space<semaphore_mem>>)
      %dma_start3A_145 = arith.constant 128 : i32
      %dma_start3A_146 = tpu.memref_slice %arg12[%dma_start3A_145] : memref<512xf32, #tpu.memory_space<vmem>> -> memref<128xf32, #tpu.memory_space<vmem>>
      %dma_start3A_147 = arith.constant 128 : i32
      %dma_start3A_148 = tpu.memref_slice %arg11[%dma_start3A_147] : memref<512xi32, #tpu.memory_space<vmem>> -> memref<128xi32, #tpu.memory_space<vmem>>
      %dma_start3A_149 = arith.constant 0 : i32
      %dma_start3A_150 = tpu.memref_slice %arg3[%dma_start3A_149] : memref<320000xf32, #tpu.memory_space<hbm>> -> memref<320000xf32, #tpu.memory_space<hbm>>
      tpu.enqueue_indirect_dma source(%dma_start3A_150 : memref<320000xf32, #tpu.memory_space<hbm>>) target(%dma_start3A_146 : memref<128xf32, #tpu.memory_space<vmem>>) offsets(%dma_start3A_148 : memref<128xi32, #tpu.memory_space<vmem>>) semaphore(%arg14 : memref<!tpu.dma_semaphore, #tpu.memory_space<semaphore_mem>>)
      %dma_start3A_151 = arith.constant 256 : i32
      %dma_start3A_152 = tpu.memref_slice %arg12[%dma_start3A_151] : memref<512xf32, #tpu.memory_space<vmem>> -> memref<128xf32, #tpu.memory_space<vmem>>
      %dma_start3A_153 = arith.constant 256 : i32
      %dma_start3A_154 = tpu.memref_slice %arg11[%dma_start3A_153] : memref<512xi32, #tpu.memory_space<vmem>> -> memref<128xi32, #tpu.memory_space<vmem>>
      %dma_start3A_155 = arith.constant 0 : i32
      %dma_start3A_156 = tpu.memref_slice %arg3[%dma_start3A_155] : memref<320000xf32, #tpu.memory_space<hbm>> -> memref<320000xf32, #tpu.memory_space<hbm>>
      tpu.enqueue_indirect_dma source(%dma_start3A_156 : memref<320000xf32, #tpu.memory_space<hbm>>) target(%dma_start3A_152 : memref<128xf32, #tpu.memory_space<vmem>>) offsets(%dma_start3A_154 : memref<128xi32, #tpu.memory_space<vmem>>) semaphore(%arg14 : memref<!tpu.dma_semaphore, #tpu.memory_space<semaphore_mem>>)
      %dma_start3A_157 = arith.constant 384 : i32
      %dma_start3A_158 = tpu.memref_slice %arg12[%dma_start3A_157] : memref<512xf32, #tpu.memory_space<vmem>> -> memref<128xf32, #tpu.memory_space<vmem>>
      %dma_start3A_159 = arith.constant 384 : i32
      %dma_start3A_160 = tpu.memref_slice %arg11[%dma_start3A_159] : memref<512xi32, #tpu.memory_space<vmem>> -> memref<128xi32, #tpu.memory_space<vmem>>
      %dma_start3A_161 = arith.constant 0 : i32
      %dma_start3A_162 = tpu.memref_slice %arg3[%dma_start3A_161] : memref<320000xf32, #tpu.memory_space<hbm>> -> memref<320000xf32, #tpu.memory_space<hbm>>
      tpu.enqueue_indirect_dma source(%dma_start3A_162 : memref<320000xf32, #tpu.memory_space<hbm>>) target(%dma_start3A_158 : memref<128xf32, #tpu.memory_space<vmem>>) offsets(%dma_start3A_160 : memref<128xi32, #tpu.memory_space<vmem>>) semaphore(%arg14 : memref<!tpu.dma_semaphore, #tpu.memory_space<semaphore_mem>>)
      %dma_wait3A = arith.constant 0 : i32
      %dma_wait3A_163 = tpu.memref_slice %arg12[%dma_wait3A] : memref<512xf32, #tpu.memory_space<vmem>> -> memref<128xf32, #tpu.memory_space<vmem>>
      %dma_wait3A_164 = arith.constant 0 : i32
      %dma_wait3A_165 = tpu.memref_slice %arg11[%dma_wait3A_164] : memref<512xi32, #tpu.memory_space<vmem>> -> memref<128xi32, #tpu.memory_space<vmem>>
      %dma_wait3A_166 = arith.constant 0 : i32
      %dma_wait3A_167 = tpu.memref_slice %arg3[%dma_wait3A_166] : memref<320000xf32, #tpu.memory_space<hbm>> -> memref<320000xf32, #tpu.memory_space<hbm>>
      tpu.wait_indirect_dma semaphore(%arg14 : memref<!tpu.dma_semaphore, #tpu.memory_space<semaphore_mem>>) src(%dma_wait3A_167 : memref<320000xf32, #tpu.memory_space<hbm>>) dst(%dma_wait3A_163 : memref<128xf32, #tpu.memory_space<vmem>>)
      %dma_wait3A_168 = arith.constant 128 : i32
      %dma_wait3A_169 = tpu.memref_slice %arg12[%dma_wait3A_168] : memref<512xf32, #tpu.memory_space<vmem>> -> memref<128xf32, #tpu.memory_space<vmem>>
      %dma_wait3A_170 = arith.constant 128 : i32
      %dma_wait3A_171 = tpu.memref_slice %arg11[%dma_wait3A_170] : memref<512xi32, #tpu.memory_space<vmem>> -> memref<128xi32, #tpu.memory_space<vmem>>
      %dma_wait3A_172 = arith.constant 0 : i32
      %dma_wait3A_173 = tpu.memref_slice %arg3[%dma_wait3A_172] : memref<320000xf32, #tpu.memory_space<hbm>> -> memref<320000xf32, #tpu.memory_space<hbm>>
      tpu.wait_indirect_dma semaphore(%arg14 : memref<!tpu.dma_semaphore, #tpu.memory_space<semaphore_mem>>) src(%dma_wait3A_173 : memref<320000xf32, #tpu.memory_space<hbm>>) dst(%dma_wait3A_169 : memref<128xf32, #tpu.memory_space<vmem>>)
      %dma_wait3A_174 = arith.constant 256 : i32
      %dma_wait3A_175 = tpu.memref_slice %arg12[%dma_wait3A_174] : memref<512xf32, #tpu.memory_space<vmem>> -> memref<128xf32, #tpu.memory_space<vmem>>
      %dma_wait3A_176 = arith.constant 256 : i32
      %dma_wait3A_177 = tpu.memref_slice %arg11[%dma_wait3A_176] : memref<512xi32, #tpu.memory_space<vmem>> -> memref<128xi32, #tpu.memory_space<vmem>>
      %dma_wait3A_178 = arith.constant 0 : i32
      %dma_wait3A_179 = tpu.memref_slice %arg3[%dma_wait3A_178] : memref<320000xf32, #tpu.memory_space<hbm>> -> memref<320000xf32, #tpu.memory_space<hbm>>
      tpu.wait_indirect_dma semaphore(%arg14 : memref<!tpu.dma_semaphore, #tpu.memory_space<semaphore_mem>>) src(%dma_wait3A_179 : memref<320000xf32, #tpu.memory_space<hbm>>) dst(%dma_wait3A_175 : memref<128xf32, #tpu.memory_space<vmem>>)
      %dma_wait3A_180 = arith.constant 384 : i32
      %dma_wait3A_181 = tpu.memref_slice %arg12[%dma_wait3A_180] : memref<512xf32, #tpu.memory_space<vmem>> -> memref<128xf32, #tpu.memory_space<vmem>>
      %dma_wait3A_182 = arith.constant 384 : i32
      %dma_wait3A_183 = tpu.memref_slice %arg11[%dma_wait3A_182] : memref<512xi32, #tpu.memory_space<vmem>> -> memref<128xi32, #tpu.memory_space<vmem>>
      %dma_wait3A_184 = arith.constant 0 : i32
      %dma_wait3A_185 = tpu.memref_slice %arg3[%dma_wait3A_184] : memref<320000xf32, #tpu.memory_space<hbm>> -> memref<320000xf32, #tpu.memory_space<hbm>>
      tpu.wait_indirect_dma semaphore(%arg14 : memref<!tpu.dma_semaphore, #tpu.memory_space<semaphore_mem>>) src(%dma_wait3A_185 : memref<320000xf32, #tpu.memory_space<hbm>>) dst(%dma_wait3A_181 : memref<128xf32, #tpu.memory_space<vmem>>)
      %run_scoped3A = arith.constant 0 : i32
      "tpu.region"() ({
        %run_scoped3A_189 = tpu.sem_alloc : memref<!tpu.dma_semaphore, #tpu.memory_space<semaphore_mem>>
        %dma_start3A_190 = arith.constant 0 : i32
        %dma_start3A_191 = tpu.memref_slice %arg12[%dma_start3A_190] : memref<512xf32, #tpu.memory_space<vmem>> -> memref<128xf32, #tpu.memory_space<vmem>>
        %dma_start3A_192 = arith.constant 0 : i32
        %dma_start3A_193 = tpu.memref_slice %arg5[%add3A_13, %run_scoped3A, %dma_start3A_192] : memref<80x4x128xf32, #tpu.memory_space<hbm>> -> memref<1x1x128xf32, #tpu.memory_space<hbm>>
        %dma_start3A_194 = tpu.memref_squeeze %dma_start3A_193 : memref<1x1x128xf32, #tpu.memory_space<hbm>> -> memref<128xf32, #tpu.memory_space<hbm>>
        %dma_start3A_195 = arith.constant 0 : i32
        %dma_start3A_196 = tpu.memref_slice %arg5[%add3A_13, %run_scoped3A, %dma_start3A_195] : memref<80x4x128xf32, #tpu.memory_space<hbm>> -> memref<1x1x128xf32, #tpu.memory_space<hbm>>
        %dma_start3A_197 = tpu.memref_squeeze %dma_start3A_196 : memref<1x1x128xf32, #tpu.memory_space<hbm>> -> memref<128xf32, #tpu.memory_space<hbm>>
        %dma_start3A_198 = arith.constant 0 : i32
        %dma_start3A_199 = tpu.memref_slice %arg12[%dma_start3A_198] : memref<512xf32, #tpu.memory_space<vmem>> -> memref<128xf32, #tpu.memory_space<vmem>>
        tpu.enqueue_dma source(%dma_start3A_199 : memref<128xf32, #tpu.memory_space<vmem>>) target(%dma_start3A_197 : memref<128xf32, #tpu.memory_space<hbm>>) target_semaphore(%run_scoped3A_189 : memref<!tpu.dma_semaphore, #tpu.memory_space<semaphore_mem>>)
        %dma_wait3A_200 = arith.constant 0 : i32
        %dma_wait3A_201 = tpu.memref_slice %arg12[%dma_wait3A_200] : memref<512xf32, #tpu.memory_space<vmem>> -> memref<128xf32, #tpu.memory_space<vmem>>
        %dma_wait3A_202 = arith.constant 0 : i32
        %dma_wait3A_203 = tpu.memref_slice %arg5[%add3A_13, %run_scoped3A, %dma_wait3A_202] : memref<80x4x128xf32, #tpu.memory_space<hbm>> -> memref<1x1x128xf32, #tpu.memory_space<hbm>>
        %dma_wait3A_204 = tpu.memref_squeeze %dma_wait3A_203 : memref<1x1x128xf32, #tpu.memory_space<hbm>> -> memref<128xf32, #tpu.memory_space<hbm>>
        %dma_wait3A_205 = arith.constant 0 : i32
        %dma_wait3A_206 = tpu.memref_slice %arg5[%add3A_13, %run_scoped3A, %dma_wait3A_205] : memref<80x4x128xf32, #tpu.memory_space<hbm>> -> memref<1x1x128xf32, #tpu.memory_space<hbm>>
        %dma_wait3A_207 = tpu.memref_squeeze %dma_wait3A_206 : memref<1x1x128xf32, #tpu.memory_space<hbm>> -> memref<128xf32, #tpu.memory_space<hbm>>
        %dma_wait3A_208 = arith.constant 0 : i32
        %dma_wait3A_209 = tpu.memref_slice %arg12[%dma_wait3A_208] : memref<512xf32, #tpu.memory_space<vmem>> -> memref<128xf32, #tpu.memory_space<vmem>>
        tpu.wait_dma2 semaphore(%run_scoped3A_189 : memref<!tpu.dma_semaphore, #tpu.memory_space<semaphore_mem>>) src(%dma_wait3A_209 : memref<128xf32, #tpu.memory_space<vmem>>) dst(%dma_wait3A_207 : memref<128xf32, #tpu.memory_space<hbm>>)
        tpu.yield
      }) : () -> ()
      %run_scoped3A_186 = arith.constant 1 : i32
      "tpu.region"() ({
        %run_scoped3A_189 = tpu.sem_alloc : memref<!tpu.dma_semaphore, #tpu.memory_space<semaphore_mem>>
        %dma_start3A_190 = arith.constant 128 : i32
        %dma_start3A_191 = tpu.memref_slice %arg12[%dma_start3A_190] : memref<512xf32, #tpu.memory_space<vmem>> -> memref<128xf32, #tpu.memory_space<vmem>>
        %dma_start3A_192 = arith.constant 0 : i32
        %dma_start3A_193 = tpu.memref_slice %arg5[%add3A_13, %run_scoped3A_186, %dma_start3A_192] : memref<80x4x128xf32, #tpu.memory_space<hbm>> -> memref<1x1x128xf32, #tpu.memory_space<hbm>>
        %dma_start3A_194 = tpu.memref_squeeze %dma_start3A_193 : memref<1x1x128xf32, #tpu.memory_space<hbm>> -> memref<128xf32, #tpu.memory_space<hbm>>
        %dma_start3A_195 = arith.constant 0 : i32
        %dma_start3A_196 = tpu.memref_slice %arg5[%add3A_13, %run_scoped3A_186, %dma_start3A_195] : memref<80x4x128xf32, #tpu.memory_space<hbm>> -> memref<1x1x128xf32, #tpu.memory_space<hbm>>
        %dma_start3A_197 = tpu.memref_squeeze %dma_start3A_196 : memref<1x1x128xf32, #tpu.memory_space<hbm>> -> memref<128xf32, #tpu.memory_space<hbm>>
        %dma_start3A_198 = arith.constant 128 : i32
        %dma_start3A_199 = tpu.memref_slice %arg12[%dma_start3A_198] : memref<512xf32, #tpu.memory_space<vmem>> -> memref<128xf32, #tpu.memory_space<vmem>>
        tpu.enqueue_dma source(%dma_start3A_199 : memref<128xf32, #tpu.memory_space<vmem>>) target(%dma_start3A_197 : memref<128xf32, #tpu.memory_space<hbm>>) target_semaphore(%run_scoped3A_189 : memref<!tpu.dma_semaphore, #tpu.memory_space<semaphore_mem>>)
        %dma_wait3A_200 = arith.constant 128 : i32
        %dma_wait3A_201 = tpu.memref_slice %arg12[%dma_wait3A_200] : memref<512xf32, #tpu.memory_space<vmem>> -> memref<128xf32, #tpu.memory_space<vmem>>
        %dma_wait3A_202 = arith.constant 0 : i32
        %dma_wait3A_203 = tpu.memref_slice %arg5[%add3A_13, %run_scoped3A_186, %dma_wait3A_202] : memref<80x4x128xf32, #tpu.memory_space<hbm>> -> memref<1x1x128xf32, #tpu.memory_space<hbm>>
        %dma_wait3A_204 = tpu.memref_squeeze %dma_wait3A_203 : memref<1x1x128xf32, #tpu.memory_space<hbm>> -> memref<128xf32, #tpu.memory_space<hbm>>
        %dma_wait3A_205 = arith.constant 0 : i32
        %dma_wait3A_206 = tpu.memref_slice %arg5[%add3A_13, %run_scoped3A_186, %dma_wait3A_205] : memref<80x4x128xf32, #tpu.memory_space<hbm>> -> memref<1x1x128xf32, #tpu.memory_space<hbm>>
        %dma_wait3A_207 = tpu.memref_squeeze %dma_wait3A_206 : memref<1x1x128xf32, #tpu.memory_space<hbm>> -> memref<128xf32, #tpu.memory_space<hbm>>
        %dma_wait3A_208 = arith.constant 128 : i32
        %dma_wait3A_209 = tpu.memref_slice %arg12[%dma_wait3A_208] : memref<512xf32, #tpu.memory_space<vmem>> -> memref<128xf32, #tpu.memory_space<vmem>>
        tpu.wait_dma2 semaphore(%run_scoped3A_189 : memref<!tpu.dma_semaphore, #tpu.memory_space<semaphore_mem>>) src(%dma_wait3A_209 : memref<128xf32, #tpu.memory_space<vmem>>) dst(%dma_wait3A_207 : memref<128xf32, #tpu.memory_space<hbm>>)
        tpu.yield
      }) : () -> ()
      %run_scoped3A_187 = arith.constant 2 : i32
      "tpu.region"() ({
        %run_scoped3A_189 = tpu.sem_alloc : memref<!tpu.dma_semaphore, #tpu.memory_space<semaphore_mem>>
        %dma_start3A_190 = arith.constant 256 : i32
        %dma_start3A_191 = tpu.memref_slice %arg12[%dma_start3A_190] : memref<512xf32, #tpu.memory_space<vmem>> -> memref<128xf32, #tpu.memory_space<vmem>>
        %dma_start3A_192 = arith.constant 0 : i32
        %dma_start3A_193 = tpu.memref_slice %arg5[%add3A_13, %run_scoped3A_187, %dma_start3A_192] : memref<80x4x128xf32, #tpu.memory_space<hbm>> -> memref<1x1x128xf32, #tpu.memory_space<hbm>>
        %dma_start3A_194 = tpu.memref_squeeze %dma_start3A_193 : memref<1x1x128xf32, #tpu.memory_space<hbm>> -> memref<128xf32, #tpu.memory_space<hbm>>
        %dma_start3A_195 = arith.constant 0 : i32
        %dma_start3A_196 = tpu.memref_slice %arg5[%add3A_13, %run_scoped3A_187, %dma_start3A_195] : memref<80x4x128xf32, #tpu.memory_space<hbm>> -> memref<1x1x128xf32, #tpu.memory_space<hbm>>
        %dma_start3A_197 = tpu.memref_squeeze %dma_start3A_196 : memref<1x1x128xf32, #tpu.memory_space<hbm>> -> memref<128xf32, #tpu.memory_space<hbm>>
        %dma_start3A_198 = arith.constant 256 : i32
        %dma_start3A_199 = tpu.memref_slice %arg12[%dma_start3A_198] : memref<512xf32, #tpu.memory_space<vmem>> -> memref<128xf32, #tpu.memory_space<vmem>>
        tpu.enqueue_dma source(%dma_start3A_199 : memref<128xf32, #tpu.memory_space<vmem>>) target(%dma_start3A_197 : memref<128xf32, #tpu.memory_space<hbm>>) target_semaphore(%run_scoped3A_189 : memref<!tpu.dma_semaphore, #tpu.memory_space<semaphore_mem>>)
        %dma_wait3A_200 = arith.constant 256 : i32
        %dma_wait3A_201 = tpu.memref_slice %arg12[%dma_wait3A_200] : memref<512xf32, #tpu.memory_space<vmem>> -> memref<128xf32, #tpu.memory_space<vmem>>
        %dma_wait3A_202 = arith.constant 0 : i32
        %dma_wait3A_203 = tpu.memref_slice %arg5[%add3A_13, %run_scoped3A_187, %dma_wait3A_202] : memref<80x4x128xf32, #tpu.memory_space<hbm>> -> memref<1x1x128xf32, #tpu.memory_space<hbm>>
        %dma_wait3A_204 = tpu.memref_squeeze %dma_wait3A_203 : memref<1x1x128xf32, #tpu.memory_space<hbm>> -> memref<128xf32, #tpu.memory_space<hbm>>
        %dma_wait3A_205 = arith.constant 0 : i32
        %dma_wait3A_206 = tpu.memref_slice %arg5[%add3A_13, %run_scoped3A_187, %dma_wait3A_205] : memref<80x4x128xf32, #tpu.memory_space<hbm>> -> memref<1x1x128xf32, #tpu.memory_space<hbm>>
        %dma_wait3A_207 = tpu.memref_squeeze %dma_wait3A_206 : memref<1x1x128xf32, #tpu.memory_space<hbm>> -> memref<128xf32, #tpu.memory_space<hbm>>
        %dma_wait3A_208 = arith.constant 256 : i32
        %dma_wait3A_209 = tpu.memref_slice %arg12[%dma_wait3A_208] : memref<512xf32, #tpu.memory_space<vmem>> -> memref<128xf32, #tpu.memory_space<vmem>>
        tpu.wait_dma2 semaphore(%run_scoped3A_189 : memref<!tpu.dma_semaphore, #tpu.memory_space<semaphore_mem>>) src(%dma_wait3A_209 : memref<128xf32, #tpu.memory_space<vmem>>) dst(%dma_wait3A_207 : memref<128xf32, #tpu.memory_space<hbm>>)
        tpu.yield
      }) : () -> ()
      %run_scoped3A_188 = arith.constant 3 : i32
      "tpu.region"() ({
        %run_scoped3A_189 = tpu.sem_alloc : memref<!tpu.dma_semaphore, #tpu.memory_space<semaphore_mem>>
        %dma_start3A_190 = arith.constant 384 : i32
        %dma_start3A_191 = tpu.memref_slice %arg12[%dma_start3A_190] : memref<512xf32, #tpu.memory_space<vmem>> -> memref<128xf32, #tpu.memory_space<vmem>>
        %dma_start3A_192 = arith.constant 0 : i32
        %dma_start3A_193 = tpu.memref_slice %arg5[%add3A_13, %run_scoped3A_188, %dma_start3A_192] : memref<80x4x128xf32, #tpu.memory_space<hbm>> -> memref<1x1x128xf32, #tpu.memory_space<hbm>>
        %dma_start3A_194 = tpu.memref_squeeze %dma_start3A_193 : memref<1x1x128xf32, #tpu.memory_space<hbm>> -> memref<128xf32, #tpu.memory_space<hbm>>
        %dma_start3A_195 = arith.constant 0 : i32
        %dma_start3A_196 = tpu.memref_slice %arg5[%add3A_13, %run_scoped3A_188, %dma_start3A_195] : memref<80x4x128xf32, #tpu.memory_space<hbm>> -> memref<1x1x128xf32, #tpu.memory_space<hbm>>
        %dma_start3A_197 = tpu.memref_squeeze %dma_start3A_196 : memref<1x1x128xf32, #tpu.memory_space<hbm>> -> memref<128xf32, #tpu.memory_space<hbm>>
        %dma_start3A_198 = arith.constant 384 : i32
        %dma_start3A_199 = tpu.memref_slice %arg12[%dma_start3A_198] : memref<512xf32, #tpu.memory_space<vmem>> -> memref<128xf32, #tpu.memory_space<vmem>>
        tpu.enqueue_dma source(%dma_start3A_199 : memref<128xf32, #tpu.memory_space<vmem>>) target(%dma_start3A_197 : memref<128xf32, #tpu.memory_space<hbm>>) target_semaphore(%run_scoped3A_189 : memref<!tpu.dma_semaphore, #tpu.memory_space<semaphore_mem>>)
        %dma_wait3A_200 = arith.constant 384 : i32
        %dma_wait3A_201 = tpu.memref_slice %arg12[%dma_wait3A_200] : memref<512xf32, #tpu.memory_space<vmem>> -> memref<128xf32, #tpu.memory_space<vmem>>
        %dma_wait3A_202 = arith.constant 0 : i32
        %dma_wait3A_203 = tpu.memref_slice %arg5[%add3A_13, %run_scoped3A_188, %dma_wait3A_202] : memref<80x4x128xf32, #tpu.memory_space<hbm>> -> memref<1x1x128xf32, #tpu.memory_space<hbm>>
        %dma_wait3A_204 = tpu.memref_squeeze %dma_wait3A_203 : memref<1x1x128xf32, #tpu.memory_space<hbm>> -> memref<128xf32, #tpu.memory_space<hbm>>
        %dma_wait3A_205 = arith.constant 0 : i32
        %dma_wait3A_206 = tpu.memref_slice %arg5[%add3A_13, %run_scoped3A_188, %dma_wait3A_205] : memref<80x4x128xf32, #tpu.memory_space<hbm>> -> memref<1x1x128xf32, #tpu.memory_space<hbm>>
        %dma_wait3A_207 = tpu.memref_squeeze %dma_wait3A_206 : memref<1x1x128xf32, #tpu.memory_space<hbm>> -> memref<128xf32, #tpu.memory_space<hbm>>
        %dma_wait3A_208 = arith.constant 384 : i32
        %dma_wait3A_209 = tpu.memref_slice %arg12[%dma_wait3A_208] : memref<512xf32, #tpu.memory_space<vmem>> -> memref<128xf32, #tpu.memory_space<vmem>>
        tpu.wait_dma2 semaphore(%run_scoped3A_189 : memref<!tpu.dma_semaphore, #tpu.memory_space<semaphore_mem>>) src(%dma_wait3A_209 : memref<128xf32, #tpu.memory_space<vmem>>) dst(%dma_wait3A_207 : memref<128xf32, #tpu.memory_space<hbm>>)
        tpu.yield
      }) : () -> ()
    } else {
    }
    return
  }
}

module attributes {stable_mosaic.version = 14 : i64} {
  func.func @_prep_body(%arg0: i32, %arg1: memref<1x21x20000xf32, #tpu.memory_space<vmem>>, %arg2: memref<1x4x20000xf32, #tpu.memory_space<vmem>>, %arg3: memref<4x20000xf32, #tpu.memory_space<vmem>>, %arg4: memref<1x20x20000xf32, #tpu.memory_space<vmem>>, %arg5: memref<1x4x20000xf32, #tpu.memory_space<vmem>>) attributes {dimension_semantics = [#tpu.dimension_semantics<arbitrary>], iteration_bounds = array<i64: 4>, scalar_prefetch = 0 : i64, scratch_operands = 0 : i64, tpu.core_type = #tpu.core_type<tc>, window_params = [{transform_indices = @transform_0, window_bounds = array<i64: 1, 21, 20000>}, {transform_indices = @transform_1, window_bounds = array<i64: 1, 4, 20000>}, {pipeline_mode = #tpu.pipeline_mode<synchronous>, transform_indices = @transform_2, window_bounds = array<i64: 4, 20000>}, {transform_indices = @transform_3, window_bounds = array<i64: 1, 20, 20000>}, {transform_indices = @transform_4, window_bounds = array<i64: 1, 4, 20000>}]} {
    %get3A = arith.constant 0 : index
    %get3A_0 = arith.constant 0 : index
    %get3A_1 = arith.constant 0 : index
    %get3A_2 = vector.load %arg1[%get3A, %get3A_0, %get3A_1] : memref<1x21x20000xf32, #tpu.memory_space<vmem>>, vector<1x21x20000xf32>
    %get3A_3 = vector.shape_cast %get3A_2 : vector<1x21x20000xf32> to vector<21x20000xf32>
    %reduce_max3A = arith.constant dense<0xFF800000> : vector<20000xf32>
    %reduce_max3A_4 = vector.multi_reduction <maximumf>, %get3A_3, %reduce_max3A [0] : vector<21x20000xf32> to vector<20000xf32>
    %broadcast_in_dim3A = vector.shape_cast %reduce_max3A_4 : vector<20000xf32> to vector<1x20000xf32>
    %sub3A = vector.broadcast %broadcast_in_dim3A : vector<1x20000xf32> to vector<21x20000xf32>
    %sub3A_5 = arith.subf %get3A_3, %sub3A : vector<21x20000xf32>
    %exp3A = math.exp %sub3A_5 : vector<21x20000xf32>
    %reduce_sum3A = arith.constant dense<0.000000e+00> : vector<20000xf32>
    %reduce_sum3A_6 = vector.multi_reduction <add>, %exp3A, %reduce_sum3A [0] : vector<21x20000xf32> to vector<20000xf32>
    %broadcast_in_dim3A_7 = vector.shape_cast %reduce_sum3A_6 : vector<20000xf32> to vector<1x20000xf32>
    %slice3A = vector.extract_strided_slice %exp3A {offsets = [1, 0], sizes = [20, 20000], strides = [1, 1]} : vector<21x20000xf32> to vector<20x20000xf32>
    %div3A = vector.broadcast %broadcast_in_dim3A_7 : vector<1x20000xf32> to vector<20x20000xf32>
    %div3A_8 = arith.divf %slice3A, %div3A : vector<20x20000xf32>
    %ge3A = arith.constant 5.000000e-02 : f32
    %ge3A_9 = vector.broadcast %ge3A : f32 to vector<20x20000xf32>
    %ge3A_10 = arith.cmpf oge, %div3A_8, %ge3A_9 : vector<20x20000xf32>
    %jit3A = arith.constant -1.000000e+09 : f32
    %broadcast_in_dim3A_11 = vector.broadcast %jit3A : f32 to vector<20x20000xf32>
    %select_n3A = arith.select %ge3A_10, %div3A_8, %broadcast_in_dim3A_11 : vector<20x20000xi1>, vector<20x20000xf32>
    %swap3A = arith.constant 0 : index
    %swap3A_12 = arith.constant 0 : index
    %swap3A_13 = arith.constant 0 : index
    %swap3A_14 = vector.load %arg4[%swap3A, %swap3A_12, %swap3A_13] : memref<1x20x20000xf32, #tpu.memory_space<vmem>>, vector<1x20x20000xf32>
    %swap3A_15 = vector.shape_cast %swap3A_14 : vector<1x20x20000xf32> to vector<20x20000xf32>
    %swap3A_16 = vector.shape_cast %select_n3A : vector<20x20000xf32> to vector<1x20x20000xf32>
    tpu.vector_store %arg4[%swap3A, %swap3A_12, %swap3A_13], %swap3A_16 {strides = array<i32>} : memref<1x20x20000xf32, #tpu.memory_space<vmem>>, vector<1x20x20000xf32>,
    %get3A_17 = arith.constant 0 : index
    %get3A_18 = arith.constant 0 : index
    %get3A_19 = arith.constant 0 : index
    %get3A_20 = vector.load %arg2[%get3A_17, %get3A_18, %get3A_19] : memref<1x4x20000xf32, #tpu.memory_space<vmem>>, vector<1x4x20000xf32>
    %get3A_21 = vector.shape_cast %get3A_20 : vector<1x4x20000xf32> to vector<4x20000xf32>
    %get3A_22 = arith.constant 0 : index
    %get3A_23 = arith.constant 0 : index
    %get3A_24 = vector.load %arg3[%get3A_22, %get3A_23] : memref<4x20000xf32, #tpu.memory_space<vmem>>, vector<4x20000xf32>
    %slice3A_25 = vector.extract_strided_slice %get3A_24 {offsets = [0, 0], sizes = [1, 20000], strides = [1, 1]} : vector<4x20000xf32> to vector<1x20000xf32>
    %slice3A_26 = vector.extract_strided_slice %get3A_24 {offsets = [1, 0], sizes = [1, 20000], strides = [1, 1]} : vector<4x20000xf32> to vector<1x20000xf32>
    %slice3A_27 = vector.extract_strided_slice %get3A_24 {offsets = [2, 0], sizes = [1, 20000], strides = [1, 1]} : vector<4x20000xf32> to vector<1x20000xf32>
    %slice3A_28 = vector.extract_strided_slice %get3A_24 {offsets = [3, 0], sizes = [1, 20000], strides = [1, 1]} : vector<4x20000xf32> to vector<1x20000xf32>
    %slice3A_29 = vector.extract_strided_slice %get3A_21 {offsets = [0, 0], sizes = [1, 20000], strides = [1, 1]} : vector<4x20000xf32> to vector<1x20000xf32>
    %mul3A = arith.constant 1.000000e-01 : f32
    %mul3A_30 = vector.broadcast %mul3A : f32 to vector<1x20000xf32>
    %mul3A_31 = arith.mulf %slice3A_29, %mul3A_30 : vector<1x20000xf32>
    %mul3A_32 = arith.mulf %mul3A_31, %slice3A_27 : vector<1x20000xf32>
    %add3A = arith.addf %slice3A_25, %mul3A_32 : vector<1x20000xf32>
    %slice3A_33 = vector.extract_strided_slice %get3A_21 {offsets = [1, 0], sizes = [1, 20000], strides = [1, 1]} : vector<4x20000xf32> to vector<1x20000xf32>
    %mul3A_34 = arith.constant 1.000000e-01 : f32
    %mul3A_35 = vector.broadcast %mul3A_34 : f32 to vector<1x20000xf32>
    %mul3A_36 = arith.mulf %slice3A_33, %mul3A_35 : vector<1x20000xf32>
    %mul3A_37 = arith.mulf %mul3A_36, %slice3A_28 : vector<1x20000xf32>
    %add3A_38 = arith.addf %slice3A_26, %mul3A_37 : vector<1x20000xf32>
    %slice3A_39 = vector.extract_strided_slice %get3A_21 {offsets = [2, 0], sizes = [1, 20000], strides = [1, 1]} : vector<4x20000xf32> to vector<1x20000xf32>
    %mul3A_40 = arith.constant 2.000000e-01 : f32
    %mul3A_41 = vector.broadcast %mul3A_40 : f32 to vector<1x20000xf32>
    %mul3A_42 = arith.mulf %slice3A_39, %mul3A_41 : vector<1x20000xf32>
    %exp3A_43 = math.exp %mul3A_42 : vector<1x20000xf32>
    %mul3A_44 = arith.mulf %slice3A_27, %exp3A_43 : vector<1x20000xf32>
    %slice3A_45 = vector.extract_strided_slice %get3A_21 {offsets = [3, 0], sizes = [1, 20000], strides = [1, 1]} : vector<4x20000xf32> to vector<1x20000xf32>
    %mul3A_46 = arith.constant 2.000000e-01 : f32
    %mul3A_47 = vector.broadcast %mul3A_46 : f32 to vector<1x20000xf32>
    %mul3A_48 = arith.mulf %slice3A_45, %mul3A_47 : vector<1x20000xf32>
    %exp3A_49 = math.exp %mul3A_48 : vector<1x20000xf32>
    %mul3A_50 = arith.mulf %slice3A_28, %exp3A_49 : vector<1x20000xf32>
    %mul3A_51 = arith.constant 5.000000e-01 : f32
    %mul3A_52 = vector.broadcast %mul3A_51 : f32 to vector<1x20000xf32>
    %mul3A_53 = arith.mulf %mul3A_44, %mul3A_52 : vector<1x20000xf32>
    %sub3A_54 = arith.subf %add3A, %mul3A_53 : vector<1x20000xf32>
    %mul3A_55 = arith.constant 5.000000e-01 : f32
    %mul3A_56 = vector.broadcast %mul3A_55 : f32 to vector<1x20000xf32>
    %mul3A_57 = arith.mulf %mul3A_50, %mul3A_56 : vector<1x20000xf32>
    %sub3A_58 = arith.subf %add3A_38, %mul3A_57 : vector<1x20000xf32>
    %mul3A_59 = arith.constant 5.000000e-01 : f32
    %mul3A_60 = vector.broadcast %mul3A_59 : f32 to vector<1x20000xf32>
    %mul3A_61 = arith.mulf %mul3A_44, %mul3A_60 : vector<1x20000xf32>
    %add3A_62 = arith.addf %add3A, %mul3A_61 : vector<1x20000xf32>
    %mul3A_63 = arith.constant 5.000000e-01 : f32
    %mul3A_64 = vector.broadcast %mul3A_63 : f32 to vector<1x20000xf32>
    %mul3A_65 = arith.mulf %mul3A_50, %mul3A_64 : vector<1x20000xf32>
    %add3A_66 = arith.addf %add3A_38, %mul3A_65 : vector<1x20000xf32>
    %concatenate3A = tpu.concatenate %sub3A_54, %sub3A_58, %add3A_62, %add3A_66 in 0 : vector<1x20000xf32>, vector<1x20000xf32>, vector<1x20000xf32>, vector<1x20000xf32> -> vector<4x20000xf32>
    %swap3A_67 = arith.constant 0 : index
    %swap3A_68 = arith.constant 0 : index
    %swap3A_69 = arith.constant 0 : index
    %swap3A_70 = vector.load %arg5[%swap3A_67, %swap3A_68, %swap3A_69] : memref<1x4x20000xf32, #tpu.memory_space<vmem>>, vector<1x4x20000xf32>
    %swap3A_71 = vector.shape_cast %swap3A_70 : vector<1x4x20000xf32> to vector<4x20000xf32>
    %swap3A_72 = vector.shape_cast %concatenate3A : vector<4x20000xf32> to vector<1x4x20000xf32>
    tpu.vector_store %arg5[%swap3A_67, %swap3A_68, %swap3A_69], %swap3A_72 {strides = array<i32>} : memref<1x4x20000xf32, #tpu.memory_space<vmem>>, vector<1x4x20000xf32>,
    return
  }
  func.func @transform_0(%arg0: i32) -> (i32, i32, i32) {
    %c0_i32 = arith.constant 0 : i32
    %c0_i32_0 = arith.constant 0 : i32
    %c0_i32_1 = arith.constant 0 : i32
    return %arg0, %c0_i32, %c0_i32_0 : i32, i32, i32
  }
  func.func @transform_1(%arg0: i32) -> (i32, i32, i32) {
    %c0_i32 = arith.constant 0 : i32
    %c0_i32_0 = arith.constant 0 : i32
    %c0_i32_1 = arith.constant 0 : i32
    return %arg0, %c0_i32, %c0_i32_0 : i32, i32, i32
  }
  func.func @transform_2(%arg0: i32) -> (i32, i32) {
    %c0_i32 = arith.constant 0 : i32
    %c0_i32_0 = arith.constant 0 : i32
    %c0_i32_1 = arith.constant 0 : i32
    return %c0_i32, %c0_i32_0 : i32, i32
  }
  func.func @transform_3(%arg0: i32) -> (i32, i32, i32) {
    %c0_i32 = arith.constant 0 : i32
    %c0_i32_0 = arith.constant 0 : i32
    %c0_i32_1 = arith.constant 0 : i32
    return %arg0, %c0_i32, %c0_i32_0 : i32, i32, i32
  }
  func.func @transform_4(%arg0: i32) -> (i32, i32, i32) {
    %c0_i32 = arith.constant 0 : i32
    %c0_i32_0 = arith.constant 0 : i32
    %c0_i32_1 = arith.constant 0 : i32
    return %arg0, %c0_i32, %c0_i32_0 : i32, i32, i32
  }
}

module attributes {stable_mosaic.version = 14 : i64} {
  func.func @_nms_body(%arg0: memref<80x128xf32, #tpu.memory_space<vmem>>, %arg1: memref<4x80x128xf32, #tpu.memory_space<vmem>>, %arg2: memref<5x80x128xf32, #tpu.memory_space<vmem>>, %arg3: memref<80x128xf32, #tpu.memory_space<vmem>>) attributes {dimension_semantics = [], scalar_prefetch = 0 : i64, scratch_operands = 1 : i64, tpu.core_type = #tpu.core_type<tc>} {
    %get3A = arith.constant 0 : index
    %get3A_0 = arith.constant 0 : index
    %get3A_1 = vector.load %arg0[%get3A, %get3A_0] : memref<80x128xf32, #tpu.memory_space<vmem>>, vector<80x128xf32>
    %swap3A = arith.constant 0 : index
    %swap3A_2 = arith.constant 0 : index
    %swap3A_3 = vector.load %arg3[%swap3A, %swap3A_2] : memref<80x128xf32, #tpu.memory_space<vmem>>, vector<80x128xf32>
    tpu.vector_store %arg3[%swap3A, %swap3A_2], %get3A_1 {strides = array<i32>} : memref<80x128xf32, #tpu.memory_space<vmem>>, vector<80x128xf32>,
    %scan3A = arith.constant 0 : i32
    %scan3A_4 = arith.constant 100 : i32
    %scan3A_5 = arith.addi %scan3A, %scan3A_4 : i32
    %scan3A_6 = arith.constant 1 : i32
    scf.for %scan3A_8 = %scan3A to %scan3A_5 step %scan3A_6  : i32 {
      %get3A_9 = arith.constant 0 : index
      %get3A_10 = arith.constant 0 : index
      %get3A_11 = vector.load %arg3[%get3A_9, %get3A_10] : memref<80x128xf32, #tpu.memory_space<vmem>>, vector<80x128xf32>
      %reduce_max3A = arith.constant dense<0xFF800000> : vector<80xf32>
      %reduce_max3A_12 = vector.multi_reduction <maximumf>, %get3A_11, %reduce_max3A [1] : vector<80x128xf32> to vector<80xf32>
      %broadcast_in_dim3A = vector.shape_cast %reduce_max3A_12 : vector<80xf32> to vector<80x1xf32>
      %iota3A = tpu.iota {dimensions = array<i32: 1>} : vector<80x128xi32>
      %eq3A = vector.broadcast %broadcast_in_dim3A : vector<80x1xf32> to vector<80x128xf32>
      %eq3A_13 = arith.cmpf oeq, %get3A_11, %eq3A : vector<80x128xf32>
      %jit3A = arith.constant 1073741824 : i32
      %broadcast_in_dim3A_14 = vector.broadcast %jit3A : i32 to vector<80x128xi32>
      %select_n3A = arith.select %eq3A_13, %iota3A, %broadcast_in_dim3A_14 : vector<80x128xi1>, vector<80x128xi32>
      %reduce_min3A = arith.constant dense<2147483647> : vector<80xi32>
      %reduce_min3A_15 = vector.multi_reduction <minsi>, %select_n3A, %reduce_min3A [1] : vector<80x128xi32> to vector<80xi32>
      %broadcast_in_dim3A_16 = vector.shape_cast %reduce_min3A_15 : vector<80xi32> to vector<80x1xi32>
      %eq3A_17 = vector.broadcast %broadcast_in_dim3A_16 : vector<80x1xi32> to vector<80x128xi32>
      %eq3A_18 = arith.cmpi eq, %iota3A, %eq3A_17 : vector<80x128xi32>
      %gt3A = arith.constant -5.000000e+08 : f32
      %gt3A_19 = vector.broadcast %gt3A : f32 to vector<80x1xf32>
      %gt3A_20 = arith.cmpf ogt, %broadcast_in_dim3A, %gt3A_19 : vector<80x1xf32>
      %get3A_21 = arith.constant 0 : index
      %get3A_22 = arith.constant 0 : index
      %get3A_23 = arith.constant 0 : index
      %get3A_24 = vector.load %arg1[%get3A_21, %get3A_22, %get3A_23] : memref<4x80x128xf32, #tpu.memory_space<vmem>>, vector<4x80x128xf32>
      %broadcast_in_dim3A_25 = vector.shape_cast %eq3A_18 : vector<80x128xi1> to vector<1x80x128xi1>
      %jit3A_26 = arith.constant 0.000000e+00 : f32
      %broadcast_in_dim3A_27 = vector.shape_cast %broadcast_in_dim3A_25 : vector<1x80x128xi1> to vector<1x80x128xi1>
      %broadcast_in_dim3A_28 = vector.broadcast %broadcast_in_dim3A_27 : vector<1x80x128xi1> to vector<4x80x128xi1>
      %broadcast_in_dim3A_29 = vector.broadcast %jit3A_26 : f32 to vector<4x80x128xf32>
      %select_n3A_30 = arith.select %broadcast_in_dim3A_28, %get3A_24, %broadcast_in_dim3A_29 : vector<4x80x128xi1>, vector<4x80x128xf32>
      %reduce_sum3A = arith.constant dense<0.000000e+00> : vector<4x80xf32>
      %reduce_sum3A_31 = vector.multi_reduction <add>, %select_n3A_30, %reduce_sum3A [2] : vector<4x80x128xf32> to vector<4x80xf32>
      %squeeze3A = vector.shape_cast %gt3A_20 : vector<80x1xi1> to vector<80xi1>
      %broadcast_in_dim3A_32 = vector.shape_cast %squeeze3A : vector<80xi1> to vector<1x80xi1>
      %jit3A_33 = arith.constant 0.000000e+00 : f32
      %broadcast_in_dim3A_34 = vector.shape_cast %broadcast_in_dim3A_32 : vector<1x80xi1> to vector<1x80xi1>
      %broadcast_in_dim3A_35 = vector.broadcast %broadcast_in_dim3A_34 : vector<1x80xi1> to vector<4x80xi1>
      %broadcast_in_dim3A_36 = vector.broadcast %jit3A_33 : f32 to vector<4x80xf32>
      %select_n3A_37 = arith.select %broadcast_in_dim3A_35, %reduce_sum3A_31, %broadcast_in_dim3A_36 : vector<4x80xi1>, vector<4x80xf32>
      %squeeze3A_38 = vector.shape_cast %broadcast_in_dim3A : vector<80x1xf32> to vector<80xf32>
      %broadcast_in_dim3A_39 = vector.shape_cast %squeeze3A_38 : vector<80xf32> to vector<1x80xf32>
      %jit3A_40 = arith.constant 0.000000e+00 : f32
      %broadcast_in_dim3A_41 = vector.broadcast %jit3A_40 : f32 to vector<1x80xf32>
      %select_n3A_42 = arith.select %broadcast_in_dim3A_32, %broadcast_in_dim3A_39, %broadcast_in_dim3A_41 : vector<1x80xi1>, vector<1x80xf32>
      %concatenate3A = tpu.concatenate %select_n3A_37, %select_n3A_42 in 0 : vector<4x80xf32>, vector<1x80xf32> -> vector<5x80xf32>
      %eq3A_43 = vector.broadcast %scan3A_8 : i32 to vector<80x128xi32>
      %eq3A_44 = arith.cmpi eq, %iota3A, %eq3A_43 : vector<80x128xi32>
      %broadcast_in_dim3A_45 = vector.shape_cast %eq3A_44 : vector<80x128xi1> to vector<1x80x128xi1>
      %broadcast_in_dim3A_46 = vector.shape_cast %concatenate3A : vector<5x80xf32> to vector<5x80x1xf32>
      %get3A_47 = arith.constant 0 : index
      %get3A_48 = arith.constant 0 : index
      %get3A_49 = arith.constant 0 : index
      %get3A_50 = vector.load %arg2[%get3A_47, %get3A_48, %get3A_49] : memref<5x80x128xf32, #tpu.memory_space<vmem>>, vector<5x80x128xf32>
      %broadcast_in_dim3A_51 = vector.shape_cast %broadcast_in_dim3A_45 : vector<1x80x128xi1> to vector<1x80x128xi1>
      %broadcast_in_dim3A_52 = vector.broadcast %broadcast_in_dim3A_51 : vector<1x80x128xi1> to vector<5x80x128xi1>
      %broadcast_in_dim3A_53 = vector.shape_cast %broadcast_in_dim3A_46 : vector<5x80x1xf32> to vector<5x80x1xf32>
      %broadcast_in_dim3A_54 = vector.broadcast %broadcast_in_dim3A_53 : vector<5x80x1xf32> to vector<5x80x128xf32>
      %select_n3A_55 = arith.select %broadcast_in_dim3A_52, %broadcast_in_dim3A_54, %get3A_50 : vector<5x80x128xi1>, vector<5x80x128xf32>
      %swap3A_56 = arith.constant 0 : index
      %swap3A_57 = arith.constant 0 : index
      %swap3A_58 = arith.constant 0 : index
      %swap3A_59 = vector.load %arg2[%swap3A_56, %swap3A_57, %swap3A_58] : memref<5x80x128xf32, #tpu.memory_space<vmem>>, vector<5x80x128xf32>
      tpu.vector_store %arg2[%swap3A_56, %swap3A_57, %swap3A_58], %select_n3A_55 {strides = array<i32>} : memref<5x80x128xf32, #tpu.memory_space<vmem>>, vector<5x80x128xf32>,
      %slice3A = vector.extract_strided_slice %reduce_sum3A_31 {offsets = [0, 0], sizes = [1, 80], strides = [1, 1]} : vector<4x80xf32> to vector<1x80xf32>
      %squeeze3A_60 = vector.shape_cast %slice3A : vector<1x80xf32> to vector<80xf32>
      %broadcast_in_dim3A_61 = vector.shape_cast %squeeze3A_60 : vector<80xf32> to vector<80x1xf32>
      %slice3A_62 = vector.extract_strided_slice %reduce_sum3A_31 {offsets = [1, 0], sizes = [1, 80], strides = [1, 1]} : vector<4x80xf32> to vector<1x80xf32>
      %squeeze3A_63 = vector.shape_cast %slice3A_62 : vector<1x80xf32> to vector<80xf32>
      %broadcast_in_dim3A_64 = vector.shape_cast %squeeze3A_63 : vector<80xf32> to vector<80x1xf32>
      %slice3A_65 = vector.extract_strided_slice %reduce_sum3A_31 {offsets = [2, 0], sizes = [1, 80], strides = [1, 1]} : vector<4x80xf32> to vector<1x80xf32>
      %squeeze3A_66 = vector.shape_cast %slice3A_65 : vector<1x80xf32> to vector<80xf32>
      %broadcast_in_dim3A_67 = vector.shape_cast %squeeze3A_66 : vector<80xf32> to vector<80x1xf32>
      %slice3A_68 = vector.extract_strided_slice %reduce_sum3A_31 {offsets = [3, 0], sizes = [1, 80], strides = [1, 1]} : vector<4x80xf32> to vector<1x80xf32>
      %squeeze3A_69 = vector.shape_cast %slice3A_68 : vector<1x80xf32> to vector<80xf32>
      %broadcast_in_dim3A_70 = vector.shape_cast %squeeze3A_69 : vector<80xf32> to vector<80x1xf32>
      %slice3A_71 = vector.extract_strided_slice %get3A_24 {offsets = [0, 0, 0], sizes = [1, 80, 128], strides = [1, 1, 1]} : vector<4x80x128xf32> to vector<1x80x128xf32>
      %squeeze3A_72 = vector.shape_cast %slice3A_71 : vector<1x80x128xf32> to vector<80x128xf32>
      %max3A = vector.broadcast %broadcast_in_dim3A_61 : vector<80x1xf32> to vector<80x128xf32>
      %max3A_73 = arith.maximumf %max3A, %squeeze3A_72 : vector<80x128xf32>
      %slice3A_74 = vector.extract_strided_slice %get3A_24 {offsets = [1, 0, 0], sizes = [1, 80, 128], strides = [1, 1, 1]} : vector<4x80x128xf32> to vector<1x80x128xf32>
      %squeeze3A_75 = vector.shape_cast %slice3A_74 : vector<1x80x128xf32> to vector<80x128xf32>
      %max3A_76 = vector.broadcast %broadcast_in_dim3A_64 : vector<80x1xf32> to vector<80x128xf32>
      %max3A_77 = arith.maximumf %max3A_76, %squeeze3A_75 : vector<80x128xf32>
      %slice3A_78 = vector.extract_strided_slice %get3A_24 {offsets = [2, 0, 0], sizes = [1, 80, 128], strides = [1, 1, 1]} : vector<4x80x128xf32> to vector<1x80x128xf32>
      %squeeze3A_79 = vector.shape_cast %slice3A_78 : vector<1x80x128xf32> to vector<80x128xf32>
      %min3A = vector.broadcast %broadcast_in_dim3A_67 : vector<80x1xf32> to vector<80x128xf32>
      %min3A_80 = arith.minimumf %min3A, %squeeze3A_79 : vector<80x128xf32>
      %slice3A_81 = vector.extract_strided_slice %get3A_24 {offsets = [3, 0, 0], sizes = [1, 80, 128], strides = [1, 1, 1]} : vector<4x80x128xf32> to vector<1x80x128xf32>
      %squeeze3A_82 = vector.shape_cast %slice3A_81 : vector<1x80x128xf32> to vector<80x128xf32>
      %min3A_83 = vector.broadcast %broadcast_in_dim3A_70 : vector<80x1xf32> to vector<80x128xf32>
      %min3A_84 = arith.minimumf %min3A_83, %squeeze3A_82 : vector<80x128xf32>
      %sub3A = arith.subf %min3A_80, %max3A_73 : vector<80x128xf32>
      %max3A_85 = arith.constant 0.000000e+00 : f32
      %max3A_86 = vector.broadcast %max3A_85 : f32 to vector<80x128xf32>
      %max3A_87 = arith.maximumf %sub3A, %max3A_86 : vector<80x128xf32>
      %sub3A_88 = arith.subf %min3A_84, %max3A_77 : vector<80x128xf32>
      %max3A_89 = arith.constant 0.000000e+00 : f32
      %max3A_90 = vector.broadcast %max3A_89 : f32 to vector<80x128xf32>
      %max3A_91 = arith.maximumf %sub3A_88, %max3A_90 : vector<80x128xf32>
      %mul3A = arith.mulf %max3A_87, %max3A_91 : vector<80x128xf32>
      %sub3A_92 = arith.subf %broadcast_in_dim3A_67, %broadcast_in_dim3A_61 : vector<80x1xf32>
      %sub3A_93 = arith.subf %broadcast_in_dim3A_70, %broadcast_in_dim3A_64 : vector<80x1xf32>
      %mul3A_94 = arith.mulf %sub3A_92, %sub3A_93 : vector<80x1xf32>
      %slice3A_95 = vector.extract_strided_slice %get3A_24 {offsets = [2, 0, 0], sizes = [1, 80, 128], strides = [1, 1, 1]} : vector<4x80x128xf32> to vector<1x80x128xf32>
      %squeeze3A_96 = vector.shape_cast %slice3A_95 : vector<1x80x128xf32> to vector<80x128xf32>
      %slice3A_97 = vector.extract_strided_slice %get3A_24 {offsets = [0, 0, 0], sizes = [1, 80, 128], strides = [1, 1, 1]} : vector<4x80x128xf32> to vector<1x80x128xf32>
      %squeeze3A_98 = vector.shape_cast %slice3A_97 : vector<1x80x128xf32> to vector<80x128xf32>
      %sub3A_99 = arith.subf %squeeze3A_96, %squeeze3A_98 : vector<80x128xf32>
      %slice3A_100 = vector.extract_strided_slice %get3A_24 {offsets = [3, 0, 0], sizes = [1, 80, 128], strides = [1, 1, 1]} : vector<4x80x128xf32> to vector<1x80x128xf32>
      %squeeze3A_101 = vector.shape_cast %slice3A_100 : vector<1x80x128xf32> to vector<80x128xf32>
      %slice3A_102 = vector.extract_strided_slice %get3A_24 {offsets = [1, 0, 0], sizes = [1, 80, 128], strides = [1, 1, 1]} : vector<4x80x128xf32> to vector<1x80x128xf32>
      %squeeze3A_103 = vector.shape_cast %slice3A_102 : vector<1x80x128xf32> to vector<80x128xf32>
      %sub3A_104 = arith.subf %squeeze3A_101, %squeeze3A_103 : vector<80x128xf32>
      %mul3A_105 = arith.mulf %sub3A_99, %sub3A_104 : vector<80x128xf32>
      %add3A = vector.broadcast %mul3A_94 : vector<80x1xf32> to vector<80x128xf32>
      %add3A_106 = arith.addf %add3A, %mul3A_105 : vector<80x128xf32>
      %sub3A_107 = arith.subf %add3A_106, %mul3A : vector<80x128xf32>
      %add3A_108 = arith.constant 9.99999971E-10 : f32
      %add3A_109 = vector.broadcast %add3A_108 : f32 to vector<80x128xf32>
      %add3A_110 = arith.addf %sub3A_107, %add3A_109 : vector<80x128xf32>
      %div3A = arith.divf %mul3A, %add3A_110 : vector<80x128xf32>
      %gt3A_111 = arith.constant 5.000000e-01 : f32
      %gt3A_112 = vector.broadcast %gt3A_111 : f32 to vector<80x128xf32>
      %gt3A_113 = arith.cmpf ogt, %div3A, %gt3A_112 : vector<80x128xf32>
      %and3A = vector.broadcast %gt3A_20 : vector<80x1xi1> to vector<80x128xi1>
      %and3A_114 = arith.andi %gt3A_113, %and3A : vector<80x128xi1>
      %or3A = arith.ori %and3A_114, %eq3A_18 : vector<80x128xi1>
      %jit3A_115 = arith.constant -1.000000e+09 : f32
      %broadcast_in_dim3A_116 = vector.broadcast %jit3A_115 : f32 to vector<80x128xf32>
      %select_n3A_117 = arith.select %or3A, %broadcast_in_dim3A_116, %get3A_11 : vector<80x128xi1>, vector<80x128xf32>
      %swap3A_118 = arith.constant 0 : index
      %swap3A_119 = arith.constant 0 : index
      %swap3A_120 = vector.load %arg3[%swap3A_118, %swap3A_119] : memref<80x128xf32, #tpu.memory_space<vmem>>, vector<80x128xf32>
      tpu.vector_store %arg3[%swap3A_118, %swap3A_119], %select_n3A_117 {strides = array<i32>} : memref<80x128xf32, #tpu.memory_space<vmem>>, vector<80x128xf32>,
    }
    %scan3A_7 = arith.constant 100 : i32
    return
  }
}

</mosaic_0001>

<sc_bundles>
// kernel: kernel.5.cloned.1.call-start
scs
__scs_entry_jumppad:
0x0: {  	(pc) =	sbr.rel $0x88, $3  }
0x1: {  	(tag) =	ssettag $0x0;
	lr =	simm.s32 $0x1  }
0x2: {  	[smem:$0x3F9E] =	sst lr;
	_ =	strace $0xD0000000  }
0x3: {  	_ = 	snop  }
0x4: {  	_ = 	snop  }
0x5: {  	_ = 	snop  }
0x6: {  	_ = 	snop  }
0x7: {  	_ = 	snop  }
__scs_overlays_trampoline_lowered:
0x8: {  	[smem:$0x3FAD] =	sst s0  }
0x9: {  	[smem:$0x3FAE] =	sst s1  }
0xa: {  	[smem:$0x3FAF] =	sst s2  }
0xb: {  	[smem:$0x3FB0] =	sst s3  }
0xc: {  	[smem:$0x3FB1] =	sst s4  }
0xd: {  	[smem:$0x3FB2] =	sst s5  }
0xe: {  	[smem:$0x3FB3] =	sst s6  }
0xf: {  	[smem:$0x3FB4] =	sst s7  }
0x10: {  	[smem:$0x3FB5] =	sst s8  }
0x11: {  	[smem:$0x3FB6] =	sst s9;
	s0 =	simm.s32 @!p0 $0x0  }
0x12: {  	s1 =	sld [smem:$0x3F9C];
	s0 =	simm.s32 @p0 $0x1  }
0x13: {  	[smem:$0x3FB7] =	sst s0;
	s0 =	simm.s32 @!p1 $0x0  }
0x14: {  	s2 =	sld [smem:$0x3F9B];
	s0 =	simm.s32 @p1 $0x1  }
0x15: {  	[smem:$0x3FB8] =	sst s0;
	s0 =	simm.s32 @!p2 $0x0  }
0x16: {  	s3 =	sld [smem:$0x3FDB];
	s0 =	simm.s32 @p2 $0x1  }
0x17: {  	s4 =	simm.s32 $0x1BF5;
	[smem:$0x3FBA] =	sst s0  }
0x18: {  	s0 =	sld [smem:$0x3F9D];
	_ =	swait.ge [sflag:s4], $0x0  }
0x19: {  	s7 =	sld [smem:$0x3F9E]  }
0x1a: {  	s8 =	sadd.s32 $0xFFFFE003, lr  }
0x1b: {  	s9 =	sadd.s32 $0xFFFFFEF7, lr;
	s5 =	simm.s32 $0xFFFFFFFF;
	p2 =	slt.u32 s8, $0xFFFFF086  }
0x1c: {  	p1 =	slt.u32 s9, $0xF7A;
	s5 =	simm.s32 @!p2 $0x0  }
0x1d: {  	s5 =	simm.s32 @p1 $0x1;
	p0 =	seq.s32 s7, s2  }
0x1e: {  	s7 =	smul.u32 @!p0 $0xF7A, s2;
	p2 =	seq.s32 @!p0 s5, $0x0  }
0x1f: {  	s9 =	smul.u32 $0xF7A, s1;
	s8 =	simm.s32 @!p0 $0x1BF5;
	p2 =	por !p2, p0  }
0x20: {  	[sflag:s8] =	ssyncset.s32 @!p0 $0xFFFFF086;
	s6 =	sadd.s32 @!p0 s3, s7;
	s7 =	simm.s32 @!p0 $0x108  }
0x21: {  	s3 =	sadd.s32 s3, s9;
	s6 =	sadd.s32 @!p0 $0x88, s6;
	s7 =	simm.s32 @p2 $0x1082  }
0x22: {  	[simem:s7], [sflag:s8] =	dma.local @!p0 [hbm:s6], $0xF7A  }
0x23: {  	s9 =	sor.u32 $0xD0000000, s2;
	s6 =	simm.s32 $0x108;
	_ =	swait.ge @!p0 [sflag:s8], $0x0  }
0x24: {  	s3 =	sadd.s32 $0x88, s3;
	s6 =	simm.s32 @!p1 $0x1082;
	[sflag:s4] =	ssyncset.s32 $0xFFFFF086  }
0x25: {  	[simem:s6], [sflag:s4] =	dma.local [hbm:s3], $0xF7A  }
0x26: {  	[smem:$0x3F9E] =	sst s1;
	(tag) =	ssettag s2;
	_ =	strace s9  }
0x27: {  	s1 =	sld [smem:$0x3FAE]  }
0x28: {  	s2 =	sld [smem:$0x3FAF]  }
0x29: {  	s4 =	sld [smem:$0x3FB1]  }
0x2a: {  	p0 =	seq.s32 s5, $0x0;
	s5 =	sld [smem:$0x3FB2]  }
0x2b: {  	s6 =	sld [smem:$0x3FB3]  }
0x2c: {  	s7 =	sld [smem:$0x3FB4]  }
0x2d: {  	s3 =	simm.s32 $0x108;
	s8 =	sld [smem:$0x3FB5]  }
0x2e: {  	s3 =	simm.s32 @!p0 $0x1082;
	s9 =	sld [smem:$0x3FB6]  }
0x2f: {  	lr =	sadd.s32 s0, s3;
	s0 =	sld [smem:$0x3FAD]  }
0x30: {  	s3 =	sld [smem:$0x3FB0]  }
0x31: {  	[smem:$0x3FB9] =	sst s10  }
0x32: {  	s10 =	sld [smem:$0x3FB7];
	_ =	sdelay $0x3  }
0x33: {  	p0 =	seq.s32 s10, $0x1;
	s10 =	sld [smem:$0x3FB9];
	_ =	sdelay $0x3  }
0x34: {  	[smem:$0x3FB9] =	sst s10  }
0x35: {  	s10 =	sld [smem:$0x3FB8];
	_ =	sdelay $0x3  }
0x36: {  	p1 =	seq.s32 s10, $0x1;
	s10 =	sld [smem:$0x3FB9];
	_ =	sdelay $0x3  }
0x37: {  	[smem:$0x3FB9] =	sst s10  }
0x38: {  	s10 =	sld [smem:$0x3FBA]  }
0x39: {  	_ = 	snop;
	(pc) =	sbr.ind lr, $3  }
0x3a: {  	_ = 	snop  }
0x3b: {  	_ = 	snop  }
0x3c: {  	p2 =	seq.s32 s10, $0x1;
	s10 =	sld [smem:$0x3FB9]  }
0x3d: {  	_ =	shalt  }
0x3e: {  	_ =	shalt  }
0x3f: {  	_ =	shalt  }
0x40: {  	_ =	shalt  }
0x41: {  	_ =	shalt  }
0x42: {  	_ =	shalt  }
0x43: {  	_ =	shalt  }
0x44: {  	_ =	shalt  }
0x45: {  	_ =	shalt  }
0x46: {  	_ =	shalt  }
0x47: {  	_ =	shalt  }
0x48: {  	_ =	shalt  }
0x49: {  	_ =	shalt  }
0x4a: {  	_ =	shalt  }
0x4b: {  	_ =	shalt  }
0x4c: {  	_ =	shalt  }
0x4d: {  	_ =	shalt  }
0x4e: {  	_ =	shalt  }
0x4f: {  	_ =	shalt  }
0x50: {  	_ =	shalt  }
0x51: {  	_ =	shalt  }
0x52: {  	_ =	shalt  }
0x53: {  	_ =	shalt  }
0x54: {  	_ =	shalt  }
0x55: {  	_ =	shalt  }
0x56: {  	_ =	shalt  }
0x57: {  	_ =	shalt  }
0x58: {  	_ =	shalt  }
0x59: {  	_ =	shalt  }
0x5a: {  	_ =	shalt  }
0x5b: {  	_ =	shalt  }
0x5c: {  	_ =	shalt  }
0x5d: {  	_ =	shalt  }
0x5e: {  	_ =	shalt  }
0x5f: {  	_ =	shalt  }
0x60: {  	_ =	shalt  }
0x61: {  	_ =	shalt  }
0x62: {  	_ =	shalt  }
0x63: {  	_ =	shalt  }
0x64: {  	_ =	shalt  }
0x65: {  	_ =	shalt  }
0x66: {  	_ =	shalt  }
0x67: {  	_ =	shalt  }
0x68: {  	_ =	shalt  }
0x69: {  	_ =	shalt  }
0x6a: {  	_ =	shalt  }
0x6b: {  	_ =	shalt  }
0x6c: {  	_ =	shalt  }
0x6d: {  	_ =	shalt  }
0x6e: {  	_ =	shalt  }
0x6f: {  	_ =	shalt  }
0x70: {  	_ =	shalt  }
0x71: {  	_ =	shalt  }
0x72: {  	_ =	shalt  }
0x73: {  	_ =	shalt  }
0x74: {  	_ =	shalt  }
0x75: {  	_ =	shalt  }
0x76: {  	_ =	shalt  }
0x77: {  	_ =	shalt  }
0x78: {  	_ =	shalt  }
0x79: {  	_ =	shalt  }
0x7a: {  	_ =	shalt  }
0x7b: {  	_ =	shalt  }
0x7c: {  	_ =	shalt  }
0x7d: {  	_ =	shalt  }
0x7e: {  	_ =	shalt  }
0x7f: {  	_ =	shalt  }
0x80: {  	_ =	shalt  }
0x81: {  	_ =	shalt  }
0x82: {  	_ =	shalt  }
0x83: {  	_ =	shalt  }
0x84: {  	_ =	shalt  }
0x85: {  	_ =	shalt  }
0x86: {  	_ =	shalt  }
0x87: {  	_ =	shalt  }
.Lfunc_end0:
.L_simem_size_0:
called_computation_lowered:
.L_overlay_start_0:
0x88: {  	s2 =	sld [smem:$0x3FD9]  }
0x89: {  	s3 =	sld [smem:$0x3FFE];
	_ =	sdelay $0x1  }
0x8a: {  	s1 =	srdreg.scid  }
0x8b: {  	s0 =	sand.u32 $0x1, s1  }
0x8c: {  	s17 =	sshll.u32 s0, $0xA;
	s2 =	sadd.s32 s3, s2  }
0x8d: {  	s2 =	sadd.s32 s2, s17  }
0x8e: {  	[smem:$0x3FC5] =	sst s2  }
0x8f: {  	_ = 	snop  }
0x90: {  	s2 =	sld [smem:$0x3FD0];
	(tm) =	ssettm $0x1  }
0x91: {  	s18 =	sld [smem:$0x3FFB];
	_ =	sdelay $0x3  }
0x92: {  	_ =	strace s18  }
0x93: {  	s3 =	sld [smem:$0x3FFC];
	_ =	sdelay $0x3  }
0x94: {  	_ =	strace s3  }
0x95: {  	s3 =	sld [smem:$0x3FFD];
	_ =	sdelay $0x3  }
0x96: {  	_ =	strace s3  }
0x97: {  	_ =	strace $0x8FFFFFFF  }
0x98: {  	s19 =	sld [smem:$0x3FDB];
	_ =	sdelay $0x1  }
0x99: {  	s4 =	simm.s32 $_scs_section_size  }
0x9a: {  	s5 =	simm.s32 $_size__tile_overlayer_lowered;
	s6 =	simm.s32 $_tile_overlayer_lowered  }
0x9b: {  	s22 =	simm.s32 $0x1BFF;
	s21 =	sshll.u32 s6, $0x1;
	s3 =	sadd.s32 s4, s19  }
0x9c: {  	s7 =	simm.s32 $0x0;
	s20 =	sshll.u32 s5, $0x1;
	s5 =	sadd.s32 s21, s3  }
0x9d: {  	[timem:s7], [sflag:s22] =	dma.local [hbm:s5], s20  }
0x9e: {  	_ =	swait.ge [sflag:s22], s20  }
0x9f: {  	s4 =	ssub.s32 $0x0, s20;
	[sflag:s22] =	ssyncset.done $0x0  }
0xa0: {  	[sflag:s22] =	ssyncadd.s32 s4;
	_ =	sdelay $0x1  }
0xa1: {  	s23 =	simm.s32 $0x1B8B  }
0xa2: {  	_ =	swait.ge [sflag:s23], $0x1  }
0xa3: {  	[sflag:s23] =	ssyncset.done $0x0  }
0xa4: {  	s25 =	simm.s32 $0x1B8E;
	s24 =	sld [smem:$0x3FFE];
	[sflag:s23] =	ssyncadd.s32 $0xFFFFFFFF  }
0xa5: {  	s26 =	simm.s32 $execute0_lowered;
	[smem:$0x3FD2] =	sst s25  }
0xa6: {  	s5 =	sshll.u32 s26, $0x1;
	_ =	strace $0x80000046;
	[dreg:$0x1] =	wrdreg $0xFFFFFFFF  }
0xa7: {  	s28 =	simm.s32 $_size_execute0_lowered;
	s3 =	sadd.s32 s3, s5;
	[dreg:$0x0] =	wrdreg $0x0  }
0xa8: {  	s5 =	sshll.u32 s28, $0x1;
	[dreg:$0x2] =	wrdreg s3  }
0xa9: {  	[dreg:$0x3] =	wrdreg s5  }
0xaa: {  	[dreg:$0x4] =	wrdreg $0xC0  }
0xab: {  	_ =	task [dreg:s7], $0x5FFFF  }
0xac: {  	[dreg:$0x1] =	wrdreg $0xFFFFFFFF  }
0xad: {  	[dreg:$0x0] =	wrdreg $0x60  }
0xae: {  	[dreg:$0x2] =	wrdreg s24  }
0xaf: {  	[dreg:$0x3] =	wrdreg s2  }
0xb0: {  	[dreg:$0x4] =	wrdreg $0x9  }
0xb1: {  	_ =	task.clear_ibuf [dreg:s7], $0x5FFFF;
	_ =	strace $0x90000046  }
0xb2: {  	s29 =	simm.s32 $0x9;
	_ =	strace $0x80000048  }
0xb3: {  	_ =	swait.ge [sflag:s29], $0x1  }
0xb4: {  	[sflag:s29] =	ssyncadd.s32 $0xFFFFFFFF  }
0xb5: {  	_ =	strace $0x90000048  }
0xb6: {  	_ =	sfence  }
0xb7: {  	s30 =	sld [smem:$0x0];
	_ =	sdelay $0x2  }
0xb8: {  	s31 =	sshll.u32 s1, $0xD;
	s1 =	sshrl.u32 s1, $0x2  }
0xb9: {  	s3 =	sand.u32 $0x4000, s31;
	s1 =	sadd.s32 s1, s30  }
0xba: {  	s0 =	sor.u32 s3, s0;
	s1 =	sshll.u32 s1, $0x11  }
0xbb: {  	s0 =	sor.u32 s1, s0  }
0xbc: {  	s0 =	sadd.s32 $0x8F2B, s0  }
0xbd: {  	[sflag:s0] =	ssyncadd.remote.s32 $0x1  }
0xbe: {  	_ =	sfence.sel $0xFFFF  }
0xbf: {  	[dreg:$0x0] =	wrdreg $0xFFFFFFFF;
	(pc) =	sbr.abs _section_cstart, $3  }
0xc0: {  	[dreg:$0x1] =	wrdreg $0xFFFFFFFF  }
0xc1: {  	_ =	task.clear_ibuf [dreg:s7], $0x2FFFF;
	_ =	strace $0x9FFFFFFF  }
0xc2: {  	(tm) =	ssettm $0x7FFFFFFF  }
0xc3: {  	_ =	shalt  }
tec
execute0_lowered:
.L_overlay_start_1:
0x0: {  	(tag) =	ssettag $0x1  }
0x1: {  	s1 =	rddreg [dreg:$0x0]  }
0x2: {  	s0 =	rddreg [dreg:$0x1];
	s2 =	simm.s32 $0x0;
	s3 =	srdreg.scid  }
0x3: {  	s19 =	stileid.u32;
	s28 =	simm.s32 $0x8280;
	s29 =	simm.s32 $0x8300  }
0x4: {  	s30 =	simm.s32 $0x8500;
	s31 =	simm.s32 $0x8380;
	[smem:$0x7FF] =	sst s2  }
0x5: {  	s4 =	sadd.s32 $0x1000, s1;
	s5 =	sand.u32 $0x1, s3;
	s6 =	sshll.u32 s19, $0x1  }
0x6: {  	s3 =	sadd.s32 $0x32200, s1;
	s7 =	sshrl.u32 s19, $0x2;
	s1 =	sadd.s32 $0x3C000, s1  }
0x7: {  	p0 =	sgt.u32 s19, $0x9;
	s13 =	sadd.s32 $0x10, s0;
	s15 =	sadd.s32 $0x20, s0  }
0x8: {  	s18 =	sadd.s32 $0x30, s0;
	_ =	strace $0x80000047;
	s6 =	sor.u32 s5, s6  }
0x9: {  	s9 =	smul.u32 $0x27400, s7;
	s5 =	ssub.s32 $0x2, s5;
	s7 =	sshll.u32 s7, $0xA  }
0xa: {  	s8 =	sshll.u32 s6, $0x7;
	s10 =	sshrl.u32 s5, $0x1;
	s23 =	sshll.u32 s6, $0x6  }
0xb: {  	s8 =	sand.u32 $0x380, s8;
	s5 =	ssub.s32 s5, s10;
	s10 =	sor.u32 $0x20, s6  }
0xc: {  	s11 =	sadd.s32 s0, s23;
	s14 =	sadd.s32 s23, s13;
	s25 =	sadd.s32 s23, s15  }
0xd: {  	s6 =	sor.u32 $0x40, s6;
	s9 =	sor.u32 s9, s8;
	[dreg:$0x5] =	wrdreg s11  }
0xe: {  	s7 =	sor.u32 s7, s8;
	s24 =	sshrl.u32 s10, $0x3;
	[dreg:$0x6] =	wrdreg s14  }
0xf: {  	[dreg:$0x7] =	wrdreg s25;
	s26 =	smul.u32 $0xD, s10;
	s16 =	sshrl.u32 s6, $0x3  }
0x10: {  	s10 =	sshll.u32 s10, $0x6;
	s6 =	sshll.u32 s6, $0x6;
	s9 =	sshrl.u32 s9, $0x3  }
0x11: {  	s7 =	sshrl.u32 s7, $0x3;
	s12 =	smul.u32 $0x27400, s24;
	s11 =	sshll.u32 s24, $0xA  }
0x12: {  	s17 =	smul.u32 $0x27400, s16;
	s24 =	sshll.u32 s16, $0xA;
	s14 =	sadd.s32 s10, s13  }
0x13: {  	s16 =	sadd.s32 s10, s15;
	s9 =	sadd.s32 s4, s9;
	s7 =	sadd.s32 s1, s7  }
0x14: {  	s11 =	sor.u32 s8, s11;
	s22 =	sshrl.u32 s26, $0x8;
	[dreg:$0x3] =	wrdreg s9  }
0x15: {  	[dreg:$0x4] =	wrdreg s7;
	s7 =	simm.s32 $0x13880;
	s12 =	sor.u32 s8, s12  }
0x16: {  	s11 =	sshrl.u32 s11, $0x3;
	s9 =	sadd.s32 s23, s18;
	s23 =	sor.u32 s8, s17  }
0x17: {  	s8 =	sor.u32 s8, s24;
	s17 =	sadd.s32 s10, s18;
	s24 =	simm.s32 $0x400  }
0x18: {  	s7 =	simm.s32 @!p0 $0x0;
	s12 =	sshrl.u32 s12, $0x3;
	[dreg:$0x8] =	wrdreg s9  }
0x19: {  	s21 =	sadd.s32 s1, s11;
	s25 =	sshrl.u32 s23, $0x3;
	s26 =	sshrl.u32 s8, $0x3  }
0x1a: {  	s8 =	sadd.s32 s6, s13;
	s11 =	sadd.s32 s6, s18;
	p0 =	sgt.u32 s19, $0x7  }
0x1b: {  	s23 =	simm.s32 $0x80;
	s20 =	sadd.s32 s4, s12;
	[dreg:$0xa] =	wrdreg s21  }
0x1c: {  	s12 =	sadd.s32 s0, s10;
	s4 =	sadd.s32 s4, s25;
	[dreg:$0xe] =	wrdreg s8  }
0x1d: {  	s1 =	sadd.s32 s1, s26;
	s0 =	sadd.s32 s0, s6;
	[dreg:$0x10] =	wrdreg s11  }
0x1e: {  	s10 =	sadd.s32 s6, s15;
	s13 =	sadd.s32 $0x4E20, s7;
	[dreg:$0x9] =	wrdreg s20  }
0x1f: {  	s15 =	smul.u32 $0x13880, s22;
	s22 =	smax.u32 s5, $0x1;
	[dreg:$0xb] =	wrdreg s4  }
0x20: {  	s18 =	sadd.s32 $0x9C40, s7;
	s19 =	sadd.s32 $0xEA60, s7;
	[dreg:$0xc] =	wrdreg s1  }
.Ltmp0:
0x21: {  	s25 =	simm.s32 $0x2;
	[dreg:$0xd] =	wrdreg s0;
	(pc) =	sbr.rel .LBB2_1-.Ltmp0, $4  }
0x22: {  	v8 =	vimm.s32 $0x0;
	v9 =	vimm.s32 $0x1;
	v10 =	vimm.f32 $-1.000000000e+09;
	s26 =	simm.s32 $0x4E80;
	[dreg:$0xf] =	wrdreg s10;
	s0 =	simm.s32 $0x8580  }
0x23: {  	v11 =	vlaneseq.u32;
	v1 =	vmov s13;
	v2 =	vmov s18;
	s1 =	simm.s32 $0x8400;
	s13 =	simm.s32 $0x8600;
	s18 =	simm.s32 $0x8680  }
0x24: {  	v0 =	vmov s7;
	v3 =	vmov s19;
	s20 =	sadd.s32 $0x4E20, s15;
	s21 =	sadd.s32 $0x9C40, s15;
	s9 =	sadd.s32 $0xEA60, s15;
	v4 =	vmov s15  }
0x25: {  	s19 =	simm.s32 $0x1;
	s15 =	simm.s32 $0x8480;
	v5 =	vmov s20;
	v6 =	vmov s21;
	v7 =	vmov s9;
	s20 =	simm.s32 $0x0  }
.LBB2_68:
0x26: {  	s4 =	rddreg [dreg:$0xc]  }
0x27: {  	[hbm4b:s4+s2] =	stream.linear.scatter [tilespmem:s28], [sflag:$0x2], $0x80, $0x38;
	[tilespmem:$0x9700] =	vst v63  }
0x28: {  	_ =	swait.ge [sflag:s25], $0x80  }
0x29: {  	[sflag:s25] =	ssyncset.done $0x0  }
0x2a: {  	[sflag:s25] =	ssyncadd.s32 $0xFFFFFF80  }
0x2b: {  	v12 =	vld [tilespmem:$0x8200]  }
0x2c: {  	v13 =	vld [tilespmem:$0x8210]  }
0x2d: {  	v14 =	vld [tilespmem:$0x8220]  }
0x2e: {  	v15 =	vld [tilespmem:$0x8230]  }
0x2f: {  	v16 =	vld [tilespmem:$0x8240]  }
0x30: {  	v17 =	vld [tilespmem:$0x8250];
	v12 =	vadd.s32 $0x3A980, v12  }
0x31: {  	v53 =	vld [tilespmem:$0x8260];
	v52 =	vadd.s32 $0x3A980, v13;
	[tilespmem:$0x8300] =	vst v12  }
0x32: {  	v55 =	vld [tilespmem:$0x8270];
	v54 =	vadd.s32 $0x3A980, v14;
	[tilespmem:$0x8310] =	vst v52  }
0x33: {  	v57 =	vld [tilespmem:$0x8200];
	v56 =	vadd.s32 $0x3A980, v15;
	[tilespmem:$0x8320] =	vst v54  }
0x34: {  	v59 =	vld [tilespmem:$0x8210];
	v58 =	vadd.s32 $0x3A980, v16;
	[tilespmem:$0x8330] =	vst v56  }
0x35: {  	v61 =	vld [tilespmem:$0x8220];
	v60 =	vadd.s32 $0x3A980, v17;
	[tilespmem:$0x8340] =	vst v58  }
0x36: {  	v63 =	vld [tilespmem:$0x8230];
	v62 =	vadd.s32 $0x3A980, v53;
	[tilespmem:$0x8350] =	vst v60  }
0x37: {  	v20 =	vld [tilespmem:$0x8240];
	v19 =	vadd.s32 $0x3A980, v55;
	[tilespmem:$0x8360] =	vst v62  }
0x38: {  	v22 =	vld [tilespmem:$0x8250];
	v21 =	vadd.s32 $0x3F7A0, v57;
	[tilespmem:$0x8370] =	vst v19  }
0x39: {  	v24 =	vld [tilespmem:$0x8260];
	v23 =	vadd.s32 $0x3F7A0, v59;
	[tilespmem:$0x8380] =	vst v21  }
0x3a: {  	v26 =	vld [tilespmem:$0x8270];
	v25 =	vadd.s32 $0x3F7A0, v61;
	[tilespmem:$0x8390] =	vst v23  }
0x3b: {  	v28 =	vld [tilespmem:$0x8200];
	v27 =	vadd.s32 $0x3F7A0, v63;
	[tilespmem:$0x83A0] =	vst v25  }
0x3c: {  	v30 =	vld [tilespmem:$0x8210];
	v29 =	vadd.s32 $0x3F7A0, v20;
	[tilespmem:$0x83B0] =	vst v27  }
0x3d: {  	v32 =	vld [tilespmem:$0x8220];
	v31 =	vadd.s32 $0x3F7A0, v22;
	[tilespmem:$0x83C0] =	vst v29  }
0x3e: {  	v34 =	vld [tilespmem:$0x8230];
	v33 =	vadd.s32 $0x3F7A0, v24;
	[tilespmem:$0x83D0] =	vst v31  }
0x3f: {  	v36 =	vld [tilespmem:$0x8240];
	v35 =	vadd.s32 $0x3F7A0, v26;
	[tilespmem:$0x83E0] =	vst v33  }
0x40: {  	v38 =	vld [tilespmem:$0x8250];
	v37 =	vadd.s32 $0x445C0, v28;
	[tilespmem:$0x83F0] =	vst v35  }
0x41: {  	v40 =	vld [tilespmem:$0x8260];
	v39 =	vadd.s32 $0x445C0, v30;
	[tilespmem:$0x8400] =	vst v37  }
0x42: {  	v42 =	vld [tilespmem:$0x8270];
	v41 =	vadd.s32 $0x445C0, v32;
	[tilespmem:$0x8410] =	vst v39  }
0x43: {  	v44 =	vld [tilespmem:$0x8200];
	v43 =	vadd.s32 $0x445C0, v34;
	[tilespmem:$0x8420] =	vst v41  }
0x44: {  	v46 =	vld [tilespmem:$0x8210];
	v45 =	vadd.s32 $0x445C0, v36;
	[tilespmem:$0x8430] =	vst v43  }
0x45: {  	v48 =	vld [tilespmem:$0x8220];
	v47 =	vadd.s32 $0x445C0, v38;
	[tilespmem:$0x8440] =	vst v45  }
0x46: {  	v50 =	vld [tilespmem:$0x8230];
	v49 =	vadd.s32 $0x445C0, v40;
	[tilespmem:$0x8450] =	vst v47  }
0x47: {  	v51 =	vadd.s32 $0x445C0, v42;
	[tilespmem:$0x8460] =	vst v49;
	v52 =	vld [tilespmem:$0x8240]  }
0x48: {  	v53 =	vadd.s32 $0x493E0, v44;
	[tilespmem:$0x8470] =	vst v51;
	v54 =	vld [tilespmem:$0x8250]  }
0x49: {  	v55 =	vadd.s32 $0x493E0, v46;
	[tilespmem:$0x8480] =	vst v53;
	v56 =	vld [tilespmem:$0x8260]  }
0x4a: {  	v57 =	vadd.s32 $0x493E0, v48;
	[tilespmem:$0x8490] =	vst v55;
	v58 =	vld [tilespmem:$0x8270]  }
0x4b: {  	v59 =	vadd.s32 $0x493E0, v50;
	[tilespmem:$0x84A0] =	vst v57  }
0x4c: {  	[tilespmem:$0x84B0] =	vst v59;
	v60 =	vadd.s32 $0x493E0, v52  }
0x4d: {  	v61 =	vadd.s32 $0x493E0, v54;
	[tilespmem:$0x84C0] =	vst v60  }
0x4e: {  	v62 =	vadd.s32 $0x493E0, v56;
	[tilespmem:$0x84D0] =	vst v61  }
0x4f: {  	v63 =	vadd.s32 $0x493E0, v58;
	[tilespmem:$0x84E0] =	vst v62  }
0x50: {  	[tilespmem:$0x84F0] =	vst v63  }
0x51: {  	[tilespmem:s30], [sflag:$0x1] =	stream.indirect.gather [hbm4b:s3+s23], $0x1, s29, s23, $0xb8;
	[tilespmem:$0x9700] =	vst v63  }
0x52: {  	_ = 	snop  }
0x53: {  	[tilespmem:s0], [sflag:$0x1] =	stream.indirect.gather [hbm4b:s3+s23], $0x1, s31, s23, $0xb8;
	[tilespmem:$0x9700] =	vst v63  }
0x54: {  	_ = 	snop  }
0x55: {  	[tilespmem:s13], [sflag:$0x1] =	stream.indirect.gather [hbm4b:s3+s23], $0x1, s1, s23, $0xb8;
	[tilespmem:$0x9700] =	vst v63  }
0x56: {  	_ = 	snop  }
0x57: {  	[tilespmem:s18], [sflag:$0x1] =	stream.indirect.gather [hbm4b:s3+s23], $0x1, s15, s23, $0xb8;
	[tilespmem:$0x9700] =	vst v63  }
0x58: {  	_ =	swait.ge [sflag:s19], $0x80  }
0x59: {  	[sflag:s19] =	ssyncset.done $0x0  }
0x5a: {  	[sflag:s19] =	ssyncadd.s32 $0xFFFFFF80  }
0x5b: {  	_ =	swait.ge [sflag:s19], $0x80  }
0x5c: {  	[sflag:s19] =	ssyncset.done $0x0  }
0x5d: {  	[sflag:s19] =	ssyncadd.s32 $0xFFFFFF80  }
0x5e: {  	_ =	swait.ge [sflag:s19], $0x80  }
0x5f: {  	[sflag:s19] =	ssyncset.done $0x0  }
0x60: {  	[sflag:s19] =	ssyncadd.s32 $0xFFFFFF80  }
0x61: {  	_ =	swait.ge [sflag:s19], $0x80  }
0x62: {  	[sflag:s19] =	ssyncset.done $0x0  }
0x63: {  	s9 =	rddreg [dreg:$0xd];
	[sflag:s19] =	ssyncadd.s32 $0xFFFFFF80  }
0x64: {  	[hbm4b:s9+s2] =	stream.linear.scatter [tilespmem:s30], [sflag:$0x2], $0x80, $0x38;
	[tilespmem:$0x9700] =	vst v63  }
0x65: {  	_ =	swait.ge [sflag:s25], $0x80  }
0x66: {  	[sflag:s25] =	ssyncset.done $0x0  }
0x67: {  	s10 =	rddreg [dreg:$0xe];
	[sflag:s25] =	ssyncadd.s32 $0xFFFFFF80  }
0x68: {  	[hbm4b:s10+s2] =	stream.linear.scatter [tilespmem:s0], [sflag:$0x2], $0x80, $0x38;
	[tilespmem:$0x9700] =	vst v63  }
0x69: {  	_ =	swait.ge [sflag:s25], $0x80  }
0x6a: {  	[sflag:s25] =	ssyncset.done $0x0  }
0x6b: {  	s11 =	rddreg [dreg:$0xf];
	[sflag:s25] =	ssyncadd.s32 $0xFFFFFF80  }
0x6c: {  	[hbm4b:s11+s2] =	stream.linear.scatter [tilespmem:s13], [sflag:$0x2], $0x80, $0x38;
	[tilespmem:$0x9700] =	vst v63  }
0x6d: {  	_ =	swait.ge [sflag:s25], $0x80  }
0x6e: {  	[sflag:s25] =	ssyncset.done $0x0  }
0x6f: {  	s21 =	rddreg [dreg:$0x10];
	[sflag:s25] =	ssyncadd.s32 $0xFFFFFF80  }
0x70: {  	[hbm4b:s21+s2] =	stream.linear.scatter [tilespmem:s18], [sflag:$0x2], $0x80, $0x38;
	[tilespmem:$0x9700] =	vst v63  }
0x71: {  	_ =	swait.ge [sflag:s25], $0x80  }
0x72: {  	[sflag:s25] =	ssyncset.done $0x0  }
0x73: {  	[sflag:s25] =	ssyncadd.s32 $0xFFFFFF80  }
.LBB2_69:
0x74: {  	s20 =	sadd.s32 $0x1, s20  }
0x75: {  	p1 =	sne.s32 s20, s22  }
.Ltmp1:
0x76: {  	_ = 	snop;
	(pc) =	sbr.rel @!p1 .LBB2_70-.Ltmp1, $1  }
0x77: {  	_ =	sdelay $0x3  }
.LBB2_1:
0x78: {  	s4 =	rddreg [dreg:$0x3]  }
0x79: {  	[tilespmem:s2], [sflag:$0x2] =	stream.strided.gather [hbm4b:s4+s23], $0x4E80, s24, s23, $0x38;
	[tilespmem:$0x9700] =	vst v63  }
0x7a: {  	_ =	swait.ge [sflag:s25], $0x4E80  }
0x7b: {  	[sflag:s25] =	ssyncset.done $0x0  }
0x7c: {  	s5 =	simm.s32 $0x140;
	s4 =	simm.s32 $0x0;
	[sflag:s25] =	ssyncadd.s32 $0xFFFFB180  }
.LBB2_2:
0x7d: {  	p1 =	sne.s32 s5, $0x8C00;
	[tilespmem:s4+$0x4EC0] =	vst v8;
	s6 =	smov.u32 s5;
	s5 =	sadd.s32 $0x140, s5  }
.Ltmp2:
0x7e: {  	[tilespmem:s4+$0x4EB0] =	vst v8;
	(pc) =	sbr.rel @p1 .LBB2_2-.Ltmp2, $4  }
0x7f: {  	[tilespmem:s4+$0x4EA0] =	vst v8  }
0x80: {  	[tilespmem:s4+$0x4E80] =	vst v8  }
0x81: {  	[tilespmem:s4+$0x4E90] =	vst v8  }
0x82: {  	s4 =	sshra.s32 s6, $0x2  }
0x83: {  	[tilespmem:s4+$0x4EC0] =	vst v8  }
0x84: {  	[tilespmem:s4+$0x4EB0] =	vst v8  }
0x85: {  	[tilespmem:s4+$0x4EA0] =	vst v8  }
0x86: {  	[tilespmem:s4+$0x4E80] =	vst v8  }
0x87: {  	[tilespmem:s4+$0x4E90] =	vst v8;
	s4 =	simm.s32 $0x0;
	s5 =	simm.s32 $0x20;
	s6 =	simm.s32 $0x0  }
.LBB2_4:
0x88: {  	v12 =	vld [tilespmem:s5+$0xFFFFFFE0];
	_ =	sdelay $0x4  }
0x89: {  	v13 =	vshra.s32 v12, $0xC  }
0x8a: {  	vm0 =	vgt.s32 v13, $0x3D4C0  }
0x8b: {  	v13 =	vnsel vm0, $0x3D4C0, v13  }
0x8c: {  	vm7 =	vge.f32 v12, $5.000000070e-02;
	v13 =	vmin.u32 v13, $0x3F80F  }
0x8d: {  	v13 =	vadd.s32 $0xFFFC2B40, v13;
	_ =	sdelay $0x4  }
0x8e: {  	[tilespmem:v13+s26+$0x0] =	vst.idx.add.s32.msk vm7, v9  }
0x8f: {  	v13 =	vld [tilespmem:s5+$0xFFFFFFF0];
	_ =	sdelay $0x4  }
0x90: {  	v14 =	vshra.s32 v13, $0xC  }
0x91: {  	vm8 =	vgt.s32 v14, $0x3D4C0  }
0x92: {  	v14 =	vnsel vm8, $0x3D4C0, v14  }
0x93: {  	vm9 =	vge.f32 v13, $5.000000070e-02;
	v14 =	vmin.u32 v14, $0x3F80F  }
0x94: {  	v14 =	vadd.s32 $0xFFFC2B40, v14;
	_ =	sdelay $0x4  }
0x95: {  	[tilespmem:v14+s26+$0x0] =	vst.idx.add.s32.msk vm9, v9  }
0x96: {  	v14 =	vld [tilespmem:s5+$0x0];
	_ =	sdelay $0x4  }
0x97: {  	v15 =	vshra.s32 v14, $0xC  }
0x98: {  	vm10 =	vgt.s32 v15, $0x3D4C0  }
0x99: {  	v15 =	vnsel vm10, $0x3D4C0, v15  }
0x9a: {  	vm11 =	vge.f32 v14, $5.000000070e-02;
	v15 =	vmin.u32 v15, $0x3F80F  }
0x9b: {  	v15 =	vadd.s32 $0xFFFC2B40, v15;
	_ =	sdelay $0x4  }
0x9c: {  	[tilespmem:v15+s26+$0x0] =	vst.idx.add.s32.msk vm11, v9  }
0x9d: {  	v15 =	vld [tilespmem:s5+$0x10];
	_ =	sdelay $0x4  }
0x9e: {  	v16 =	vshra.s32 v15, $0xC  }
0x9f: {  	vm12 =	vgt.s32 v16, $0x3D4C0  }
0xa0: {  	v16 =	vnsel vm12, $0x3D4C0, v16  }
0xa1: {  	vm13 =	vge.f32 v15, $5.000000070e-02;
	v16 =	vmin.u32 v16, $0x3F80F  }
0xa2: {  	v16 =	vadd.s32 $0xFFFC2B40, v16;
	_ =	sdelay $0x4  }
0xa3: {  	[tilespmem:v16+s26+$0x0] =	vst.idx.add.s32.msk vm13, v9  }
0xa4: {  	v16 =	vld [tilespmem:s5+$0x20];
	_ =	sdelay $0x4  }
0xa5: {  	v17 =	vshra.s32 v16, $0xC  }
0xa6: {  	vm14 =	vgt.s32 v17, $0x3D4C0  }
0xa7: {  	v17 =	vnsel vm14, $0x3D4C0, v17  }
0xa8: {  	vm15 =	vge.f32 v16, $5.000000070e-02;
	v17 =	vmin.u32 v17, $0x3F80F  }
0xa9: {  	v17 =	vadd.s32 $0xFFFC2B40, v17  }
0xaa: {  	p1 =	seq.s32 s6, $0x3E40;
	v12 =	vmax.f32 v12, $-1.000000000e+09  }
.Ltmp3:
0xab: {  	v12 =	vmax.f32 v12, v13;
	(pc) =	sbr.rel @!p1 .LBB2_4-.Ltmp3, $4  }
0xac: {  	v12 =	vmax.f32 v12, v14  }
0xad: {  	v12 =	vmax.f32 v12, v15  }
0xae: {  	s7 =	sshra.s32 s6, $0x2;
	v12 =	vmax.f32 v12, v16;
	[tilespmem:v17+s26+$0x0] =	vst.idx.add.s32.msk vm15, v9  }
0xaf: {  	s6 =	sadd.s32 $0x40, s6;
	s5 =	sadd.s32 $0x50, s5;
	[tilespmem:s7+$0x8700] =	vst v12  }
0xb0: {  	s6 =	simm.s32 $0xFFFFFFFF;
	s5 =	simm.s32 $0x8000234F;
	s7 =	simm.s32 $0x71C0  }
.LBB2_6:
0xb1: {  	v12 =	vld [tilespmem:s7+$0x0];
	_ =	sdelay $0x4  }
0xb2: {  	(xrf0) =	vadd.scan.msk.s32 $0xffff, v12;
	_ =	sdelay $0x5  }
0xb3: {  	v13, _, _ =	vpop (xrf0)  }
0xb4: {  	(v2sf) =	vpush v13, $0xF;
	_ =	sdelay $0xe  }
0xb5: {  	s8 =	spop (v2sf)  }
0xb6: {  	s8 =	sadd.s32 s4, s8  }
0xb7: {  	p1 =	slt.s32 s8, $0x64  }
.Ltmp4:
0xb8: {  	_ = 	snop;
	(pc) =	sbr.rel @!p1 .LBB2_7-.Ltmp4, $1  }
0xb9: {  	_ =	sdelay $0x3  }
0xba: {  	s6 =	sadd.s32 $0x1, s6  }
0xbb: {  	p2 =	slt.u32 s6, $0x234  }
.Ltmp5:
0xbc: {  	_ = 	snop;
	(pc) =	sbr.rel @p2 .LBB2_6-.Ltmp5, $2  }
0xbd: {  	_ =	sdelay $0x2  }
0xbe: {  	s5 =	sadd.s32 $0xFFFFFFF0, s5;
	s7 =	sadd.s32 $0xFFFFFFF0, s7;
	s4 =	smov.u32 s8  }
.Ltmp6:
0xbf: {  	(pc) =	sbr.rel .LBB2_10-.Ltmp6, $2  }
0xc0: {  	_ =	sdelay $0x2  }
0xc1: {  	s5 =	simm.s32 $0x0;
	s6 =	simm.s32 $0x0  }
.LBB2_7:
0xc2: {  	v13 =	vmul.u32 $0xFFFFFFFF, v11;
	_ =	sdelay $0x1  }
0xc3: {  	v13 =	vadd.s32 $0xF, v13  }
0xc4: {  	v12 =	vperm.xlane v12, v13;
	_ =	sdelay $0x1  }
0xc5: {  	(xrf0) =	vadd.scan.msk.s32 $0xffff, v12;
	_ =	sdelay $0x5  }
0xc6: {  	v59, _, _ =	vpop (xrf0)  }
0xc7: {  	v14 =	vadd.s32 s4, v59  }
0xc8: {  	v60 =	vor.u32 $0x80000000, v11;
	vm0 =	vgt.s32 v14, $0x63  }
0xc9: {  	v14 =	vnsel vm0, $0x80000010, v60  }
0xca: {  	(xrf0) =	vmin.scan.msk.u32 $0xffff, v14;
	_ =	sdelay $0x5  }
0xcb: {  	v14, _, _ =	vpop (xrf0)  }
0xcc: {  	(v2sf) =	vpush v14, $0xF;
	_ =	sdelay $0xe  }
0xcd: {  	s6 =	spop (v2sf)  }
0xce: {  	s7 =	sxor.u32 $0x80000000, s6  }
0xcf: {  	v61 =	vmov s7  }
0xd0: {  	vm15 =	veq.s32 v61, v11  }
0xd1: {  	v13 =	vnsel vm15, $0x0, v59  }
0xd2: {  	v12 =	vnsel vm15, $0x0, v12;
	(xrf0) =	vadd.scan.msk.s32 $0xffff, v13  }
0xd3: {  	(xrf0) =	vadd.scan.msk.s32 $0xffff, v12;
	_ =	sdelay $0x4  }
0xd4: {  	v62, _, _ =	vpop (xrf0)  }
0xd5: {  	(v2sf) =	vpush v62, $0xF;
	v63, _, _ =	vpop (xrf0)  }
0xd6: {  	(v2sf) =	vpush v63, $0xF;
	_ =	sdelay $0xd  }
0xd7: {  	s11 =	spop (v2sf)  }
0xd8: {  	s8 =	spop (v2sf);
	s21 =	sadd.s32 s4, s11  }
0xd9: {  	s6 =	ssub.s32 s5, s6;
	s5 =	ssub.s32 s21, s8  }
.LBB2_10:
0xda: {  	s4 =	simm.s32 $0x100;
	s7 =	simm.s32 $0x0  }
.LBB2_11:
0xdb: {  	p2 =	sne.s32 s4, $0x3F00;
	[tilespmem:s7+$0x7230] =	vst v8;
	s8 =	smov.u32 s4;
	s4 =	sadd.s32 $0x100, s4  }
.Ltmp7:
0xdc: {  	[tilespmem:s7+$0x7220] =	vst v8;
	(pc) =	sbr.rel @p2 .LBB2_11-.Ltmp7, $3  }
0xdd: {  	[tilespmem:s7+$0x7200] =	vst v8  }
0xde: {  	[tilespmem:s7+$0x7210] =	vst v8;
	_ =	sdelay $0x1  }
0xdf: {  	s7 =	sshra.s32 s8, $0x2  }
0xe0: {  	[tilespmem:s7+$0x7230] =	vst v8;
	s4 =	sshll.u32 s6, $0xC  }
0xe1: {  	[tilespmem:s7+$0x7220] =	vst v8;
	s4 =	sadd.s32 $0x3D4C0000, s4  }
0xe2: {  	[tilespmem:s7+$0x7200] =	vst v8;
	v12 =	vmov s4  }
0xe3: {  	[tilespmem:s7+$0x7210] =	vst v8;
	v13 =	vmov s6;
	s21 =	simm.s32 $0x0;
	s6 =	simm.s32 $0x20;
	s7 =	simm.s32 $0x0;
	v12 =	vbroadcast v12, $0x0  }
.LBB2_13:
0xe4: {  	s8 =	sshra.s32 s7, $0x2  }
0xe5: {  	v14 =	vld [tilespmem:s8+$0x8700];
	_ =	sdelay $0x4  }
0xe6: {  	vm0 =	vge.f32 v14, v12  }
0xe7: {  	v14 =	vsel vm0, $0x1, v8  }
0xe8: {  	(xrf0) =	vadd.scan.msk.s32 $0xffff, v14;
	_ =	sdelay $0x5  }
0xe9: {  	v14, _, _ =	vpop (xrf0)  }
0xea: {  	(v2sf) =	vpush v14, $0xF;
	_ =	sdelay $0xe  }
0xeb: {  	s11 =	spop (v2sf)  }
0xec: {  	p2 =	slt.s32 s11, $0x1  }
0xed: {  	v14 =	vld @!p2 [tilespmem:s6+$0xFFFFFFE0];
	_ =	sdelay $0x4  }
0xee: {  	v15 =	vshra.s32 @!p2 v14, $0xC  }
0xef: {  	v15 =	vadd.s32 @!p2 $0xFFFC2B40, v15  }
0xf0: {  	vm0 =	vge.f32 @!p2 v14, $5.000000070e-02;
	vm1 =	veq.s32 @!p2 v15, v13  }
0xf1: {  	vm0 =	vmand @!p2 vm0, vm1  }
0xf2: {  	v14 =	vand.u32 @!p2 $0xFFF, v14;
	_ =	sdelay $0x3  }
0xf3: {  	s8 =	simm.s32 @!p2 $0x7200;
	v15 =	vimm.s32 @!p2 $0x1  }
0xf4: {  	[tilespmem:v14+s8+$0x0] =	vst.idx.add.s32.msk @!p2 vm0, v15  }
0xf5: {  	v14 =	vld @!p2 [tilespmem:s6+$0xFFFFFFF0];
	_ =	sdelay $0x4  }
0xf6: {  	v16 =	vshra.s32 @!p2 v14, $0xC  }
0xf7: {  	v16 =	vadd.s32 @!p2 $0xFFFC2B40, v16  }
0xf8: {  	vm0 =	vge.f32 @!p2 v14, $5.000000070e-02;
	vm1 =	veq.s32 @!p2 v16, v13  }
0xf9: {  	vm0 =	vmand @!p2 vm0, vm1  }
0xfa: {  	v14 =	vand.u32 @!p2 $0xFFF, v14;
	_ =	sdelay $0x4  }
0xfb: {  	[tilespmem:v14+s8+$0x0] =	vst.idx.add.s32.msk @!p2 vm0, v15  }
0xfc: {  	v14 =	vld @!p2 [tilespmem:s6+$0x0];
	_ =	sdelay $0x4  }
0xfd: {  	v16 =	vshra.s32 @!p2 v14, $0xC  }
0xfe: {  	v16 =	vadd.s32 @!p2 $0xFFFC2B40, v16  }
0xff: {  	vm0 =	vge.f32 @!p2 v14, $5.000000070e-02;
	vm1 =	veq.s32 @!p2 v16, v13  }
0x100: {  	vm0 =	vmand @!p2 vm0, vm1  }
0x101: {  	v14 =	vand.u32 @!p2 $0xFFF, v14;
	_ =	sdelay $0x4  }
0x102: {  	[tilespmem:v14+s8+$0x0] =	vst.idx.add.s32.msk @!p2 vm0, v15  }
0x103: {  	v14 =	vld @!p2 [tilespmem:s6+$0x10];
	_ =	sdelay $0x4  }
0x104: {  	v16 =	vshra.s32 @!p2 v14, $0xC  }
0x105: {  	v16 =	vadd.s32 @!p2 $0xFFFC2B40, v16  }
0x106: {  	vm0 =	vge.f32 @!p2 v14, $5.000000070e-02;
	vm1 =	veq.s32 @!p2 v16, v13  }
0x107: {  	vm0 =	vmand @!p2 vm0, vm1  }
0x108: {  	v14 =	vand.u32 @!p2 $0xFFF, v14;
	_ =	sdelay $0x4  }
0x109: {  	[tilespmem:v14+s8+$0x0] =	vst.idx.add.s32.msk @!p2 vm0, v15  }
0x10a: {  	v14 =	vld @!p2 [tilespmem:s6+$0x20];
	_ =	sdelay $0x4  }
0x10b: {  	v16 =	vshra.s32 @!p2 v14, $0xC  }
0x10c: {  	v16 =	vadd.s32 @!p2 $0xFFFC2B40, v16  }
0x10d: {  	vm0 =	vge.f32 @!p2 v14, $5.000000070e-02;
	vm1 =	veq.s32 @!p2 v16, v13  }
0x10e: {  	s7 =	sadd.s32 $0x40, s7;
	vm0 =	vmand @!p2 vm0, vm1  }
0x10f: {  	p3 =	sne.s32 s7, $0x3E80;
	v14 =	vand.u32 @!p2 $0xFFF, v14  }
.Ltmp8:
0x110: {  	_ = 	snop;
	(pc) =	sbr.rel @p3 .LBB2_13-.Ltmp8, $2  }
0x111: {  	_ =	sdelay $0x2  }
0x112: {  	s6 =	sadd.s32 $0x50, s6;
	[tilespmem:v14+s8+$0x0] =	vst.idx.add.s32.msk @!p2 vm0, v15  }
0x113: {  	s8 =	simm.s32 $0xFFFFFFFF;
	s6 =	simm.s32 $0x80000FFF;
	s9 =	simm.s32 $0x81F0  }
.LBB2_15:
0x114: {  	v12 =	vld [tilespmem:s9+$0x0];
	_ =	sdelay $0x4  }
0x115: {  	(xrf0) =	vadd.scan.msk.s32 $0xffff, v12;
	_ =	sdelay $0x5  }
0x116: {  	v13, _, _ =	vpop (xrf0)  }
0x117: {  	(v2sf) =	vpush v13, $0xF;
	_ =	sdelay $0xe  }
0x118: {  	s7 =	sadd.s32 s5, s21;
	s10 =	spop (v2sf)  }
0x119: {  	s11 =	sadd.s32 s7, s10  }
0x11a: {  	p2 =	slt.s32 s11, $0x64  }
.Ltmp9:
0x11b: {  	_ = 	snop;
	(pc) =	sbr.rel @!p2 .LBB2_16-.Ltmp9, $1  }
0x11c: {  	_ =	sdelay $0x3  }
0x11d: {  	s8 =	sadd.s32 $0x1, s8  }
0x11e: {  	p2 =	slt.u32 s8, $0xFF  }
.Ltmp10:
0x11f: {  	_ = 	snop;
	(pc) =	sbr.rel @p2 .LBB2_15-.Ltmp10, $2  }
0x120: {  	_ =	sdelay $0x2  }
0x121: {  	s21 =	sadd.s32 s21, s10;
	s6 =	sadd.s32 $0xFFFFFFF0, s6;
	s9 =	sadd.s32 $0xFFFFFFF0, s9  }
.Ltmp11:
0x122: {  	(pc) =	sbr.rel .LBB2_19-.Ltmp11, $2  }
0x123: {  	_ =	sdelay $0x2  }
0x124: {  	s5 =	simm.s32 $0x64  }
.LBB2_16:
0x125: {  	v13 =	vmul.u32 $0xFFFFFFFF, v11;
	_ =	sdelay $0x1  }
0x126: {  	v13 =	vadd.s32 $0xF, v13  }
0x127: {  	v12 =	vperm.xlane v12, v13;
	_ =	sdelay $0x1  }
0x128: {  	(xrf0) =	vadd.scan.msk.s32 $0xffff, v12;
	_ =	sdelay $0x5  }
0x129: {  	v59, _, _ =	vpop (xrf0)  }
0x12a: {  	v14 =	vadd.s32 s7, v59  }
0x12b: {  	v60 =	vor.u32 $0x80000000, v11;
	vm0 =	vgt.s32 v14, $0x63  }
0x12c: {  	v14 =	vnsel vm0, $0x80000010, v60  }
0x12d: {  	(xrf0) =	vmin.scan.msk.u32 $0xffff, v14;
	_ =	sdelay $0x5  }
0x12e: {  	v14, _, _ =	vpop (xrf0)  }
0x12f: {  	(v2sf) =	vpush v14, $0xF;
	_ =	sdelay $0xe  }
0x130: {  	s5 =	spop (v2sf)  }
0x131: {  	s8 =	sxor.u32 $0x80000000, s5  }
0x132: {  	v61 =	vmov s8  }
0x133: {  	vm15 =	veq.s32 v61, v11  }
0x134: {  	v13 =	vnsel vm15, $0x0, v59  }
0x135: {  	v12 =	vnsel vm15, $0x0, v12;
	(xrf0) =	vadd.scan.msk.s32 $0xffff, v13  }
0x136: {  	(xrf0) =	vadd.scan.msk.s32 $0xffff, v12;
	_ =	sdelay $0x4  }
0x137: {  	v62, _, _ =	vpop (xrf0)  }
0x138: {  	(v2sf) =	vpush v62, $0xF;
	v63, _, _ =	vpop (xrf0)  }
0x139: {  	(v2sf) =	vpush v63, $0xF;
	_ =	sdelay $0xd  }
0x13a: {  	s10 =	spop (v2sf)  }
0x13b: {  	s9 =	spop (v2sf);
	s11 =	sadd.s32 s7, s10  }
0x13c: {  	s5 =	ssub.s32 s6, s5;
	s21 =	ssub.s32 s9, s11  }
0x13d: {  	s4 =	sor.u32 s4, s5;
	s5 =	sadd.s32 $0x64, s21  }
.LBB2_19:
0x13e: {  	[tilespmem:$0x8280] =	vst v10  }
0x13f: {  	[tilespmem:$0x8200] =	vst v8  }
0x140: {  	[tilespmem:$0x8290] =	vst v10  }
0x141: {  	[tilespmem:$0x8210] =	vst v8  }
0x142: {  	[tilespmem:$0x82A0] =	vst v10  }
0x143: {  	[tilespmem:$0x8220] =	vst v8  }
0x144: {  	[tilespmem:$0x82B0] =	vst v10  }
0x145: {  	[tilespmem:$0x8230] =	vst v8  }
0x146: {  	[tilespmem:$0x82C0] =	vst v10  }
0x147: {  	[tilespmem:$0x8240] =	vst v8  }
0x148: {  	[tilespmem:$0x82D0] =	vst v10  }
.Ltmp12:
0x149: {  	[tilespmem:$0x8250] =	vst v8;
	(pc) =	sbr.rel .LBB2_20-.Ltmp12, $4  }
0x14a: {  	[tilespmem:$0x82E0] =	vst v10;
	v12 =	vmov s4  }
0x14b: {  	[tilespmem:$0x8260] =	vst v8;
	v12 =	vbroadcast v12, $0x0  }
0x14c: {  	[tilespmem:$0x82F0] =	vst v10;
	s5 =	simm.s32 @p1 $0x0;
	s7 =	simm.s32 $0x0;
	s21 =	simm.s32 $0x40  }
0x14d: {  	[tilespmem:$0x8270] =	vst v8;
	s4 =	simm.s32 $0x8700;
	s6 =	simm.s32 $0x0;
	v13 =	vmov s5;
	s5 =	simm.s32 $0x20;
	v12 =	vpsel p1, $0x0, v12  }
.LBB2_22:
0x14e: {  	s21 =	sadd.s32 $0x50, s21  }
0x14f: {  	p1 =	sne.s32 s21, $0x4E60  }
.Ltmp13:
0x150: {  	_ = 	snop;
	(pc) =	sbr.rel @!p1 .LBB2_23-.Ltmp13, $2  }
0x151: {  	_ =	sdelay $0x2  }
0x152: {  	s4 =	sadd.s32 $0x10, s4;
	s5 =	sadd.s32 $0x50, s5  }
.LBB2_20:
0x153: {  	v14 =	vld [tilespmem:s4+$0x0];
	_ =	sdelay $0x4  }
0x154: {  	vm0 =	vge.f32 v14, v12  }
0x155: {  	v14 =	vsel vm0, $0x1, v8  }
0x156: {  	(xrf0) =	vadd.scan.msk.s32 $0xffff, v14;
	_ =	sdelay $0x5  }
0x157: {  	v14, _, _ =	vpop (xrf0)  }
0x158: {  	(v2sf) =	vpush v14, $0xF;
	_ =	sdelay $0xe  }
0x159: {  	s8 =	spop (v2sf)  }
0x15a: {  	p1 =	slt.s32 s8, $0x1  }
.Ltmp14:
0x15b: {  	_ = 	snop;
	(pc) =	sbr.rel @p1 .LBB2_22-.Ltmp14, $1  }
0x15c: {  	_ =	sdelay $0x3  }
0x15d: {  	v14 =	vld [tilespmem:s5+$0xFFFFFFE0];
	_ =	sdelay $0x4  }
0x15e: {  	vm0 =	veq.f32 v14, v12  }
0x15f: {  	v15 =	vsel vm0, $0x1, v8  }
0x160: {  	(xrf0) =	vadd.scan.msk.s32 $0xffff, v15;
	_ =	sdelay $0x5  }
0x161: {  	v15, _, _ =	vpop (xrf0)  }
0x162: {  	v16 =	vadd.s32 s7, v15  }
0x163: {  	vm1 =	vle.s32 v16, v13  }
0x164: {  	vm2 =	vgt.f32 v14, v12;
	vm0 =	vmand vm0, vm1  }
0x165: {  	vm0 =	vmor vm2, vm0  }
0x166: {  	v51 =	vsel vm0, $0x1, v8  }
0x167: {  	(xrf0) =	vadd.scan.msk.s32 $0xffff, v51;
	_ =	sdelay $0x5  }
0x168: {  	v16, _, _ =	vpop (xrf0)  }
0x169: {  	s8 =	sadd.s32 $0xFFFFFFC0, s21;
	(v2sf) =	vpush v16, $0xF  }
0x16a: {  	v52 =	vor.u32 s8, v11;
	(v2sf) =	vpush v15, $0xF  }
0x16b: {  	[tilespmem:s6+$0x8200] =	vst.msk vm0, v52  }
0x16c: {  	[tilespmem:s6+$0x8280] =	vst.msk vm0, v14  }
0x16d: {  	v14 =	vld [tilespmem:s5+$0xFFFFFFF0];
	_ =	sdelay $0x4  }
0x16e: {  	vm4 =	veq.f32 v14, v12  }
0x16f: {  	v15 =	vsel vm4, $0x1, v8  }
0x170: {  	(xrf0) =	vadd.scan.msk.s32 $0xffff, v15;
	_ =	sdelay $0x3  }
0x171: {  	s11 =	spop (v2sf)  }
0x172: {  	s9 =	spop (v2sf)  }
0x173: {  	v15, _, _ =	vpop (xrf0);
	s7 =	sadd.s32 s7, s9  }
0x174: {  	v53 =	vadd.s32 s7, v15  }
0x175: {  	vm5 =	vle.s32 v53, v13  }
0x176: {  	vm6 =	vgt.f32 v14, v12;
	vm0 =	vmand vm4, vm5  }
0x177: {  	vm0 =	vmor vm6, vm0  }
0x178: {  	v54 =	vsel vm0, $0x1, v8  }
0x179: {  	(xrf0) =	vadd.scan.msk.s32 $0xffff, v54;
	_ =	sdelay $0x5  }
0x17a: {  	v16, _, _ =	vpop (xrf0)  }
0x17b: {  	s10 =	sadd.s32 $0xFFFFFFD0, s21;
	(v2sf) =	vpush v16, $0xF  }
0x17c: {  	v55 =	vor.u32 s10, v11;
	s6 =	sadd.s32 s6, s11;
	(v2sf) =	vpush v15, $0xF  }
0x17d: {  	[tilespmem:s6+$0x8200] =	vst.msk vm0, v55  }
0x17e: {  	[tilespmem:s6+$0x8280] =	vst.msk vm0, v14  }
0x17f: {  	v14 =	vld [tilespmem:s5+$0x0];
	_ =	sdelay $0x4  }
0x180: {  	vm7 =	veq.f32 v14, v12  }
0x181: {  	v15 =	vsel vm7, $0x1, v8  }
0x182: {  	(xrf0) =	vadd.scan.msk.s32 $0xffff, v15;
	_ =	sdelay $0x3  }
0x183: {  	s8 =	spop (v2sf)  }
0x184: {  	s11 =	spop (v2sf)  }
0x185: {  	v15, _, _ =	vpop (xrf0);
	s7 =	sadd.s32 s7, s11  }
0x186: {  	v56 =	vadd.s32 s7, v15  }
0x187: {  	vm8 =	vle.s32 v56, v13  }
0x188: {  	vm9 =	vgt.f32 v14, v12;
	vm0 =	vmand vm7, vm8  }
0x189: {  	vm0 =	vmor vm9, vm0  }
0x18a: {  	v57 =	vsel vm0, $0x1, v8  }
0x18b: {  	(xrf0) =	vadd.scan.msk.s32 $0xffff, v57;
	_ =	sdelay $0x5  }
0x18c: {  	v16, _, _ =	vpop (xrf0)  }
0x18d: {  	s10 =	sadd.s32 $0xFFFFFFE0, s21;
	(v2sf) =	vpush v16, $0xF  }
0x18e: {  	v58 =	vor.u32 s10, v11;
	s6 =	sadd.s32 s6, s8;
	(v2sf) =	vpush v15, $0xF  }
0x18f: {  	[tilespmem:s6+$0x8200] =	vst.msk vm0, v58  }
0x190: {  	[tilespmem:s6+$0x8280] =	vst.msk vm0, v14  }
0x191: {  	v14 =	vld [tilespmem:s5+$0x10];
	_ =	sdelay $0x4  }
0x192: {  	vm10 =	veq.f32 v14, v12  }
0x193: {  	v15 =	vsel vm10, $0x1, v8  }
0x194: {  	(xrf0) =	vadd.scan.msk.s32 $0xffff, v15;
	_ =	sdelay $0x3  }
0x195: {  	s8 =	spop (v2sf)  }
0x196: {  	s11 =	spop (v2sf)  }
0x197: {  	v15, _, _ =	vpop (xrf0);
	s7 =	sadd.s32 s7, s11  }
0x198: {  	v59 =	vadd.s32 s7, v15  }
0x199: {  	vm11 =	vle.s32 v59, v13  }
0x19a: {  	vm12 =	vgt.f32 v14, v12;
	vm0 =	vmand vm10, vm11  }
0x19b: {  	vm0 =	vmor vm12, vm0  }
0x19c: {  	v60 =	vsel vm0, $0x1, v8  }
0x19d: {  	(xrf0) =	vadd.scan.msk.s32 $0xffff, v60;
	_ =	sdelay $0x5  }
0x19e: {  	v16, _, _ =	vpop (xrf0)  }
0x19f: {  	s10 =	sadd.s32 $0xFFFFFFF0, s21;
	(v2sf) =	vpush v16, $0xF  }
0x1a0: {  	v61 =	vor.u32 s10, v11;
	s6 =	sadd.s32 s6, s8;
	(v2sf) =	vpush v15, $0xF  }
0x1a1: {  	[tilespmem:s6+$0x8200] =	vst.msk vm0, v61  }
0x1a2: {  	[tilespmem:s6+$0x8280] =	vst.msk vm0, v14  }
0x1a3: {  	v14 =	vld [tilespmem:s5+$0x20];
	_ =	sdelay $0x4  }
0x1a4: {  	vm13 =	veq.f32 v14, v12  }
0x1a5: {  	v15 =	vsel vm13, $0x1, v8  }
0x1a6: {  	(xrf0) =	vadd.scan.msk.s32 $0xffff, v15;
	_ =	sdelay $0x3  }
0x1a7: {  	s8 =	spop (v2sf)  }
0x1a8: {  	s11 =	spop (v2sf)  }
0x1a9: {  	v15, _, _ =	vpop (xrf0);
	s7 =	sadd.s32 s7, s11  }
0x1aa: {  	v62 =	vadd.s32 s7, v15  }
0x1ab: {  	vm14 =	vle.s32 v62, v13  }
0x1ac: {  	vm15 =	vgt.f32 v14, v12;
	vm0 =	vmand vm13, vm14  }
0x1ad: {  	vm0 =	vmor vm15, vm0  }
0x1ae: {  	v63 =	vsel vm0, $0x1, v8  }
0x1af: {  	(xrf0) =	vadd.scan.msk.s32 $0xffff, v63;
	_ =	sdelay $0x5  }
0x1b0: {  	v16, _, _ =	vpop (xrf0)  }
0x1b1: {  	(v2sf) =	vpush v16, $0xF  }
0x1b2: {  	(v2sf) =	vpush v15, $0xF;
	_ =	sdelay $0xb  }
.Ltmp15:
0x1b3: {  	_ = 	snop;
	(pc) =	sbr.rel .LBB2_22-.Ltmp15, $4  }
0x1b4: {  	_ = 	snop  }
0x1b5: {  	s6 =	sadd.s32 s6, s8;
	v15 =	vor.u32 s21, v11;
	s10 =	spop (v2sf)  }
0x1b6: {  	[tilespmem:s6+$0x8200] =	vst.msk vm0, v15;
	s11 =	spop (v2sf)  }
0x1b7: {  	[tilespmem:s6+$0x8280] =	vst.msk vm0, v14;
	s6 =	sadd.s32 s6, s10;
	s7 =	sadd.s32 s7, s11  }
.LBB2_23:
0x1b8: {  	s21 =	simm.s32 $0x0;
	s4 =	rddreg [dreg:$0x4]  }
0x1b9: {  	[hbm4b:s4+s21] =	stream.linear.scatter [tilespmem:s28], [sflag:$0x2], $0x80, $0x38;
	[tilespmem:$0x9700] =	vst v63  }
0x1ba: {  	_ =	swait.ge [sflag:s25], $0x80  }
0x1bb: {  	[sflag:s25] =	ssyncset.done $0x0  }
0x1bc: {  	[sflag:s25] =	ssyncadd.s32 $0xFFFFFF80  }
0x1bd: {  	v12 =	vld [tilespmem:$0x8200]  }
0x1be: {  	v13 =	vld [tilespmem:$0x8210]  }
0x1bf: {  	v14 =	vld [tilespmem:$0x8220]  }
0x1c0: {  	v15 =	vld [tilespmem:$0x8230]  }
0x1c1: {  	v16 =	vld [tilespmem:$0x8240]  }
0x1c2: {  	v17 =	vld [tilespmem:$0x8250];
	v12 =	vadd.s32 v0, v12  }
0x1c3: {  	v53 =	vld [tilespmem:$0x8260];
	v52 =	vadd.s32 v0, v13;
	[tilespmem:$0x8300] =	vst v12  }
0x1c4: {  	v55 =	vld [tilespmem:$0x8270];
	v54 =	vadd.s32 v0, v14;
	[tilespmem:$0x8310] =	vst v52  }
0x1c5: {  	v57 =	vld [tilespmem:$0x8200];
	v56 =	vadd.s32 v0, v15;
	[tilespmem:$0x8320] =	vst v54  }
0x1c6: {  	v59 =	vld [tilespmem:$0x8210];
	v58 =	vadd.s32 v0, v16;
	[tilespmem:$0x8330] =	vst v56  }
0x1c7: {  	v61 =	vld [tilespmem:$0x8220];
	v60 =	vadd.s32 v0, v17;
	[tilespmem:$0x8340] =	vst v58  }
0x1c8: {  	v63 =	vld [tilespmem:$0x8230];
	v62 =	vadd.s32 v0, v53;
	[tilespmem:$0x8350] =	vst v60  }
0x1c9: {  	v20 =	vld [tilespmem:$0x8240];
	v19 =	vadd.s32 v0, v55;
	[tilespmem:$0x8360] =	vst v62  }
0x1ca: {  	v22 =	vld [tilespmem:$0x8250];
	v21 =	vadd.s32 v1, v57;
	[tilespmem:$0x8370] =	vst v19  }
0x1cb: {  	v24 =	vld [tilespmem:$0x8260];
	v23 =	vadd.s32 v1, v59;
	[tilespmem:$0x8380] =	vst v21  }
0x1cc: {  	v26 =	vld [tilespmem:$0x8270];
	v25 =	vadd.s32 v1, v61;
	[tilespmem:$0x8390] =	vst v23  }
0x1cd: {  	v28 =	vld [tilespmem:$0x8200];
	v27 =	vadd.s32 v1, v63;
	[tilespmem:$0x83A0] =	vst v25  }
0x1ce: {  	v30 =	vld [tilespmem:$0x8210];
	v29 =	vadd.s32 v1, v20;
	[tilespmem:$0x83B0] =	vst v27  }
0x1cf: {  	v32 =	vld [tilespmem:$0x8220];
	v31 =	vadd.s32 v1, v22;
	[tilespmem:$0x83C0] =	vst v29  }
0x1d0: {  	v34 =	vld [tilespmem:$0x8230];
	v33 =	vadd.s32 v1, v24;
	[tilespmem:$0x83D0] =	vst v31  }
0x1d1: {  	v36 =	vld [tilespmem:$0x8240];
	v35 =	vadd.s32 v1, v26;
	[tilespmem:$0x83E0] =	vst v33  }
0x1d2: {  	v38 =	vld [tilespmem:$0x8250];
	v37 =	vadd.s32 v2, v28;
	[tilespmem:$0x83F0] =	vst v35  }
0x1d3: {  	v40 =	vld [tilespmem:$0x8260];
	v39 =	vadd.s32 v2, v30;
	[tilespmem:$0x8400] =	vst v37  }
0x1d4: {  	v42 =	vld [tilespmem:$0x8270];
	v41 =	vadd.s32 v2, v32;
	[tilespmem:$0x8410] =	vst v39  }
0x1d5: {  	v44 =	vld [tilespmem:$0x8200];
	v43 =	vadd.s32 v2, v34;
	[tilespmem:$0x8420] =	vst v41  }
0x1d6: {  	v46 =	vld [tilespmem:$0x8210];
	v45 =	vadd.s32 v2, v36;
	[tilespmem:$0x8430] =	vst v43  }
0x1d7: {  	v48 =	vld [tilespmem:$0x8220];
	v47 =	vadd.s32 v2, v38;
	[tilespmem:$0x8440] =	vst v45  }
0x1d8: {  	v50 =	vld [tilespmem:$0x8230];
	v49 =	vadd.s32 v2, v40;
	[tilespmem:$0x8450] =	vst v47  }
0x1d9: {  	v51 =	vadd.s32 v2, v42;
	[tilespmem:$0x8460] =	vst v49;
	v52 =	vld [tilespmem:$0x8240]  }
0x1da: {  	v53 =	vadd.s32 v3, v44;
	[tilespmem:$0x8470] =	vst v51;
	v54 =	vld [tilespmem:$0x8250]  }
0x1db: {  	v55 =	vadd.s32 v3, v46;
	[tilespmem:$0x8480] =	vst v53;
	v56 =	vld [tilespmem:$0x8260]  }
0x1dc: {  	v57 =	vadd.s32 v3, v48;
	[tilespmem:$0x8490] =	vst v55;
	v58 =	vld [tilespmem:$0x8270]  }
0x1dd: {  	v59 =	vadd.s32 v3, v50;
	[tilespmem:$0x84A0] =	vst v57  }
0x1de: {  	[tilespmem:$0x84B0] =	vst v59;
	v60 =	vadd.s32 v3, v52  }
0x1df: {  	v61 =	vadd.s32 v3, v54;
	[tilespmem:$0x84C0] =	vst v60  }
0x1e0: {  	v62 =	vadd.s32 v3, v56;
	[tilespmem:$0x84D0] =	vst v61  }
0x1e1: {  	v63 =	vadd.s32 v3, v58;
	[tilespmem:$0x84E0] =	vst v62  }
0x1e2: {  	[tilespmem:$0x84F0] =	vst v63  }
0x1e3: {  	[tilespmem:s30], [sflag:$0x1] =	stream.indirect.gather [hbm4b:s3+s23], $0x1, s29, s23, $0xb8;
	[tilespmem:$0x9700] =	vst v63  }
0x1e4: {  	_ = 	snop  }
0x1e5: {  	[tilespmem:s0], [sflag:$0x1] =	stream.indirect.gather [hbm4b:s3+s23], $0x1, s31, s23, $0xb8;
	[tilespmem:$0x9700] =	vst v63  }
0x1e6: {  	_ = 	snop  }
0x1e7: {  	[tilespmem:s13], [sflag:$0x1] =	stream.indirect.gather [hbm4b:s3+s23], $0x1, s1, s23, $0xb8;
	[tilespmem:$0x9700] =	vst v63  }
0x1e8: {  	_ = 	snop  }
0x1e9: {  	[tilespmem:s18], [sflag:$0x1] =	stream.indirect.gather [hbm4b:s3+s23], $0x1, s15, s23, $0xb8;
	[tilespmem:$0x9700] =	vst v63  }
0x1ea: {  	_ =	swait.ge [sflag:s19], $0x80  }
0x1eb: {  	[sflag:s19] =	ssyncset.done $0x0  }
0x1ec: {  	[sflag:s19] =	ssyncadd.s32 $0xFFFFFF80  }
0x1ed: {  	_ =	swait.ge [sflag:s19], $0x80  }
0x1ee: {  	[sflag:s19] =	ssyncset.done $0x0  }
0x1ef: {  	[sflag:s19] =	ssyncadd.s32 $0xFFFFFF80  }
0x1f0: {  	_ =	swait.ge [sflag:s19], $0x80  }
0x1f1: {  	[sflag:s19] =	ssyncset.done $0x0  }
0x1f2: {  	[sflag:s19] =	ssyncadd.s32 $0xFFFFFF80  }
0x1f3: {  	_ =	swait.ge [sflag:s19], $0x80  }
0x1f4: {  	[sflag:s19] =	ssyncset.done $0x0  }
0x1f5: {  	s7 =	rddreg [dreg:$0x5];
	[sflag:s19] =	ssyncadd.s32 $0xFFFFFF80  }
0x1f6: {  	[hbm4b:s7+s21] =	stream.linear.scatter [tilespmem:s30], [sflag:$0x2], $0x80, $0x38;
	[tilespmem:$0x9700] =	vst v63  }
0x1f7: {  	_ =	swait.ge [sflag:s25], $0x80  }
0x1f8: {  	[sflag:s25] =	ssyncset.done $0x0  }
0x1f9: {  	s8 =	rddreg [dreg:$0x6];
	[sflag:s25] =	ssyncadd.s32 $0xFFFFFF80  }
0x1fa: {  	[hbm4b:s8+s21] =	stream.linear.scatter [tilespmem:s0], [sflag:$0x2], $0x80, $0x38;
	[tilespmem:$0x9700] =	vst v63  }
0x1fb: {  	_ =	swait.ge [sflag:s25], $0x80  }
0x1fc: {  	[sflag:s25] =	ssyncset.done $0x0  }
0x1fd: {  	s9 =	rddreg [dreg:$0x7];
	[sflag:s25] =	ssyncadd.s32 $0xFFFFFF80  }
0x1fe: {  	[hbm4b:s9+s21] =	stream.linear.scatter [tilespmem:s13], [sflag:$0x2], $0x80, $0x38;
	[tilespmem:$0x9700] =	vst v63  }
0x1ff: {  	_ =	swait.ge [sflag:s25], $0x80  }
0x200: {  	[sflag:s25] =	ssyncset.done $0x0  }
0x201: {  	s10 =	rddreg [dreg:$0x8];
	[sflag:s25] =	ssyncadd.s32 $0xFFFFFF80  }
0x202: {  	[hbm4b:s10+s21] =	stream.linear.scatter [tilespmem:s18], [sflag:$0x2], $0x80, $0x38;
	[tilespmem:$0x9700] =	vst v63  }
0x203: {  	_ =	swait.ge [sflag:s25], $0x80  }
0x204: {  	[sflag:s25] =	ssyncset.done $0x0  }
0x205: {  	s11 =	rddreg [dreg:$0x9];
	[sflag:s25] =	ssyncadd.s32 $0xFFFFFF80  }
0x206: {  	[tilespmem:s21], [sflag:$0x2] =	stream.strided.gather [hbm4b:s11+s23], $0x4E80, s24, s23, $0x38;
	[tilespmem:$0x9700] =	vst v63  }
0x207: {  	_ =	swait.ge [sflag:s25], $0x4E80  }
0x208: {  	[sflag:s25] =	ssyncset.done $0x0  }
0x209: {  	s5 =	simm.s32 $0x140;
	s4 =	simm.s32 $0x0;
	[sflag:s25] =	ssyncadd.s32 $0xFFFFB180  }
.LBB2_24:
0x20a: {  	p1 =	sne.s32 s5, $0x8C00;
	[tilespmem:s4+$0x4EC0] =	vst v8;
	s6 =	smov.u32 s5;
	s5 =	sadd.s32 $0x140, s5  }
.Ltmp16:
0x20b: {  	[tilespmem:s4+$0x4EB0] =	vst v8;
	(pc) =	sbr.rel @p1 .LBB2_24-.Ltmp16, $4  }
0x20c: {  	[tilespmem:s4+$0x4EA0] =	vst v8  }
0x20d: {  	[tilespmem:s4+$0x4E80] =	vst v8  }
0x20e: {  	[tilespmem:s4+$0x4E90] =	vst v8  }
0x20f: {  	s4 =	sshra.s32 s6, $0x2  }
0x210: {  	[tilespmem:s4+$0x4EC0] =	vst v8  }
0x211: {  	[tilespmem:s4+$0x4EB0] =	vst v8  }
0x212: {  	[tilespmem:s4+$0x4EA0] =	vst v8  }
0x213: {  	[tilespmem:s4+$0x4E80] =	vst v8  }
0x214: {  	[tilespmem:s4+$0x4E90] =	vst v8;
	s4 =	simm.s32 $0x20  }
.LBB2_26:
0x215: {  	v12 =	vld [tilespmem:s4+$0xFFFFFFE0];
	_ =	sdelay $0x4  }
0x216: {  	v13 =	vshra.s32 v12, $0xC  }
0x217: {  	vm0 =	vgt.s32 v13, $0x3D4C0  }
0x218: {  	v13 =	vnsel vm0, $0x3D4C0, v13  }
0x219: {  	vm7 =	vge.f32 v12, $5.000000070e-02;
	v13 =	vmin.u32 v13, $0x3F80F  }
0x21a: {  	v13 =	vadd.s32 $0xFFFC2B40, v13;
	_ =	sdelay $0x4  }
0x21b: {  	[tilespmem:v13+s26+$0x0] =	vst.idx.add.s32.msk vm7, v9  }
0x21c: {  	v13 =	vld [tilespmem:s4+$0xFFFFFFF0];
	_ =	sdelay $0x4  }
0x21d: {  	v14 =	vshra.s32 v13, $0xC  }
0x21e: {  	vm8 =	vgt.s32 v14, $0x3D4C0  }
0x21f: {  	v14 =	vnsel vm8, $0x3D4C0, v14  }
0x220: {  	vm9 =	vge.f32 v13, $5.000000070e-02;
	v14 =	vmin.u32 v14, $0x3F80F  }
0x221: {  	v14 =	vadd.s32 $0xFFFC2B40, v14;
	_ =	sdelay $0x4  }
0x222: {  	[tilespmem:v14+s26+$0x0] =	vst.idx.add.s32.msk vm9, v9  }
0x223: {  	v14 =	vld [tilespmem:s4+$0x0];
	_ =	sdelay $0x4  }
0x224: {  	v15 =	vshra.s32 v14, $0xC  }
0x225: {  	vm10 =	vgt.s32 v15, $0x3D4C0  }
0x226: {  	v15 =	vnsel vm10, $0x3D4C0, v15  }
0x227: {  	vm11 =	vge.f32 v14, $5.000000070e-02;
	v15 =	vmin.u32 v15, $0x3F80F  }
0x228: {  	v15 =	vadd.s32 $0xFFFC2B40, v15;
	_ =	sdelay $0x4  }
0x229: {  	[tilespmem:v15+s26+$0x0] =	vst.idx.add.s32.msk vm11, v9  }
0x22a: {  	v15 =	vld [tilespmem:s4+$0x10];
	_ =	sdelay $0x4  }
0x22b: {  	v16 =	vshra.s32 v15, $0xC  }
0x22c: {  	vm12 =	vgt.s32 v16, $0x3D4C0  }
0x22d: {  	v16 =	vnsel vm12, $0x3D4C0, v16  }
0x22e: {  	vm13 =	vge.f32 v15, $5.000000070e-02;
	v16 =	vmin.u32 v16, $0x3F80F  }
0x22f: {  	v16 =	vadd.s32 $0xFFFC2B40, v16;
	_ =	sdelay $0x4  }
0x230: {  	[tilespmem:v16+s26+$0x0] =	vst.idx.add.s32.msk vm13, v9  }
0x231: {  	v16 =	vld [tilespmem:s4+$0x20];
	_ =	sdelay $0x4  }
0x232: {  	v17 =	vshra.s32 v16, $0xC  }
0x233: {  	vm14 =	vgt.s32 v17, $0x3D4C0  }
0x234: {  	v17 =	vnsel vm14, $0x3D4C0, v17  }
0x235: {  	vm15 =	vge.f32 v16, $5.000000070e-02;
	v17 =	vmin.u32 v17, $0x3F80F  }
0x236: {  	v17 =	vadd.s32 $0xFFFC2B40, v17  }
0x237: {  	p1 =	seq.s32 s21, $0x3E40;
	v12 =	vmax.f32 v12, $-1.000000000e+09  }
.Ltmp17:
0x238: {  	v12 =	vmax.f32 v12, v13;
	(pc) =	sbr.rel @!p1 .LBB2_26-.Ltmp17, $4  }
0x239: {  	v12 =	vmax.f32 v12, v14  }
0x23a: {  	v12 =	vmax.f32 v12, v15  }
0x23b: {  	s5 =	sshra.s32 s21, $0x2;
	v12 =	vmax.f32 v12, v16;
	[tilespmem:v17+s26+$0x0] =	vst.idx.add.s32.msk vm15, v9  }
0x23c: {  	s21 =	sadd.s32 $0x40, s21;
	s4 =	sadd.s32 $0x50, s4;
	[tilespmem:s5+$0x8700] =	vst v12  }
0x23d: {  	s5 =	simm.s32 $0x0  }
0x23e: {  	s6 =	simm.s32 $0xFFFFFFFF;
	s4 =	simm.s32 $0x8000234F;
	s7 =	simm.s32 $0x71C0  }
.LBB2_28:
0x23f: {  	v12 =	vld [tilespmem:s7+$0x0];
	_ =	sdelay $0x4  }
0x240: {  	(xrf0) =	vadd.scan.msk.s32 $0xffff, v12;
	_ =	sdelay $0x5  }
0x241: {  	v13, _, _ =	vpop (xrf0)  }
0x242: {  	(v2sf) =	vpush v13, $0xF;
	_ =	sdelay $0xe  }
0x243: {  	s8 =	spop (v2sf)  }
0x244: {  	s8 =	sadd.s32 s5, s8  }
0x245: {  	p1 =	slt.s32 s8, $0x64  }
.Ltmp18:
0x246: {  	_ = 	snop;
	(pc) =	sbr.rel @!p1 .LBB2_29-.Ltmp18, $1  }
0x247: {  	_ =	sdelay $0x3  }
0x248: {  	s6 =	sadd.s32 $0x1, s6  }
0x249: {  	p2 =	slt.u32 s6, $0x234  }
.Ltmp19:
0x24a: {  	_ = 	snop;
	(pc) =	sbr.rel @p2 .LBB2_28-.Ltmp19, $2  }
0x24b: {  	_ =	sdelay $0x2  }
0x24c: {  	s4 =	sadd.s32 $0xFFFFFFF0, s4;
	s7 =	sadd.s32 $0xFFFFFFF0, s7;
	s5 =	smov.u32 s8  }
.Ltmp20:
0x24d: {  	(pc) =	sbr.rel .LBB2_32-.Ltmp20, $2  }
0x24e: {  	_ =	sdelay $0x2  }
0x24f: {  	s5 =	simm.s32 $0x0;
	s6 =	simm.s32 $0x0  }
.LBB2_29:
0x250: {  	v13 =	vmul.u32 $0xFFFFFFFF, v11;
	_ =	sdelay $0x1  }
0x251: {  	v13 =	vadd.s32 $0xF, v13  }
0x252: {  	v12 =	vperm.xlane v12, v13;
	_ =	sdelay $0x1  }
0x253: {  	(xrf0) =	vadd.scan.msk.s32 $0xffff, v12;
	_ =	sdelay $0x5  }
0x254: {  	v59, _, _ =	vpop (xrf0)  }
0x255: {  	v14 =	vadd.s32 s5, v59  }
0x256: {  	v60 =	vor.u32 $0x80000000, v11;
	vm0 =	vgt.s32 v14, $0x63  }
0x257: {  	v14 =	vnsel vm0, $0x80000010, v60  }
0x258: {  	(xrf0) =	vmin.scan.msk.u32 $0xffff, v14;
	_ =	sdelay $0x5  }
0x259: {  	v14, _, _ =	vpop (xrf0)  }
0x25a: {  	(v2sf) =	vpush v14, $0xF;
	_ =	sdelay $0xe  }
0x25b: {  	s6 =	spop (v2sf)  }
0x25c: {  	s7 =	sxor.u32 $0x80000000, s6  }
0x25d: {  	v61 =	vmov s7  }
0x25e: {  	vm15 =	veq.s32 v61, v11  }
0x25f: {  	v13 =	vnsel vm15, $0x0, v59  }
0x260: {  	v12 =	vnsel vm15, $0x0, v12;
	(xrf0) =	vadd.scan.msk.s32 $0xffff, v13  }
0x261: {  	(xrf0) =	vadd.scan.msk.s32 $0xffff, v12;
	_ =	sdelay $0x4  }
0x262: {  	v62, _, _ =	vpop (xrf0)  }
0x263: {  	(v2sf) =	vpush v62, $0xF;
	v63, _, _ =	vpop (xrf0)  }
0x264: {  	(v2sf) =	vpush v63, $0xF;
	_ =	sdelay $0xd  }
0x265: {  	s11 =	spop (v2sf)  }
0x266: {  	s8 =	spop (v2sf);
	s21 =	sadd.s32 s5, s11  }
0x267: {  	s6 =	ssub.s32 s4, s6;
	s5 =	ssub.s32 s21, s8  }
.LBB2_32:
0x268: {  	s4 =	simm.s32 $0x100;
	s7 =	simm.s32 $0x0  }
.LBB2_33:
0x269: {  	p2 =	sne.s32 s4, $0x3F00;
	[tilespmem:s7+$0x7230] =	vst v8;
	s8 =	smov.u32 s4;
	s4 =	sadd.s32 $0x100, s4  }
.Ltmp21:
0x26a: {  	[tilespmem:s7+$0x7220] =	vst v8;
	(pc) =	sbr.rel @p2 .LBB2_33-.Ltmp21, $3  }
0x26b: {  	[tilespmem:s7+$0x7200] =	vst v8  }
0x26c: {  	[tilespmem:s7+$0x7210] =	vst v8;
	_ =	sdelay $0x1  }
0x26d: {  	s7 =	sshra.s32 s8, $0x2  }
0x26e: {  	[tilespmem:s7+$0x7230] =	vst v8;
	s4 =	sshll.u32 s6, $0xC  }
0x26f: {  	[tilespmem:s7+$0x7220] =	vst v8;
	s4 =	sadd.s32 $0x3D4C0000, s4  }
0x270: {  	[tilespmem:s7+$0x7200] =	vst v8;
	v12 =	vmov s4  }
0x271: {  	[tilespmem:s7+$0x7210] =	vst v8;
	v13 =	vmov s6;
	s21 =	simm.s32 $0x0;
	s6 =	simm.s32 $0x20;
	s7 =	simm.s32 $0x0;
	v12 =	vbroadcast v12, $0x0  }
.LBB2_35:
0x272: {  	s8 =	sshra.s32 s7, $0x2  }
0x273: {  	v14 =	vld [tilespmem:s8+$0x8700];
	_ =	sdelay $0x4  }
0x274: {  	vm0 =	vge.f32 v14, v12  }
0x275: {  	v14 =	vsel vm0, $0x1, v8  }
0x276: {  	(xrf0) =	vadd.scan.msk.s32 $0xffff, v14;
	_ =	sdelay $0x5  }
0x277: {  	v14, _, _ =	vpop (xrf0)  }
0x278: {  	(v2sf) =	vpush v14, $0xF;
	_ =	sdelay $0xe  }
0x279: {  	s11 =	spop (v2sf)  }
0x27a: {  	p2 =	slt.s32 s11, $0x1  }
0x27b: {  	v14 =	vld @!p2 [tilespmem:s6+$0xFFFFFFE0];
	_ =	sdelay $0x4  }
0x27c: {  	v15 =	vshra.s32 @!p2 v14, $0xC  }
0x27d: {  	v15 =	vadd.s32 @!p2 $0xFFFC2B40, v15  }
0x27e: {  	vm0 =	vge.f32 @!p2 v14, $5.000000070e-02;
	vm1 =	veq.s32 @!p2 v15, v13  }
0x27f: {  	vm0 =	vmand @!p2 vm0, vm1  }
0x280: {  	v14 =	vand.u32 @!p2 $0xFFF, v14;
	_ =	sdelay $0x3  }
0x281: {  	s8 =	simm.s32 @!p2 $0x7200;
	v15 =	vimm.s32 @!p2 $0x1  }
0x282: {  	[tilespmem:v14+s8+$0x0] =	vst.idx.add.s32.msk @!p2 vm0, v15  }
0x283: {  	v14 =	vld @!p2 [tilespmem:s6+$0xFFFFFFF0];
	_ =	sdelay $0x4  }
0x284: {  	v16 =	vshra.s32 @!p2 v14, $0xC  }
0x285: {  	v16 =	vadd.s32 @!p2 $0xFFFC2B40, v16  }
0x286: {  	vm0 =	vge.f32 @!p2 v14, $5.000000070e-02;
	vm1 =	veq.s32 @!p2 v16, v13  }
0x287: {  	vm0 =	vmand @!p2 vm0, vm1  }
0x288: {  	v14 =	vand.u32 @!p2 $0xFFF, v14;
	_ =	sdelay $0x4  }
0x289: {  	[tilespmem:v14+s8+$0x0] =	vst.idx.add.s32.msk @!p2 vm0, v15  }
0x28a: {  	v14 =	vld @!p2 [tilespmem:s6+$0x0];
	_ =	sdelay $0x4  }
0x28b: {  	v16 =	vshra.s32 @!p2 v14, $0xC  }
0x28c: {  	v16 =	vadd.s32 @!p2 $0xFFFC2B40, v16  }
0x28d: {  	vm0 =	vge.f32 @!p2 v14, $5.000000070e-02;
	vm1 =	veq.s32 @!p2 v16, v13  }
0x28e: {  	vm0 =	vmand @!p2 vm0, vm1  }
0x28f: {  	v14 =	vand.u32 @!p2 $0xFFF, v14;
	_ =	sdelay $0x4  }
0x290: {  	[tilespmem:v14+s8+$0x0] =	vst.idx.add.s32.msk @!p2 vm0, v15  }
0x291: {  	v14 =	vld @!p2 [tilespmem:s6+$0x10];
	_ =	sdelay $0x4  }
0x292: {  	v16 =	vshra.s32 @!p2 v14, $0xC  }
0x293: {  	v16 =	vadd.s32 @!p2 $0xFFFC2B40, v16  }
0x294: {  	vm0 =	vge.f32 @!p2 v14, $5.000000070e-02;
	vm1 =	veq.s32 @!p2 v16, v13  }
0x295: {  	vm0 =	vmand @!p2 vm0, vm1  }
0x296: {  	v14 =	vand.u32 @!p2 $0xFFF, v14;
	_ =	sdelay $0x4  }
0x297: {  	[tilespmem:v14+s8+$0x0] =	vst.idx.add.s32.msk @!p2 vm0, v15  }
0x298: {  	v14 =	vld @!p2 [tilespmem:s6+$0x20];
	_ =	sdelay $0x4  }
0x299: {  	v16 =	vshra.s32 @!p2 v14, $0xC  }
0x29a: {  	v16 =	vadd.s32 @!p2 $0xFFFC2B40, v16  }
0x29b: {  	vm0 =	vge.f32 @!p2 v14, $5.000000070e-02;
	vm1 =	veq.s32 @!p2 v16, v13  }
0x29c: {  	s7 =	sadd.s32 $0x40, s7;
	vm0 =	vmand @!p2 vm0, vm1  }
0x29d: {  	p3 =	sne.s32 s7, $0x3E80;
	v14 =	vand.u32 @!p2 $0xFFF, v14  }
.Ltmp22:
0x29e: {  	_ = 	snop;
	(pc) =	sbr.rel @p3 .LBB2_35-.Ltmp22, $2  }
0x29f: {  	_ =	sdelay $0x2  }
0x2a0: {  	s6 =	sadd.s32 $0x50, s6;
	[tilespmem:v14+s8+$0x0] =	vst.idx.add.s32.msk @!p2 vm0, v15  }
0x2a1: {  	s8 =	simm.s32 $0xFFFFFFFF;
	s6 =	simm.s32 $0x80000FFF;
	s9 =	simm.s32 $0x81F0  }
.LBB2_37:
0x2a2: {  	v12 =	vld [tilespmem:s9+$0x0];
	_ =	sdelay $0x4  }
0x2a3: {  	(xrf0) =	vadd.scan.msk.s32 $0xffff, v12;
	_ =	sdelay $0x5  }
0x2a4: {  	v13, _, _ =	vpop (xrf0)  }
0x2a5: {  	(v2sf) =	vpush v13, $0xF;
	_ =	sdelay $0xe  }
0x2a6: {  	s7 =	sadd.s32 s5, s21;
	s10 =	spop (v2sf)  }
0x2a7: {  	s11 =	sadd.s32 s7, s10  }
0x2a8: {  	p2 =	slt.s32 s11, $0x64  }
.Ltmp23:
0x2a9: {  	_ = 	snop;
	(pc) =	sbr.rel @!p2 .LBB2_38-.Ltmp23, $1  }
0x2aa: {  	_ =	sdelay $0x3  }
0x2ab: {  	s8 =	sadd.s32 $0x1, s8  }
0x2ac: {  	p2 =	slt.u32 s8, $0xFF  }
.Ltmp24:
0x2ad: {  	_ = 	snop;
	(pc) =	sbr.rel @p2 .LBB2_37-.Ltmp24, $2  }
0x2ae: {  	_ =	sdelay $0x2  }
0x2af: {  	s21 =	sadd.s32 s21, s10;
	s6 =	sadd.s32 $0xFFFFFFF0, s6;
	s9 =	sadd.s32 $0xFFFFFFF0, s9  }
.Ltmp25:
0x2b0: {  	(pc) =	sbr.rel .LBB2_41-.Ltmp25, $2  }
0x2b1: {  	_ =	sdelay $0x2  }
0x2b2: {  	s5 =	simm.s32 $0x64  }
.LBB2_38:
0x2b3: {  	v13 =	vmul.u32 $0xFFFFFFFF, v11;
	_ =	sdelay $0x1  }
0x2b4: {  	v13 =	vadd.s32 $0xF, v13  }
0x2b5: {  	v12 =	vperm.xlane v12, v13;
	_ =	sdelay $0x1  }
0x2b6: {  	(xrf0) =	vadd.scan.msk.s32 $0xffff, v12;
	_ =	sdelay $0x5  }
0x2b7: {  	v59, _, _ =	vpop (xrf0)  }
0x2b8: {  	v14 =	vadd.s32 s7, v59  }
0x2b9: {  	v60 =	vor.u32 $0x80000000, v11;
	vm0 =	vgt.s32 v14, $0x63  }
0x2ba: {  	v14 =	vnsel vm0, $0x80000010, v60  }
0x2bb: {  	(xrf0) =	vmin.scan.msk.u32 $0xffff, v14;
	_ =	sdelay $0x5  }
0x2bc: {  	v14, _, _ =	vpop (xrf0)  }
0x2bd: {  	(v2sf) =	vpush v14, $0xF;
	_ =	sdelay $0xe  }
0x2be: {  	s5 =	spop (v2sf)  }
0x2bf: {  	s8 =	sxor.u32 $0x80000000, s5  }
0x2c0: {  	v61 =	vmov s8  }
0x2c1: {  	vm15 =	veq.s32 v61, v11  }
0x2c2: {  	v13 =	vnsel vm15, $0x0, v59  }
0x2c3: {  	v12 =	vnsel vm15, $0x0, v12;
	(xrf0) =	vadd.scan.msk.s32 $0xffff, v13  }
0x2c4: {  	(xrf0) =	vadd.scan.msk.s32 $0xffff, v12;
	_ =	sdelay $0x4  }
0x2c5: {  	v62, _, _ =	vpop (xrf0)  }
0x2c6: {  	(v2sf) =	vpush v62, $0xF;
	v63, _, _ =	vpop (xrf0)  }
0x2c7: {  	(v2sf) =	vpush v63, $0xF;
	_ =	sdelay $0xd  }
0x2c8: {  	s10 =	spop (v2sf)  }
0x2c9: {  	s9 =	spop (v2sf);
	s11 =	sadd.s32 s7, s10  }
0x2ca: {  	s5 =	ssub.s32 s6, s5;
	s21 =	ssub.s32 s9, s11  }
0x2cb: {  	s4 =	sor.u32 s4, s5;
	s5 =	sadd.s32 $0x64, s21  }
.LBB2_41:
0x2cc: {  	[tilespmem:$0x8280] =	vst v10  }
0x2cd: {  	[tilespmem:$0x8200] =	vst v8  }
0x2ce: {  	[tilespmem:$0x8290] =	vst v10  }
0x2cf: {  	[tilespmem:$0x8210] =	vst v8  }
0x2d0: {  	[tilespmem:$0x82A0] =	vst v10  }
0x2d1: {  	[tilespmem:$0x8220] =	vst v8  }
0x2d2: {  	[tilespmem:$0x82B0] =	vst v10  }
0x2d3: {  	[tilespmem:$0x8230] =	vst v8  }
0x2d4: {  	[tilespmem:$0x82C0] =	vst v10  }
0x2d5: {  	[tilespmem:$0x8240] =	vst v8  }
0x2d6: {  	[tilespmem:$0x82D0] =	vst v10  }
.Ltmp26:
0x2d7: {  	[tilespmem:$0x8250] =	vst v8;
	(pc) =	sbr.rel .LBB2_42-.Ltmp26, $4  }
0x2d8: {  	[tilespmem:$0x82E0] =	vst v10;
	v12 =	vmov s4  }
0x2d9: {  	[tilespmem:$0x8260] =	vst v8;
	v12 =	vbroadcast v12, $0x0  }
0x2da: {  	[tilespmem:$0x82F0] =	vst v10;
	s5 =	simm.s32 @p1 $0x0;
	s7 =	simm.s32 $0x0;
	s21 =	simm.s32 $0x40  }
0x2db: {  	[tilespmem:$0x8270] =	vst v8;
	s4 =	simm.s32 $0x8700;
	s6 =	simm.s32 $0x0;
	v13 =	vmov s5;
	s5 =	simm.s32 $0x20;
	v12 =	vpsel p1, $0x0, v12  }
.LBB2_44:
0x2dc: {  	s21 =	sadd.s32 $0x50, s21  }
0x2dd: {  	p1 =	sne.s32 s21, $0x4E60  }
.Ltmp27:
0x2de: {  	_ = 	snop;
	(pc) =	sbr.rel @!p1 .LBB2_45-.Ltmp27, $2  }
0x2df: {  	_ =	sdelay $0x2  }
0x2e0: {  	s4 =	sadd.s32 $0x10, s4;
	s5 =	sadd.s32 $0x50, s5  }
.LBB2_42:
0x2e1: {  	v14 =	vld [tilespmem:s4+$0x0];
	_ =	sdelay $0x4  }
0x2e2: {  	vm0 =	vge.f32 v14, v12  }
0x2e3: {  	v14 =	vsel vm0, $0x1, v8  }
0x2e4: {  	(xrf0) =	vadd.scan.msk.s32 $0xffff, v14;
	_ =	sdelay $0x5  }
0x2e5: {  	v14, _, _ =	vpop (xrf0)  }
0x2e6: {  	(v2sf) =	vpush v14, $0xF;
	_ =	sdelay $0xe  }
0x2e7: {  	s8 =	spop (v2sf)  }
0x2e8: {  	p1 =	slt.s32 s8, $0x1  }
.Ltmp28:
0x2e9: {  	_ = 	snop;
	(pc) =	sbr.rel @p1 .LBB2_44-.Ltmp28, $1  }
0x2ea: {  	_ =	sdelay $0x3  }
0x2eb: {  	v14 =	vld [tilespmem:s5+$0xFFFFFFE0];
	_ =	sdelay $0x4  }
0x2ec: {  	vm0 =	veq.f32 v14, v12  }
0x2ed: {  	v15 =	vsel vm0, $0x1, v8  }
0x2ee: {  	(xrf0) =	vadd.scan.msk.s32 $0xffff, v15;
	_ =	sdelay $0x5  }
0x2ef: {  	v15, _, _ =	vpop (xrf0)  }
0x2f0: {  	v16 =	vadd.s32 s7, v15  }
0x2f1: {  	vm1 =	vle.s32 v16, v13  }
0x2f2: {  	vm2 =	vgt.f32 v14, v12;
	vm0 =	vmand vm0, vm1  }
0x2f3: {  	vm0 =	vmor vm2, vm0  }
0x2f4: {  	v51 =	vsel vm0, $0x1, v8  }
0x2f5: {  	(xrf0) =	vadd.scan.msk.s32 $0xffff, v51;
	_ =	sdelay $0x5  }
0x2f6: {  	v16, _, _ =	vpop (xrf0)  }
0x2f7: {  	s8 =	sadd.s32 $0xFFFFFFC0, s21;
	(v2sf) =	vpush v16, $0xF  }
0x2f8: {  	v52 =	vor.u32 s8, v11;
	(v2sf) =	vpush v15, $0xF  }
0x2f9: {  	[tilespmem:s6+$0x8200] =	vst.msk vm0, v52  }
0x2fa: {  	[tilespmem:s6+$0x8280] =	vst.msk vm0, v14  }
0x2fb: {  	v14 =	vld [tilespmem:s5+$0xFFFFFFF0];
	_ =	sdelay $0x4  }
0x2fc: {  	vm4 =	veq.f32 v14, v12  }
0x2fd: {  	v15 =	vsel vm4, $0x1, v8  }
0x2fe: {  	(xrf0) =	vadd.scan.msk.s32 $0xffff, v15;
	_ =	sdelay $0x3  }
0x2ff: {  	s11 =	spop (v2sf)  }
0x300: {  	s9 =	spop (v2sf)  }
0x301: {  	v15, _, _ =	vpop (xrf0);
	s7 =	sadd.s32 s7, s9  }
0x302: {  	v53 =	vadd.s32 s7, v15  }
0x303: {  	vm5 =	vle.s32 v53, v13  }
0x304: {  	vm6 =	vgt.f32 v14, v12;
	vm0 =	vmand vm4, vm5  }
0x305: {  	vm0 =	vmor vm6, vm0  }
0x306: {  	v54 =	vsel vm0, $0x1, v8  }
0x307: {  	(xrf0) =	vadd.scan.msk.s32 $0xffff, v54;
	_ =	sdelay $0x5  }
0x308: {  	v16, _, _ =	vpop (xrf0)  }
0x309: {  	s10 =	sadd.s32 $0xFFFFFFD0, s21;
	(v2sf) =	vpush v16, $0xF  }
0x30a: {  	v55 =	vor.u32 s10, v11;
	s6 =	sadd.s32 s6, s11;
	(v2sf) =	vpush v15, $0xF  }
0x30b: {  	[tilespmem:s6+$0x8200] =	vst.msk vm0, v55  }
0x30c: {  	[tilespmem:s6+$0x8280] =	vst.msk vm0, v14  }
0x30d: {  	v14 =	vld [tilespmem:s5+$0x0];
	_ =	sdelay $0x4  }
0x30e: {  	vm7 =	veq.f32 v14, v12  }
0x30f: {  	v15 =	vsel vm7, $0x1, v8  }
0x310: {  	(xrf0) =	vadd.scan.msk.s32 $0xffff, v15;
	_ =	sdelay $0x3  }
0x311: {  	s8 =	spop (v2sf)  }
0x312: {  	s11 =	spop (v2sf)  }
0x313: {  	v15, _, _ =	vpop (xrf0);
	s7 =	sadd.s32 s7, s11  }
0x314: {  	v56 =	vadd.s32 s7, v15  }
0x315: {  	vm8 =	vle.s32 v56, v13  }
0x316: {  	vm9 =	vgt.f32 v14, v12;
	vm0 =	vmand vm7, vm8  }
0x317: {  	vm0 =	vmor vm9, vm0  }
0x318: {  	v57 =	vsel vm0, $0x1, v8  }
0x319: {  	(xrf0) =	vadd.scan.msk.s32 $0xffff, v57;
	_ =	sdelay $0x5  }
0x31a: {  	v16, _, _ =	vpop (xrf0)  }
0x31b: {  	s10 =	sadd.s32 $0xFFFFFFE0, s21;
	(v2sf) =	vpush v16, $0xF  }
0x31c: {  	v58 =	vor.u32 s10, v11;
	s6 =	sadd.s32 s6, s8;
	(v2sf) =	vpush v15, $0xF  }
0x31d: {  	[tilespmem:s6+$0x8200] =	vst.msk vm0, v58  }
0x31e: {  	[tilespmem:s6+$0x8280] =	vst.msk vm0, v14  }
0x31f: {  	v14 =	vld [tilespmem:s5+$0x10];
	_ =	sdelay $0x4  }
0x320: {  	vm10 =	veq.f32 v14, v12  }
0x321: {  	v15 =	vsel vm10, $0x1, v8  }
0x322: {  	(xrf0) =	vadd.scan.msk.s32 $0xffff, v15;
	_ =	sdelay $0x3  }
0x323: {  	s8 =	spop (v2sf)  }
0x324: {  	s11 =	spop (v2sf)  }
0x325: {  	v15, _, _ =	vpop (xrf0);
	s7 =	sadd.s32 s7, s11  }
0x326: {  	v59 =	vadd.s32 s7, v15  }
0x327: {  	vm11 =	vle.s32 v59, v13  }
0x328: {  	vm12 =	vgt.f32 v14, v12;
	vm0 =	vmand vm10, vm11  }
0x329: {  	vm0 =	vmor vm12, vm0  }
0x32a: {  	v60 =	vsel vm0, $0x1, v8  }
0x32b: {  	(xrf0) =	vadd.scan.msk.s32 $0xffff, v60;
	_ =	sdelay $0x5  }
0x32c: {  	v16, _, _ =	vpop (xrf0)  }
0x32d: {  	s10 =	sadd.s32 $0xFFFFFFF0, s21;
	(v2sf) =	vpush v16, $0xF  }
0x32e: {  	v61 =	vor.u32 s10, v11;
	s6 =	sadd.s32 s6, s8;
	(v2sf) =	vpush v15, $0xF  }
0x32f: {  	[tilespmem:s6+$0x8200] =	vst.msk vm0, v61  }
0x330: {  	[tilespmem:s6+$0x8280] =	vst.msk vm0, v14  }
0x331: {  	v14 =	vld [tilespmem:s5+$0x20];
	_ =	sdelay $0x4  }
0x332: {  	vm13 =	veq.f32 v14, v12  }
0x333: {  	v15 =	vsel vm13, $0x1, v8  }
0x334: {  	(xrf0) =	vadd.scan.msk.s32 $0xffff, v15;
	_ =	sdelay $0x3  }
0x335: {  	s8 =	spop (v2sf)  }
0x336: {  	s11 =	spop (v2sf)  }
0x337: {  	v15, _, _ =	vpop (xrf0);
	s7 =	sadd.s32 s7, s11  }
0x338: {  	v62 =	vadd.s32 s7, v15  }
0x339: {  	vm14 =	vle.s32 v62, v13  }
0x33a: {  	vm15 =	vgt.f32 v14, v12;
	vm0 =	vmand vm13, vm14  }
0x33b: {  	vm0 =	vmor vm15, vm0  }
0x33c: {  	v63 =	vsel vm0, $0x1, v8  }
0x33d: {  	(xrf0) =	vadd.scan.msk.s32 $0xffff, v63;
	_ =	sdelay $0x5  }
0x33e: {  	v16, _, _ =	vpop (xrf0)  }
0x33f: {  	(v2sf) =	vpush v16, $0xF  }
0x340: {  	(v2sf) =	vpush v15, $0xF;
	_ =	sdelay $0xb  }
.Ltmp29:
0x341: {  	_ = 	snop;
	(pc) =	sbr.rel .LBB2_44-.Ltmp29, $4  }
0x342: {  	_ = 	snop  }
0x343: {  	s6 =	sadd.s32 s6, s8;
	v15 =	vor.u32 s21, v11;
	s10 =	spop (v2sf)  }
0x344: {  	[tilespmem:s6+$0x8200] =	vst.msk vm0, v15;
	s11 =	spop (v2sf)  }
0x345: {  	[tilespmem:s6+$0x8280] =	vst.msk vm0, v14;
	s6 =	sadd.s32 s6, s10;
	s7 =	sadd.s32 s7, s11  }
.LBB2_45:
0x346: {  	s4 =	rddreg [dreg:$0xa]  }
0x347: {  	[hbm4b:s4+s2] =	stream.linear.scatter [tilespmem:s28], [sflag:$0x2], $0x80, $0x38;
	[tilespmem:$0x9700] =	vst v63  }
0x348: {  	_ =	swait.ge [sflag:s25], $0x80  }
0x349: {  	[sflag:s25] =	ssyncset.done $0x0  }
0x34a: {  	[sflag:s25] =	ssyncadd.s32 $0xFFFFFF80  }
0x34b: {  	v12 =	vld [tilespmem:$0x8200]  }
0x34c: {  	v13 =	vld [tilespmem:$0x8210]  }
0x34d: {  	v14 =	vld [tilespmem:$0x8220]  }
0x34e: {  	v15 =	vld [tilespmem:$0x8230]  }
0x34f: {  	v16 =	vld [tilespmem:$0x8240]  }
0x350: {  	v17 =	vld [tilespmem:$0x8250];
	v12 =	vadd.s32 v4, v12  }
0x351: {  	v53 =	vld [tilespmem:$0x8260];
	v52 =	vadd.s32 v4, v13;
	[tilespmem:$0x8300] =	vst v12  }
0x352: {  	v55 =	vld [tilespmem:$0x8270];
	v54 =	vadd.s32 v4, v14;
	[tilespmem:$0x8310] =	vst v52  }
0x353: {  	v57 =	vld [tilespmem:$0x8200];
	v56 =	vadd.s32 v4, v15;
	[tilespmem:$0x8320] =	vst v54  }
0x354: {  	v59 =	vld [tilespmem:$0x8210];
	v58 =	vadd.s32 v4, v16;
	[tilespmem:$0x8330] =	vst v56  }
0x355: {  	v61 =	vld [tilespmem:$0x8220];
	v60 =	vadd.s32 v4, v17;
	[tilespmem:$0x8340] =	vst v58  }
0x356: {  	v63 =	vld [tilespmem:$0x8230];
	v62 =	vadd.s32 v4, v53;
	[tilespmem:$0x8350] =	vst v60  }
0x357: {  	v20 =	vld [tilespmem:$0x8240];
	v19 =	vadd.s32 v4, v55;
	[tilespmem:$0x8360] =	vst v62  }
0x358: {  	v22 =	vld [tilespmem:$0x8250];
	v21 =	vadd.s32 v5, v57;
	[tilespmem:$0x8370] =	vst v19  }
0x359: {  	v24 =	vld [tilespmem:$0x8260];
	v23 =	vadd.s32 v5, v59;
	[tilespmem:$0x8380] =	vst v21  }
0x35a: {  	v26 =	vld [tilespmem:$0x8270];
	v25 =	vadd.s32 v5, v61;
	[tilespmem:$0x8390] =	vst v23  }
0x35b: {  	v28 =	vld [tilespmem:$0x8200];
	v27 =	vadd.s32 v5, v63;
	[tilespmem:$0x83A0] =	vst v25  }
0x35c: {  	v30 =	vld [tilespmem:$0x8210];
	v29 =	vadd.s32 v5, v20;
	[tilespmem:$0x83B0] =	vst v27  }
0x35d: {  	v32 =	vld [tilespmem:$0x8220];
	v31 =	vadd.s32 v5, v22;
	[tilespmem:$0x83C0] =	vst v29  }
0x35e: {  	v34 =	vld [tilespmem:$0x8230];
	v33 =	vadd.s32 v5, v24;
	[tilespmem:$0x83D0] =	vst v31  }
0x35f: {  	v36 =	vld [tilespmem:$0x8240];
	v35 =	vadd.s32 v5, v26;
	[tilespmem:$0x83E0] =	vst v33  }
0x360: {  	v38 =	vld [tilespmem:$0x8250];
	v37 =	vadd.s32 v6, v28;
	[tilespmem:$0x83F0] =	vst v35  }
0x361: {  	v40 =	vld [tilespmem:$0x8260];
	v39 =	vadd.s32 v6, v30;
	[tilespmem:$0x8400] =	vst v37  }
0x362: {  	v42 =	vld [tilespmem:$0x8270];
	v41 =	vadd.s32 v6, v32;
	[tilespmem:$0x8410] =	vst v39  }
0x363: {  	v44 =	vld [tilespmem:$0x8200];
	v43 =	vadd.s32 v6, v34;
	[tilespmem:$0x8420] =	vst v41  }
0x364: {  	v46 =	vld [tilespmem:$0x8210];
	v45 =	vadd.s32 v6, v36;
	[tilespmem:$0x8430] =	vst v43  }
0x365: {  	v48 =	vld [tilespmem:$0x8220];
	v47 =	vadd.s32 v6, v38;
	[tilespmem:$0x8440] =	vst v45  }
0x366: {  	v50 =	vld [tilespmem:$0x8230];
	v49 =	vadd.s32 v6, v40;
	[tilespmem:$0x8450] =	vst v47  }
0x367: {  	v51 =	vadd.s32 v6, v42;
	[tilespmem:$0x8460] =	vst v49;
	v52 =	vld [tilespmem:$0x8240]  }
0x368: {  	v53 =	vadd.s32 v7, v44;
	[tilespmem:$0x8470] =	vst v51;
	v54 =	vld [tilespmem:$0x8250]  }
0x369: {  	v55 =	vadd.s32 v7, v46;
	[tilespmem:$0x8480] =	vst v53;
	v56 =	vld [tilespmem:$0x8260]  }
0x36a: {  	v57 =	vadd.s32 v7, v48;
	[tilespmem:$0x8490] =	vst v55;
	v58 =	vld [tilespmem:$0x8270]  }
0x36b: {  	v59 =	vadd.s32 v7, v50;
	[tilespmem:$0x84A0] =	vst v57  }
0x36c: {  	[tilespmem:$0x84B0] =	vst v59;
	v60 =	vadd.s32 v7, v52  }
0x36d: {  	v61 =	vadd.s32 v7, v54;
	[tilespmem:$0x84C0] =	vst v60  }
0x36e: {  	v62 =	vadd.s32 v7, v56;
	[tilespmem:$0x84D0] =	vst v61  }
0x36f: {  	v63 =	vadd.s32 v7, v58;
	[tilespmem:$0x84E0] =	vst v62  }
0x370: {  	[tilespmem:$0x84F0] =	vst v63  }
0x371: {  	[tilespmem:s30], [sflag:$0x1] =	stream.indirect.gather [hbm4b:s3+s23], $0x1, s29, s23, $0xb8;
	[tilespmem:$0x9700] =	vst v63  }
0x372: {  	_ = 	snop  }
0x373: {  	[tilespmem:s0], [sflag:$0x1] =	stream.indirect.gather [hbm4b:s3+s23], $0x1, s31, s23, $0xb8;
	[tilespmem:$0x9700] =	vst v63  }
0x374: {  	_ = 	snop  }
0x375: {  	[tilespmem:s13], [sflag:$0x1] =	stream.indirect.gather [hbm4b:s3+s23], $0x1, s1, s23, $0xb8;
	[tilespmem:$0x9700] =	vst v63  }
0x376: {  	_ = 	snop  }
0x377: {  	[tilespmem:s18], [sflag:$0x1] =	stream.indirect.gather [hbm4b:s3+s23], $0x1, s15, s23, $0xb8;
	[tilespmem:$0x9700] =	vst v63  }
0x378: {  	_ =	swait.ge [sflag:s19], $0x80  }
0x379: {  	[sflag:s19] =	ssyncset.done $0x0  }
0x37a: {  	[sflag:s19] =	ssyncadd.s32 $0xFFFFFF80  }
0x37b: {  	_ =	swait.ge [sflag:s19], $0x80  }
0x37c: {  	[sflag:s19] =	ssyncset.done $0x0  }
0x37d: {  	[sflag:s19] =	ssyncadd.s32 $0xFFFFFF80  }
0x37e: {  	_ =	swait.ge [sflag:s19], $0x80  }
0x37f: {  	[sflag:s19] =	ssyncset.done $0x0  }
0x380: {  	[sflag:s19] =	ssyncadd.s32 $0xFFFFFF80  }
0x381: {  	_ =	swait.ge [sflag:s19], $0x80  }
0x382: {  	[sflag:s19] =	ssyncset.done $0x0  }
0x383: {  	[sflag:s19] =	ssyncadd.s32 $0xFFFFFF80  }
0x384: {  	[hbm4b:s12+s2] =	stream.linear.scatter [tilespmem:s30], [sflag:$0x2], $0x80, $0x38;
	[tilespmem:$0x9700] =	vst v63  }
0x385: {  	_ =	swait.ge [sflag:s25], $0x80  }
0x386: {  	[sflag:s25] =	ssyncset.done $0x0  }
0x387: {  	[sflag:s25] =	ssyncadd.s32 $0xFFFFFF80  }
0x388: {  	[hbm4b:s14+s2] =	stream.linear.scatter [tilespmem:s0], [sflag:$0x2], $0x80, $0x38;
	[tilespmem:$0x9700] =	vst v63  }
0x389: {  	_ =	swait.ge [sflag:s25], $0x80  }
0x38a: {  	[sflag:s25] =	ssyncset.done $0x0  }
0x38b: {  	[sflag:s25] =	ssyncadd.s32 $0xFFFFFF80  }
0x38c: {  	[hbm4b:s16+s2] =	stream.linear.scatter [tilespmem:s13], [sflag:$0x2], $0x80, $0x38;
	[tilespmem:$0x9700] =	vst v63  }
0x38d: {  	_ =	swait.ge [sflag:s25], $0x80  }
0x38e: {  	[sflag:s25] =	ssyncset.done $0x0  }
.Ltmp30:
0x38f: {  	[sflag:s25] =	ssyncadd.s32 $0xFFFFFF80;
	(pc) =	sbr.rel @p0 .LBB2_69-.Ltmp30, $4  }
0x390: {  	[hbm4b:s17+s2] =	stream.linear.scatter [tilespmem:s18], [sflag:$0x2], $0x80, $0x38;
	[tilespmem:$0x9700] =	vst v63  }
0x391: {  	_ =	swait.ge [sflag:s25], $0x80  }
0x392: {  	[sflag:s25] =	ssyncset.done $0x0  }
0x393: {  	[sflag:s25] =	ssyncadd.s32 $0xFFFFFF80  }
0x394: {  	s4 =	simm.s32 $0x0;
	s5 =	rddreg [dreg:$0xb]  }
0x395: {  	[tilespmem:s4], [sflag:$0x2] =	stream.strided.gather [hbm4b:s5+s23], $0x4E80, s24, s23, $0x38;
	[tilespmem:$0x9700] =	vst v63  }
0x396: {  	_ =	swait.ge [sflag:s25], $0x4E80  }
0x397: {  	[sflag:s25] =	ssyncset.done $0x0  }
0x398: {  	s6 =	simm.s32 $0x140;
	s5 =	simm.s32 $0x0;
	[sflag:s25] =	ssyncadd.s32 $0xFFFFB180  }
.LBB2_47:
0x399: {  	p1 =	sne.s32 s6, $0x8C00;
	[tilespmem:s5+$0x4EC0] =	vst v8;
	s7 =	smov.u32 s6;
	s6 =	sadd.s32 $0x140, s6  }
.Ltmp31:
0x39a: {  	[tilespmem:s5+$0x4EB0] =	vst v8;
	(pc) =	sbr.rel @p1 .LBB2_47-.Ltmp31, $4  }
0x39b: {  	[tilespmem:s5+$0x4EA0] =	vst v8  }
0x39c: {  	[tilespmem:s5+$0x4E80] =	vst v8  }
0x39d: {  	[tilespmem:s5+$0x4E90] =	vst v8  }
0x39e: {  	s5 =	sshra.s32 s7, $0x2  }
0x39f: {  	[tilespmem:s5+$0x4EC0] =	vst v8  }
0x3a0: {  	[tilespmem:s5+$0x4EB0] =	vst v8  }
0x3a1: {  	[tilespmem:s5+$0x4EA0] =	vst v8  }
0x3a2: {  	[tilespmem:s5+$0x4E80] =	vst v8  }
0x3a3: {  	[tilespmem:s5+$0x4E90] =	vst v8;
	s5 =	simm.s32 $0x20  }
.LBB2_49:
0x3a4: {  	v12 =	vld [tilespmem:s5+$0xFFFFFFE0];
	_ =	sdelay $0x4  }
0x3a5: {  	v13 =	vshra.s32 v12, $0xC  }
0x3a6: {  	vm0 =	vgt.s32 v13, $0x3D4C0  }
0x3a7: {  	v13 =	vnsel vm0, $0x3D4C0, v13  }
0x3a8: {  	vm7 =	vge.f32 v12, $5.000000070e-02;
	v13 =	vmin.u32 v13, $0x3F80F  }
0x3a9: {  	v13 =	vadd.s32 $0xFFFC2B40, v13;
	_ =	sdelay $0x4  }
0x3aa: {  	[tilespmem:v13+s26+$0x0] =	vst.idx.add.s32.msk vm7, v9  }
0x3ab: {  	v13 =	vld [tilespmem:s5+$0xFFFFFFF0];
	_ =	sdelay $0x4  }
0x3ac: {  	v14 =	vshra.s32 v13, $0xC  }
0x3ad: {  	vm8 =	vgt.s32 v14, $0x3D4C0  }
0x3ae: {  	v14 =	vnsel vm8, $0x3D4C0, v14  }
0x3af: {  	vm9 =	vge.f32 v13, $5.000000070e-02;
	v14 =	vmin.u32 v14, $0x3F80F  }
0x3b0: {  	v14 =	vadd.s32 $0xFFFC2B40, v14;
	_ =	sdelay $0x4  }
0x3b1: {  	[tilespmem:v14+s26+$0x0] =	vst.idx.add.s32.msk vm9, v9  }
0x3b2: {  	v14 =	vld [tilespmem:s5+$0x0];
	_ =	sdelay $0x4  }
0x3b3: {  	v15 =	vshra.s32 v14, $0xC  }
0x3b4: {  	vm10 =	vgt.s32 v15, $0x3D4C0  }
0x3b5: {  	v15 =	vnsel vm10, $0x3D4C0, v15  }
0x3b6: {  	vm11 =	vge.f32 v14, $5.000000070e-02;
	v15 =	vmin.u32 v15, $0x3F80F  }
0x3b7: {  	v15 =	vadd.s32 $0xFFFC2B40, v15;
	_ =	sdelay $0x4  }
0x3b8: {  	[tilespmem:v15+s26+$0x0] =	vst.idx.add.s32.msk vm11, v9  }
0x3b9: {  	v15 =	vld [tilespmem:s5+$0x10];
	_ =	sdelay $0x4  }
0x3ba: {  	v16 =	vshra.s32 v15, $0xC  }
0x3bb: {  	vm12 =	vgt.s32 v16, $0x3D4C0  }
0x3bc: {  	v16 =	vnsel vm12, $0x3D4C0, v16  }
0x3bd: {  	vm13 =	vge.f32 v15, $5.000000070e-02;
	v16 =	vmin.u32 v16, $0x3F80F  }
0x3be: {  	v16 =	vadd.s32 $0xFFFC2B40, v16;
	_ =	sdelay $0x4  }
0x3bf: {  	[tilespmem:v16+s26+$0x0] =	vst.idx.add.s32.msk vm13, v9  }
0x3c0: {  	v16 =	vld [tilespmem:s5+$0x20];
	_ =	sdelay $0x4  }
0x3c1: {  	v17 =	vshra.s32 v16, $0xC  }
0x3c2: {  	vm14 =	vgt.s32 v17, $0x3D4C0  }
0x3c3: {  	v17 =	vnsel vm14, $0x3D4C0, v17  }
0x3c4: {  	vm15 =	vge.f32 v16, $5.000000070e-02;
	v17 =	vmin.u32 v17, $0x3F80F  }
0x3c5: {  	v17 =	vadd.s32 $0xFFFC2B40, v17  }
0x3c6: {  	p1 =	seq.s32 s4, $0x3E40;
	v12 =	vmax.f32 v12, $-1.000000000e+09  }
.Ltmp32:
0x3c7: {  	v12 =	vmax.f32 v12, v13;
	(pc) =	sbr.rel @!p1 .LBB2_49-.Ltmp32, $4  }
0x3c8: {  	v12 =	vmax.f32 v12, v14  }
0x3c9: {  	v12 =	vmax.f32 v12, v15  }
0x3ca: {  	s6 =	sshra.s32 s4, $0x2;
	v12 =	vmax.f32 v12, v16;
	[tilespmem:v17+s26+$0x0] =	vst.idx.add.s32.msk vm15, v9  }
0x3cb: {  	s4 =	sadd.s32 $0x40, s4;
	s5 =	sadd.s32 $0x50, s5;
	[tilespmem:s6+$0x8700] =	vst v12  }
0x3cc: {  	s5 =	simm.s32 $0x0  }
0x3cd: {  	s6 =	simm.s32 $0xFFFFFFFF;
	s4 =	simm.s32 $0x8000234F;
	s7 =	simm.s32 $0x71C0  }
.LBB2_51:
0x3ce: {  	v12 =	vld [tilespmem:s7+$0x0];
	_ =	sdelay $0x4  }
0x3cf: {  	(xrf0) =	vadd.scan.msk.s32 $0xffff, v12;
	_ =	sdelay $0x5  }
0x3d0: {  	v13, _, _ =	vpop (xrf0)  }
0x3d1: {  	(v2sf) =	vpush v13, $0xF;
	_ =	sdelay $0xe  }
0x3d2: {  	s8 =	spop (v2sf)  }
0x3d3: {  	s8 =	sadd.s32 s5, s8  }
0x3d4: {  	p1 =	slt.s32 s8, $0x64  }
.Ltmp33:
0x3d5: {  	_ = 	snop;
	(pc) =	sbr.rel @!p1 .LBB2_52-.Ltmp33, $1  }
0x3d6: {  	_ =	sdelay $0x3  }
0x3d7: {  	s6 =	sadd.s32 $0x1, s6  }
0x3d8: {  	p2 =	slt.u32 s6, $0x234  }
.Ltmp34:
0x3d9: {  	_ = 	snop;
	(pc) =	sbr.rel @p2 .LBB2_51-.Ltmp34, $2  }
0x3da: {  	_ =	sdelay $0x2  }
0x3db: {  	s4 =	sadd.s32 $0xFFFFFFF0, s4;
	s7 =	sadd.s32 $0xFFFFFFF0, s7;
	s5 =	smov.u32 s8  }
.Ltmp35:
0x3dc: {  	(pc) =	sbr.rel .LBB2_55-.Ltmp35, $2  }
0x3dd: {  	_ =	sdelay $0x2  }
0x3de: {  	s5 =	simm.s32 $0x0;
	s6 =	simm.s32 $0x0  }
.LBB2_52:
0x3df: {  	v13 =	vmul.u32 $0xFFFFFFFF, v11;
	_ =	sdelay $0x1  }
0x3e0: {  	v13 =	vadd.s32 $0xF, v13  }
0x3e1: {  	v12 =	vperm.xlane v12, v13;
	_ =	sdelay $0x1  }
0x3e2: {  	(xrf0) =	vadd.scan.msk.s32 $0xffff, v12;
	_ =	sdelay $0x5  }
0x3e3: {  	v59, _, _ =	vpop (xrf0)  }
0x3e4: {  	v14 =	vadd.s32 s5, v59  }
0x3e5: {  	v60 =	vor.u32 $0x80000000, v11;
	vm0 =	vgt.s32 v14, $0x63  }
0x3e6: {  	v14 =	vnsel vm0, $0x80000010, v60  }
0x3e7: {  	(xrf0) =	vmin.scan.msk.u32 $0xffff, v14;
	_ =	sdelay $0x5  }
0x3e8: {  	v14, _, _ =	vpop (xrf0)  }
0x3e9: {  	(v2sf) =	vpush v14, $0xF;
	_ =	sdelay $0xe  }
0x3ea: {  	s6 =	spop (v2sf)  }
0x3eb: {  	s7 =	sxor.u32 $0x80000000, s6  }
0x3ec: {  	v61 =	vmov s7  }
0x3ed: {  	vm15 =	veq.s32 v61, v11  }
0x3ee: {  	v13 =	vnsel vm15, $0x0, v59  }
0x3ef: {  	v12 =	vnsel vm15, $0x0, v12;
	(xrf0) =	vadd.scan.msk.s32 $0xffff, v13  }
0x3f0: {  	(xrf0) =	vadd.scan.msk.s32 $0xffff, v12;
	_ =	sdelay $0x4  }
0x3f1: {  	v62, _, _ =	vpop (xrf0)  }
0x3f2: {  	(v2sf) =	vpush v62, $0xF;
	v63, _, _ =	vpop (xrf0)  }
0x3f3: {  	(v2sf) =	vpush v63, $0xF;
	_ =	sdelay $0xd  }
0x3f4: {  	s11 =	spop (v2sf)  }
0x3f5: {  	s8 =	spop (v2sf);
	s21 =	sadd.s32 s5, s11  }
0x3f6: {  	s6 =	ssub.s32 s4, s6;
	s5 =	ssub.s32 s21, s8  }
.LBB2_55:
0x3f7: {  	s4 =	simm.s32 $0x100;
	s7 =	simm.s32 $0x0  }
.LBB2_56:
0x3f8: {  	p2 =	sne.s32 s4, $0x3F00;
	[tilespmem:s7+$0x7230] =	vst v8;
	s8 =	smov.u32 s4;
	s4 =	sadd.s32 $0x100, s4  }
.Ltmp36:
0x3f9: {  	[tilespmem:s7+$0x7220] =	vst v8;
	(pc) =	sbr.rel @p2 .LBB2_56-.Ltmp36, $3  }
0x3fa: {  	[tilespmem:s7+$0x7200] =	vst v8  }
0x3fb: {  	[tilespmem:s7+$0x7210] =	vst v8;
	_ =	sdelay $0x1  }
0x3fc: {  	s7 =	sshra.s32 s8, $0x2  }
0x3fd: {  	[tilespmem:s7+$0x7230] =	vst v8;
	s4 =	sshll.u32 s6, $0xC  }
0x3fe: {  	[tilespmem:s7+$0x7220] =	vst v8;
	s4 =	sadd.s32 $0x3D4C0000, s4  }
0x3ff: {  	[tilespmem:s7+$0x7200] =	vst v8;
	v12 =	vmov s4  }
0x400: {  	[tilespmem:s7+$0x7210] =	vst v8;
	v13 =	vmov s6;
	s21 =	simm.s32 $0x0;
	s6 =	simm.s32 $0x20;
	s7 =	simm.s32 $0x0;
	v12 =	vbroadcast v12, $0x0  }
.LBB2_58:
0x401: {  	s8 =	sshra.s32 s7, $0x2  }
0x402: {  	v14 =	vld [tilespmem:s8+$0x8700];
	_ =	sdelay $0x4  }
0x403: {  	vm0 =	vge.f32 v14, v12  }
0x404: {  	v14 =	vsel vm0, $0x1, v8  }
0x405: {  	(xrf0) =	vadd.scan.msk.s32 $0xffff, v14;
	_ =	sdelay $0x5  }
0x406: {  	v14, _, _ =	vpop (xrf0)  }
0x407: {  	(v2sf) =	vpush v14, $0xF;
	_ =	sdelay $0xe  }
0x408: {  	s11 =	spop (v2sf)  }
0x409: {  	p2 =	slt.s32 s11, $0x1  }
0x40a: {  	v14 =	vld @!p2 [tilespmem:s6+$0xFFFFFFE0];
	_ =	sdelay $0x4  }
0x40b: {  	v15 =	vshra.s32 @!p2 v14, $0xC  }
0x40c: {  	v15 =	vadd.s32 @!p2 $0xFFFC2B40, v15  }
0x40d: {  	vm0 =	vge.f32 @!p2 v14, $5.000000070e-02;
	vm1 =	veq.s32 @!p2 v15, v13  }
0x40e: {  	vm0 =	vmand @!p2 vm0, vm1  }
0x40f: {  	v14 =	vand.u32 @!p2 $0xFFF, v14;
	_ =	sdelay $0x3  }
0x410: {  	s8 =	simm.s32 @!p2 $0x7200;
	v15 =	vimm.s32 @!p2 $0x1  }
0x411: {  	[tilespmem:v14+s8+$0x0] =	vst.idx.add.s32.msk @!p2 vm0, v15  }
0x412: {  	v14 =	vld @!p2 [tilespmem:s6+$0xFFFFFFF0];
	_ =	sdelay $0x4  }
0x413: {  	v16 =	vshra.s32 @!p2 v14, $0xC  }
0x414: {  	v16 =	vadd.s32 @!p2 $0xFFFC2B40, v16  }
0x415: {  	vm0 =	vge.f32 @!p2 v14, $5.000000070e-02;
	vm1 =	veq.s32 @!p2 v16, v13  }
0x416: {  	vm0 =	vmand @!p2 vm0, vm1  }
0x417: {  	v14 =	vand.u32 @!p2 $0xFFF, v14;
	_ =	sdelay $0x4  }
0x418: {  	[tilespmem:v14+s8+$0x0] =	vst.idx.add.s32.msk @!p2 vm0, v15  }
0x419: {  	v14 =	vld @!p2 [tilespmem:s6+$0x0];
	_ =	sdelay $0x4  }
0x41a: {  	v16 =	vshra.s32 @!p2 v14, $0xC  }
0x41b: {  	v16 =	vadd.s32 @!p2 $0xFFFC2B40, v16  }
0x41c: {  	vm0 =	vge.f32 @!p2 v14, $5.000000070e-02;
	vm1 =	veq.s32 @!p2 v16, v13  }
0x41d: {  	vm0 =	vmand @!p2 vm0, vm1  }
0x41e: {  	v14 =	vand.u32 @!p2 $0xFFF, v14;
	_ =	sdelay $0x4  }
0x41f: {  	[tilespmem:v14+s8+$0x0] =	vst.idx.add.s32.msk @!p2 vm0, v15  }
0x420: {  	v14 =	vld @!p2 [tilespmem:s6+$0x10];
	_ =	sdelay $0x4  }
0x421: {  	v16 =	vshra.s32 @!p2 v14, $0xC  }
0x422: {  	v16 =	vadd.s32 @!p2 $0xFFFC2B40, v16  }
0x423: {  	vm0 =	vge.f32 @!p2 v14, $5.000000070e-02;
	vm1 =	veq.s32 @!p2 v16, v13  }
0x424: {  	vm0 =	vmand @!p2 vm0, vm1  }
0x425: {  	v14 =	vand.u32 @!p2 $0xFFF, v14;
	_ =	sdelay $0x4  }
0x426: {  	[tilespmem:v14+s8+$0x0] =	vst.idx.add.s32.msk @!p2 vm0, v15  }
0x427: {  	v14 =	vld @!p2 [tilespmem:s6+$0x20];
	_ =	sdelay $0x4  }
0x428: {  	v16 =	vshra.s32 @!p2 v14, $0xC  }
0x429: {  	v16 =	vadd.s32 @!p2 $0xFFFC2B40, v16  }
0x42a: {  	vm0 =	vge.f32 @!p2 v14, $5.000000070e-02;
	vm1 =	veq.s32 @!p2 v16, v13  }
0x42b: {  	s7 =	sadd.s32 $0x40, s7;
	vm0 =	vmand @!p2 vm0, vm1  }
0x42c: {  	p3 =	sne.s32 s7, $0x3E80;
	v14 =	vand.u32 @!p2 $0xFFF, v14  }
.Ltmp37:
0x42d: {  	_ = 	snop;
	(pc) =	sbr.rel @p3 .LBB2_58-.Ltmp37, $2  }
0x42e: {  	_ =	sdelay $0x2  }
0x42f: {  	s6 =	sadd.s32 $0x50, s6;
	[tilespmem:v14+s8+$0x0] =	vst.idx.add.s32.msk @!p2 vm0, v15  }
0x430: {  	s8 =	simm.s32 $0xFFFFFFFF;
	s6 =	simm.s32 $0x80000FFF;
	s9 =	simm.s32 $0x81F0  }
.LBB2_60:
0x431: {  	v12 =	vld [tilespmem:s9+$0x0];
	_ =	sdelay $0x4  }
0x432: {  	(xrf0) =	vadd.scan.msk.s32 $0xffff, v12;
	_ =	sdelay $0x5  }
0x433: {  	v13, _, _ =	vpop (xrf0)  }
0x434: {  	(v2sf) =	vpush v13, $0xF;
	_ =	sdelay $0xe  }
0x435: {  	s7 =	sadd.s32 s5, s21;
	s10 =	spop (v2sf)  }
0x436: {  	s11 =	sadd.s32 s7, s10  }
0x437: {  	p2 =	slt.s32 s11, $0x64  }
.Ltmp38:
0x438: {  	_ = 	snop;
	(pc) =	sbr.rel @!p2 .LBB2_61-.Ltmp38, $1  }
0x439: {  	_ =	sdelay $0x3  }
0x43a: {  	s8 =	sadd.s32 $0x1, s8  }
0x43b: {  	p2 =	slt.u32 s8, $0xFF  }
.Ltmp39:
0x43c: {  	_ = 	snop;
	(pc) =	sbr.rel @p2 .LBB2_60-.Ltmp39, $2  }
0x43d: {  	_ =	sdelay $0x2  }
0x43e: {  	s21 =	sadd.s32 s21, s10;
	s6 =	sadd.s32 $0xFFFFFFF0, s6;
	s9 =	sadd.s32 $0xFFFFFFF0, s9  }
.Ltmp40:
0x43f: {  	(pc) =	sbr.rel .LBB2_64-.Ltmp40, $2  }
0x440: {  	_ =	sdelay $0x2  }
0x441: {  	s5 =	simm.s32 $0x64  }
.LBB2_61:
0x442: {  	v13 =	vmul.u32 $0xFFFFFFFF, v11;
	_ =	sdelay $0x1  }
0x443: {  	v13 =	vadd.s32 $0xF, v13  }
0x444: {  	v12 =	vperm.xlane v12, v13;
	_ =	sdelay $0x1  }
0x445: {  	(xrf0) =	vadd.scan.msk.s32 $0xffff, v12;
	_ =	sdelay $0x5  }
0x446: {  	v59, _, _ =	vpop (xrf0)  }
0x447: {  	v14 =	vadd.s32 s7, v59  }
0x448: {  	v60 =	vor.u32 $0x80000000, v11;
	vm0 =	vgt.s32 v14, $0x63  }
0x449: {  	v14 =	vnsel vm0, $0x80000010, v60  }
0x44a: {  	(xrf0) =	vmin.scan.msk.u32 $0xffff, v14;
	_ =	sdelay $0x5  }
0x44b: {  	v14, _, _ =	vpop (xrf0)  }
0x44c: {  	(v2sf) =	vpush v14, $0xF;
	_ =	sdelay $0xe  }
0x44d: {  	s5 =	spop (v2sf)  }
0x44e: {  	s8 =	sxor.u32 $0x80000000, s5  }
0x44f: {  	v61 =	vmov s8  }
0x450: {  	vm15 =	veq.s32 v61, v11  }
0x451: {  	v13 =	vnsel vm15, $0x0, v59  }
0x452: {  	v12 =	vnsel vm15, $0x0, v12;
	(xrf0) =	vadd.scan.msk.s32 $0xffff, v13  }
0x453: {  	(xrf0) =	vadd.scan.msk.s32 $0xffff, v12;
	_ =	sdelay $0x4  }
0x454: {  	v62, _, _ =	vpop (xrf0)  }
0x455: {  	(v2sf) =	vpush v62, $0xF;
	v63, _, _ =	vpop (xrf0)  }
0x456: {  	(v2sf) =	vpush v63, $0xF;
	_ =	sdelay $0xd  }
0x457: {  	s10 =	spop (v2sf)  }
0x458: {  	s9 =	spop (v2sf);
	s11 =	sadd.s32 s7, s10  }
0x459: {  	s5 =	ssub.s32 s6, s5;
	s21 =	ssub.s32 s9, s11  }
0x45a: {  	s4 =	sor.u32 s4, s5;
	s5 =	sadd.s32 $0x64, s21  }
.LBB2_64:
0x45b: {  	[tilespmem:$0x8280] =	vst v10  }
0x45c: {  	[tilespmem:$0x8200] =	vst v8  }
0x45d: {  	[tilespmem:$0x8290] =	vst v10  }
0x45e: {  	[tilespmem:$0x8210] =	vst v8  }
0x45f: {  	[tilespmem:$0x82A0] =	vst v10  }
0x460: {  	[tilespmem:$0x8220] =	vst v8  }
0x461: {  	[tilespmem:$0x82B0] =	vst v10  }
0x462: {  	[tilespmem:$0x8230] =	vst v8  }
0x463: {  	[tilespmem:$0x82C0] =	vst v10  }
0x464: {  	[tilespmem:$0x8240] =	vst v8  }
0x465: {  	[tilespmem:$0x82D0] =	vst v10  }
.Ltmp41:
0x466: {  	[tilespmem:$0x8250] =	vst v8;
	(pc) =	sbr.rel .LBB2_65-.Ltmp41, $4  }
0x467: {  	[tilespmem:$0x82E0] =	vst v10;
	v12 =	vmov s4  }
0x468: {  	[tilespmem:$0x8260] =	vst v8;
	v12 =	vbroadcast v12, $0x0  }
0x469: {  	[tilespmem:$0x82F0] =	vst v10;
	s5 =	simm.s32 @p1 $0x0;
	s7 =	simm.s32 $0x0;
	s21 =	simm.s32 $0x40  }
0x46a: {  	[tilespmem:$0x8270] =	vst v8;
	s4 =	simm.s32 $0x8700;
	s6 =	simm.s32 $0x0;
	v13 =	vmov s5;
	s5 =	simm.s32 $0x20;
	v12 =	vpsel p1, $0x0, v12  }
.LBB2_67:
0x46b: {  	s21 =	sadd.s32 $0x50, s21  }
0x46c: {  	p1 =	sne.s32 s21, $0x4E60  }
.Ltmp42:
0x46d: {  	_ = 	snop;
	(pc) =	sbr.rel @!p1 .LBB2_68-.Ltmp42, $2  }
0x46e: {  	_ =	sdelay $0x2  }
0x46f: {  	s4 =	sadd.s32 $0x10, s4;
	s5 =	sadd.s32 $0x50, s5  }
.LBB2_65:
0x470: {  	v14 =	vld [tilespmem:s4+$0x0];
	_ =	sdelay $0x4  }
0x471: {  	vm0 =	vge.f32 v14, v12  }
0x472: {  	v14 =	vsel vm0, $0x1, v8  }
0x473: {  	(xrf0) =	vadd.scan.msk.s32 $0xffff, v14;
	_ =	sdelay $0x5  }
0x474: {  	v14, _, _ =	vpop (xrf0)  }
0x475: {  	(v2sf) =	vpush v14, $0xF;
	_ =	sdelay $0xe  }
0x476: {  	s8 =	spop (v2sf)  }
0x477: {  	p1 =	slt.s32 s8, $0x1  }
.Ltmp43:
0x478: {  	_ = 	snop;
	(pc) =	sbr.rel @p1 .LBB2_67-.Ltmp43, $1  }
0x479: {  	_ =	sdelay $0x3  }
0x47a: {  	v14 =	vld [tilespmem:s5+$0xFFFFFFE0];
	_ =	sdelay $0x4  }
0x47b: {  	vm0 =	veq.f32 v14, v12  }
0x47c: {  	v15 =	vsel vm0, $0x1, v8  }
0x47d: {  	(xrf0) =	vadd.scan.msk.s32 $0xffff, v15;
	_ =	sdelay $0x5  }
0x47e: {  	v15, _, _ =	vpop (xrf0)  }
0x47f: {  	v16 =	vadd.s32 s7, v15  }
0x480: {  	vm1 =	vle.s32 v16, v13  }
0x481: {  	vm2 =	vgt.f32 v14, v12;
	vm0 =	vmand vm0, vm1  }
0x482: {  	vm0 =	vmor vm2, vm0  }
0x483: {  	v51 =	vsel vm0, $0x1, v8  }
0x484: {  	(xrf0) =	vadd.scan.msk.s32 $0xffff, v51;
	_ =	sdelay $0x5  }
0x485: {  	v16, _, _ =	vpop (xrf0)  }
0x486: {  	s8 =	sadd.s32 $0xFFFFFFC0, s21;
	(v2sf) =	vpush v16, $0xF  }
0x487: {  	v52 =	vor.u32 s8, v11;
	(v2sf) =	vpush v15, $0xF  }
0x488: {  	[tilespmem:s6+$0x8200] =	vst.msk vm0, v52  }
0x489: {  	[tilespmem:s6+$0x8280] =	vst.msk vm0, v14  }
0x48a: {  	v14 =	vld [tilespmem:s5+$0xFFFFFFF0];
	_ =	sdelay $0x4  }
0x48b: {  	vm4 =	veq.f32 v14, v12  }
0x48c: {  	v15 =	vsel vm4, $0x1, v8  }
0x48d: {  	(xrf0) =	vadd.scan.msk.s32 $0xffff, v15;
	_ =	sdelay $0x3  }
0x48e: {  	s11 =	spop (v2sf)  }
0x48f: {  	s9 =	spop (v2sf)  }
0x490: {  	v15, _, _ =	vpop (xrf0);
	s7 =	sadd.s32 s7, s9  }
0x491: {  	v53 =	vadd.s32 s7, v15  }
0x492: {  	vm5 =	vle.s32 v53, v13  }
0x493: {  	vm6 =	vgt.f32 v14, v12;
	vm0 =	vmand vm4, vm5  }
0x494: {  	vm0 =	vmor vm6, vm0  }
0x495: {  	v54 =	vsel vm0, $0x1, v8  }
0x496: {  	(xrf0) =	vadd.scan.msk.s32 $0xffff, v54;
	_ =	sdelay $0x5  }
0x497: {  	v16, _, _ =	vpop (xrf0)  }
0x498: {  	s10 =	sadd.s32 $0xFFFFFFD0, s21;
	(v2sf) =	vpush v16, $0xF  }
0x499: {  	v55 =	vor.u32 s10, v11;
	s6 =	sadd.s32 s6, s11;
	(v2sf) =	vpush v15, $0xF  }
0x49a: {  	[tilespmem:s6+$0x8200] =	vst.msk vm0, v55  }
0x49b: {  	[tilespmem:s6+$0x8280] =	vst.msk vm0, v14  }
0x49c: {  	v14 =	vld [tilespmem:s5+$0x0];
	_ =	sdelay $0x4  }
0x49d: {  	vm7 =	veq.f32 v14, v12  }
0x49e: {  	v15 =	vsel vm7, $0x1, v8  }
0x49f: {  	(xrf0) =	vadd.scan.msk.s32 $0xffff, v15;
	_ =	sdelay $0x3  }
0x4a0: {  	s8 =	spop (v2sf)  }
0x4a1: {  	s11 =	spop (v2sf)  }
0x4a2: {  	v15, _, _ =	vpop (xrf0);
	s7 =	sadd.s32 s7, s11  }
0x4a3: {  	v56 =	vadd.s32 s7, v15  }
0x4a4: {  	vm8 =	vle.s32 v56, v13  }
0x4a5: {  	vm9 =	vgt.f32 v14, v12;
	vm0 =	vmand vm7, vm8  }
0x4a6: {  	vm0 =	vmor vm9, vm0  }
0x4a7: {  	v57 =	vsel vm0, $0x1, v8  }
0x4a8: {  	(xrf0) =	vadd.scan.msk.s32 $0xffff, v57;
	_ =	sdelay $0x5  }
0x4a9: {  	v16, _, _ =	vpop (xrf0)  }
0x4aa: {  	s10 =	sadd.s32 $0xFFFFFFE0, s21;
	(v2sf) =	vpush v16, $0xF  }
0x4ab: {  	v58 =	vor.u32 s10, v11;
	s6 =	sadd.s32 s6, s8;
	(v2sf) =	vpush v15, $0xF  }
0x4ac: {  	[tilespmem:s6+$0x8200] =	vst.msk vm0, v58  }
0x4ad: {  	[tilespmem:s6+$0x8280] =	vst.msk vm0, v14  }
0x4ae: {  	v14 =	vld [tilespmem:s5+$0x10];
	_ =	sdelay $0x4  }
0x4af: {  	vm10 =	veq.f32 v14, v12  }
0x4b0: {  	v15 =	vsel vm10, $0x1, v8  }
0x4b1: {  	(xrf0) =	vadd.scan.msk.s32 $0xffff, v15;
	_ =	sdelay $0x3  }
0x4b2: {  	s8 =	spop (v2sf)  }
0x4b3: {  	s11 =	spop (v2sf)  }
0x4b4: {  	v15, _, _ =	vpop (xrf0);
	s7 =	sadd.s32 s7, s11  }
0x4b5: {  	v59 =	vadd.s32 s7, v15  }
0x4b6: {  	vm11 =	vle.s32 v59, v13  }
0x4b7: {  	vm12 =	vgt.f32 v14, v12;
	vm0 =	vmand vm10, vm11  }
0x4b8: {  	vm0 =	vmor vm12, vm0  }
0x4b9: {  	v60 =	vsel vm0, $0x1, v8  }
0x4ba: {  	(xrf0) =	vadd.scan.msk.s32 $0xffff, v60;
	_ =	sdelay $0x5  }
0x4bb: {  	v16, _, _ =	vpop (xrf0)  }
0x4bc: {  	s10 =	sadd.s32 $0xFFFFFFF0, s21;
	(v2sf) =	vpush v16, $0xF  }
0x4bd: {  	v61 =	vor.u32 s10, v11;
	s6 =	sadd.s32 s6, s8;
	(v2sf) =	vpush v15, $0xF  }
0x4be: {  	[tilespmem:s6+$0x8200] =	vst.msk vm0, v61  }
0x4bf: {  	[tilespmem:s6+$0x8280] =	vst.msk vm0, v14  }
0x4c0: {  	v14 =	vld [tilespmem:s5+$0x20];
	_ =	sdelay $0x4  }
0x4c1: {  	vm13 =	veq.f32 v14, v12  }
0x4c2: {  	v15 =	vsel vm13, $0x1, v8  }
0x4c3: {  	(xrf0) =	vadd.scan.msk.s32 $0xffff, v15;
	_ =	sdelay $0x3  }
0x4c4: {  	s8 =	spop (v2sf)  }
0x4c5: {  	s11 =	spop (v2sf)  }
0x4c6: {  	v15, _, _ =	vpop (xrf0);
	s7 =	sadd.s32 s7, s11  }
0x4c7: {  	v62 =	vadd.s32 s7, v15  }
0x4c8: {  	vm14 =	vle.s32 v62, v13  }
0x4c9: {  	vm15 =	vgt.f32 v14, v12;
	vm0 =	vmand vm13, vm14  }
0x4ca: {  	vm0 =	vmor vm15, vm0  }
0x4cb: {  	v63 =	vsel vm0, $0x1, v8  }
0x4cc: {  	(xrf0) =	vadd.scan.msk.s32 $0xffff, v63;
	_ =	sdelay $0x5  }
0x4cd: {  	v16, _, _ =	vpop (xrf0)  }
0x4ce: {  	(v2sf) =	vpush v16, $0xF  }
0x4cf: {  	(v2sf) =	vpush v15, $0xF;
	_ =	sdelay $0xb  }
.Ltmp44:
0x4d0: {  	_ = 	snop;
	(pc) =	sbr.rel .LBB2_67-.Ltmp44, $4  }
0x4d1: {  	_ = 	snop  }
0x4d2: {  	s6 =	sadd.s32 s6, s8;
	v15 =	vor.u32 s21, v11;
	s10 =	spop (v2sf)  }
0x4d3: {  	[tilespmem:s6+$0x8200] =	vst.msk vm0, v15;
	s11 =	spop (v2sf)  }
0x4d4: {  	[tilespmem:s6+$0x8280] =	vst.msk vm0, v14;
	s6 =	sadd.s32 s6, s10;
	s7 =	sadd.s32 s7, s11  }
.LBB2_70:
0x4d5: {  	_ =	sfence.sel $0x180000  }
0x4d6: {  	[bflag:$0x0] =	sbarrier.arrive $0xFFFF  }
0x4d7: {  	_ =	strace $0x90000047  }
0x4d8: {  	s0 =	stileid.u32;
	[bflag:$0x2] =	sbarrier.arrive $0xFFFF  }
0x4d9: {  	p0 =	sne.s32 s0, $0x0;
	s0 =	rddreg [dreg:$0x2]  }
0x4da: {  	s0 =	sadd.s32 @!p0 $0x100000, s0  }
0x4db: {  	[sflag:s0] =	ssyncadd.tile.s32 @!p0 $0x1;
	_ =	shalt  }
.Lfunc_end2:
_tile_overlayer_lowered:
.L_overlay_start_2:
0x4dc: {  	(tag) =	ssettag $0x2  }
0x4dd: {  	s0 =	rddreg [dreg:$0x0];
	s2 =	stileid.u32  }
0x4de: {  	s1 =	rddreg [dreg:$0x1];
	p0 =	sne.s32 s2, $0x0  }
0x4df: {  	s3 =	rddreg [dreg:$0x2];
	[bflag:$0x3] =	sbarrier.arrive $0xFFFF;
	s2 =	simm.s32 @!p0 $0x1C02  }
0x4e0: {  	[timem:s3], [sflag:s2] =	dma.local @!p0 [hbm:s0], s1  }
0x4e1: {  	s0 =	simm.s32 @!p0 $0x2  }
0x4e2: {  	_ =	swait.ge @!p0 [sflag:s0], s1  }
0x4e3: {  	s1 =	ssub.s32 @!p0 $0x0, s1;
	[sflag:s0] =	ssyncset.done @!p0 $0x0  }
0x4e4: {  	[sflag:s0] =	ssyncadd.s32 @!p0 s1  }
0x4e5: {  	[bflag:$0x3] =	sbarrier.arrive $0xFFFF  }
0x4e6: {  	_ =	shalt  }

</sc_bundles>
